<compile_context>
chip_gen: v7x
topology: tpu7x:2x2x1
jax: 0.10.2.dev20260603
libtpu: 0.0.44.dev20260713+nightly
codegen_flags: <defaults>
</compile_context>

<pallas_src>
import functools

import jax
import jax.numpy as jnp
from jax import lax
from jax.experimental import pallas as pl
from jax.experimental.pallas import tpu as pltpu
from jax.experimental.pallas import tpu_sc as plsc

B, P, C, K, R = 5, 2000, 128, 16, 4
N = B * P
ROWS = 400
RB = P // ROWS

_SC = plsc.get_sparse_core_info()
_NC, _NS = _SC.num_cores, _SC.num_subcores
NW = _NC * _NS
PC = 2048
PPW = PC // NW
CH = 8
NCHUNK = PPW // CH


def _dot(a, b):
    return jax.lax.dot_general(a, b, (((1,), (0,)), ((), ())),
                               preferred_element_type=jnp.float32)


def _sq_body(x_ref, sq_ref):
    x = x_ref[...]
    sq_ref[...] = jnp.sum(x * x, axis=1, keepdims=True)


def _rowsq(x):
    return pl.pallas_call(
        _sq_body,
        grid=(N // ROWS,),
        in_specs=[pl.BlockSpec((ROWS, C), lambda r: (r, 0))],
        out_specs=pl.BlockSpec((ROWS, 1), lambda r: (r, 0)),
        out_shape=jax.ShapeDtypeStruct((N, 1), jnp.float32),
    )(x)


KR = 1000
KRB = P // KR


def _make_knn_body(T, want2):
    def body(xr_ref, xf_ref, sq_ref, *o_refs):
        xr = xr_ref[...]
        xf = xf_ref[...]
        sq = sq_ref[...]
        sqr = jnp.sum(xr * xr, axis=1, keepdims=True)
        d0 = sqr + sq - 2.0 * jax.lax.dot_general(
            xr, xf, (((1,), (1,)), ((), ())),
            preferred_element_type=jnp.float32)
        lane = jax.lax.broadcasted_iota(jnp.int32, (KR, P), 1)
        col16 = jax.lax.broadcasted_iota(jnp.int32, (KR, 16), 1)

        def step(t, carry):
            d, a1, a2 = carry
            m = jnp.min(d, axis=1, keepdims=True)
            sel = jnp.where(d == m, lane, jnp.int32(P))
            argi = jnp.min(sel, axis=1, keepdims=True)
            d = jnp.where(lane == argi, jnp.inf, d)
            a1 = jnp.where(col16 == (t - 1), argi, a1)
            if want2:
                upd2 = jnp.logical_and((t % 2) == 1, col16 == ((t - 1) // 2))
                a2 = jnp.where(upd2, argi, a2)
            return d, a1, a2

        z = jnp.zeros((KR, 16), jnp.int32)
        _, a1, a2 = lax.fori_loop(0, T, step, (d0, z, z))
        o_refs[0][...] = a1
        if want2:
            o_refs[1][...] = a2
    return body


@functools.cache
def _knn_cloud_fn(T, want2):
    n_out = 2 if want2 else 1
    return pl.pallas_call(
        _make_knn_body(T, want2),
        grid=(KRB,),
        in_specs=[
            pl.BlockSpec((KR, C), lambda r: (r, 0)),
            pl.BlockSpec((P, C), lambda r: (0, 0)),
            pl.BlockSpec((1, P), lambda r: (0, 0)),
        ],
        out_specs=[pl.BlockSpec((KR, 16), lambda r: (r, 0))
                   for _ in range(n_out)],
        out_shape=[jax.ShapeDtypeStruct((P, 16), jnp.int32)
                   for _ in range(n_out)],
    )


def _gather_loop(idx_hbm, tab_hbm, out_hbm, idx_v, rows_v, sem, base):
    def chunk_body(i, carry):
        rbase = (base + i * CH) * K
        pltpu.sync_copy(idx_hbm.at[pl.ds(rbase, CH * K)], idx_v)
        pltpu.async_copy(tab_hbm.at[idx_v], rows_v, sem).wait()
        pltpu.sync_copy(rows_v, out_hbm.at[pl.ds(rbase, CH * K)])
        return carry

    lax.fori_loop(0, NCHUNK, chunk_body, 0)


def _sc_mesh():
    return plsc.VectorSubcoreMesh(core_axis_name="c", subcore_axis_name="s")


@functools.partial(
    pl.kernel, mesh=_sc_mesh(),
    out_type=[jax.ShapeDtypeStruct((PC * K, C), jnp.float32),
              jax.ShapeDtypeStruct((PC * K, C), jnp.float32)],
    scratch_types=[
        pltpu.VMEM((CH * K,), jnp.int32),
        pltpu.VMEM((CH * K, C), jnp.float32),
        pltpu.SemaphoreType.DMA,
    ],
)
def _gather2_sc(idx1_hbm, idx2_hbm, tab_hbm, out1_hbm, out2_hbm,
                idx_v, rows_v, sem):
    wid = lax.axis_index("s") * _NC + lax.axis_index("c")
    base = wid * PPW
    _gather_loop(idx1_hbm, tab_hbm, out1_hbm, idx_v, rows_v, sem, base)
    _gather_loop(idx2_hbm, tab_hbm, out2_hbm, idx_v, rows_v, sem, base)


@functools.partial(
    pl.kernel, mesh=_sc_mesh(),
    out_type=jax.ShapeDtypeStruct((PC * K, C), jnp.float32),
    scratch_types=[
        pltpu.VMEM((CH * K,), jnp.int32),
        pltpu.VMEM((CH * K, C), jnp.float32),
        pltpu.SemaphoreType.DMA,
    ],
)
def _gather1_sc(idx_hbm, tab_hbm, out_hbm, idx_v, rows_v, sem):
    wid = lax.axis_index("s") * _NC + lax.axis_index("c")
    _gather_loop(idx_hbm, tab_hbm, out_hbm, idx_v, rows_v, sem, wid * PPW)


def _pad_idx(idx):
    return jnp.pad(idx, ((0, PC - P), (0, 0))).reshape(-1)


def _conv12_body(x_ref, xj1_ref, xj2_ref, we1_ref, be1_ref, we2_ref, be2_ref,
                 wf_ref, bf_ref, h_ref, sqh_ref):
    xi = x_ref[...]
    xi_rep = jnp.broadcast_to(xi[:, None, :], (ROWS, K, C)).reshape(ROWS * K, C)
    xi_b = xi_rep.astype(jnp.bfloat16)

    def conv(xj_ref, w_ref, b_ref):
        dj = (xj_ref[...] - xi_rep).astype(jnp.bfloat16)
        e = jnp.concatenate([xi_b, dj], axis=1)
        c = jax.lax.dot_general(e, w_ref[...], (((1,), (0,)), ((), ())),
                                preferred_element_type=jnp.float32)
        hk = jnp.maximum(c + b_ref[...], 0.0).reshape(ROWS, K, C)
        return jnp.max(hk, axis=1)

    h1 = conv(xj1_ref, we1_ref, be1_ref)
    h2 = conv(xj2_ref, we2_ref, be2_ref)
    s = h1 + h2
    h = jnp.maximum(_dot(s, wf_ref[...]) + bf_ref[...], 0.0) + xi
    h_ref[...] = h
    sqh_ref[...] = jnp.sum(h * h, axis=1, keepdims=True)


_conv12_cloud = pl.pallas_call(
    _conv12_body,
    grid=(RB,),
    in_specs=[
        pl.BlockSpec((ROWS, C), lambda r: (r, 0)),
        pl.BlockSpec((ROWS * K, C), lambda r: (r, 0)),
        pl.BlockSpec((ROWS * K, C), lambda r: (r, 0)),
        pl.BlockSpec((2 * C, C), lambda r: (0, 0)),
        pl.BlockSpec((1, C), lambda r: (0, 0)),
        pl.BlockSpec((2 * C, C), lambda r: (0, 0)),
        pl.BlockSpec((1, C), lambda r: (0, 0)),
        pl.BlockSpec((C, C), lambda r: (0, 0)),
        pl.BlockSpec((1, C), lambda r: (0, 0)),
    ],
    out_specs=[
        pl.BlockSpec((ROWS, C), lambda r: (r, 0)),
        pl.BlockSpec((ROWS, 1), lambda r: (r, 0)),
    ],
    out_shape=[
        jax.ShapeDtypeStruct((P, C), jnp.float32),
        jax.ShapeDtypeStruct((P, 1), jnp.float32),
    ],
)


def _tail_body(h_ref, xjs_ref, ws_ref, bs_ref, w1_ref, b1_ref, w2_ref, b2_ref,
               o_ref):
    hi = h_ref[...]
    hi_rep = jnp.broadcast_to(hi[:, None, :], (ROWS, K, C)).reshape(ROWS * K, C)
    dj = (xjs_ref[...] - hi_rep).astype(jnp.bfloat16)
    e = jnp.concatenate([hi_rep.astype(jnp.bfloat16), dj], axis=1)
    c = jax.lax.dot_general(e, ws_ref[...], (((1,), (0,)), ((), ())),
                            preferred_element_type=jnp.float32)
    hk = jnp.maximum(c + bs_ref[...], 0.0).reshape(ROWS, K, 4 * C)
    up = jnp.max(hk, axis=1).astype(jnp.bfloat16)
    for r in range(R):
        ur = up[:, C * r:C * (r + 1)]
        t = jnp.maximum(
            jax.lax.dot_general(ur, w1_ref[...], (((1,), (0,)), ((), ())),
                                preferred_element_type=jnp.float32)
            + b1_ref[...], 0.0).astype(jnp.bfloat16)
        o_ref[r] = jax.lax.dot_general(
            t, w2_ref[...], (((1,), (0,)), ((), ())),
            preferred_element_type=jnp.float32) + b2_ref[...]


_tail_cloud = pl.pallas_call(
    _tail_body,
    grid=(RB,),
    in_specs=[
        pl.BlockSpec((ROWS, C), lambda r: (r, 0)),
        pl.BlockSpec((ROWS * K, C), lambda r: (r, 0)),
        pl.BlockSpec((2 * C, 4 * C), lambda r: (0, 0)),
        pl.BlockSpec((1, 4 * C), lambda r: (0, 0)),
        pl.BlockSpec((C, C), lambda r: (0, 0)),
        pl.BlockSpec((1, C), lambda r: (0, 0)),
        pl.BlockSpec((C, 3), lambda r: (0, 0)),
        pl.BlockSpec((1, 3), lambda r: (0, 0)),
    ],
    out_specs=pl.BlockSpec((R, ROWS, 3), lambda r: (0, r, 0)),
    out_shape=jax.ShapeDtypeStruct((R, P, 3), jnp.float32),
)


def kernel(x, batch, We1, be1, We2, be2, Wf, bf, Ws, bs, Wr1, br1, Wr2, br2):
    be1r, be2r = be1.reshape(1, C), be2.reshape(1, C)
    bfr, bsr = bf.reshape(1, C), bs.reshape(1, 4 * C)
    br1r, br2r = br1.reshape(1, C), br2.reshape(1, 3)
    sqx = _rowsq(x).reshape(B, 1, P)
    knn2 = _knn_cloud_fn(32, True)
    knn1 = _knn_cloud_fn(17, False)
    outs = []
    for b in range(B):
        xb = x[b * P:(b + 1) * P]
        i1, i2 = knn2(xb, xb, sqx[b])
        xpad = jnp.pad(xb, ((0, PC - P), (0, 0)))
        XJ1, XJ2 = _gather2_sc(_pad_idx(i1), _pad_idx(i2), xpad)
        h, sqh = _conv12_cloud(xb, XJ1[:P * K], XJ2[:P * K],
                               We1, be1r, We2, be2r, Wf, bfr)
        (i_s,) = knn1(h, h, sqh.reshape(1, P))
        hpad = jnp.pad(h, ((0, PC - P), (0, 0)))
        XJS = _gather1_sc(_pad_idx(i_s), hpad)
        out4 = _tail_cloud(h, XJS[:P * K], Ws, bsr, Wr1, br1r, Wr2, br2r)
        outs.append(out4.transpose(1, 0, 2))
    return jnp.concatenate(outs, axis=0).reshape(N * R, 3)

# --- scband reference (transcript-rebuilt; emitter-appended) ---
"""Pipeline reference for scband-puinception-transformer-77601469104645 (READ-ONLY COPY).

The authoritative reference and input builder live on the scoring server;
editing this copy changes nothing except your own understanding.
"""

import jax, jax.numpy as jnp
import numpy as np

B, P, C, K, R = 5, 2000, 128, 16, 4
DILATIONS = (1, 2)
N = B * P


def knn_idx(x, k, dilation):
    # x: [B, P, C]; dilated knn graph: take k*dilation nearest (excl. self), every dilation-th
    sq = jnp.sum(x * x, axis=-1)
    d = sq[:, :, None] + sq[:, None, :] - 2.0 * jnp.einsum('bpc,bqc->bpq', x, x)
    _, idx = jax.lax.top_k(-d, k * dilation + 1)
    nb = idx[:, :, 1:]
    nb = nb[:, :, ::dilation][:, :, :k]
    return nb  # [B, P, k] local neighbor indices


def gather_neighbors(x, nb):
    return jax.vmap(lambda xb, ib: xb[ib])(x, nb)  # [B, P, k, C]


def edge_conv(x, nb, W, b):
    # EdgeConv (conv='edge', max aggregation): max_j ReLU(Lin([x_i, x_j - x_i]))
    xj = gather_neighbors(x, nb)
    xi = jnp.broadcast_to(x[:, :, None, :], xj.shape)
    e = jnp.concatenate([xi, xj - xi], axis=-1)
    h = jax.nn.relu(jnp.einsum('bpke,ed->bpkd', e, W) + b)
    return jnp.max(h, axis=2)


def setup_inputs(seed: int = 0):
    key = jax.random.key(seed)
    ks = jax.random.split(key, 8)
    x = jax.random.normal(ks[0], (N, C), dtype=jnp.float32)
    batch = jnp.repeat(jnp.arange(B, dtype=jnp.int64), P)

    def lin(k, fi, fo):
        return (jax.random.normal(k, (fi, fo), dtype=jnp.float32) / np.sqrt(fi)).astype(jnp.float32)

    return {
        'x': x, 'batch': batch,
        'We1': lin(ks[1], 2 * C, C), 'be1': jnp.zeros((C,), jnp.float32),
        'We2': lin(ks[2], 2 * C, C), 'be2': jnp.zeros((C,), jnp.float32),
        'Wf': lin(ks[3], C, C), 'bf': jnp.zeros((C,), jnp.float32),
        'Ws': lin(ks[4], 2 * C, R * C), 'bs': jnp.zeros((R * C,), jnp.float32),
        'Wr1': lin(ks[5], C, C), 'br1': jnp.zeros((C,), jnp.float32),
        'Wr2': lin(ks[6], C, 3), 'br2': jnp.zeros((3,), jnp.float32),
    }


def reference(x, batch, We1, be1, We2, be2, Wf, bf, Ws, bs, Wr1, br1, Wr2, br2):
    # batch is repeat(arange(B), P): clouds are contiguous equal blocks -> reshape
    xb = x.reshape(B, P, C)
    # InceptionPointTransformer feature extractor: dilated knn + per-dilation edge convs,
    # fused + residual (n_ipt_blocks=1)
    h1 = edge_conv(xb, knn_idx(xb, K, DILATIONS[0]), We1, be1)
    h2 = edge_conv(xb, knn_idx(xb, K, DILATIONS[1]), We2, be2)
    h = jax.nn.relu((h1 + h2) @ Wf + bf) + xb
    # NodeShuffle upsampler: knn edge conv C -> R*C, then shuffle to [B, P*R, C]
    nb = knn_idx(h, K, 1)
    hs = edge_conv(h, nb, Ws, bs)
    up = hs.reshape(B, P * R, C)
    # Reconstructor MLP([C, C, 3])
    q = jax.nn.relu(up @ Wr1 + br1) @ Wr2 + br2
    return q.reshape(N * R, 3)

if __name__ == "__main__":
    import jax
    _d = setup_inputs()
    print(jax.jit(kernel)(*tuple(_d.values())))

</pallas_src>

<mosaic_0001>
#map = affine_map<(d0, d1) -> (0)>
#map1 = affine_map<(d0, d1) -> (0, 0)>
module attributes {stable_mosaic.version = 14 : i64} {
  func.func @_gather2_sc(%arg0: i32, %arg1: i32, %arg2: memref<32768xi32, #tpu.memory_space<hbm>>, %arg3: memref<32768xi32, #tpu.memory_space<hbm>>, %arg4: memref<2048x128xf32, #tpu.memory_space<hbm>>, %arg5: memref<32768x128xf32, #tpu.memory_space<hbm>>, %arg6: memref<32768x128xf32, #tpu.memory_space<hbm>>, %arg7: memref<128xi32, #tpu.memory_space<vmem>>, %arg8: memref<128x128xf32, #tpu.memory_space<vmem>>, %arg9: memref<!tpu.dma_semaphore, #tpu.memory_space<semaphore_mem>>) attributes {dimension_semantics = [#tpu.dimension_semantics<core_parallel>, #tpu.dimension_semantics<subcore_parallel>], iteration_bounds = array<i64: 2, 16>, scalar_prefetch = 0 : i64, scratch_operands = 3 : i64, tpu.core_type = #tpu.core_type<sc_vector_subcore>, window_params = [{transform_indices = #map}, {transform_indices = #map}, {transform_indices = #map1}, {transform_indices = #map1}, {transform_indices = #map1}]} {
    %mul3A = arith.constant 2 : i32
    %mul3A_0 = arith.muli %arg1, %mul3A : i32
    %add3A = arith.addi %mul3A_0, %arg0 : i32
    %mul3A_1 = arith.constant 64 : i32
    %mul3A_2 = arith.muli %add3A, %mul3A_1 : i32
    %scan3A = arith.constant 0 : i32
    %scan3A_3 = arith.constant 0 : i32
    %scan3A_4 = arith.constant 8 : i32
    %scan3A_5 = arith.addi %scan3A_3, %scan3A_4 : i32
    %scan3A_6 = arith.constant 1 : i32
    scf.for %scan3A_14 = %scan3A_3 to %scan3A_5 step %scan3A_6  : i32 {
      %mul3A_15 = arith.constant 8 : i32
      %mul3A_16 = arith.muli %scan3A_14, %mul3A_15 : i32
      %add3A_17 = arith.addi %mul3A_2, %mul3A_16 : i32
      %mul3A_18 = arith.constant 16 : i32
      %mul3A_19 = arith.muli %add3A_17, %mul3A_18 : i32
      "tpu.region"() ({
        %run_scoped3A = tpu.sem_alloc : memref<!tpu.dma_semaphore, #tpu.memory_space<semaphore_mem>>
        %dma_start3A_24 = tpu.memref_slice %arg2[%mul3A_19] : memref<32768xi32, #tpu.memory_space<hbm>> -> memref<128xi32, #tpu.memory_space<hbm>>
        %dma_start3A_25 = tpu.memref_slice %arg2[%mul3A_19] : memref<32768xi32, #tpu.memory_space<hbm>> -> memref<128xi32, #tpu.memory_space<hbm>>
        tpu.enqueue_dma source(%dma_start3A_25 : memref<128xi32, #tpu.memory_space<hbm>>) target(%arg7 : memref<128xi32, #tpu.memory_space<vmem>>) target_semaphore(%run_scoped3A : memref<!tpu.dma_semaphore, #tpu.memory_space<semaphore_mem>>)
        %dma_wait3A_26 = tpu.memref_slice %arg2[%mul3A_19] : memref<32768xi32, #tpu.memory_space<hbm>> -> memref<128xi32, #tpu.memory_space<hbm>>
        %dma_wait3A_27 = tpu.memref_slice %arg2[%mul3A_19] : memref<32768xi32, #tpu.memory_space<hbm>> -> memref<128xi32, #tpu.memory_space<hbm>>
        tpu.wait_dma2 semaphore(%run_scoped3A : memref<!tpu.dma_semaphore, #tpu.memory_space<semaphore_mem>>) src(%dma_wait3A_27 : memref<128xi32, #tpu.memory_space<hbm>>) dst(%arg7 : memref<128xi32, #tpu.memory_space<vmem>>)
        tpu.yield
      }) : () -> ()
      %dma_start3A = arith.constant 0 : i32
      %dma_start3A_20 = arith.constant 0 : i32
      %dma_start3A_21 = tpu.memref_slice %arg4[%dma_start3A, %dma_start3A_20] : memref<2048x128xf32, #tpu.memory_space<hbm>> -> memref<2048x128xf32, #tpu.memory_space<hbm>>
      tpu.enqueue_indirect_dma source(%dma_start3A_21 : memref<2048x128xf32, #tpu.memory_space<hbm>>) target(%arg8 : memref<128x128xf32, #tpu.memory_space<vmem>>) offsets(%arg7 : memref<128xi32, #tpu.memory_space<vmem>>) semaphore(%arg9 : memref<!tpu.dma_semaphore, #tpu.memory_space<semaphore_mem>>)
      %dma_wait3A = arith.constant 0 : i32
      %dma_wait3A_22 = arith.constant 0 : i32
      %dma_wait3A_23 = tpu.memref_slice %arg4[%dma_wait3A, %dma_wait3A_22] : memref<2048x128xf32, #tpu.memory_space<hbm>> -> memref<2048x128xf32, #tpu.memory_space<hbm>>
      tpu.wait_indirect_dma semaphore(%arg9 : memref<!tpu.dma_semaphore, #tpu.memory_space<semaphore_mem>>) src(%dma_wait3A_23 : memref<2048x128xf32, #tpu.memory_space<hbm>>) dst(%arg8 : memref<128x128xf32, #tpu.memory_space<vmem>>)
      "tpu.region"() ({
        %run_scoped3A = tpu.sem_alloc : memref<!tpu.dma_semaphore, #tpu.memory_space<semaphore_mem>>
        %dma_start3A_24 = arith.constant 0 : i32
        %dma_start3A_25 = tpu.memref_slice %arg5[%mul3A_19, %dma_start3A_24] : memref<32768x128xf32, #tpu.memory_space<hbm>> -> memref<128x128xf32, #tpu.memory_space<hbm>>
        %dma_start3A_26 = arith.constant 0 : i32
        %dma_start3A_27 = tpu.memref_slice %arg5[%mul3A_19, %dma_start3A_26] : memref<32768x128xf32, #tpu.memory_space<hbm>> -> memref<128x128xf32, #tpu.memory_space<hbm>>
        tpu.enqueue_dma source(%arg8 : memref<128x128xf32, #tpu.memory_space<vmem>>) target(%dma_start3A_27 : memref<128x128xf32, #tpu.memory_space<hbm>>) target_semaphore(%run_scoped3A : memref<!tpu.dma_semaphore, #tpu.memory_space<semaphore_mem>>)
        %dma_wait3A_28 = arith.constant 0 : i32
        %dma_wait3A_29 = tpu.memref_slice %arg5[%mul3A_19, %dma_wait3A_28] : memref<32768x128xf32, #tpu.memory_space<hbm>> -> memref<128x128xf32, #tpu.memory_space<hbm>>
        %dma_wait3A_30 = arith.constant 0 : i32
        %dma_wait3A_31 = tpu.memref_slice %arg5[%mul3A_19, %dma_wait3A_30] : memref<32768x128xf32, #tpu.memory_space<hbm>> -> memref<128x128xf32, #tpu.memory_space<hbm>>
        tpu.wait_dma2 semaphore(%run_scoped3A : memref<!tpu.dma_semaphore, #tpu.memory_space<semaphore_mem>>) src(%arg8 : memref<128x128xf32, #tpu.memory_space<vmem>>) dst(%dma_wait3A_31 : memref<128x128xf32, #tpu.memory_space<hbm>>)
        tpu.yield
      }) : () -> ()
    }
    %scan3A_7 = arith.constant 8 : i32
    %scan3A_8 = arith.constant 0 : i32
    %scan3A_9 = arith.constant 0 : i32
    %scan3A_10 = arith.constant 8 : i32
    %scan3A_11 = arith.addi %scan3A_9, %scan3A_10 : i32
    %scan3A_12 = arith.constant 1 : i32
    scf.for %scan3A_14 = %scan3A_9 to %scan3A_11 step %scan3A_12  : i32 {
      %mul3A_15 = arith.constant 8 : i32
      %mul3A_16 = arith.muli %scan3A_14, %mul3A_15 : i32
      %add3A_17 = arith.addi %mul3A_2, %mul3A_16 : i32
      %mul3A_18 = arith.constant 16 : i32
      %mul3A_19 = arith.muli %add3A_17, %mul3A_18 : i32
      "tpu.region"() ({
        %run_scoped3A = tpu.sem_alloc : memref<!tpu.dma_semaphore, #tpu.memory_space<semaphore_mem>>
        %dma_start3A_24 = tpu.memref_slice %arg3[%mul3A_19] : memref<32768xi32, #tpu.memory_space<hbm>> -> memref<128xi32, #tpu.memory_space<hbm>>
        %dma_start3A_25 = tpu.memref_slice %arg3[%mul3A_19] : memref<32768xi32, #tpu.memory_space<hbm>> -> memref<128xi32, #tpu.memory_space<hbm>>
        tpu.enqueue_dma source(%dma_start3A_25 : memref<128xi32, #tpu.memory_space<hbm>>) target(%arg7 : memref<128xi32, #tpu.memory_space<vmem>>) target_semaphore(%run_scoped3A : memref<!tpu.dma_semaphore, #tpu.memory_space<semaphore_mem>>)
        %dma_wait3A_26 = tpu.memref_slice %arg3[%mul3A_19] : memref<32768xi32, #tpu.memory_space<hbm>> -> memref<128xi32, #tpu.memory_space<hbm>>
        %dma_wait3A_27 = tpu.memref_slice %arg3[%mul3A_19] : memref<32768xi32, #tpu.memory_space<hbm>> -> memref<128xi32, #tpu.memory_space<hbm>>
        tpu.wait_dma2 semaphore(%run_scoped3A : memref<!tpu.dma_semaphore, #tpu.memory_space<semaphore_mem>>) src(%dma_wait3A_27 : memref<128xi32, #tpu.memory_space<hbm>>) dst(%arg7 : memref<128xi32, #tpu.memory_space<vmem>>)
        tpu.yield
      }) : () -> ()
      %dma_start3A = arith.constant 0 : i32
      %dma_start3A_20 = arith.constant 0 : i32
      %dma_start3A_21 = tpu.memref_slice %arg4[%dma_start3A, %dma_start3A_20] : memref<2048x128xf32, #tpu.memory_space<hbm>> -> memref<2048x128xf32, #tpu.memory_space<hbm>>
      tpu.enqueue_indirect_dma source(%dma_start3A_21 : memref<2048x128xf32, #tpu.memory_space<hbm>>) target(%arg8 : memref<128x128xf32, #tpu.memory_space<vmem>>) offsets(%arg7 : memref<128xi32, #tpu.memory_space<vmem>>) semaphore(%arg9 : memref<!tpu.dma_semaphore, #tpu.memory_space<semaphore_mem>>)
      %dma_wait3A = arith.constant 0 : i32
      %dma_wait3A_22 = arith.constant 0 : i32
      %dma_wait3A_23 = tpu.memref_slice %arg4[%dma_wait3A, %dma_wait3A_22] : memref<2048x128xf32, #tpu.memory_space<hbm>> -> memref<2048x128xf32, #tpu.memory_space<hbm>>
      tpu.wait_indirect_dma semaphore(%arg9 : memref<!tpu.dma_semaphore, #tpu.memory_space<semaphore_mem>>) src(%dma_wait3A_23 : memref<2048x128xf32, #tpu.memory_space<hbm>>) dst(%arg8 : memref<128x128xf32, #tpu.memory_space<vmem>>)
      "tpu.region"() ({
        %run_scoped3A = tpu.sem_alloc : memref<!tpu.dma_semaphore, #tpu.memory_space<semaphore_mem>>
        %dma_start3A_24 = arith.constant 0 : i32
        %dma_start3A_25 = tpu.memref_slice %arg6[%mul3A_19, %dma_start3A_24] : memref<32768x128xf32, #tpu.memory_space<hbm>> -> memref<128x128xf32, #tpu.memory_space<hbm>>
        %dma_start3A_26 = arith.constant 0 : i32
        %dma_start3A_27 = tpu.memref_slice %arg6[%mul3A_19, %dma_start3A_26] : memref<32768x128xf32, #tpu.memory_space<hbm>> -> memref<128x128xf32, #tpu.memory_space<hbm>>
        tpu.enqueue_dma source(%arg8 : memref<128x128xf32, #tpu.memory_space<vmem>>) target(%dma_start3A_27 : memref<128x128xf32, #tpu.memory_space<hbm>>) target_semaphore(%run_scoped3A : memref<!tpu.dma_semaphore, #tpu.memory_space<semaphore_mem>>)
        %dma_wait3A_28 = arith.constant 0 : i32
        %dma_wait3A_29 = tpu.memref_slice %arg6[%mul3A_19, %dma_wait3A_28] : memref<32768x128xf32, #tpu.memory_space<hbm>> -> memref<128x128xf32, #tpu.memory_space<hbm>>
        %dma_wait3A_30 = arith.constant 0 : i32
        %dma_wait3A_31 = tpu.memref_slice %arg6[%mul3A_19, %dma_wait3A_30] : memref<32768x128xf32, #tpu.memory_space<hbm>> -> memref<128x128xf32, #tpu.memory_space<hbm>>
        tpu.wait_dma2 semaphore(%run_scoped3A : memref<!tpu.dma_semaphore, #tpu.memory_space<semaphore_mem>>) src(%arg8 : memref<128x128xf32, #tpu.memory_space<vmem>>) dst(%dma_wait3A_31 : memref<128x128xf32, #tpu.memory_space<hbm>>)
        tpu.yield
      }) : () -> ()
    }
    %scan3A_13 = arith.constant 8 : i32
    return
  }
}

#map = affine_map<(d0, d1) -> (0)>
#map1 = affine_map<(d0, d1) -> (0, 0)>
module attributes {stable_mosaic.version = 14 : i64} {
  func.func @_gather2_sc(%arg0: i32, %arg1: i32, %arg2: memref<32768xi32, #tpu.memory_space<hbm>>, %arg3: memref<32768xi32, #tpu.memory_space<hbm>>, %arg4: memref<2048x128xf32, #tpu.memory_space<hbm>>, %arg5: memref<32768x128xf32, #tpu.memory_space<hbm>>, %arg6: memref<32768x128xf32, #tpu.memory_space<hbm>>, %arg7: memref<128xi32, #tpu.memory_space<vmem>>, %arg8: memref<128x128xf32, #tpu.memory_space<vmem>>, %arg9: memref<!tpu.dma_semaphore, #tpu.memory_space<semaphore_mem>>) attributes {dimension_semantics = [#tpu.dimension_semantics<core_parallel>, #tpu.dimension_semantics<subcore_parallel>], iteration_bounds = array<i64: 2, 16>, scalar_prefetch = 0 : i64, scratch_operands = 3 : i64, tpu.core_type = #tpu.core_type<sc_vector_subcore>, window_params = [{transform_indices = #map}, {transform_indices = #map}, {transform_indices = #map1}, {transform_indices = #map1}, {transform_indices = #map1}]} {
    %mul3A = arith.constant 2 : i32
    %mul3A_0 = arith.muli %arg1, %mul3A : i32
    %add3A = arith.addi %mul3A_0, %arg0 : i32
    %mul3A_1 = arith.constant 64 : i32
    %mul3A_2 = arith.muli %add3A, %mul3A_1 : i32
    %scan3A = arith.constant 0 : i32
    %scan3A_3 = arith.constant 0 : i32
    %scan3A_4 = arith.constant 8 : i32
    %scan3A_5 = arith.addi %scan3A_3, %scan3A_4 : i32
    %scan3A_6 = arith.constant 1 : i32
    scf.for %scan3A_14 = %scan3A_3 to %scan3A_5 step %scan3A_6  : i32 {
      %mul3A_15 = arith.constant 8 : i32
      %mul3A_16 = arith.muli %scan3A_14, %mul3A_15 : i32
      %add3A_17 = arith.addi %mul3A_2, %mul3A_16 : i32
      %mul3A_18 = arith.constant 16 : i32
      %mul3A_19 = arith.muli %add3A_17, %mul3A_18 : i32
      "tpu.region"() ({
        %run_scoped3A = tpu.sem_alloc : memref<!tpu.dma_semaphore, #tpu.memory_space<semaphore_mem>>
        %dma_start3A_24 = tpu.memref_slice %arg2[%mul3A_19] : memref<32768xi32, #tpu.memory_space<hbm>> -> memref<128xi32, #tpu.memory_space<hbm>>
        %dma_start3A_25 = tpu.memref_slice %arg2[%mul3A_19] : memref<32768xi32, #tpu.memory_space<hbm>> -> memref<128xi32, #tpu.memory_space<hbm>>
        tpu.enqueue_dma source(%dma_start3A_25 : memref<128xi32, #tpu.memory_space<hbm>>) target(%arg7 : memref<128xi32, #tpu.memory_space<vmem>>) target_semaphore(%run_scoped3A : memref<!tpu.dma_semaphore, #tpu.memory_space<semaphore_mem>>)
        %dma_wait3A_26 = tpu.memref_slice %arg2[%mul3A_19] : memref<32768xi32, #tpu.memory_space<hbm>> -> memref<128xi32, #tpu.memory_space<hbm>>
        %dma_wait3A_27 = tpu.memref_slice %arg2[%mul3A_19] : memref<32768xi32, #tpu.memory_space<hbm>> -> memref<128xi32, #tpu.memory_space<hbm>>
        tpu.wait_dma2 semaphore(%run_scoped3A : memref<!tpu.dma_semaphore, #tpu.memory_space<semaphore_mem>>) src(%dma_wait3A_27 : memref<128xi32, #tpu.memory_space<hbm>>) dst(%arg7 : memref<128xi32, #tpu.memory_space<vmem>>)
        tpu.yield
      }) : () -> ()
      %dma_start3A = arith.constant 0 : i32
      %dma_start3A_20 = arith.constant 0 : i32
      %dma_start3A_21 = tpu.memref_slice %arg4[%dma_start3A, %dma_start3A_20] : memref<2048x128xf32, #tpu.memory_space<hbm>> -> memref<2048x128xf32, #tpu.memory_space<hbm>>
      tpu.enqueue_indirect_dma source(%dma_start3A_21 : memref<2048x128xf32, #tpu.memory_space<hbm>>) target(%arg8 : memref<128x128xf32, #tpu.memory_space<vmem>>) offsets(%arg7 : memref<128xi32, #tpu.memory_space<vmem>>) semaphore(%arg9 : memref<!tpu.dma_semaphore, #tpu.memory_space<semaphore_mem>>)
      %dma_wait3A = arith.constant 0 : i32
      %dma_wait3A_22 = arith.constant 0 : i32
      %dma_wait3A_23 = tpu.memref_slice %arg4[%dma_wait3A, %dma_wait3A_22] : memref<2048x128xf32, #tpu.memory_space<hbm>> -> memref<2048x128xf32, #tpu.memory_space<hbm>>
      tpu.wait_indirect_dma semaphore(%arg9 : memref<!tpu.dma_semaphore, #tpu.memory_space<semaphore_mem>>) src(%dma_wait3A_23 : memref<2048x128xf32, #tpu.memory_space<hbm>>) dst(%arg8 : memref<128x128xf32, #tpu.memory_space<vmem>>)
      "tpu.region"() ({
        %run_scoped3A = tpu.sem_alloc : memref<!tpu.dma_semaphore, #tpu.memory_space<semaphore_mem>>
        %dma_start3A_24 = arith.constant 0 : i32
        %dma_start3A_25 = tpu.memref_slice %arg5[%mul3A_19, %dma_start3A_24] : memref<32768x128xf32, #tpu.memory_space<hbm>> -> memref<128x128xf32, #tpu.memory_space<hbm>>
        %dma_start3A_26 = arith.constant 0 : i32
        %dma_start3A_27 = tpu.memref_slice %arg5[%mul3A_19, %dma_start3A_26] : memref<32768x128xf32, #tpu.memory_space<hbm>> -> memref<128x128xf32, #tpu.memory_space<hbm>>
        tpu.enqueue_dma source(%arg8 : memref<128x128xf32, #tpu.memory_space<vmem>>) target(%dma_start3A_27 : memref<128x128xf32, #tpu.memory_space<hbm>>) target_semaphore(%run_scoped3A : memref<!tpu.dma_semaphore, #tpu.memory_space<semaphore_mem>>)
        %dma_wait3A_28 = arith.constant 0 : i32
        %dma_wait3A_29 = tpu.memref_slice %arg5[%mul3A_19, %dma_wait3A_28] : memref<32768x128xf32, #tpu.memory_space<hbm>> -> memref<128x128xf32, #tpu.memory_space<hbm>>
        %dma_wait3A_30 = arith.constant 0 : i32
        %dma_wait3A_31 = tpu.memref_slice %arg5[%mul3A_19, %dma_wait3A_30] : memref<32768x128xf32, #tpu.memory_space<hbm>> -> memref<128x128xf32, #tpu.memory_space<hbm>>
        tpu.wait_dma2 semaphore(%run_scoped3A : memref<!tpu.dma_semaphore, #tpu.memory_space<semaphore_mem>>) src(%arg8 : memref<128x128xf32, #tpu.memory_space<vmem>>) dst(%dma_wait3A_31 : memref<128x128xf32, #tpu.memory_space<hbm>>)
        tpu.yield
      }) : () -> ()
    }
    %scan3A_7 = arith.constant 8 : i32
    %scan3A_8 = arith.constant 0 : i32
    %scan3A_9 = arith.constant 0 : i32
    %scan3A_10 = arith.constant 8 : i32
    %scan3A_11 = arith.addi %scan3A_9, %scan3A_10 : i32
    %scan3A_12 = arith.constant 1 : i32
    scf.for %scan3A_14 = %scan3A_9 to %scan3A_11 step %scan3A_12  : i32 {
      %mul3A_15 = arith.constant 8 : i32
      %mul3A_16 = arith.muli %scan3A_14, %mul3A_15 : i32
      %add3A_17 = arith.addi %mul3A_2, %mul3A_16 : i32
      %mul3A_18 = arith.constant 16 : i32
      %mul3A_19 = arith.muli %add3A_17, %mul3A_18 : i32
      "tpu.region"() ({
        %run_scoped3A = tpu.sem_alloc : memref<!tpu.dma_semaphore, #tpu.memory_space<semaphore_mem>>
        %dma_start3A_24 = tpu.memref_slice %arg3[%mul3A_19] : memref<32768xi32, #tpu.memory_space<hbm>> -> memref<128xi32, #tpu.memory_space<hbm>>
        %dma_start3A_25 = tpu.memref_slice %arg3[%mul3A_19] : memref<32768xi32, #tpu.memory_space<hbm>> -> memref<128xi32, #tpu.memory_space<hbm>>
        tpu.enqueue_dma source(%dma_start3A_25 : memref<128xi32, #tpu.memory_space<hbm>>) target(%arg7 : memref<128xi32, #tpu.memory_space<vmem>>) target_semaphore(%run_scoped3A : memref<!tpu.dma_semaphore, #tpu.memory_space<semaphore_mem>>)
        %dma_wait3A_26 = tpu.memref_slice %arg3[%mul3A_19] : memref<32768xi32, #tpu.memory_space<hbm>> -> memref<128xi32, #tpu.memory_space<hbm>>
        %dma_wait3A_27 = tpu.memref_slice %arg3[%mul3A_19] : memref<32768xi32, #tpu.memory_space<hbm>> -> memref<128xi32, #tpu.memory_space<hbm>>
        tpu.wait_dma2 semaphore(%run_scoped3A : memref<!tpu.dma_semaphore, #tpu.memory_space<semaphore_mem>>) src(%dma_wait3A_27 : memref<128xi32, #tpu.memory_space<hbm>>) dst(%arg7 : memref<128xi32, #tpu.memory_space<vmem>>)
        tpu.yield
      }) : () -> ()
      %dma_start3A = arith.constant 0 : i32
      %dma_start3A_20 = arith.constant 0 : i32
      %dma_start3A_21 = tpu.memref_slice %arg4[%dma_start3A, %dma_start3A_20] : memref<2048x128xf32, #tpu.memory_space<hbm>> -> memref<2048x128xf32, #tpu.memory_space<hbm>>
      tpu.enqueue_indirect_dma source(%dma_start3A_21 : memref<2048x128xf32, #tpu.memory_space<hbm>>) target(%arg8 : memref<128x128xf32, #tpu.memory_space<vmem>>) offsets(%arg7 : memref<128xi32, #tpu.memory_space<vmem>>) semaphore(%arg9 : memref<!tpu.dma_semaphore, #tpu.memory_space<semaphore_mem>>)
      %dma_wait3A = arith.constant 0 : i32
      %dma_wait3A_22 = arith.constant 0 : i32
      %dma_wait3A_23 = tpu.memref_slice %arg4[%dma_wait3A, %dma_wait3A_22] : memref<2048x128xf32, #tpu.memory_space<hbm>> -> memref<2048x128xf32, #tpu.memory_space<hbm>>
      tpu.wait_indirect_dma semaphore(%arg9 : memref<!tpu.dma_semaphore, #tpu.memory_space<semaphore_mem>>) src(%dma_wait3A_23 : memref<2048x128xf32, #tpu.memory_space<hbm>>) dst(%arg8 : memref<128x128xf32, #tpu.memory_space<vmem>>)
      "tpu.region"() ({
        %run_scoped3A = tpu.sem_alloc : memref<!tpu.dma_semaphore, #tpu.memory_space<semaphore_mem>>
        %dma_start3A_24 = arith.constant 0 : i32
        %dma_start3A_25 = tpu.memref_slice %arg6[%mul3A_19, %dma_start3A_24] : memref<32768x128xf32, #tpu.memory_space<hbm>> -> memref<128x128xf32, #tpu.memory_space<hbm>>
        %dma_start3A_26 = arith.constant 0 : i32
        %dma_start3A_27 = tpu.memref_slice %arg6[%mul3A_19, %dma_start3A_26] : memref<32768x128xf32, #tpu.memory_space<hbm>> -> memref<128x128xf32, #tpu.memory_space<hbm>>
        tpu.enqueue_dma source(%arg8 : memref<128x128xf32, #tpu.memory_space<vmem>>) target(%dma_start3A_27 : memref<128x128xf32, #tpu.memory_space<hbm>>) target_semaphore(%run_scoped3A : memref<!tpu.dma_semaphore, #tpu.memory_space<semaphore_mem>>)
        %dma_wait3A_28 = arith.constant 0 : i32
        %dma_wait3A_29 = tpu.memref_slice %arg6[%mul3A_19, %dma_wait3A_28] : memref<32768x128xf32, #tpu.memory_space<hbm>> -> memref<128x128xf32, #tpu.memory_space<hbm>>
        %dma_wait3A_30 = arith.constant 0 : i32
        %dma_wait3A_31 = tpu.memref_slice %arg6[%mul3A_19, %dma_wait3A_30] : memref<32768x128xf32, #tpu.memory_space<hbm>> -> memref<128x128xf32, #tpu.memory_space<hbm>>
        tpu.wait_dma2 semaphore(%run_scoped3A : memref<!tpu.dma_semaphore, #tpu.memory_space<semaphore_mem>>) src(%arg8 : memref<128x128xf32, #tpu.memory_space<vmem>>) dst(%dma_wait3A_31 : memref<128x128xf32, #tpu.memory_space<hbm>>)
        tpu.yield
      }) : () -> ()
    }
    %scan3A_13 = arith.constant 8 : i32
    return
  }
}

#map = affine_map<(d0, d1) -> (0)>
#map1 = affine_map<(d0, d1) -> (0, 0)>
module attributes {stable_mosaic.version = 14 : i64} {
  func.func @_gather2_sc(%arg0: i32, %arg1: i32, %arg2: memref<32768xi32, #tpu.memory_space<hbm>>, %arg3: memref<32768xi32, #tpu.memory_space<hbm>>, %arg4: memref<2048x128xf32, #tpu.memory_space<hbm>>, %arg5: memref<32768x128xf32, #tpu.memory_space<hbm>>, %arg6: memref<32768x128xf32, #tpu.memory_space<hbm>>, %arg7: memref<128xi32, #tpu.memory_space<vmem>>, %arg8: memref<128x128xf32, #tpu.memory_space<vmem>>, %arg9: memref<!tpu.dma_semaphore, #tpu.memory_space<semaphore_mem>>) attributes {dimension_semantics = [#tpu.dimension_semantics<core_parallel>, #tpu.dimension_semantics<subcore_parallel>], iteration_bounds = array<i64: 2, 16>, scalar_prefetch = 0 : i64, scratch_operands = 3 : i64, tpu.core_type = #tpu.core_type<sc_vector_subcore>, window_params = [{transform_indices = #map}, {transform_indices = #map}, {transform_indices = #map1}, {transform_indices = #map1}, {transform_indices = #map1}]} {
    %mul3A = arith.constant 2 : i32
    %mul3A_0 = arith.muli %arg1, %mul3A : i32
    %add3A = arith.addi %mul3A_0, %arg0 : i32
    %mul3A_1 = arith.constant 64 : i32
    %mul3A_2 = arith.muli %add3A, %mul3A_1 : i32
    %scan3A = arith.constant 0 : i32
    %scan3A_3 = arith.constant 0 : i32
    %scan3A_4 = arith.constant 8 : i32
    %scan3A_5 = arith.addi %scan3A_3, %scan3A_4 : i32
    %scan3A_6 = arith.constant 1 : i32
    scf.for %scan3A_14 = %scan3A_3 to %scan3A_5 step %scan3A_6  : i32 {
      %mul3A_15 = arith.constant 8 : i32
      %mul3A_16 = arith.muli %scan3A_14, %mul3A_15 : i32
      %add3A_17 = arith.addi %mul3A_2, %mul3A_16 : i32
      %mul3A_18 = arith.constant 16 : i32
      %mul3A_19 = arith.muli %add3A_17, %mul3A_18 : i32
      "tpu.region"() ({
        %run_scoped3A = tpu.sem_alloc : memref<!tpu.dma_semaphore, #tpu.memory_space<semaphore_mem>>
        %dma_start3A_24 = tpu.memref_slice %arg2[%mul3A_19] : memref<32768xi32, #tpu.memory_space<hbm>> -> memref<128xi32, #tpu.memory_space<hbm>>
        %dma_start3A_25 = tpu.memref_slice %arg2[%mul3A_19] : memref<32768xi32, #tpu.memory_space<hbm>> -> memref<128xi32, #tpu.memory_space<hbm>>
        tpu.enqueue_dma source(%dma_start3A_25 : memref<128xi32, #tpu.memory_space<hbm>>) target(%arg7 : memref<128xi32, #tpu.memory_space<vmem>>) target_semaphore(%run_scoped3A : memref<!tpu.dma_semaphore, #tpu.memory_space<semaphore_mem>>)
        %dma_wait3A_26 = tpu.memref_slice %arg2[%mul3A_19] : memref<32768xi32, #tpu.memory_space<hbm>> -> memref<128xi32, #tpu.memory_space<hbm>>
        %dma_wait3A_27 = tpu.memref_slice %arg2[%mul3A_19] : memref<32768xi32, #tpu.memory_space<hbm>> -> memref<128xi32, #tpu.memory_space<hbm>>
        tpu.wait_dma2 semaphore(%run_scoped3A : memref<!tpu.dma_semaphore, #tpu.memory_space<semaphore_mem>>) src(%dma_wait3A_27 : memref<128xi32, #tpu.memory_space<hbm>>) dst(%arg7 : memref<128xi32, #tpu.memory_space<vmem>>)
        tpu.yield
      }) : () -> ()
      %dma_start3A = arith.constant 0 : i32
      %dma_start3A_20 = arith.constant 0 : i32
      %dma_start3A_21 = tpu.memref_slice %arg4[%dma_start3A, %dma_start3A_20] : memref<2048x128xf32, #tpu.memory_space<hbm>> -> memref<2048x128xf32, #tpu.memory_space<hbm>>
      tpu.enqueue_indirect_dma source(%dma_start3A_21 : memref<2048x128xf32, #tpu.memory_space<hbm>>) target(%arg8 : memref<128x128xf32, #tpu.memory_space<vmem>>) offsets(%arg7 : memref<128xi32, #tpu.memory_space<vmem>>) semaphore(%arg9 : memref<!tpu.dma_semaphore, #tpu.memory_space<semaphore_mem>>)
      %dma_wait3A = arith.constant 0 : i32
      %dma_wait3A_22 = arith.constant 0 : i32
      %dma_wait3A_23 = tpu.memref_slice %arg4[%dma_wait3A, %dma_wait3A_22] : memref<2048x128xf32, #tpu.memory_space<hbm>> -> memref<2048x128xf32, #tpu.memory_space<hbm>>
      tpu.wait_indirect_dma semaphore(%arg9 : memref<!tpu.dma_semaphore, #tpu.memory_space<semaphore_mem>>) src(%dma_wait3A_23 : memref<2048x128xf32, #tpu.memory_space<hbm>>) dst(%arg8 : memref<128x128xf32, #tpu.memory_space<vmem>>)
      "tpu.region"() ({
        %run_scoped3A = tpu.sem_alloc : memref<!tpu.dma_semaphore, #tpu.memory_space<semaphore_mem>>
        %dma_start3A_24 = arith.constant 0 : i32
        %dma_start3A_25 = tpu.memref_slice %arg5[%mul3A_19, %dma_start3A_24] : memref<32768x128xf32, #tpu.memory_space<hbm>> -> memref<128x128xf32, #tpu.memory_space<hbm>>
        %dma_start3A_26 = arith.constant 0 : i32
        %dma_start3A_27 = tpu.memref_slice %arg5[%mul3A_19, %dma_start3A_26] : memref<32768x128xf32, #tpu.memory_space<hbm>> -> memref<128x128xf32, #tpu.memory_space<hbm>>
        tpu.enqueue_dma source(%arg8 : memref<128x128xf32, #tpu.memory_space<vmem>>) target(%dma_start3A_27 : memref<128x128xf32, #tpu.memory_space<hbm>>) target_semaphore(%run_scoped3A : memref<!tpu.dma_semaphore, #tpu.memory_space<semaphore_mem>>)
        %dma_wait3A_28 = arith.constant 0 : i32
        %dma_wait3A_29 = tpu.memref_slice %arg5[%mul3A_19, %dma_wait3A_28] : memref<32768x128xf32, #tpu.memory_space<hbm>> -> memref<128x128xf32, #tpu.memory_space<hbm>>
        %dma_wait3A_30 = arith.constant 0 : i32
        %dma_wait3A_31 = tpu.memref_slice %arg5[%mul3A_19, %dma_wait3A_30] : memref<32768x128xf32, #tpu.memory_space<hbm>> -> memref<128x128xf32, #tpu.memory_space<hbm>>
        tpu.wait_dma2 semaphore(%run_scoped3A : memref<!tpu.dma_semaphore, #tpu.memory_space<semaphore_mem>>) src(%arg8 : memref<128x128xf32, #tpu.memory_space<vmem>>) dst(%dma_wait3A_31 : memref<128x128xf32, #tpu.memory_space<hbm>>)
        tpu.yield
      }) : () -> ()
    }
    %scan3A_7 = arith.constant 8 : i32
    %scan3A_8 = arith.constant 0 : i32
    %scan3A_9 = arith.constant 0 : i32
    %scan3A_10 = arith.constant 8 : i32
    %scan3A_11 = arith.addi %scan3A_9, %scan3A_10 : i32
    %scan3A_12 = arith.constant 1 : i32
    scf.for %scan3A_14 = %scan3A_9 to %scan3A_11 step %scan3A_12  : i32 {
      %mul3A_15 = arith.constant 8 : i32
      %mul3A_16 = arith.muli %scan3A_14, %mul3A_15 : i32
      %add3A_17 = arith.addi %mul3A_2, %mul3A_16 : i32
      %mul3A_18 = arith.constant 16 : i32
      %mul3A_19 = arith.muli %add3A_17, %mul3A_18 : i32
      "tpu.region"() ({
        %run_scoped3A = tpu.sem_alloc : memref<!tpu.dma_semaphore, #tpu.memory_space<semaphore_mem>>
        %dma_start3A_24 = tpu.memref_slice %arg3[%mul3A_19] : memref<32768xi32, #tpu.memory_space<hbm>> -> memref<128xi32, #tpu.memory_space<hbm>>
        %dma_start3A_25 = tpu.memref_slice %arg3[%mul3A_19] : memref<32768xi32, #tpu.memory_space<hbm>> -> memref<128xi32, #tpu.memory_space<hbm>>
        tpu.enqueue_dma source(%dma_start3A_25 : memref<128xi32, #tpu.memory_space<hbm>>) target(%arg7 : memref<128xi32, #tpu.memory_space<vmem>>) target_semaphore(%run_scoped3A : memref<!tpu.dma_semaphore, #tpu.memory_space<semaphore_mem>>)
        %dma_wait3A_26 = tpu.memref_slice %arg3[%mul3A_19] : memref<32768xi32, #tpu.memory_space<hbm>> -> memref<128xi32, #tpu.memory_space<hbm>>
        %dma_wait3A_27 = tpu.memref_slice %arg3[%mul3A_19] : memref<32768xi32, #tpu.memory_space<hbm>> -> memref<128xi32, #tpu.memory_space<hbm>>
        tpu.wait_dma2 semaphore(%run_scoped3A : memref<!tpu.dma_semaphore, #tpu.memory_space<semaphore_mem>>) src(%dma_wait3A_27 : memref<128xi32, #tpu.memory_space<hbm>>) dst(%arg7 : memref<128xi32, #tpu.memory_space<vmem>>)
        tpu.yield
      }) : () -> ()
      %dma_start3A = arith.constant 0 : i32
      %dma_start3A_20 = arith.constant 0 : i32
      %dma_start3A_21 = tpu.memref_slice %arg4[%dma_start3A, %dma_start3A_20] : memref<2048x128xf32, #tpu.memory_space<hbm>> -> memref<2048x128xf32, #tpu.memory_space<hbm>>
      tpu.enqueue_indirect_dma source(%dma_start3A_21 : memref<2048x128xf32, #tpu.memory_space<hbm>>) target(%arg8 : memref<128x128xf32, #tpu.memory_space<vmem>>) offsets(%arg7 : memref<128xi32, #tpu.memory_space<vmem>>) semaphore(%arg9 : memref<!tpu.dma_semaphore, #tpu.memory_space<semaphore_mem>>)
      %dma_wait3A = arith.constant 0 : i32
      %dma_wait3A_22 = arith.constant 0 : i32
      %dma_wait3A_23 = tpu.memref_slice %arg4[%dma_wait3A, %dma_wait3A_22] : memref<2048x128xf32, #tpu.memory_space<hbm>> -> memref<2048x128xf32, #tpu.memory_space<hbm>>
      tpu.wait_indirect_dma semaphore(%arg9 : memref<!tpu.dma_semaphore, #tpu.memory_space<semaphore_mem>>) src(%dma_wait3A_23 : memref<2048x128xf32, #tpu.memory_space<hbm>>) dst(%arg8 : memref<128x128xf32, #tpu.memory_space<vmem>>)
      "tpu.region"() ({
        %run_scoped3A = tpu.sem_alloc : memref<!tpu.dma_semaphore, #tpu.memory_space<semaphore_mem>>
        %dma_start3A_24 = arith.constant 0 : i32
        %dma_start3A_25 = tpu.memref_slice %arg6[%mul3A_19, %dma_start3A_24] : memref<32768x128xf32, #tpu.memory_space<hbm>> -> memref<128x128xf32, #tpu.memory_space<hbm>>
        %dma_start3A_26 = arith.constant 0 : i32
        %dma_start3A_27 = tpu.memref_slice %arg6[%mul3A_19, %dma_start3A_26] : memref<32768x128xf32, #tpu.memory_space<hbm>> -> memref<128x128xf32, #tpu.memory_space<hbm>>
        tpu.enqueue_dma source(%arg8 : memref<128x128xf32, #tpu.memory_space<vmem>>) target(%dma_start3A_27 : memref<128x128xf32, #tpu.memory_space<hbm>>) target_semaphore(%run_scoped3A : memref<!tpu.dma_semaphore, #tpu.memory_space<semaphore_mem>>)
        %dma_wait3A_28 = arith.constant 0 : i32
        %dma_wait3A_29 = tpu.memref_slice %arg6[%mul3A_19, %dma_wait3A_28] : memref<32768x128xf32, #tpu.memory_space<hbm>> -> memref<128x128xf32, #tpu.memory_space<hbm>>
        %dma_wait3A_30 = arith.constant 0 : i32
        %dma_wait3A_31 = tpu.memref_slice %arg6[%mul3A_19, %dma_wait3A_30] : memref<32768x128xf32, #tpu.memory_space<hbm>> -> memref<128x128xf32, #tpu.memory_space<hbm>>
        tpu.wait_dma2 semaphore(%run_scoped3A : memref<!tpu.dma_semaphore, #tpu.memory_space<semaphore_mem>>) src(%arg8 : memref<128x128xf32, #tpu.memory_space<vmem>>) dst(%dma_wait3A_31 : memref<128x128xf32, #tpu.memory_space<hbm>>)
        tpu.yield
      }) : () -> ()
    }
    %scan3A_13 = arith.constant 8 : i32
    return
  }
}

#map = affine_map<(d0, d1) -> (0)>
#map1 = affine_map<(d0, d1) -> (0, 0)>
module attributes {stable_mosaic.version = 14 : i64} {
  func.func @_gather2_sc(%arg0: i32, %arg1: i32, %arg2: memref<32768xi32, #tpu.memory_space<hbm>>, %arg3: memref<32768xi32, #tpu.memory_space<hbm>>, %arg4: memref<2048x128xf32, #tpu.memory_space<hbm>>, %arg5: memref<32768x128xf32, #tpu.memory_space<hbm>>, %arg6: memref<32768x128xf32, #tpu.memory_space<hbm>>, %arg7: memref<128xi32, #tpu.memory_space<vmem>>, %arg8: memref<128x128xf32, #tpu.memory_space<vmem>>, %arg9: memref<!tpu.dma_semaphore, #tpu.memory_space<semaphore_mem>>) attributes {dimension_semantics = [#tpu.dimension_semantics<core_parallel>, #tpu.dimension_semantics<subcore_parallel>], iteration_bounds = array<i64: 2, 16>, scalar_prefetch = 0 : i64, scratch_operands = 3 : i64, tpu.core_type = #tpu.core_type<sc_vector_subcore>, window_params = [{transform_indices = #map}, {transform_indices = #map}, {transform_indices = #map1}, {transform_indices = #map1}, {transform_indices = #map1}]} {
    %mul3A = arith.constant 2 : i32
    %mul3A_0 = arith.muli %arg1, %mul3A : i32
    %add3A = arith.addi %mul3A_0, %arg0 : i32
    %mul3A_1 = arith.constant 64 : i32
    %mul3A_2 = arith.muli %add3A, %mul3A_1 : i32
    %scan3A = arith.constant 0 : i32
    %scan3A_3 = arith.constant 0 : i32
    %scan3A_4 = arith.constant 8 : i32
    %scan3A_5 = arith.addi %scan3A_3, %scan3A_4 : i32
    %scan3A_6 = arith.constant 1 : i32
    scf.for %scan3A_14 = %scan3A_3 to %scan3A_5 step %scan3A_6  : i32 {
      %mul3A_15 = arith.constant 8 : i32
      %mul3A_16 = arith.muli %scan3A_14, %mul3A_15 : i32
      %add3A_17 = arith.addi %mul3A_2, %mul3A_16 : i32
      %mul3A_18 = arith.constant 16 : i32
      %mul3A_19 = arith.muli %add3A_17, %mul3A_18 : i32
      "tpu.region"() ({
        %run_scoped3A = tpu.sem_alloc : memref<!tpu.dma_semaphore, #tpu.memory_space<semaphore_mem>>
        %dma_start3A_24 = tpu.memref_slice %arg2[%mul3A_19] : memref<32768xi32, #tpu.memory_space<hbm>> -> memref<128xi32, #tpu.memory_space<hbm>>
        %dma_start3A_25 = tpu.memref_slice %arg2[%mul3A_19] : memref<32768xi32, #tpu.memory_space<hbm>> -> memref<128xi32, #tpu.memory_space<hbm>>
        tpu.enqueue_dma source(%dma_start3A_25 : memref<128xi32, #tpu.memory_space<hbm>>) target(%arg7 : memref<128xi32, #tpu.memory_space<vmem>>) target_semaphore(%run_scoped3A : memref<!tpu.dma_semaphore, #tpu.memory_space<semaphore_mem>>)
        %dma_wait3A_26 = tpu.memref_slice %arg2[%mul3A_19] : memref<32768xi32, #tpu.memory_space<hbm>> -> memref<128xi32, #tpu.memory_space<hbm>>
        %dma_wait3A_27 = tpu.memref_slice %arg2[%mul3A_19] : memref<32768xi32, #tpu.memory_space<hbm>> -> memref<128xi32, #tpu.memory_space<hbm>>
        tpu.wait_dma2 semaphore(%run_scoped3A : memref<!tpu.dma_semaphore, #tpu.memory_space<semaphore_mem>>) src(%dma_wait3A_27 : memref<128xi32, #tpu.memory_space<hbm>>) dst(%arg7 : memref<128xi32, #tpu.memory_space<vmem>>)
        tpu.yield
      }) : () -> ()
      %dma_start3A = arith.constant 0 : i32
      %dma_start3A_20 = arith.constant 0 : i32
      %dma_start3A_21 = tpu.memref_slice %arg4[%dma_start3A, %dma_start3A_20] : memref<2048x128xf32, #tpu.memory_space<hbm>> -> memref<2048x128xf32, #tpu.memory_space<hbm>>
      tpu.enqueue_indirect_dma source(%dma_start3A_21 : memref<2048x128xf32, #tpu.memory_space<hbm>>) target(%arg8 : memref<128x128xf32, #tpu.memory_space<vmem>>) offsets(%arg7 : memref<128xi32, #tpu.memory_space<vmem>>) semaphore(%arg9 : memref<!tpu.dma_semaphore, #tpu.memory_space<semaphore_mem>>)
      %dma_wait3A = arith.constant 0 : i32
      %dma_wait3A_22 = arith.constant 0 : i32
      %dma_wait3A_23 = tpu.memref_slice %arg4[%dma_wait3A, %dma_wait3A_22] : memref<2048x128xf32, #tpu.memory_space<hbm>> -> memref<2048x128xf32, #tpu.memory_space<hbm>>
      tpu.wait_indirect_dma semaphore(%arg9 : memref<!tpu.dma_semaphore, #tpu.memory_space<semaphore_mem>>) src(%dma_wait3A_23 : memref<2048x128xf32, #tpu.memory_space<hbm>>) dst(%arg8 : memref<128x128xf32, #tpu.memory_space<vmem>>)
      "tpu.region"() ({
        %run_scoped3A = tpu.sem_alloc : memref<!tpu.dma_semaphore, #tpu.memory_space<semaphore_mem>>
        %dma_start3A_24 = arith.constant 0 : i32
        %dma_start3A_25 = tpu.memref_slice %arg5[%mul3A_19, %dma_start3A_24] : memref<32768x128xf32, #tpu.memory_space<hbm>> -> memref<128x128xf32, #tpu.memory_space<hbm>>
        %dma_start3A_26 = arith.constant 0 : i32
        %dma_start3A_27 = tpu.memref_slice %arg5[%mul3A_19, %dma_start3A_26] : memref<32768x128xf32, #tpu.memory_space<hbm>> -> memref<128x128xf32, #tpu.memory_space<hbm>>
        tpu.enqueue_dma source(%arg8 : memref<128x128xf32, #tpu.memory_space<vmem>>) target(%dma_start3A_27 : memref<128x128xf32, #tpu.memory_space<hbm>>) target_semaphore(%run_scoped3A : memref<!tpu.dma_semaphore, #tpu.memory_space<semaphore_mem>>)
        %dma_wait3A_28 = arith.constant 0 : i32
        %dma_wait3A_29 = tpu.memref_slice %arg5[%mul3A_19, %dma_wait3A_28] : memref<32768x128xf32, #tpu.memory_space<hbm>> -> memref<128x128xf32, #tpu.memory_space<hbm>>
        %dma_wait3A_30 = arith.constant 0 : i32
        %dma_wait3A_31 = tpu.memref_slice %arg5[%mul3A_19, %dma_wait3A_30] : memref<32768x128xf32, #tpu.memory_space<hbm>> -> memref<128x128xf32, #tpu.memory_space<hbm>>
        tpu.wait_dma2 semaphore(%run_scoped3A : memref<!tpu.dma_semaphore, #tpu.memory_space<semaphore_mem>>) src(%arg8 : memref<128x128xf32, #tpu.memory_space<vmem>>) dst(%dma_wait3A_31 : memref<128x128xf32, #tpu.memory_space<hbm>>)
        tpu.yield
      }) : () -> ()
    }
    %scan3A_7 = arith.constant 8 : i32
    %scan3A_8 = arith.constant 0 : i32
    %scan3A_9 = arith.constant 0 : i32
    %scan3A_10 = arith.constant 8 : i32
    %scan3A_11 = arith.addi %scan3A_9, %scan3A_10 : i32
    %scan3A_12 = arith.constant 1 : i32
    scf.for %scan3A_14 = %scan3A_9 to %scan3A_11 step %scan3A_12  : i32 {
      %mul3A_15 = arith.constant 8 : i32
      %mul3A_16 = arith.muli %scan3A_14, %mul3A_15 : i32
      %add3A_17 = arith.addi %mul3A_2, %mul3A_16 : i32
      %mul3A_18 = arith.constant 16 : i32
      %mul3A_19 = arith.muli %add3A_17, %mul3A_18 : i32
      "tpu.region"() ({
        %run_scoped3A = tpu.sem_alloc : memref<!tpu.dma_semaphore, #tpu.memory_space<semaphore_mem>>
        %dma_start3A_24 = tpu.memref_slice %arg3[%mul3A_19] : memref<32768xi32, #tpu.memory_space<hbm>> -> memref<128xi32, #tpu.memory_space<hbm>>
        %dma_start3A_25 = tpu.memref_slice %arg3[%mul3A_19] : memref<32768xi32, #tpu.memory_space<hbm>> -> memref<128xi32, #tpu.memory_space<hbm>>
        tpu.enqueue_dma source(%dma_start3A_25 : memref<128xi32, #tpu.memory_space<hbm>>) target(%arg7 : memref<128xi32, #tpu.memory_space<vmem>>) target_semaphore(%run_scoped3A : memref<!tpu.dma_semaphore, #tpu.memory_space<semaphore_mem>>)
        %dma_wait3A_26 = tpu.memref_slice %arg3[%mul3A_19] : memref<32768xi32, #tpu.memory_space<hbm>> -> memref<128xi32, #tpu.memory_space<hbm>>
        %dma_wait3A_27 = tpu.memref_slice %arg3[%mul3A_19] : memref<32768xi32, #tpu.memory_space<hbm>> -> memref<128xi32, #tpu.memory_space<hbm>>
        tpu.wait_dma2 semaphore(%run_scoped3A : memref<!tpu.dma_semaphore, #tpu.memory_space<semaphore_mem>>) src(%dma_wait3A_27 : memref<128xi32, #tpu.memory_space<hbm>>) dst(%arg7 : memref<128xi32, #tpu.memory_space<vmem>>)
        tpu.yield
      }) : () -> ()
      %dma_start3A = arith.constant 0 : i32
      %dma_start3A_20 = arith.constant 0 : i32
      %dma_start3A_21 = tpu.memref_slice %arg4[%dma_start3A, %dma_start3A_20] : memref<2048x128xf32, #tpu.memory_space<hbm>> -> memref<2048x128xf32, #tpu.memory_space<hbm>>
      tpu.enqueue_indirect_dma source(%dma_start3A_21 : memref<2048x128xf32, #tpu.memory_space<hbm>>) target(%arg8 : memref<128x128xf32, #tpu.memory_space<vmem>>) offsets(%arg7 : memref<128xi32, #tpu.memory_space<vmem>>) semaphore(%arg9 : memref<!tpu.dma_semaphore, #tpu.memory_space<semaphore_mem>>)
      %dma_wait3A = arith.constant 0 : i32
      %dma_wait3A_22 = arith.constant 0 : i32
      %dma_wait3A_23 = tpu.memref_slice %arg4[%dma_wait3A, %dma_wait3A_22] : memref<2048x128xf32, #tpu.memory_space<hbm>> -> memref<2048x128xf32, #tpu.memory_space<hbm>>
      tpu.wait_indirect_dma semaphore(%arg9 : memref<!tpu.dma_semaphore, #tpu.memory_space<semaphore_mem>>) src(%dma_wait3A_23 : memref<2048x128xf32, #tpu.memory_space<hbm>>) dst(%arg8 : memref<128x128xf32, #tpu.memory_space<vmem>>)
      "tpu.region"() ({
        %run_scoped3A = tpu.sem_alloc : memref<!tpu.dma_semaphore, #tpu.memory_space<semaphore_mem>>
        %dma_start3A_24 = arith.constant 0 : i32
        %dma_start3A_25 = tpu.memref_slice %arg6[%mul3A_19, %dma_start3A_24] : memref<32768x128xf32, #tpu.memory_space<hbm>> -> memref<128x128xf32, #tpu.memory_space<hbm>>
        %dma_start3A_26 = arith.constant 0 : i32
        %dma_start3A_27 = tpu.memref_slice %arg6[%mul3A_19, %dma_start3A_26] : memref<32768x128xf32, #tpu.memory_space<hbm>> -> memref<128x128xf32, #tpu.memory_space<hbm>>
        tpu.enqueue_dma source(%arg8 : memref<128x128xf32, #tpu.memory_space<vmem>>) target(%dma_start3A_27 : memref<128x128xf32, #tpu.memory_space<hbm>>) target_semaphore(%run_scoped3A : memref<!tpu.dma_semaphore, #tpu.memory_space<semaphore_mem>>)
        %dma_wait3A_28 = arith.constant 0 : i32
        %dma_wait3A_29 = tpu.memref_slice %arg6[%mul3A_19, %dma_wait3A_28] : memref<32768x128xf32, #tpu.memory_space<hbm>> -> memref<128x128xf32, #tpu.memory_space<hbm>>
        %dma_wait3A_30 = arith.constant 0 : i32
        %dma_wait3A_31 = tpu.memref_slice %arg6[%mul3A_19, %dma_wait3A_30] : memref<32768x128xf32, #tpu.memory_space<hbm>> -> memref<128x128xf32, #tpu.memory_space<hbm>>
        tpu.wait_dma2 semaphore(%run_scoped3A : memref<!tpu.dma_semaphore, #tpu.memory_space<semaphore_mem>>) src(%arg8 : memref<128x128xf32, #tpu.memory_space<vmem>>) dst(%dma_wait3A_31 : memref<128x128xf32, #tpu.memory_space<hbm>>)
        tpu.yield
      }) : () -> ()
    }
    %scan3A_13 = arith.constant 8 : i32
    return
  }
}

#map = affine_map<(d0, d1) -> (0)>
#map1 = affine_map<(d0, d1) -> (0, 0)>
module attributes {stable_mosaic.version = 14 : i64} {
  func.func @_gather2_sc(%arg0: i32, %arg1: i32, %arg2: memref<32768xi32, #tpu.memory_space<hbm>>, %arg3: memref<32768xi32, #tpu.memory_space<hbm>>, %arg4: memref<2048x128xf32, #tpu.memory_space<hbm>>, %arg5: memref<32768x128xf32, #tpu.memory_space<hbm>>, %arg6: memref<32768x128xf32, #tpu.memory_space<hbm>>, %arg7: memref<128xi32, #tpu.memory_space<vmem>>, %arg8: memref<128x128xf32, #tpu.memory_space<vmem>>, %arg9: memref<!tpu.dma_semaphore, #tpu.memory_space<semaphore_mem>>) attributes {dimension_semantics = [#tpu.dimension_semantics<core_parallel>, #tpu.dimension_semantics<subcore_parallel>], iteration_bounds = array<i64: 2, 16>, scalar_prefetch = 0 : i64, scratch_operands = 3 : i64, tpu.core_type = #tpu.core_type<sc_vector_subcore>, window_params = [{transform_indices = #map}, {transform_indices = #map}, {transform_indices = #map1}, {transform_indices = #map1}, {transform_indices = #map1}]} {
    %mul3A = arith.constant 2 : i32
    %mul3A_0 = arith.muli %arg1, %mul3A : i32
    %add3A = arith.addi %mul3A_0, %arg0 : i32
    %mul3A_1 = arith.constant 64 : i32
    %mul3A_2 = arith.muli %add3A, %mul3A_1 : i32
    %scan3A = arith.constant 0 : i32
    %scan3A_3 = arith.constant 0 : i32
    %scan3A_4 = arith.constant 8 : i32
    %scan3A_5 = arith.addi %scan3A_3, %scan3A_4 : i32
    %scan3A_6 = arith.constant 1 : i32
    scf.for %scan3A_14 = %scan3A_3 to %scan3A_5 step %scan3A_6  : i32 {
      %mul3A_15 = arith.constant 8 : i32
      %mul3A_16 = arith.muli %scan3A_14, %mul3A_15 : i32
      %add3A_17 = arith.addi %mul3A_2, %mul3A_16 : i32
      %mul3A_18 = arith.constant 16 : i32
      %mul3A_19 = arith.muli %add3A_17, %mul3A_18 : i32
      "tpu.region"() ({
        %run_scoped3A = tpu.sem_alloc : memref<!tpu.dma_semaphore, #tpu.memory_space<semaphore_mem>>
        %dma_start3A_24 = tpu.memref_slice %arg2[%mul3A_19] : memref<32768xi32, #tpu.memory_space<hbm>> -> memref<128xi32, #tpu.memory_space<hbm>>
        %dma_start3A_25 = tpu.memref_slice %arg2[%mul3A_19] : memref<32768xi32, #tpu.memory_space<hbm>> -> memref<128xi32, #tpu.memory_space<hbm>>
        tpu.enqueue_dma source(%dma_start3A_25 : memref<128xi32, #tpu.memory_space<hbm>>) target(%arg7 : memref<128xi32, #tpu.memory_space<vmem>>) target_semaphore(%run_scoped3A : memref<!tpu.dma_semaphore, #tpu.memory_space<semaphore_mem>>)
        %dma_wait3A_26 = tpu.memref_slice %arg2[%mul3A_19] : memref<32768xi32, #tpu.memory_space<hbm>> -> memref<128xi32, #tpu.memory_space<hbm>>
        %dma_wait3A_27 = tpu.memref_slice %arg2[%mul3A_19] : memref<32768xi32, #tpu.memory_space<hbm>> -> memref<128xi32, #tpu.memory_space<hbm>>
        tpu.wait_dma2 semaphore(%run_scoped3A : memref<!tpu.dma_semaphore, #tpu.memory_space<semaphore_mem>>) src(%dma_wait3A_27 : memref<128xi32, #tpu.memory_space<hbm>>) dst(%arg7 : memref<128xi32, #tpu.memory_space<vmem>>)
        tpu.yield
      }) : () -> ()
      %dma_start3A = arith.constant 0 : i32
      %dma_start3A_20 = arith.constant 0 : i32
      %dma_start3A_21 = tpu.memref_slice %arg4[%dma_start3A, %dma_start3A_20] : memref<2048x128xf32, #tpu.memory_space<hbm>> -> memref<2048x128xf32, #tpu.memory_space<hbm>>
      tpu.enqueue_indirect_dma source(%dma_start3A_21 : memref<2048x128xf32, #tpu.memory_space<hbm>>) target(%arg8 : memref<128x128xf32, #tpu.memory_space<vmem>>) offsets(%arg7 : memref<128xi32, #tpu.memory_space<vmem>>) semaphore(%arg9 : memref<!tpu.dma_semaphore, #tpu.memory_space<semaphore_mem>>)
      %dma_wait3A = arith.constant 0 : i32
      %dma_wait3A_22 = arith.constant 0 : i32
      %dma_wait3A_23 = tpu.memref_slice %arg4[%dma_wait3A, %dma_wait3A_22] : memref<2048x128xf32, #tpu.memory_space<hbm>> -> memref<2048x128xf32, #tpu.memory_space<hbm>>
      tpu.wait_indirect_dma semaphore(%arg9 : memref<!tpu.dma_semaphore, #tpu.memory_space<semaphore_mem>>) src(%dma_wait3A_23 : memref<2048x128xf32, #tpu.memory_space<hbm>>) dst(%arg8 : memref<128x128xf32, #tpu.memory_space<vmem>>)
      "tpu.region"() ({
        %run_scoped3A = tpu.sem_alloc : memref<!tpu.dma_semaphore, #tpu.memory_space<semaphore_mem>>
        %dma_start3A_24 = arith.constant 0 : i32
        %dma_start3A_25 = tpu.memref_slice %arg5[%mul3A_19, %dma_start3A_24] : memref<32768x128xf32, #tpu.memory_space<hbm>> -> memref<128x128xf32, #tpu.memory_space<hbm>>
        %dma_start3A_26 = arith.constant 0 : i32
        %dma_start3A_27 = tpu.memref_slice %arg5[%mul3A_19, %dma_start3A_26] : memref<32768x128xf32, #tpu.memory_space<hbm>> -> memref<128x128xf32, #tpu.memory_space<hbm>>
        tpu.enqueue_dma source(%arg8 : memref<128x128xf32, #tpu.memory_space<vmem>>) target(%dma_start3A_27 : memref<128x128xf32, #tpu.memory_space<hbm>>) target_semaphore(%run_scoped3A : memref<!tpu.dma_semaphore, #tpu.memory_space<semaphore_mem>>)
        %dma_wait3A_28 = arith.constant 0 : i32
        %dma_wait3A_29 = tpu.memref_slice %arg5[%mul3A_19, %dma_wait3A_28] : memref<32768x128xf32, #tpu.memory_space<hbm>> -> memref<128x128xf32, #tpu.memory_space<hbm>>
        %dma_wait3A_30 = arith.constant 0 : i32
        %dma_wait3A_31 = tpu.memref_slice %arg5[%mul3A_19, %dma_wait3A_30] : memref<32768x128xf32, #tpu.memory_space<hbm>> -> memref<128x128xf32, #tpu.memory_space<hbm>>
        tpu.wait_dma2 semaphore(%run_scoped3A : memref<!tpu.dma_semaphore, #tpu.memory_space<semaphore_mem>>) src(%arg8 : memref<128x128xf32, #tpu.memory_space<vmem>>) dst(%dma_wait3A_31 : memref<128x128xf32, #tpu.memory_space<hbm>>)
        tpu.yield
      }) : () -> ()
    }
    %scan3A_7 = arith.constant 8 : i32
    %scan3A_8 = arith.constant 0 : i32
    %scan3A_9 = arith.constant 0 : i32
    %scan3A_10 = arith.constant 8 : i32
    %scan3A_11 = arith.addi %scan3A_9, %scan3A_10 : i32
    %scan3A_12 = arith.constant 1 : i32
    scf.for %scan3A_14 = %scan3A_9 to %scan3A_11 step %scan3A_12  : i32 {
      %mul3A_15 = arith.constant 8 : i32
      %mul3A_16 = arith.muli %scan3A_14, %mul3A_15 : i32
      %add3A_17 = arith.addi %mul3A_2, %mul3A_16 : i32
      %mul3A_18 = arith.constant 16 : i32
      %mul3A_19 = arith.muli %add3A_17, %mul3A_18 : i32
      "tpu.region"() ({
        %run_scoped3A = tpu.sem_alloc : memref<!tpu.dma_semaphore, #tpu.memory_space<semaphore_mem>>
        %dma_start3A_24 = tpu.memref_slice %arg3[%mul3A_19] : memref<32768xi32, #tpu.memory_space<hbm>> -> memref<128xi32, #tpu.memory_space<hbm>>
        %dma_start3A_25 = tpu.memref_slice %arg3[%mul3A_19] : memref<32768xi32, #tpu.memory_space<hbm>> -> memref<128xi32, #tpu.memory_space<hbm>>
        tpu.enqueue_dma source(%dma_start3A_25 : memref<128xi32, #tpu.memory_space<hbm>>) target(%arg7 : memref<128xi32, #tpu.memory_space<vmem>>) target_semaphore(%run_scoped3A : memref<!tpu.dma_semaphore, #tpu.memory_space<semaphore_mem>>)
        %dma_wait3A_26 = tpu.memref_slice %arg3[%mul3A_19] : memref<32768xi32, #tpu.memory_space<hbm>> -> memref<128xi32, #tpu.memory_space<hbm>>
        %dma_wait3A_27 = tpu.memref_slice %arg3[%mul3A_19] : memref<32768xi32, #tpu.memory_space<hbm>> -> memref<128xi32, #tpu.memory_space<hbm>>
        tpu.wait_dma2 semaphore(%run_scoped3A : memref<!tpu.dma_semaphore, #tpu.memory_space<semaphore_mem>>) src(%dma_wait3A_27 : memref<128xi32, #tpu.memory_space<hbm>>) dst(%arg7 : memref<128xi32, #tpu.memory_space<vmem>>)
        tpu.yield
      }) : () -> ()
      %dma_start3A = arith.constant 0 : i32
      %dma_start3A_20 = arith.constant 0 : i32
      %dma_start3A_21 = tpu.memref_slice %arg4[%dma_start3A, %dma_start3A_20] : memref<2048x128xf32, #tpu.memory_space<hbm>> -> memref<2048x128xf32, #tpu.memory_space<hbm>>
      tpu.enqueue_indirect_dma source(%dma_start3A_21 : memref<2048x128xf32, #tpu.memory_space<hbm>>) target(%arg8 : memref<128x128xf32, #tpu.memory_space<vmem>>) offsets(%arg7 : memref<128xi32, #tpu.memory_space<vmem>>) semaphore(%arg9 : memref<!tpu.dma_semaphore, #tpu.memory_space<semaphore_mem>>)
      %dma_wait3A = arith.constant 0 : i32
      %dma_wait3A_22 = arith.constant 0 : i32
      %dma_wait3A_23 = tpu.memref_slice %arg4[%dma_wait3A, %dma_wait3A_22] : memref<2048x128xf32, #tpu.memory_space<hbm>> -> memref<2048x128xf32, #tpu.memory_space<hbm>>
      tpu.wait_indirect_dma semaphore(%arg9 : memref<!tpu.dma_semaphore, #tpu.memory_space<semaphore_mem>>) src(%dma_wait3A_23 : memref<2048x128xf32, #tpu.memory_space<hbm>>) dst(%arg8 : memref<128x128xf32, #tpu.memory_space<vmem>>)
      "tpu.region"() ({
        %run_scoped3A = tpu.sem_alloc : memref<!tpu.dma_semaphore, #tpu.memory_space<semaphore_mem>>
        %dma_start3A_24 = arith.constant 0 : i32
        %dma_start3A_25 = tpu.memref_slice %arg6[%mul3A_19, %dma_start3A_24] : memref<32768x128xf32, #tpu.memory_space<hbm>> -> memref<128x128xf32, #tpu.memory_space<hbm>>
        %dma_start3A_26 = arith.constant 0 : i32
        %dma_start3A_27 = tpu.memref_slice %arg6[%mul3A_19, %dma_start3A_26] : memref<32768x128xf32, #tpu.memory_space<hbm>> -> memref<128x128xf32, #tpu.memory_space<hbm>>
        tpu.enqueue_dma source(%arg8 : memref<128x128xf32, #tpu.memory_space<vmem>>) target(%dma_start3A_27 : memref<128x128xf32, #tpu.memory_space<hbm>>) target_semaphore(%run_scoped3A : memref<!tpu.dma_semaphore, #tpu.memory_space<semaphore_mem>>)
        %dma_wait3A_28 = arith.constant 0 : i32
        %dma_wait3A_29 = tpu.memref_slice %arg6[%mul3A_19, %dma_wait3A_28] : memref<32768x128xf32, #tpu.memory_space<hbm>> -> memref<128x128xf32, #tpu.memory_space<hbm>>
        %dma_wait3A_30 = arith.constant 0 : i32
        %dma_wait3A_31 = tpu.memref_slice %arg6[%mul3A_19, %dma_wait3A_30] : memref<32768x128xf32, #tpu.memory_space<hbm>> -> memref<128x128xf32, #tpu.memory_space<hbm>>
        tpu.wait_dma2 semaphore(%run_scoped3A : memref<!tpu.dma_semaphore, #tpu.memory_space<semaphore_mem>>) src(%arg8 : memref<128x128xf32, #tpu.memory_space<vmem>>) dst(%dma_wait3A_31 : memref<128x128xf32, #tpu.memory_space<hbm>>)
        tpu.yield
      }) : () -> ()
    }
    %scan3A_13 = arith.constant 8 : i32
    return
  }
}

#map = affine_map<(d0, d1) -> (0)>
#map1 = affine_map<(d0, d1) -> (0, 0)>
module attributes {stable_mosaic.version = 14 : i64} {
  func.func @_gather1_sc(%arg0: i32, %arg1: i32, %arg2: memref<32768xi32, #tpu.memory_space<hbm>>, %arg3: memref<2048x128xf32, #tpu.memory_space<hbm>>, %arg4: memref<32768x128xf32, #tpu.memory_space<hbm>>, %arg5: memref<128xi32, #tpu.memory_space<vmem>>, %arg6: memref<128x128xf32, #tpu.memory_space<vmem>>, %arg7: memref<!tpu.dma_semaphore, #tpu.memory_space<semaphore_mem>>) attributes {dimension_semantics = [#tpu.dimension_semantics<core_parallel>, #tpu.dimension_semantics<subcore_parallel>], iteration_bounds = array<i64: 2, 16>, scalar_prefetch = 0 : i64, scratch_operands = 3 : i64, tpu.core_type = #tpu.core_type<sc_vector_subcore>, window_params = [{transform_indices = #map}, {transform_indices = #map1}, {transform_indices = #map1}]} {
    %mul3A = arith.constant 2 : i32
    %mul3A_0 = arith.muli %arg1, %mul3A : i32
    %add3A = arith.addi %mul3A_0, %arg0 : i32
    %mul3A_1 = arith.constant 64 : i32
    %mul3A_2 = arith.muli %add3A, %mul3A_1 : i32
    %scan3A = arith.constant 0 : i32
    %scan3A_3 = arith.constant 0 : i32
    %scan3A_4 = arith.constant 8 : i32
    %scan3A_5 = arith.addi %scan3A_3, %scan3A_4 : i32
    %scan3A_6 = arith.constant 1 : i32
    scf.for %scan3A_8 = %scan3A_3 to %scan3A_5 step %scan3A_6  : i32 {
      %mul3A_9 = arith.constant 8 : i32
      %mul3A_10 = arith.muli %scan3A_8, %mul3A_9 : i32
      %add3A_11 = arith.addi %mul3A_2, %mul3A_10 : i32
      %mul3A_12 = arith.constant 16 : i32
      %mul3A_13 = arith.muli %add3A_11, %mul3A_12 : i32
      "tpu.region"() ({
        %run_scoped3A = tpu.sem_alloc : memref<!tpu.dma_semaphore, #tpu.memory_space<semaphore_mem>>
        %dma_start3A_18 = tpu.memref_slice %arg2[%mul3A_13] : memref<32768xi32, #tpu.memory_space<hbm>> -> memref<128xi32, #tpu.memory_space<hbm>>
        %dma_start3A_19 = tpu.memref_slice %arg2[%mul3A_13] : memref<32768xi32, #tpu.memory_space<hbm>> -> memref<128xi32, #tpu.memory_space<hbm>>
        tpu.enqueue_dma source(%dma_start3A_19 : memref<128xi32, #tpu.memory_space<hbm>>) target(%arg5 : memref<128xi32, #tpu.memory_space<vmem>>) target_semaphore(%run_scoped3A : memref<!tpu.dma_semaphore, #tpu.memory_space<semaphore_mem>>)
        %dma_wait3A_20 = tpu.memref_slice %arg2[%mul3A_13] : memref<32768xi32, #tpu.memory_space<hbm>> -> memref<128xi32, #tpu.memory_space<hbm>>
        %dma_wait3A_21 = tpu.memref_slice %arg2[%mul3A_13] : memref<32768xi32, #tpu.memory_space<hbm>> -> memref<128xi32, #tpu.memory_space<hbm>>
        tpu.wait_dma2 semaphore(%run_scoped3A : memref<!tpu.dma_semaphore, #tpu.memory_space<semaphore_mem>>) src(%dma_wait3A_21 : memref<128xi32, #tpu.memory_space<hbm>>) dst(%arg5 : memref<128xi32, #tpu.memory_space<vmem>>)
        tpu.yield
      }) : () -> ()
      %dma_start3A = arith.constant 0 : i32
      %dma_start3A_14 = arith.constant 0 : i32
      %dma_start3A_15 = tpu.memref_slice %arg3[%dma_start3A, %dma_start3A_14] : memref<2048x128xf32, #tpu.memory_space<hbm>> -> memref<2048x128xf32, #tpu.memory_space<hbm>>
      tpu.enqueue_indirect_dma source(%dma_start3A_15 : memref<2048x128xf32, #tpu.memory_space<hbm>>) target(%arg6 : memref<128x128xf32, #tpu.memory_space<vmem>>) offsets(%arg5 : memref<128xi32, #tpu.memory_space<vmem>>) semaphore(%arg7 : memref<!tpu.dma_semaphore, #tpu.memory_space<semaphore_mem>>)
      %dma_wait3A = arith.constant 0 : i32
      %dma_wait3A_16 = arith.constant 0 : i32
      %dma_wait3A_17 = tpu.memref_slice %arg3[%dma_wait3A, %dma_wait3A_16] : memref<2048x128xf32, #tpu.memory_space<hbm>> -> memref<2048x128xf32, #tpu.memory_space<hbm>>
      tpu.wait_indirect_dma semaphore(%arg7 : memref<!tpu.dma_semaphore, #tpu.memory_space<semaphore_mem>>) src(%dma_wait3A_17 : memref<2048x128xf32, #tpu.memory_space<hbm>>) dst(%arg6 : memref<128x128xf32, #tpu.memory_space<vmem>>)
      "tpu.region"() ({
        %run_scoped3A = tpu.sem_alloc : memref<!tpu.dma_semaphore, #tpu.memory_space<semaphore_mem>>
        %dma_start3A_18 = arith.constant 0 : i32
        %dma_start3A_19 = tpu.memref_slice %arg4[%mul3A_13, %dma_start3A_18] : memref<32768x128xf32, #tpu.memory_space<hbm>> -> memref<128x128xf32, #tpu.memory_space<hbm>>
        %dma_start3A_20 = arith.constant 0 : i32
        %dma_start3A_21 = tpu.memref_slice %arg4[%mul3A_13, %dma_start3A_20] : memref<32768x128xf32, #tpu.memory_space<hbm>> -> memref<128x128xf32, #tpu.memory_space<hbm>>
        tpu.enqueue_dma source(%arg6 : memref<128x128xf32, #tpu.memory_space<vmem>>) target(%dma_start3A_21 : memref<128x128xf32, #tpu.memory_space<hbm>>) target_semaphore(%run_scoped3A : memref<!tpu.dma_semaphore, #tpu.memory_space<semaphore_mem>>)
        %dma_wait3A_22 = arith.constant 0 : i32
        %dma_wait3A_23 = tpu.memref_slice %arg4[%mul3A_13, %dma_wait3A_22] : memref<32768x128xf32, #tpu.memory_space<hbm>> -> memref<128x128xf32, #tpu.memory_space<hbm>>
        %dma_wait3A_24 = arith.constant 0 : i32
        %dma_wait3A_25 = tpu.memref_slice %arg4[%mul3A_13, %dma_wait3A_24] : memref<32768x128xf32, #tpu.memory_space<hbm>> -> memref<128x128xf32, #tpu.memory_space<hbm>>
        tpu.wait_dma2 semaphore(%run_scoped3A : memref<!tpu.dma_semaphore, #tpu.memory_space<semaphore_mem>>) src(%arg6 : memref<128x128xf32, #tpu.memory_space<vmem>>) dst(%dma_wait3A_25 : memref<128x128xf32, #tpu.memory_space<hbm>>)
        tpu.yield
      }) : () -> ()
    }
    %scan3A_7 = arith.constant 8 : i32
    return
  }
}

#map = affine_map<(d0, d1) -> (0)>
#map1 = affine_map<(d0, d1) -> (0, 0)>
module attributes {stable_mosaic.version = 14 : i64} {
  func.func @_gather1_sc(%arg0: i32, %arg1: i32, %arg2: memref<32768xi32, #tpu.memory_space<hbm>>, %arg3: memref<2048x128xf32, #tpu.memory_space<hbm>>, %arg4: memref<32768x128xf32, #tpu.memory_space<hbm>>, %arg5: memref<128xi32, #tpu.memory_space<vmem>>, %arg6: memref<128x128xf32, #tpu.memory_space<vmem>>, %arg7: memref<!tpu.dma_semaphore, #tpu.memory_space<semaphore_mem>>) attributes {dimension_semantics = [#tpu.dimension_semantics<core_parallel>, #tpu.dimension_semantics<subcore_parallel>], iteration_bounds = array<i64: 2, 16>, scalar_prefetch = 0 : i64, scratch_operands = 3 : i64, tpu.core_type = #tpu.core_type<sc_vector_subcore>, window_params = [{transform_indices = #map}, {transform_indices = #map1}, {transform_indices = #map1}]} {
    %mul3A = arith.constant 2 : i32
    %mul3A_0 = arith.muli %arg1, %mul3A : i32
    %add3A = arith.addi %mul3A_0, %arg0 : i32
    %mul3A_1 = arith.constant 64 : i32
    %mul3A_2 = arith.muli %add3A, %mul3A_1 : i32
    %scan3A = arith.constant 0 : i32
    %scan3A_3 = arith.constant 0 : i32
    %scan3A_4 = arith.constant 8 : i32
    %scan3A_5 = arith.addi %scan3A_3, %scan3A_4 : i32
    %scan3A_6 = arith.constant 1 : i32
    scf.for %scan3A_8 = %scan3A_3 to %scan3A_5 step %scan3A_6  : i32 {
      %mul3A_9 = arith.constant 8 : i32
      %mul3A_10 = arith.muli %scan3A_8, %mul3A_9 : i32
      %add3A_11 = arith.addi %mul3A_2, %mul3A_10 : i32
      %mul3A_12 = arith.constant 16 : i32
      %mul3A_13 = arith.muli %add3A_11, %mul3A_12 : i32
      "tpu.region"() ({
        %run_scoped3A = tpu.sem_alloc : memref<!tpu.dma_semaphore, #tpu.memory_space<semaphore_mem>>
        %dma_start3A_18 = tpu.memref_slice %arg2[%mul3A_13] : memref<32768xi32, #tpu.memory_space<hbm>> -> memref<128xi32, #tpu.memory_space<hbm>>
        %dma_start3A_19 = tpu.memref_slice %arg2[%mul3A_13] : memref<32768xi32, #tpu.memory_space<hbm>> -> memref<128xi32, #tpu.memory_space<hbm>>
        tpu.enqueue_dma source(%dma_start3A_19 : memref<128xi32, #tpu.memory_space<hbm>>) target(%arg5 : memref<128xi32, #tpu.memory_space<vmem>>) target_semaphore(%run_scoped3A : memref<!tpu.dma_semaphore, #tpu.memory_space<semaphore_mem>>)
        %dma_wait3A_20 = tpu.memref_slice %arg2[%mul3A_13] : memref<32768xi32, #tpu.memory_space<hbm>> -> memref<128xi32, #tpu.memory_space<hbm>>
        %dma_wait3A_21 = tpu.memref_slice %arg2[%mul3A_13] : memref<32768xi32, #tpu.memory_space<hbm>> -> memref<128xi32, #tpu.memory_space<hbm>>
        tpu.wait_dma2 semaphore(%run_scoped3A : memref<!tpu.dma_semaphore, #tpu.memory_space<semaphore_mem>>) src(%dma_wait3A_21 : memref<128xi32, #tpu.memory_space<hbm>>) dst(%arg5 : memref<128xi32, #tpu.memory_space<vmem>>)
        tpu.yield
      }) : () -> ()
      %dma_start3A = arith.constant 0 : i32
      %dma_start3A_14 = arith.constant 0 : i32
      %dma_start3A_15 = tpu.memref_slice %arg3[%dma_start3A, %dma_start3A_14] : memref<2048x128xf32, #tpu.memory_space<hbm>> -> memref<2048x128xf32, #tpu.memory_space<hbm>>
      tpu.enqueue_indirect_dma source(%dma_start3A_15 : memref<2048x128xf32, #tpu.memory_space<hbm>>) target(%arg6 : memref<128x128xf32, #tpu.memory_space<vmem>>) offsets(%arg5 : memref<128xi32, #tpu.memory_space<vmem>>) semaphore(%arg7 : memref<!tpu.dma_semaphore, #tpu.memory_space<semaphore_mem>>)
      %dma_wait3A = arith.constant 0 : i32
      %dma_wait3A_16 = arith.constant 0 : i32
      %dma_wait3A_17 = tpu.memref_slice %arg3[%dma_wait3A, %dma_wait3A_16] : memref<2048x128xf32, #tpu.memory_space<hbm>> -> memref<2048x128xf32, #tpu.memory_space<hbm>>
      tpu.wait_indirect_dma semaphore(%arg7 : memref<!tpu.dma_semaphore, #tpu.memory_space<semaphore_mem>>) src(%dma_wait3A_17 : memref<2048x128xf32, #tpu.memory_space<hbm>>) dst(%arg6 : memref<128x128xf32, #tpu.memory_space<vmem>>)
      "tpu.region"() ({
        %run_scoped3A = tpu.sem_alloc : memref<!tpu.dma_semaphore, #tpu.memory_space<semaphore_mem>>
        %dma_start3A_18 = arith.constant 0 : i32
        %dma_start3A_19 = tpu.memref_slice %arg4[%mul3A_13, %dma_start3A_18] : memref<32768x128xf32, #tpu.memory_space<hbm>> -> memref<128x128xf32, #tpu.memory_space<hbm>>
        %dma_start3A_20 = arith.constant 0 : i32
        %dma_start3A_21 = tpu.memref_slice %arg4[%mul3A_13, %dma_start3A_20] : memref<32768x128xf32, #tpu.memory_space<hbm>> -> memref<128x128xf32, #tpu.memory_space<hbm>>
        tpu.enqueue_dma source(%arg6 : memref<128x128xf32, #tpu.memory_space<vmem>>) target(%dma_start3A_21 : memref<128x128xf32, #tpu.memory_space<hbm>>) target_semaphore(%run_scoped3A : memref<!tpu.dma_semaphore, #tpu.memory_space<semaphore_mem>>)
        %dma_wait3A_22 = arith.constant 0 : i32
        %dma_wait3A_23 = tpu.memref_slice %arg4[%mul3A_13, %dma_wait3A_22] : memref<32768x128xf32, #tpu.memory_space<hbm>> -> memref<128x128xf32, #tpu.memory_space<hbm>>
        %dma_wait3A_24 = arith.constant 0 : i32
        %dma_wait3A_25 = tpu.memref_slice %arg4[%mul3A_13, %dma_wait3A_24] : memref<32768x128xf32, #tpu.memory_space<hbm>> -> memref<128x128xf32, #tpu.memory_space<hbm>>
        tpu.wait_dma2 semaphore(%run_scoped3A : memref<!tpu.dma_semaphore, #tpu.memory_space<semaphore_mem>>) src(%arg6 : memref<128x128xf32, #tpu.memory_space<vmem>>) dst(%dma_wait3A_25 : memref<128x128xf32, #tpu.memory_space<hbm>>)
        tpu.yield
      }) : () -> ()
    }
    %scan3A_7 = arith.constant 8 : i32
    return
  }
}

#map = affine_map<(d0, d1) -> (0)>
#map1 = affine_map<(d0, d1) -> (0, 0)>
module attributes {stable_mosaic.version = 14 : i64} {
  func.func @_gather1_sc(%arg0: i32, %arg1: i32, %arg2: memref<32768xi32, #tpu.memory_space<hbm>>, %arg3: memref<2048x128xf32, #tpu.memory_space<hbm>>, %arg4: memref<32768x128xf32, #tpu.memory_space<hbm>>, %arg5: memref<128xi32, #tpu.memory_space<vmem>>, %arg6: memref<128x128xf32, #tpu.memory_space<vmem>>, %arg7: memref<!tpu.dma_semaphore, #tpu.memory_space<semaphore_mem>>) attributes {dimension_semantics = [#tpu.dimension_semantics<core_parallel>, #tpu.dimension_semantics<subcore_parallel>], iteration_bounds = array<i64: 2, 16>, scalar_prefetch = 0 : i64, scratch_operands = 3 : i64, tpu.core_type = #tpu.core_type<sc_vector_subcore>, window_params = [{transform_indices = #map}, {transform_indices = #map1}, {transform_indices = #map1}]} {
    %mul3A = arith.constant 2 : i32
    %mul3A_0 = arith.muli %arg1, %mul3A : i32
    %add3A = arith.addi %mul3A_0, %arg0 : i32
    %mul3A_1 = arith.constant 64 : i32
    %mul3A_2 = arith.muli %add3A, %mul3A_1 : i32
    %scan3A = arith.constant 0 : i32
    %scan3A_3 = arith.constant 0 : i32
    %scan3A_4 = arith.constant 8 : i32
    %scan3A_5 = arith.addi %scan3A_3, %scan3A_4 : i32
    %scan3A_6 = arith.constant 1 : i32
    scf.for %scan3A_8 = %scan3A_3 to %scan3A_5 step %scan3A_6  : i32 {
      %mul3A_9 = arith.constant 8 : i32
      %mul3A_10 = arith.muli %scan3A_8, %mul3A_9 : i32
      %add3A_11 = arith.addi %mul3A_2, %mul3A_10 : i32
      %mul3A_12 = arith.constant 16 : i32
      %mul3A_13 = arith.muli %add3A_11, %mul3A_12 : i32
      "tpu.region"() ({
        %run_scoped3A = tpu.sem_alloc : memref<!tpu.dma_semaphore, #tpu.memory_space<semaphore_mem>>
        %dma_start3A_18 = tpu.memref_slice %arg2[%mul3A_13] : memref<32768xi32, #tpu.memory_space<hbm>> -> memref<128xi32, #tpu.memory_space<hbm>>
        %dma_start3A_19 = tpu.memref_slice %arg2[%mul3A_13] : memref<32768xi32, #tpu.memory_space<hbm>> -> memref<128xi32, #tpu.memory_space<hbm>>
        tpu.enqueue_dma source(%dma_start3A_19 : memref<128xi32, #tpu.memory_space<hbm>>) target(%arg5 : memref<128xi32, #tpu.memory_space<vmem>>) target_semaphore(%run_scoped3A : memref<!tpu.dma_semaphore, #tpu.memory_space<semaphore_mem>>)
        %dma_wait3A_20 = tpu.memref_slice %arg2[%mul3A_13] : memref<32768xi32, #tpu.memory_space<hbm>> -> memref<128xi32, #tpu.memory_space<hbm>>
        %dma_wait3A_21 = tpu.memref_slice %arg2[%mul3A_13] : memref<32768xi32, #tpu.memory_space<hbm>> -> memref<128xi32, #tpu.memory_space<hbm>>
        tpu.wait_dma2 semaphore(%run_scoped3A : memref<!tpu.dma_semaphore, #tpu.memory_space<semaphore_mem>>) src(%dma_wait3A_21 : memref<128xi32, #tpu.memory_space<hbm>>) dst(%arg5 : memref<128xi32, #tpu.memory_space<vmem>>)
        tpu.yield
      }) : () -> ()
      %dma_start3A = arith.constant 0 : i32
      %dma_start3A_14 = arith.constant 0 : i32
      %dma_start3A_15 = tpu.memref_slice %arg3[%dma_start3A, %dma_start3A_14] : memref<2048x128xf32, #tpu.memory_space<hbm>> -> memref<2048x128xf32, #tpu.memory_space<hbm>>
      tpu.enqueue_indirect_dma source(%dma_start3A_15 : memref<2048x128xf32, #tpu.memory_space<hbm>>) target(%arg6 : memref<128x128xf32, #tpu.memory_space<vmem>>) offsets(%arg5 : memref<128xi32, #tpu.memory_space<vmem>>) semaphore(%arg7 : memref<!tpu.dma_semaphore, #tpu.memory_space<semaphore_mem>>)
      %dma_wait3A = arith.constant 0 : i32
      %dma_wait3A_16 = arith.constant 0 : i32
      %dma_wait3A_17 = tpu.memref_slice %arg3[%dma_wait3A, %dma_wait3A_16] : memref<2048x128xf32, #tpu.memory_space<hbm>> -> memref<2048x128xf32, #tpu.memory_space<hbm>>
      tpu.wait_indirect_dma semaphore(%arg7 : memref<!tpu.dma_semaphore, #tpu.memory_space<semaphore_mem>>) src(%dma_wait3A_17 : memref<2048x128xf32, #tpu.memory_space<hbm>>) dst(%arg6 : memref<128x128xf32, #tpu.memory_space<vmem>>)
      "tpu.region"() ({
        %run_scoped3A = tpu.sem_alloc : memref<!tpu.dma_semaphore, #tpu.memory_space<semaphore_mem>>
        %dma_start3A_18 = arith.constant 0 : i32
        %dma_start3A_19 = tpu.memref_slice %arg4[%mul3A_13, %dma_start3A_18] : memref<32768x128xf32, #tpu.memory_space<hbm>> -> memref<128x128xf32, #tpu.memory_space<hbm>>
        %dma_start3A_20 = arith.constant 0 : i32
        %dma_start3A_21 = tpu.memref_slice %arg4[%mul3A_13, %dma_start3A_20] : memref<32768x128xf32, #tpu.memory_space<hbm>> -> memref<128x128xf32, #tpu.memory_space<hbm>>
        tpu.enqueue_dma source(%arg6 : memref<128x128xf32, #tpu.memory_space<vmem>>) target(%dma_start3A_21 : memref<128x128xf32, #tpu.memory_space<hbm>>) target_semaphore(%run_scoped3A : memref<!tpu.dma_semaphore, #tpu.memory_space<semaphore_mem>>)
        %dma_wait3A_22 = arith.constant 0 : i32
        %dma_wait3A_23 = tpu.memref_slice %arg4[%mul3A_13, %dma_wait3A_22] : memref<32768x128xf32, #tpu.memory_space<hbm>> -> memref<128x128xf32, #tpu.memory_space<hbm>>
        %dma_wait3A_24 = arith.constant 0 : i32
        %dma_wait3A_25 = tpu.memref_slice %arg4[%mul3A_13, %dma_wait3A_24] : memref<32768x128xf32, #tpu.memory_space<hbm>> -> memref<128x128xf32, #tpu.memory_space<hbm>>
        tpu.wait_dma2 semaphore(%run_scoped3A : memref<!tpu.dma_semaphore, #tpu.memory_space<semaphore_mem>>) src(%arg6 : memref<128x128xf32, #tpu.memory_space<vmem>>) dst(%dma_wait3A_25 : memref<128x128xf32, #tpu.memory_space<hbm>>)
        tpu.yield
      }) : () -> ()
    }
    %scan3A_7 = arith.constant 8 : i32
    return
  }
}

#map = affine_map<(d0, d1) -> (0)>
#map1 = affine_map<(d0, d1) -> (0, 0)>
module attributes {stable_mosaic.version = 14 : i64} {
  func.func @_gather1_sc(%arg0: i32, %arg1: i32, %arg2: memref<32768xi32, #tpu.memory_space<hbm>>, %arg3: memref<2048x128xf32, #tpu.memory_space<hbm>>, %arg4: memref<32768x128xf32, #tpu.memory_space<hbm>>, %arg5: memref<128xi32, #tpu.memory_space<vmem>>, %arg6: memref<128x128xf32, #tpu.memory_space<vmem>>, %arg7: memref<!tpu.dma_semaphore, #tpu.memory_space<semaphore_mem>>) attributes {dimension_semantics = [#tpu.dimension_semantics<core_parallel>, #tpu.dimension_semantics<subcore_parallel>], iteration_bounds = array<i64: 2, 16>, scalar_prefetch = 0 : i64, scratch_operands = 3 : i64, tpu.core_type = #tpu.core_type<sc_vector_subcore>, window_params = [{transform_indices = #map}, {transform_indices = #map1}, {transform_indices = #map1}]} {
    %mul3A = arith.constant 2 : i32
    %mul3A_0 = arith.muli %arg1, %mul3A : i32
    %add3A = arith.addi %mul3A_0, %arg0 : i32
    %mul3A_1 = arith.constant 64 : i32
    %mul3A_2 = arith.muli %add3A, %mul3A_1 : i32
    %scan3A = arith.constant 0 : i32
    %scan3A_3 = arith.constant 0 : i32
    %scan3A_4 = arith.constant 8 : i32
    %scan3A_5 = arith.addi %scan3A_3, %scan3A_4 : i32
    %scan3A_6 = arith.constant 1 : i32
    scf.for %scan3A_8 = %scan3A_3 to %scan3A_5 step %scan3A_6  : i32 {
      %mul3A_9 = arith.constant 8 : i32
      %mul3A_10 = arith.muli %scan3A_8, %mul3A_9 : i32
      %add3A_11 = arith.addi %mul3A_2, %mul3A_10 : i32
      %mul3A_12 = arith.constant 16 : i32
      %mul3A_13 = arith.muli %add3A_11, %mul3A_12 : i32
      "tpu.region"() ({
        %run_scoped3A = tpu.sem_alloc : memref<!tpu.dma_semaphore, #tpu.memory_space<semaphore_mem>>
        %dma_start3A_18 = tpu.memref_slice %arg2[%mul3A_13] : memref<32768xi32, #tpu.memory_space<hbm>> -> memref<128xi32, #tpu.memory_space<hbm>>
        %dma_start3A_19 = tpu.memref_slice %arg2[%mul3A_13] : memref<32768xi32, #tpu.memory_space<hbm>> -> memref<128xi32, #tpu.memory_space<hbm>>
        tpu.enqueue_dma source(%dma_start3A_19 : memref<128xi32, #tpu.memory_space<hbm>>) target(%arg5 : memref<128xi32, #tpu.memory_space<vmem>>) target_semaphore(%run_scoped3A : memref<!tpu.dma_semaphore, #tpu.memory_space<semaphore_mem>>)
        %dma_wait3A_20 = tpu.memref_slice %arg2[%mul3A_13] : memref<32768xi32, #tpu.memory_space<hbm>> -> memref<128xi32, #tpu.memory_space<hbm>>
        %dma_wait3A_21 = tpu.memref_slice %arg2[%mul3A_13] : memref<32768xi32, #tpu.memory_space<hbm>> -> memref<128xi32, #tpu.memory_space<hbm>>
        tpu.wait_dma2 semaphore(%run_scoped3A : memref<!tpu.dma_semaphore, #tpu.memory_space<semaphore_mem>>) src(%dma_wait3A_21 : memref<128xi32, #tpu.memory_space<hbm>>) dst(%arg5 : memref<128xi32, #tpu.memory_space<vmem>>)
        tpu.yield
      }) : () -> ()
      %dma_start3A = arith.constant 0 : i32
      %dma_start3A_14 = arith.constant 0 : i32
      %dma_start3A_15 = tpu.memref_slice %arg3[%dma_start3A, %dma_start3A_14] : memref<2048x128xf32, #tpu.memory_space<hbm>> -> memref<2048x128xf32, #tpu.memory_space<hbm>>
      tpu.enqueue_indirect_dma source(%dma_start3A_15 : memref<2048x128xf32, #tpu.memory_space<hbm>>) target(%arg6 : memref<128x128xf32, #tpu.memory_space<vmem>>) offsets(%arg5 : memref<128xi32, #tpu.memory_space<vmem>>) semaphore(%arg7 : memref<!tpu.dma_semaphore, #tpu.memory_space<semaphore_mem>>)
      %dma_wait3A = arith.constant 0 : i32
      %dma_wait3A_16 = arith.constant 0 : i32
      %dma_wait3A_17 = tpu.memref_slice %arg3[%dma_wait3A, %dma_wait3A_16] : memref<2048x128xf32, #tpu.memory_space<hbm>> -> memref<2048x128xf32, #tpu.memory_space<hbm>>
      tpu.wait_indirect_dma semaphore(%arg7 : memref<!tpu.dma_semaphore, #tpu.memory_space<semaphore_mem>>) src(%dma_wait3A_17 : memref<2048x128xf32, #tpu.memory_space<hbm>>) dst(%arg6 : memref<128x128xf32, #tpu.memory_space<vmem>>)
      "tpu.region"() ({
        %run_scoped3A = tpu.sem_alloc : memref<!tpu.dma_semaphore, #tpu.memory_space<semaphore_mem>>
        %dma_start3A_18 = arith.constant 0 : i32
        %dma_start3A_19 = tpu.memref_slice %arg4[%mul3A_13, %dma_start3A_18] : memref<32768x128xf32, #tpu.memory_space<hbm>> -> memref<128x128xf32, #tpu.memory_space<hbm>>
        %dma_start3A_20 = arith.constant 0 : i32
        %dma_start3A_21 = tpu.memref_slice %arg4[%mul3A_13, %dma_start3A_20] : memref<32768x128xf32, #tpu.memory_space<hbm>> -> memref<128x128xf32, #tpu.memory_space<hbm>>
        tpu.enqueue_dma source(%arg6 : memref<128x128xf32, #tpu.memory_space<vmem>>) target(%dma_start3A_21 : memref<128x128xf32, #tpu.memory_space<hbm>>) target_semaphore(%run_scoped3A : memref<!tpu.dma_semaphore, #tpu.memory_space<semaphore_mem>>)
        %dma_wait3A_22 = arith.constant 0 : i32
        %dma_wait3A_23 = tpu.memref_slice %arg4[%mul3A_13, %dma_wait3A_22] : memref<32768x128xf32, #tpu.memory_space<hbm>> -> memref<128x128xf32, #tpu.memory_space<hbm>>
        %dma_wait3A_24 = arith.constant 0 : i32
        %dma_wait3A_25 = tpu.memref_slice %arg4[%mul3A_13, %dma_wait3A_24] : memref<32768x128xf32, #tpu.memory_space<hbm>> -> memref<128x128xf32, #tpu.memory_space<hbm>>
        tpu.wait_dma2 semaphore(%run_scoped3A : memref<!tpu.dma_semaphore, #tpu.memory_space<semaphore_mem>>) src(%arg6 : memref<128x128xf32, #tpu.memory_space<vmem>>) dst(%dma_wait3A_25 : memref<128x128xf32, #tpu.memory_space<hbm>>)
        tpu.yield
      }) : () -> ()
    }
    %scan3A_7 = arith.constant 8 : i32
    return
  }
}

#map = affine_map<(d0, d1) -> (0)>
#map1 = affine_map<(d0, d1) -> (0, 0)>
module attributes {stable_mosaic.version = 14 : i64} {
  func.func @_gather1_sc(%arg0: i32, %arg1: i32, %arg2: memref<32768xi32, #tpu.memory_space<hbm>>, %arg3: memref<2048x128xf32, #tpu.memory_space<hbm>>, %arg4: memref<32768x128xf32, #tpu.memory_space<hbm>>, %arg5: memref<128xi32, #tpu.memory_space<vmem>>, %arg6: memref<128x128xf32, #tpu.memory_space<vmem>>, %arg7: memref<!tpu.dma_semaphore, #tpu.memory_space<semaphore_mem>>) attributes {dimension_semantics = [#tpu.dimension_semantics<core_parallel>, #tpu.dimension_semantics<subcore_parallel>], iteration_bounds = array<i64: 2, 16>, scalar_prefetch = 0 : i64, scratch_operands = 3 : i64, tpu.core_type = #tpu.core_type<sc_vector_subcore>, window_params = [{transform_indices = #map}, {transform_indices = #map1}, {transform_indices = #map1}]} {
    %mul3A = arith.constant 2 : i32
    %mul3A_0 = arith.muli %arg1, %mul3A : i32
    %add3A = arith.addi %mul3A_0, %arg0 : i32
    %mul3A_1 = arith.constant 64 : i32
    %mul3A_2 = arith.muli %add3A, %mul3A_1 : i32
    %scan3A = arith.constant 0 : i32
    %scan3A_3 = arith.constant 0 : i32
    %scan3A_4 = arith.constant 8 : i32
    %scan3A_5 = arith.addi %scan3A_3, %scan3A_4 : i32
    %scan3A_6 = arith.constant 1 : i32
    scf.for %scan3A_8 = %scan3A_3 to %scan3A_5 step %scan3A_6  : i32 {
      %mul3A_9 = arith.constant 8 : i32
      %mul3A_10 = arith.muli %scan3A_8, %mul3A_9 : i32
      %add3A_11 = arith.addi %mul3A_2, %mul3A_10 : i32
      %mul3A_12 = arith.constant 16 : i32
      %mul3A_13 = arith.muli %add3A_11, %mul3A_12 : i32
      "tpu.region"() ({
        %run_scoped3A = tpu.sem_alloc : memref<!tpu.dma_semaphore, #tpu.memory_space<semaphore_mem>>
        %dma_start3A_18 = tpu.memref_slice %arg2[%mul3A_13] : memref<32768xi32, #tpu.memory_space<hbm>> -> memref<128xi32, #tpu.memory_space<hbm>>
        %dma_start3A_19 = tpu.memref_slice %arg2[%mul3A_13] : memref<32768xi32, #tpu.memory_space<hbm>> -> memref<128xi32, #tpu.memory_space<hbm>>
        tpu.enqueue_dma source(%dma_start3A_19 : memref<128xi32, #tpu.memory_space<hbm>>) target(%arg5 : memref<128xi32, #tpu.memory_space<vmem>>) target_semaphore(%run_scoped3A : memref<!tpu.dma_semaphore, #tpu.memory_space<semaphore_mem>>)
        %dma_wait3A_20 = tpu.memref_slice %arg2[%mul3A_13] : memref<32768xi32, #tpu.memory_space<hbm>> -> memref<128xi32, #tpu.memory_space<hbm>>
        %dma_wait3A_21 = tpu.memref_slice %arg2[%mul3A_13] : memref<32768xi32, #tpu.memory_space<hbm>> -> memref<128xi32, #tpu.memory_space<hbm>>
        tpu.wait_dma2 semaphore(%run_scoped3A : memref<!tpu.dma_semaphore, #tpu.memory_space<semaphore_mem>>) src(%dma_wait3A_21 : memref<128xi32, #tpu.memory_space<hbm>>) dst(%arg5 : memref<128xi32, #tpu.memory_space<vmem>>)
        tpu.yield
      }) : () -> ()
      %dma_start3A = arith.constant 0 : i32
      %dma_start3A_14 = arith.constant 0 : i32
      %dma_start3A_15 = tpu.memref_slice %arg3[%dma_start3A, %dma_start3A_14] : memref<2048x128xf32, #tpu.memory_space<hbm>> -> memref<2048x128xf32, #tpu.memory_space<hbm>>
      tpu.enqueue_indirect_dma source(%dma_start3A_15 : memref<2048x128xf32, #tpu.memory_space<hbm>>) target(%arg6 : memref<128x128xf32, #tpu.memory_space<vmem>>) offsets(%arg5 : memref<128xi32, #tpu.memory_space<vmem>>) semaphore(%arg7 : memref<!tpu.dma_semaphore, #tpu.memory_space<semaphore_mem>>)
      %dma_wait3A = arith.constant 0 : i32
      %dma_wait3A_16 = arith.constant 0 : i32
      %dma_wait3A_17 = tpu.memref_slice %arg3[%dma_wait3A, %dma_wait3A_16] : memref<2048x128xf32, #tpu.memory_space<hbm>> -> memref<2048x128xf32, #tpu.memory_space<hbm>>
      tpu.wait_indirect_dma semaphore(%arg7 : memref<!tpu.dma_semaphore, #tpu.memory_space<semaphore_mem>>) src(%dma_wait3A_17 : memref<2048x128xf32, #tpu.memory_space<hbm>>) dst(%arg6 : memref<128x128xf32, #tpu.memory_space<vmem>>)
      "tpu.region"() ({
        %run_scoped3A = tpu.sem_alloc : memref<!tpu.dma_semaphore, #tpu.memory_space<semaphore_mem>>
        %dma_start3A_18 = arith.constant 0 : i32
        %dma_start3A_19 = tpu.memref_slice %arg4[%mul3A_13, %dma_start3A_18] : memref<32768x128xf32, #tpu.memory_space<hbm>> -> memref<128x128xf32, #tpu.memory_space<hbm>>
        %dma_start3A_20 = arith.constant 0 : i32
        %dma_start3A_21 = tpu.memref_slice %arg4[%mul3A_13, %dma_start3A_20] : memref<32768x128xf32, #tpu.memory_space<hbm>> -> memref<128x128xf32, #tpu.memory_space<hbm>>
        tpu.enqueue_dma source(%arg6 : memref<128x128xf32, #tpu.memory_space<vmem>>) target(%dma_start3A_21 : memref<128x128xf32, #tpu.memory_space<hbm>>) target_semaphore(%run_scoped3A : memref<!tpu.dma_semaphore, #tpu.memory_space<semaphore_mem>>)
        %dma_wait3A_22 = arith.constant 0 : i32
        %dma_wait3A_23 = tpu.memref_slice %arg4[%mul3A_13, %dma_wait3A_22] : memref<32768x128xf32, #tpu.memory_space<hbm>> -> memref<128x128xf32, #tpu.memory_space<hbm>>
        %dma_wait3A_24 = arith.constant 0 : i32
        %dma_wait3A_25 = tpu.memref_slice %arg4[%mul3A_13, %dma_wait3A_24] : memref<32768x128xf32, #tpu.memory_space<hbm>> -> memref<128x128xf32, #tpu.memory_space<hbm>>
        tpu.wait_dma2 semaphore(%run_scoped3A : memref<!tpu.dma_semaphore, #tpu.memory_space<semaphore_mem>>) src(%arg6 : memref<128x128xf32, #tpu.memory_space<vmem>>) dst(%dma_wait3A_25 : memref<128x128xf32, #tpu.memory_space<hbm>>)
        tpu.yield
      }) : () -> ()
    }
    %scan3A_7 = arith.constant 8 : i32
    return
  }
}

module attributes {stable_mosaic.version = 14 : i64} {
  func.func @_sq_body(%arg0: i32, %arg1: memref<400x128xf32, #tpu.memory_space<vmem>>, %arg2: memref<400x1xf32, #tpu.memory_space<vmem>>) attributes {dimension_semantics = [#tpu.dimension_semantics<arbitrary>], iteration_bounds = array<i64: 25>, scalar_prefetch = 0 : i64, scratch_operands = 0 : i64, tpu.core_type = #tpu.core_type<tc>, window_params = [{transform_indices = @transform_0, window_bounds = array<i64: 400, 128>}, {transform_indices = @transform_1, window_bounds = array<i64: 400, 1>}]} {
    %get3A = arith.constant 0 : index
    %get3A_0 = arith.constant 0 : index
    %get3A_1 = vector.load %arg1[%get3A, %get3A_0] : memref<400x128xf32, #tpu.memory_space<vmem>>, vector<400x128xf32>
    %mul3A = arith.mulf %get3A_1, %get3A_1 : vector<400x128xf32>
    %reduce_sum3A = arith.constant dense<0.000000e+00> : vector<400xf32>
    %reduce_sum3A_2 = vector.multi_reduction <add>, %mul3A, %reduce_sum3A [1] : vector<400x128xf32> to vector<400xf32>
    %broadcast_in_dim3A = vector.shape_cast %reduce_sum3A_2 : vector<400xf32> to vector<400x1xf32>
    %swap3A = arith.constant 0 : index
    %swap3A_3 = arith.constant 0 : index
    %swap3A_4 = vector.load %arg2[%swap3A, %swap3A_3] : memref<400x1xf32, #tpu.memory_space<vmem>>, vector<400x1xf32>
    tpu.vector_store %arg2[%swap3A, %swap3A_3], %broadcast_in_dim3A {strides = array<i32>} : memref<400x1xf32, #tpu.memory_space<vmem>>, vector<400x1xf32>,
    return
  }
  func.func @transform_0(%arg0: i32) -> (i32, i32) {
    %c0_i32 = arith.constant 0 : i32
    %c0_i32_0 = arith.constant 0 : i32
    return %arg0, %c0_i32 : i32, i32
  }
  func.func @transform_1(%arg0: i32) -> (i32, i32) {
    %c0_i32 = arith.constant 0 : i32
    %c0_i32_0 = arith.constant 0 : i32
    return %arg0, %c0_i32 : i32, i32
  }
}

module attributes {stable_mosaic.version = 14 : i64} {
  func.func @body(%arg0: i32, %arg1: memref<1000x128xf32, #tpu.memory_space<vmem>>, %arg2: memref<2000x128xf32, #tpu.memory_space<vmem>>, %arg3: memref<1x2000xf32, #tpu.memory_space<vmem>>, %arg4: memref<1000x16xi32, #tpu.memory_space<vmem>>, %arg5: memref<1000x16xi32, #tpu.memory_space<vmem>>) attributes {dimension_semantics = [#tpu.dimension_semantics<arbitrary>], iteration_bounds = array<i64: 2>, scalar_prefetch = 0 : i64, scratch_operands = 0 : i64, tpu.core_type = #tpu.core_type<tc>, window_params = [{transform_indices = @transform_0, window_bounds = array<i64: 1000, 128>}, {pipeline_mode = #tpu.pipeline_mode<synchronous>, transform_indices = @transform_1, window_bounds = array<i64: 2000, 128>}, {pipeline_mode = #tpu.pipeline_mode<synchronous>, transform_indices = @transform_2, window_bounds = array<i64: 1, 2000>}, {transform_indices = @transform_3, window_bounds = array<i64: 1000, 16>}, {transform_indices = @transform_4, window_bounds = array<i64: 1000, 16>}]} {
    %get3A = arith.constant 0 : index
    %get3A_0 = arith.constant 0 : index
    %get3A_1 = vector.load %arg1[%get3A, %get3A_0] : memref<1000x128xf32, #tpu.memory_space<vmem>>, vector<1000x128xf32>
    %get3A_2 = arith.constant 0 : index
    %get3A_3 = arith.constant 0 : index
    %get3A_4 = vector.load %arg2[%get3A_2, %get3A_3] : memref<2000x128xf32, #tpu.memory_space<vmem>>, vector<2000x128xf32>
    %get3A_5 = arith.constant 0 : index
    %get3A_6 = arith.constant 0 : index
    %get3A_7 = vector.load %arg3[%get3A_5, %get3A_6] : memref<1x2000xf32, #tpu.memory_space<vmem>>, vector<1x2000xf32>
    %mul3A = arith.mulf %get3A_1, %get3A_1 : vector<1000x128xf32>
    %reduce_sum3A = arith.constant dense<0.000000e+00> : vector<1000xf32>
    %reduce_sum3A_8 = vector.multi_reduction <add>, %mul3A, %reduce_sum3A [1] : vector<1000x128xf32> to vector<1000xf32>
    %broadcast_in_dim3A = vector.shape_cast %reduce_sum3A_8 : vector<1000xf32> to vector<1000x1xf32>
    %add3A = vector.broadcast %broadcast_in_dim3A : vector<1000x1xf32> to vector<1000x2000xf32>
    %add3A_9 = vector.broadcast %get3A_7 : vector<1x2000xf32> to vector<1000x2000xf32>
    %add3A_10 = arith.addf %add3A, %add3A_9 : vector<1000x2000xf32>
    %dot_general3A = arith.constant dense<0.000000e+00> : vector<1000x2000xf32>
    %dot_general3A_11 = tpu.matmul %get3A_1, %get3A_4, %dot_general3A {dimension_numbers = #tpu.dot_dimension_numbers<[1], [1], [0], [0], [0, 0, 1, 0], [], []>, transpose_lhs_hint = false} : vector<1000x128xf32>, vector<2000x128xf32>, vector<1000x2000xf32> -> vector<1000x2000xf32>
    %mul3A_12 = arith.constant 2.000000e+00 : f32
    %mul3A_13 = vector.broadcast %mul3A_12 : f32 to vector<1000x2000xf32>
    %mul3A_14 = arith.mulf %mul3A_13, %dot_general3A_11 : vector<1000x2000xf32>
    %sub3A = arith.subf %add3A_10, %mul3A_14 : vector<1000x2000xf32>
    %iota3A = tpu.iota {dimensions = array<i32: 1>} : vector<1000x2000xi32>
    %iota3A_15 = tpu.iota {dimensions = array<i32: 1>} : vector<1000x16xi32>
    %broadcast_in_dim3A_16 = arith.constant 0 : i32
    %broadcast_in_dim3A_17 = vector.broadcast %broadcast_in_dim3A_16 : i32 to vector<1000x16xi32>
    %scan3A = arith.constant 0 : i32
    %scan3A_18 = arith.constant 32 : i32
    %scan3A_19 = arith.addi %scan3A, %scan3A_18 : i32
    %scan3A_20 = arith.constant 1 : i32
    %scan3A_21:3 = scf.for %scan3A_28 = %scan3A to %scan3A_19 step %scan3A_20 iter_args(%scan3A_29 = %sub3A, %scan3A_30 = %broadcast_in_dim3A_17, %scan3A_31 = %broadcast_in_dim3A_17) -> (vector<1000x2000xf32>, vector<1000x16xi32>, vector<1000x16xi32>)  : i32 {
      %reduce_min3A = arith.constant dense<0x7F800000> : vector<1000xf32>
      %reduce_min3A_32 = vector.multi_reduction <minimumf>, %scan3A_29, %reduce_min3A [1] : vector<1000x2000xf32> to vector<1000xf32>
      %broadcast_in_dim3A_33 = vector.shape_cast %reduce_min3A_32 : vector<1000xf32> to vector<1000x1xf32>
      %eq3A = vector.broadcast %broadcast_in_dim3A_33 : vector<1000x1xf32> to vector<1000x2000xf32>
      %eq3A_34 = arith.cmpf oeq, %scan3A_29, %eq3A : vector<1000x2000xf32>
      %jit3A = arith.constant 2000 : i32
      %broadcast_in_dim3A_35 = vector.broadcast %jit3A : i32 to vector<1000x2000xi32>
      %select_n3A = arith.select %eq3A_34, %iota3A, %broadcast_in_dim3A_35 : vector<1000x2000xi1>, vector<1000x2000xi32>
      %reduce_min3A_36 = arith.constant dense<2147483647> : vector<1000xi32>
      %reduce_min3A_37 = vector.multi_reduction <minsi>, %select_n3A, %reduce_min3A_36 [1] : vector<1000x2000xi32> to vector<1000xi32>
      %broadcast_in_dim3A_38 = vector.shape_cast %reduce_min3A_37 : vector<1000xi32> to vector<1000x1xi32>
      %eq3A_39 = vector.broadcast %broadcast_in_dim3A_38 : vector<1000x1xi32> to vector<1000x2000xi32>
      %eq3A_40 = arith.cmpi eq, %iota3A, %eq3A_39 : vector<1000x2000xi32>
      %jit3A_41 = arith.constant 0x7F800000 : f32
      %broadcast_in_dim3A_42 = vector.broadcast %jit3A_41 : f32 to vector<1000x2000xf32>
      %select_n3A_43 = arith.select %eq3A_40, %broadcast_in_dim3A_42, %scan3A_29 : vector<1000x2000xi1>, vector<1000x2000xf32>
      %sub3A_44 = arith.constant 1 : i32
      %sub3A_45 = arith.subi %scan3A_28, %sub3A_44 : i32
      %eq3A_46 = vector.broadcast %sub3A_45 : i32 to vector<1000x16xi32>
      %eq3A_47 = arith.cmpi eq, %iota3A_15, %eq3A_46 : vector<1000x16xi32>
      %broadcast_in_dim3A_48 = vector.shape_cast %broadcast_in_dim3A_38 : vector<1000x1xi32> to vector<1000x1xi32>
      %broadcast_in_dim3A_49 = vector.broadcast %broadcast_in_dim3A_48 : vector<1000x1xi32> to vector<1000x16xi32>
      %select_n3A_50 = arith.select %eq3A_47, %broadcast_in_dim3A_49, %scan3A_30 : vector<1000x16xi1>, vector<1000x16xi32>
      %jit3A_51 = arith.constant 2 : i32
      %eq3A_52 = arith.constant 0 : i32
      %eq3A_53 = arith.cmpi eq, %jit3A_51, %eq3A_52 : i32
      %jit3A_54 = arith.constant 1 : i32
      %select_n3A_55 = arith.select %eq3A_53, %jit3A_54, %jit3A_51 : i32
      %rem3A = arith.remsi %scan3A_28, %select_n3A_55 : i32
      %ne3A = arith.constant 0 : i32
      %ne3A_56 = arith.cmpi ne, %rem3A, %ne3A : i32
      %lt3A = arith.constant 0 : i32
      %lt3A_57 = arith.cmpi slt, %rem3A, %lt3A : i32
      %lt3A_58 = arith.constant 0 : i32
      %lt3A_59 = arith.cmpi slt, %select_n3A_55, %lt3A_58 : i32
      %ne3A_60 = arith.xori %lt3A_57, %lt3A_59 : i1
      %and3A = arith.andi %ne3A_60, %ne3A_56 : i1
      %add3A_61 = arith.addi %rem3A, %select_n3A_55 : i32
      %select_n3A_62 = arith.select %and3A, %add3A_61, %rem3A : i32
      %eq3A_63 = arith.constant 1 : i32
      %eq3A_64 = arith.cmpi eq, %select_n3A_62, %eq3A_63 : i32
      %sub3A_65 = arith.constant 1 : i32
      %sub3A_66 = arith.subi %scan3A_28, %sub3A_65 : i32
      %jit3A_67 = arith.constant 2 : i32
      %div3A = arith.divsi %sub3A_66, %jit3A_67 : i32
      %sign3A = arith.constant 0 : i32
      %sign3A_68 = arith.cmpi sgt, %sub3A_66, %sign3A : i32
      %sign3A_69 = arith.extui %sign3A_68 : i1 to i32
      %sign3A_70 = arith.constant 0 : i32
      %sign3A_71 = arith.cmpi slt, %sub3A_66, %sign3A_70 : i32
      %sign3A_72 = arith.extui %sign3A_71 : i1 to i32
      %sign3A_73 = arith.subi %sign3A_69, %sign3A_72 : i32
      %sign3A_74 = arith.constant 0 : i32
      %sign3A_75 = arith.cmpi sgt, %jit3A_67, %sign3A_74 : i32
      %sign3A_76 = arith.extui %sign3A_75 : i1 to i32
      %sign3A_77 = arith.constant 0 : i32
      %sign3A_78 = arith.cmpi slt, %jit3A_67, %sign3A_77 : i32
      %sign3A_79 = arith.extui %sign3A_78 : i1 to i32
      %sign3A_80 = arith.subi %sign3A_76, %sign3A_79 : i32
      %ne3A_81 = arith.cmpi ne, %sign3A_73, %sign3A_80 : i32
      %rem3A_82 = arith.remsi %sub3A_66, %jit3A_67 : i32
      %ne3A_83 = arith.constant 0 : i32
      %ne3A_84 = arith.cmpi ne, %rem3A_82, %ne3A_83 : i32
      %and3A_85 = arith.andi %ne3A_81, %ne3A_84 : i1
      %sub3A_86 = arith.constant 1 : i32
      %sub3A_87 = arith.subi %div3A, %sub3A_86 : i32
      %select_n3A_88 = arith.select %and3A_85, %sub3A_87, %div3A : i32
      %eq3A_89 = vector.broadcast %select_n3A_88 : i32 to vector<1000x16xi32>
      %eq3A_90 = arith.cmpi eq, %iota3A_15, %eq3A_89 : vector<1000x16xi32>
      %and3A_91 = vector.broadcast %eq3A_64 : i1 to vector<1000x16xi1>
      %and3A_92 = arith.andi %and3A_91, %eq3A_90 : vector<1000x16xi1>
      %broadcast_in_dim3A_93 = vector.shape_cast %broadcast_in_dim3A_38 : vector<1000x1xi32> to vector<1000x1xi32>
      %broadcast_in_dim3A_94 = vector.broadcast %broadcast_in_dim3A_93 : vector<1000x1xi32> to vector<1000x16xi32>
      %select_n3A_95 = arith.select %and3A_92, %broadcast_in_dim3A_94, %scan3A_31 : vector<1000x16xi1>, vector<1000x16xi32>
      scf.yield %select_n3A_43, %select_n3A_50, %select_n3A_95 : vector<1000x2000xf32>, vector<1000x16xi32>, vector<1000x16xi32>
    }
    %scan3A_22 = arith.constant 32 : i32
    %swap3A = arith.constant 0 : index
    %swap3A_23 = arith.constant 0 : index
    %swap3A_24 = vector.load %arg4[%swap3A, %swap3A_23] : memref<1000x16xi32, #tpu.memory_space<vmem>>, vector<1000x16xi32>
    tpu.vector_store %arg4[%swap3A, %swap3A_23], %scan3A_21#1 {strides = array<i32>} : memref<1000x16xi32, #tpu.memory_space<vmem>>, vector<1000x16xi32>,
    %swap3A_25 = arith.constant 0 : index
    %swap3A_26 = arith.constant 0 : index
    %swap3A_27 = vector.load %arg5[%swap3A_25, %swap3A_26] : memref<1000x16xi32, #tpu.memory_space<vmem>>, vector<1000x16xi32>
    tpu.vector_store %arg5[%swap3A_25, %swap3A_26], %scan3A_21#2 {strides = array<i32>} : memref<1000x16xi32, #tpu.memory_space<vmem>>, vector<1000x16xi32>,
    return
  }
  func.func @transform_0(%arg0: i32) -> (i32, i32) {
    %c0_i32 = arith.constant 0 : i32
    %c0_i32_0 = arith.constant 0 : i32
    return %arg0, %c0_i32 : i32, i32
  }
  func.func @transform_1(%arg0: i32) -> (i32, i32) {
    %c0_i32 = arith.constant 0 : i32
    %c0_i32_0 = arith.constant 0 : i32
    %c0_i32_1 = arith.constant 0 : i32
    return %c0_i32, %c0_i32_0 : i32, i32
  }
  func.func @transform_2(%arg0: i32) -> (i32, i32) {
    %c0_i32 = arith.constant 0 : i32
    %c0_i32_0 = arith.constant 0 : i32
    %c0_i32_1 = arith.constant 0 : i32
    return %c0_i32, %c0_i32_0 : i32, i32
  }
  func.func @transform_3(%arg0: i32) -> (i32, i32) {
    %c0_i32 = arith.constant 0 : i32
    %c0_i32_0 = arith.constant 0 : i32
    return %arg0, %c0_i32 : i32, i32
  }
  func.func @transform_4(%arg0: i32) -> (i32, i32) {
    %c0_i32 = arith.constant 0 : i32
    %c0_i32_0 = arith.constant 0 : i32
    return %arg0, %c0_i32 : i32, i32
  }
}

module attributes {stable_mosaic.version = 14 : i64} {
  func.func @_conv12_body(%arg0: i32, %arg1: memref<400x128xf32, #tpu.memory_space<vmem>>, %arg2: memref<6400x128xf32, #tpu.memory_space<vmem>>, %arg3: memref<6400x128xf32, #tpu.memory_space<vmem>>, %arg4: memref<256x128xf32, #tpu.memory_space<vmem>>, %arg5: memref<1x128xf32, #tpu.memory_space<vmem>>, %arg6: memref<256x128xf32, #tpu.memory_space<vmem>>, %arg7: memref<1x128xf32, #tpu.memory_space<vmem>>, %arg8: memref<128x128xf32, #tpu.memory_space<vmem>>, %arg9: memref<1x128xf32, #tpu.memory_space<vmem>>, %arg10: memref<400x128xf32, #tpu.memory_space<vmem>>, %arg11: memref<400x1xf32, #tpu.memory_space<vmem>>) attributes {dimension_semantics = [#tpu.dimension_semantics<arbitrary>], iteration_bounds = array<i64: 5>, scalar_prefetch = 0 : i64, scratch_operands = 0 : i64, tpu.core_type = #tpu.core_type<tc>, window_params = [{transform_indices = @transform_0, window_bounds = array<i64: 400, 128>}, {transform_indices = @transform_1, window_bounds = array<i64: 6400, 128>}, {transform_indices = @transform_2, window_bounds = array<i64: 6400, 128>}, {pipeline_mode = #tpu.pipeline_mode<synchronous>, transform_indices = @transform_3, window_bounds = array<i64: 256, 128>}, {pipeline_mode = #tpu.pipeline_mode<synchronous>, transform_indices = @transform_4, window_bounds = array<i64: 1, 128>}, {pipeline_mode = #tpu.pipeline_mode<synchronous>, transform_indices = @transform_5, window_bounds = array<i64: 256, 128>}, {pipeline_mode = #tpu.pipeline_mode<synchronous>, transform_indices = @transform_6, window_bounds = array<i64: 1, 128>}, {pipeline_mode = #tpu.pipeline_mode<synchronous>, transform_indices = @transform_7, window_bounds = array<i64: 128, 128>}, {pipeline_mode = #tpu.pipeline_mode<synchronous>, transform_indices = @transform_8, window_bounds = array<i64: 1, 128>}, {transform_indices = @transform_9, window_bounds = array<i64: 400, 128>}, {transform_indices = @transform_10, window_bounds = array<i64: 400, 1>}]} {
    %get3A = arith.constant 0 : index
    %get3A_0 = arith.constant 0 : index
    %get3A_1 = vector.load %arg1[%get3A, %get3A_0] : memref<400x128xf32, #tpu.memory_space<vmem>>, vector<400x128xf32>
    %broadcast_in_dim3A = vector.shape_cast %get3A_1 : vector<400x128xf32> to vector<400x1x128xf32>
    %broadcast_in_dim3A_2 = vector.shape_cast %broadcast_in_dim3A : vector<400x1x128xf32> to vector<400x1x128xf32>
    %broadcast_in_dim3A_3 = vector.broadcast %broadcast_in_dim3A_2 : vector<400x1x128xf32> to vector<400x16x128xf32>
    %reshape3A = vector.shape_cast %broadcast_in_dim3A_3 : vector<400x16x128xf32> to vector<6400x128xf32>
    %convert_element_type3A = arith.truncf %reshape3A : vector<6400x128xf32> to vector<6400x128xbf16>
    %get3A_4 = arith.constant 0 : index
    %get3A_5 = arith.constant 0 : index
    %get3A_6 = vector.load %arg2[%get3A_4, %get3A_5] : memref<6400x128xf32, #tpu.memory_space<vmem>>, vector<6400x128xf32>
    %sub3A = arith.subf %get3A_6, %reshape3A : vector<6400x128xf32>
    %convert_element_type3A_7 = arith.truncf %sub3A : vector<6400x128xf32> to vector<6400x128xbf16>
    %concatenate3A = tpu.concatenate %convert_element_type3A, %convert_element_type3A_7 in 1 : vector<6400x128xbf16>, vector<6400x128xbf16> -> vector<6400x256xbf16>
    %get3A_8 = arith.constant 0 : index
    %get3A_9 = arith.constant 0 : index
    %get3A_10 = vector.load %arg4[%get3A_8, %get3A_9] : memref<256x128xf32, #tpu.memory_space<vmem>>, vector<256x128xf32>
    %dot_general3A = arith.constant dense<0.000000e+00> : vector<6400x128xf32>
    %dot_general3A_11 = tpu.matmul %concatenate3A, %get3A_10, %dot_general3A {dimension_numbers = #tpu.dot_dimension_numbers<[1], [0], [0], [1], [0, 0, 1, 1], [], []>, transpose_lhs_hint = false} : vector<6400x256xbf16>, vector<256x128xf32>, vector<6400x128xf32> -> vector<6400x128xf32>
    %get3A_12 = arith.constant 0 : index
    %get3A_13 = arith.constant 0 : index
    %get3A_14 = vector.load %arg5[%get3A_12, %get3A_13] : memref<1x128xf32, #tpu.memory_space<vmem>>, vector<1x128xf32>
    %add3A = vector.broadcast %get3A_14 : vector<1x128xf32> to vector<6400x128xf32>
    %add3A_15 = arith.addf %dot_general3A_11, %add3A : vector<6400x128xf32>
    %max3A = arith.constant 0.000000e+00 : f32
    %max3A_16 = vector.broadcast %max3A : f32 to vector<6400x128xf32>
    %max3A_17 = arith.maximumf %add3A_15, %max3A_16 : vector<6400x128xf32>
    %reshape3A_18 = vector.shape_cast %max3A_17 : vector<6400x128xf32> to vector<400x16x128xf32>
    %reduce_max3A = arith.constant dense<0xFF800000> : vector<400x128xf32>
    %reduce_max3A_19 = vector.multi_reduction <maximumf>, %reshape3A_18, %reduce_max3A [1] : vector<400x16x128xf32> to vector<400x128xf32>
    %get3A_20 = arith.constant 0 : index
    %get3A_21 = arith.constant 0 : index
    %get3A_22 = vector.load %arg3[%get3A_20, %get3A_21] : memref<6400x128xf32, #tpu.memory_space<vmem>>, vector<6400x128xf32>
    %sub3A_23 = arith.subf %get3A_22, %reshape3A : vector<6400x128xf32>
    %convert_element_type3A_24 = arith.truncf %sub3A_23 : vector<6400x128xf32> to vector<6400x128xbf16>
    %concatenate3A_25 = tpu.concatenate %convert_element_type3A, %convert_element_type3A_24 in 1 : vector<6400x128xbf16>, vector<6400x128xbf16> -> vector<6400x256xbf16>
    %get3A_26 = arith.constant 0 : index
    %get3A_27 = arith.constant 0 : index
    %get3A_28 = vector.load %arg6[%get3A_26, %get3A_27] : memref<256x128xf32, #tpu.memory_space<vmem>>, vector<256x128xf32>
    %dot_general3A_29 = arith.constant dense<0.000000e+00> : vector<6400x128xf32>
    %dot_general3A_30 = tpu.matmul %concatenate3A_25, %get3A_28, %dot_general3A_29 {dimension_numbers = #tpu.dot_dimension_numbers<[1], [0], [0], [1], [0, 0, 1, 1], [], []>, transpose_lhs_hint = false} : vector<6400x256xbf16>, vector<256x128xf32>, vector<6400x128xf32> -> vector<6400x128xf32>
    %get3A_31 = arith.constant 0 : index
    %get3A_32 = arith.constant 0 : index
    %get3A_33 = vector.load %arg7[%get3A_31, %get3A_32] : memref<1x128xf32, #tpu.memory_space<vmem>>, vector<1x128xf32>
    %add3A_34 = vector.broadcast %get3A_33 : vector<1x128xf32> to vector<6400x128xf32>
    %add3A_35 = arith.addf %dot_general3A_30, %add3A_34 : vector<6400x128xf32>
    %max3A_36 = arith.constant 0.000000e+00 : f32
    %max3A_37 = vector.broadcast %max3A_36 : f32 to vector<6400x128xf32>
    %max3A_38 = arith.maximumf %add3A_35, %max3A_37 : vector<6400x128xf32>
    %reshape3A_39 = vector.shape_cast %max3A_38 : vector<6400x128xf32> to vector<400x16x128xf32>
    %reduce_max3A_40 = arith.constant dense<0xFF800000> : vector<400x128xf32>
    %reduce_max3A_41 = vector.multi_reduction <maximumf>, %reshape3A_39, %reduce_max3A_40 [1] : vector<400x16x128xf32> to vector<400x128xf32>
    %add3A_42 = arith.addf %reduce_max3A_19, %reduce_max3A_41 : vector<400x128xf32>
    %get3A_43 = arith.constant 0 : index
    %get3A_44 = arith.constant 0 : index
    %get3A_45 = vector.load %arg8[%get3A_43, %get3A_44] : memref<128x128xf32, #tpu.memory_space<vmem>>, vector<128x128xf32>
    %dot_general3A_46 = arith.constant dense<0.000000e+00> : vector<400x128xf32>
    %dot_general3A_47 = tpu.matmul %add3A_42, %get3A_45, %dot_general3A_46 {dimension_numbers = #tpu.dot_dimension_numbers<[1], [0], [0], [1], [0, 0, 1, 1], [], []>, transpose_lhs_hint = false} : vector<400x128xf32>, vector<128x128xf32>, vector<400x128xf32> -> vector<400x128xf32>
    %get3A_48 = arith.constant 0 : index
    %get3A_49 = arith.constant 0 : index
    %get3A_50 = vector.load %arg9[%get3A_48, %get3A_49] : memref<1x128xf32, #tpu.memory_space<vmem>>, vector<1x128xf32>
    %add3A_51 = vector.broadcast %get3A_50 : vector<1x128xf32> to vector<400x128xf32>
    %add3A_52 = arith.addf %dot_general3A_47, %add3A_51 : vector<400x128xf32>
    %max3A_53 = arith.constant 0.000000e+00 : f32
    %max3A_54 = vector.broadcast %max3A_53 : f32 to vector<400x128xf32>
    %max3A_55 = arith.maximumf %add3A_52, %max3A_54 : vector<400x128xf32>
    %add3A_56 = arith.addf %max3A_55, %get3A_1 : vector<400x128xf32>
    %swap3A = arith.constant 0 : index
    %swap3A_57 = arith.constant 0 : index
    %swap3A_58 = vector.load %arg10[%swap3A, %swap3A_57] : memref<400x128xf32, #tpu.memory_space<vmem>>, vector<400x128xf32>
    tpu.vector_store %arg10[%swap3A, %swap3A_57], %add3A_56 {strides = array<i32>} : memref<400x128xf32, #tpu.memory_space<vmem>>, vector<400x128xf32>,
    %mul3A = arith.mulf %add3A_56, %add3A_56 : vector<400x128xf32>
    %reduce_sum3A = arith.constant dense<0.000000e+00> : vector<400xf32>
    %reduce_sum3A_59 = vector.multi_reduction <add>, %mul3A, %reduce_sum3A [1] : vector<400x128xf32> to vector<400xf32>
    %broadcast_in_dim3A_60 = vector.shape_cast %reduce_sum3A_59 : vector<400xf32> to vector<400x1xf32>
    %swap3A_61 = arith.constant 0 : index
    %swap3A_62 = arith.constant 0 : index
    %swap3A_63 = vector.load %arg11[%swap3A_61, %swap3A_62] : memref<400x1xf32, #tpu.memory_space<vmem>>, vector<400x1xf32>
    tpu.vector_store %arg11[%swap3A_61, %swap3A_62], %broadcast_in_dim3A_60 {strides = array<i32>} : memref<400x1xf32, #tpu.memory_space<vmem>>, vector<400x1xf32>,
    return
  }
  func.func @transform_0(%arg0: i32) -> (i32, i32) {
    %c0_i32 = arith.constant 0 : i32
    %c0_i32_0 = arith.constant 0 : i32
    return %arg0, %c0_i32 : i32, i32
  }
  func.func @transform_1(%arg0: i32) -> (i32, i32) {
    %c0_i32 = arith.constant 0 : i32
    %c0_i32_0 = arith.constant 0 : i32
    return %arg0, %c0_i32 : i32, i32
  }
  func.func @transform_2(%arg0: i32) -> (i32, i32) {
    %c0_i32 = arith.constant 0 : i32
    %c0_i32_0 = arith.constant 0 : i32
    return %arg0, %c0_i32 : i32, i32
  }
  func.func @transform_3(%arg0: i32) -> (i32, i32) {
    %c0_i32 = arith.constant 0 : i32
    %c0_i32_0 = arith.constant 0 : i32
    %c0_i32_1 = arith.constant 0 : i32
    return %c0_i32, %c0_i32_0 : i32, i32
  }
  func.func @transform_4(%arg0: i32) -> (i32, i32) {
    %c0_i32 = arith.constant 0 : i32
    %c0_i32_0 = arith.constant 0 : i32
    %c0_i32_1 = arith.constant 0 : i32
    return %c0_i32, %c0_i32_0 : i32, i32
  }
  func.func @transform_5(%arg0: i32) -> (i32, i32) {
    %c0_i32 = arith.constant 0 : i32
    %c0_i32_0 = arith.constant 0 : i32
    %c0_i32_1 = arith.constant 0 : i32
    return %c0_i32, %c0_i32_0 : i32, i32
  }
  func.func @transform_6(%arg0: i32) -> (i32, i32) {
    %c0_i32 = arith.constant 0 : i32
    %c0_i32_0 = arith.constant 0 : i32
    %c0_i32_1 = arith.constant 0 : i32
    return %c0_i32, %c0_i32_0 : i32, i32
  }
  func.func @transform_7(%arg0: i32) -> (i32, i32) {
    %c0_i32 = arith.constant 0 : i32
    %c0_i32_0 = arith.constant 0 : i32
    %c0_i32_1 = arith.constant 0 : i32
    return %c0_i32, %c0_i32_0 : i32, i32
  }
  func.func @transform_8(%arg0: i32) -> (i32, i32) {
    %c0_i32 = arith.constant 0 : i32
    %c0_i32_0 = arith.constant 0 : i32
    %c0_i32_1 = arith.constant 0 : i32
    return %c0_i32, %c0_i32_0 : i32, i32
  }
  func.func @transform_9(%arg0: i32) -> (i32, i32) {
    %c0_i32 = arith.constant 0 : i32
    %c0_i32_0 = arith.constant 0 : i32
    return %arg0, %c0_i32 : i32, i32
  }
  func.func @transform_10(%arg0: i32) -> (i32, i32) {
    %c0_i32 = arith.constant 0 : i32
    %c0_i32_0 = arith.constant 0 : i32
    return %arg0, %c0_i32 : i32, i32
  }
}

module attributes {stable_mosaic.version = 14 : i64} {
  func.func @body(%arg0: i32, %arg1: memref<1000x128xf32, #tpu.memory_space<vmem>>, %arg2: memref<2000x128xf32, #tpu.memory_space<vmem>>, %arg3: memref<1x2000xf32, #tpu.memory_space<vmem>>, %arg4: memref<1000x16xi32, #tpu.memory_space<vmem>>) attributes {dimension_semantics = [#tpu.dimension_semantics<arbitrary>], iteration_bounds = array<i64: 2>, scalar_prefetch = 0 : i64, scratch_operands = 0 : i64, tpu.core_type = #tpu.core_type<tc>, window_params = [{transform_indices = @transform_0, window_bounds = array<i64: 1000, 128>}, {pipeline_mode = #tpu.pipeline_mode<synchronous>, transform_indices = @transform_1, window_bounds = array<i64: 2000, 128>}, {pipeline_mode = #tpu.pipeline_mode<synchronous>, transform_indices = @transform_2, window_bounds = array<i64: 1, 2000>}, {transform_indices = @transform_3, window_bounds = array<i64: 1000, 16>}]} {
    %get3A = arith.constant 0 : index
    %get3A_0 = arith.constant 0 : index
    %get3A_1 = vector.load %arg1[%get3A, %get3A_0] : memref<1000x128xf32, #tpu.memory_space<vmem>>, vector<1000x128xf32>
    %get3A_2 = arith.constant 0 : index
    %get3A_3 = arith.constant 0 : index
    %get3A_4 = vector.load %arg2[%get3A_2, %get3A_3] : memref<2000x128xf32, #tpu.memory_space<vmem>>, vector<2000x128xf32>
    %get3A_5 = arith.constant 0 : index
    %get3A_6 = arith.constant 0 : index
    %get3A_7 = vector.load %arg3[%get3A_5, %get3A_6] : memref<1x2000xf32, #tpu.memory_space<vmem>>, vector<1x2000xf32>
    %mul3A = arith.mulf %get3A_1, %get3A_1 : vector<1000x128xf32>
    %reduce_sum3A = arith.constant dense<0.000000e+00> : vector<1000xf32>
    %reduce_sum3A_8 = vector.multi_reduction <add>, %mul3A, %reduce_sum3A [1] : vector<1000x128xf32> to vector<1000xf32>
    %broadcast_in_dim3A = vector.shape_cast %reduce_sum3A_8 : vector<1000xf32> to vector<1000x1xf32>
    %add3A = vector.broadcast %broadcast_in_dim3A : vector<1000x1xf32> to vector<1000x2000xf32>
    %add3A_9 = vector.broadcast %get3A_7 : vector<1x2000xf32> to vector<1000x2000xf32>
    %add3A_10 = arith.addf %add3A, %add3A_9 : vector<1000x2000xf32>
    %dot_general3A = arith.constant dense<0.000000e+00> : vector<1000x2000xf32>
    %dot_general3A_11 = tpu.matmul %get3A_1, %get3A_4, %dot_general3A {dimension_numbers = #tpu.dot_dimension_numbers<[1], [1], [0], [0], [0, 0, 1, 0], [], []>, transpose_lhs_hint = false} : vector<1000x128xf32>, vector<2000x128xf32>, vector<1000x2000xf32> -> vector<1000x2000xf32>
    %mul3A_12 = arith.constant 2.000000e+00 : f32
    %mul3A_13 = vector.broadcast %mul3A_12 : f32 to vector<1000x2000xf32>
    %mul3A_14 = arith.mulf %mul3A_13, %dot_general3A_11 : vector<1000x2000xf32>
    %sub3A = arith.subf %add3A_10, %mul3A_14 : vector<1000x2000xf32>
    %iota3A = tpu.iota {dimensions = array<i32: 1>} : vector<1000x2000xi32>
    %iota3A_15 = tpu.iota {dimensions = array<i32: 1>} : vector<1000x16xi32>
    %broadcast_in_dim3A_16 = arith.constant 0 : i32
    %broadcast_in_dim3A_17 = vector.broadcast %broadcast_in_dim3A_16 : i32 to vector<1000x16xi32>
    %scan3A = arith.constant 0 : i32
    %scan3A_18 = arith.constant 17 : i32
    %scan3A_19 = arith.addi %scan3A, %scan3A_18 : i32
    %scan3A_20 = arith.constant 1 : i32
    %scan3A_21:2 = scf.for %scan3A_25 = %scan3A to %scan3A_19 step %scan3A_20 iter_args(%scan3A_26 = %sub3A, %scan3A_27 = %broadcast_in_dim3A_17) -> (vector<1000x2000xf32>, vector<1000x16xi32>)  : i32 {
      %reduce_min3A = arith.constant dense<0x7F800000> : vector<1000xf32>
      %reduce_min3A_28 = vector.multi_reduction <minimumf>, %scan3A_26, %reduce_min3A [1] : vector<1000x2000xf32> to vector<1000xf32>
      %broadcast_in_dim3A_29 = vector.shape_cast %reduce_min3A_28 : vector<1000xf32> to vector<1000x1xf32>
      %eq3A = vector.broadcast %broadcast_in_dim3A_29 : vector<1000x1xf32> to vector<1000x2000xf32>
      %eq3A_30 = arith.cmpf oeq, %scan3A_26, %eq3A : vector<1000x2000xf32>
      %jit3A = arith.constant 2000 : i32
      %broadcast_in_dim3A_31 = vector.broadcast %jit3A : i32 to vector<1000x2000xi32>
      %select_n3A = arith.select %eq3A_30, %iota3A, %broadcast_in_dim3A_31 : vector<1000x2000xi1>, vector<1000x2000xi32>
      %reduce_min3A_32 = arith.constant dense<2147483647> : vector<1000xi32>
      %reduce_min3A_33 = vector.multi_reduction <minsi>, %select_n3A, %reduce_min3A_32 [1] : vector<1000x2000xi32> to vector<1000xi32>
      %broadcast_in_dim3A_34 = vector.shape_cast %reduce_min3A_33 : vector<1000xi32> to vector<1000x1xi32>
      %eq3A_35 = vector.broadcast %broadcast_in_dim3A_34 : vector<1000x1xi32> to vector<1000x2000xi32>
      %eq3A_36 = arith.cmpi eq, %iota3A, %eq3A_35 : vector<1000x2000xi32>
      %jit3A_37 = arith.constant 0x7F800000 : f32
      %broadcast_in_dim3A_38 = vector.broadcast %jit3A_37 : f32 to vector<1000x2000xf32>
      %select_n3A_39 = arith.select %eq3A_36, %broadcast_in_dim3A_38, %scan3A_26 : vector<1000x2000xi1>, vector<1000x2000xf32>
      %sub3A_40 = arith.constant 1 : i32
      %sub3A_41 = arith.subi %scan3A_25, %sub3A_40 : i32
      %eq3A_42 = vector.broadcast %sub3A_41 : i32 to vector<1000x16xi32>
      %eq3A_43 = arith.cmpi eq, %iota3A_15, %eq3A_42 : vector<1000x16xi32>
      %broadcast_in_dim3A_44 = vector.shape_cast %broadcast_in_dim3A_34 : vector<1000x1xi32> to vector<1000x1xi32>
      %broadcast_in_dim3A_45 = vector.broadcast %broadcast_in_dim3A_44 : vector<1000x1xi32> to vector<1000x16xi32>
      %select_n3A_46 = arith.select %eq3A_43, %broadcast_in_dim3A_45, %scan3A_27 : vector<1000x16xi1>, vector<1000x16xi32>
      scf.yield %select_n3A_39, %select_n3A_46 : vector<1000x2000xf32>, vector<1000x16xi32>
    }
    %scan3A_22 = arith.constant 17 : i32
    %swap3A = arith.constant 0 : index
    %swap3A_23 = arith.constant 0 : index
    %swap3A_24 = vector.load %arg4[%swap3A, %swap3A_23] : memref<1000x16xi32, #tpu.memory_space<vmem>>, vector<1000x16xi32>
    tpu.vector_store %arg4[%swap3A, %swap3A_23], %scan3A_21#1 {strides = array<i32>} : memref<1000x16xi32, #tpu.memory_space<vmem>>, vector<1000x16xi32>,
    return
  }
  func.func @transform_0(%arg0: i32) -> (i32, i32) {
    %c0_i32 = arith.constant 0 : i32
    %c0_i32_0 = arith.constant 0 : i32
    return %arg0, %c0_i32 : i32, i32
  }
  func.func @transform_1(%arg0: i32) -> (i32, i32) {
    %c0_i32 = arith.constant 0 : i32
    %c0_i32_0 = arith.constant 0 : i32
    %c0_i32_1 = arith.constant 0 : i32
    return %c0_i32, %c0_i32_0 : i32, i32
  }
  func.func @transform_2(%arg0: i32) -> (i32, i32) {
    %c0_i32 = arith.constant 0 : i32
    %c0_i32_0 = arith.constant 0 : i32
    %c0_i32_1 = arith.constant 0 : i32
    return %c0_i32, %c0_i32_0 : i32, i32
  }
  func.func @transform_3(%arg0: i32) -> (i32, i32) {
    %c0_i32 = arith.constant 0 : i32
    %c0_i32_0 = arith.constant 0 : i32
    return %arg0, %c0_i32 : i32, i32
  }
}

module attributes {stable_mosaic.version = 14 : i64} {
  func.func @_tail_body(%arg0: i32, %arg1: memref<400x128xf32, #tpu.memory_space<vmem>>, %arg2: memref<6400x128xf32, #tpu.memory_space<vmem>>, %arg3: memref<256x512xf32, #tpu.memory_space<vmem>>, %arg4: memref<1x512xf32, #tpu.memory_space<vmem>>, %arg5: memref<128x128xf32, #tpu.memory_space<vmem>>, %arg6: memref<1x128xf32, #tpu.memory_space<vmem>>, %arg7: memref<128x3xf32, #tpu.memory_space<vmem>>, %arg8: memref<1x3xf32, #tpu.memory_space<vmem>>, %arg9: memref<4x400x3xf32, #tpu.memory_space<vmem>>) attributes {dimension_semantics = [#tpu.dimension_semantics<arbitrary>], iteration_bounds = array<i64: 5>, scalar_prefetch = 0 : i64, scratch_operands = 0 : i64, tpu.core_type = #tpu.core_type<tc>, window_params = [{transform_indices = @transform_0, window_bounds = array<i64: 400, 128>}, {transform_indices = @transform_1, window_bounds = array<i64: 6400, 128>}, {pipeline_mode = #tpu.pipeline_mode<synchronous>, transform_indices = @transform_2, window_bounds = array<i64: 256, 512>}, {pipeline_mode = #tpu.pipeline_mode<synchronous>, transform_indices = @transform_3, window_bounds = array<i64: 1, 512>}, {pipeline_mode = #tpu.pipeline_mode<synchronous>, transform_indices = @transform_4, window_bounds = array<i64: 128, 128>}, {pipeline_mode = #tpu.pipeline_mode<synchronous>, transform_indices = @transform_5, window_bounds = array<i64: 1, 128>}, {pipeline_mode = #tpu.pipeline_mode<synchronous>, transform_indices = @transform_6, window_bounds = array<i64: 128, 3>}, {pipeline_mode = #tpu.pipeline_mode<synchronous>, transform_indices = @transform_7, window_bounds = array<i64: 1, 3>}, {transform_indices = @transform_8, window_bounds = array<i64: 4, 400, 3>}]} {
    %get3A = arith.constant 0 : index
    %get3A_0 = arith.constant 0 : index
    %get3A_1 = vector.load %arg1[%get3A, %get3A_0] : memref<400x128xf32, #tpu.memory_space<vmem>>, vector<400x128xf32>
    %broadcast_in_dim3A = vector.shape_cast %get3A_1 : vector<400x128xf32> to vector<400x1x128xf32>
    %broadcast_in_dim3A_2 = vector.shape_cast %broadcast_in_dim3A : vector<400x1x128xf32> to vector<400x1x128xf32>
    %broadcast_in_dim3A_3 = vector.broadcast %broadcast_in_dim3A_2 : vector<400x1x128xf32> to vector<400x16x128xf32>
    %reshape3A = vector.shape_cast %broadcast_in_dim3A_3 : vector<400x16x128xf32> to vector<6400x128xf32>
    %get3A_4 = arith.constant 0 : index
    %get3A_5 = arith.constant 0 : index
    %get3A_6 = vector.load %arg2[%get3A_4, %get3A_5] : memref<6400x128xf32, #tpu.memory_space<vmem>>, vector<6400x128xf32>
    %sub3A = arith.subf %get3A_6, %reshape3A : vector<6400x128xf32>
    %convert_element_type3A = arith.truncf %sub3A : vector<6400x128xf32> to vector<6400x128xbf16>
    %convert_element_type3A_7 = arith.truncf %reshape3A : vector<6400x128xf32> to vector<6400x128xbf16>
    %concatenate3A = tpu.concatenate %convert_element_type3A_7, %convert_element_type3A in 1 : vector<6400x128xbf16>, vector<6400x128xbf16> -> vector<6400x256xbf16>
    %get3A_8 = arith.constant 0 : index
    %get3A_9 = arith.constant 0 : index
    %get3A_10 = vector.load %arg3[%get3A_8, %get3A_9] : memref<256x512xf32, #tpu.memory_space<vmem>>, vector<256x512xf32>
    %dot_general3A = arith.constant dense<0.000000e+00> : vector<6400x512xf32>
    %dot_general3A_11 = tpu.matmul %concatenate3A, %get3A_10, %dot_general3A {dimension_numbers = #tpu.dot_dimension_numbers<[1], [0], [0], [1], [0, 0, 1, 1], [], []>, transpose_lhs_hint = false} : vector<6400x256xbf16>, vector<256x512xf32>, vector<6400x512xf32> -> vector<6400x512xf32>
    %get3A_12 = arith.constant 0 : index
    %get3A_13 = arith.constant 0 : index
    %get3A_14 = vector.load %arg4[%get3A_12, %get3A_13] : memref<1x512xf32, #tpu.memory_space<vmem>>, vector<1x512xf32>
    %add3A = vector.broadcast %get3A_14 : vector<1x512xf32> to vector<6400x512xf32>
    %add3A_15 = arith.addf %dot_general3A_11, %add3A : vector<6400x512xf32>
    %max3A = arith.constant 0.000000e+00 : f32
    %max3A_16 = vector.broadcast %max3A : f32 to vector<6400x512xf32>
    %max3A_17 = arith.maximumf %add3A_15, %max3A_16 : vector<6400x512xf32>
    %reshape3A_18 = vector.shape_cast %max3A_17 : vector<6400x512xf32> to vector<400x16x512xf32>
    %reduce_max3A = arith.constant dense<0xFF800000> : vector<400x512xf32>
    %reduce_max3A_19 = vector.multi_reduction <maximumf>, %reshape3A_18, %reduce_max3A [1] : vector<400x16x512xf32> to vector<400x512xf32>
    %convert_element_type3A_20 = arith.truncf %reduce_max3A_19 : vector<400x512xf32> to vector<400x512xbf16>
    %slice3A = vector.extract_strided_slice %convert_element_type3A_20 {offsets = [0, 0], sizes = [400, 128], strides = [1, 1]} : vector<400x512xbf16> to vector<400x128xbf16>
    %get3A_21 = arith.constant 0 : index
    %get3A_22 = arith.constant 0 : index
    %get3A_23 = vector.load %arg5[%get3A_21, %get3A_22] : memref<128x128xf32, #tpu.memory_space<vmem>>, vector<128x128xf32>
    %dot_general3A_24 = arith.constant dense<0.000000e+00> : vector<400x128xf32>
    %dot_general3A_25 = tpu.matmul %slice3A, %get3A_23, %dot_general3A_24 {dimension_numbers = #tpu.dot_dimension_numbers<[1], [0], [0], [1], [0, 0, 1, 1], [], []>, transpose_lhs_hint = false} : vector<400x128xbf16>, vector<128x128xf32>, vector<400x128xf32> -> vector<400x128xf32>
    %get3A_26 = arith.constant 0 : index
    %get3A_27 = arith.constant 0 : index
    %get3A_28 = vector.load %arg6[%get3A_26, %get3A_27] : memref<1x128xf32, #tpu.memory_space<vmem>>, vector<1x128xf32>
    %add3A_29 = vector.broadcast %get3A_28 : vector<1x128xf32> to vector<400x128xf32>
    %add3A_30 = arith.addf %dot_general3A_25, %add3A_29 : vector<400x128xf32>
    %max3A_31 = arith.constant 0.000000e+00 : f32
    %max3A_32 = vector.broadcast %max3A_31 : f32 to vector<400x128xf32>
    %max3A_33 = arith.maximumf %add3A_30, %max3A_32 : vector<400x128xf32>
    %convert_element_type3A_34 = arith.truncf %max3A_33 : vector<400x128xf32> to vector<400x128xbf16>
    %get3A_35 = arith.constant 0 : index
    %get3A_36 = arith.constant 0 : index
    %get3A_37 = vector.load %arg7[%get3A_35, %get3A_36] : memref<128x3xf32, #tpu.memory_space<vmem>>, vector<128x3xf32>
    %dot_general3A_38 = arith.constant dense<0.000000e+00> : vector<400x3xf32>
    %dot_general3A_39 = tpu.matmul %convert_element_type3A_34, %get3A_37, %dot_general3A_38 {dimension_numbers = #tpu.dot_dimension_numbers<[1], [0], [0], [1], [0, 0, 1, 1], [], []>, transpose_lhs_hint = false} : vector<400x128xbf16>, vector<128x3xf32>, vector<400x3xf32> -> vector<400x3xf32>
    %get3A_40 = arith.constant 0 : index
    %get3A_41 = arith.constant 0 : index
    %get3A_42 = vector.load %arg8[%get3A_40, %get3A_41] : memref<1x3xf32, #tpu.memory_space<vmem>>, vector<1x3xf32>
    %add3A_43 = vector.broadcast %get3A_42 : vector<1x3xf32> to vector<400x3xf32>
    %add3A_44 = arith.addf %dot_general3A_39, %add3A_43 : vector<400x3xf32>
    %swap3A = arith.constant 0 : index
    %swap3A_45 = arith.constant 0 : index
    %swap3A_46 = arith.constant 0 : index
    %swap3A_47 = vector.load %arg9[%swap3A, %swap3A_45, %swap3A_46] : memref<4x400x3xf32, #tpu.memory_space<vmem>>, vector<1x400x3xf32>
    %swap3A_48 = vector.shape_cast %swap3A_47 : vector<1x400x3xf32> to vector<400x3xf32>
    %swap3A_49 = vector.shape_cast %add3A_44 : vector<400x3xf32> to vector<1x400x3xf32>
    tpu.vector_store %arg9[%swap3A, %swap3A_45, %swap3A_46], %swap3A_49 {strides = array<i32>} : memref<4x400x3xf32, #tpu.memory_space<vmem>>, vector<1x400x3xf32>,
    %slice3A_50 = vector.extract_strided_slice %convert_element_type3A_20 {offsets = [0, 128], sizes = [400, 128], strides = [1, 1]} : vector<400x512xbf16> to vector<400x128xbf16>
    %get3A_51 = arith.constant 0 : index
    %get3A_52 = arith.constant 0 : index
    %get3A_53 = vector.load %arg5[%get3A_51, %get3A_52] : memref<128x128xf32, #tpu.memory_space<vmem>>, vector<128x128xf32>
    %dot_general3A_54 = arith.constant dense<0.000000e+00> : vector<400x128xf32>
    %dot_general3A_55 = tpu.matmul %slice3A_50, %get3A_53, %dot_general3A_54 {dimension_numbers = #tpu.dot_dimension_numbers<[1], [0], [0], [1], [0, 0, 1, 1], [], []>, transpose_lhs_hint = false} : vector<400x128xbf16>, vector<128x128xf32>, vector<400x128xf32> -> vector<400x128xf32>
    %get3A_56 = arith.constant 0 : index
    %get3A_57 = arith.constant 0 : index
    %get3A_58 = vector.load %arg6[%get3A_56, %get3A_57] : memref<1x128xf32, #tpu.memory_space<vmem>>, vector<1x128xf32>
    %add3A_59 = vector.broadcast %get3A_58 : vector<1x128xf32> to vector<400x128xf32>
    %add3A_60 = arith.addf %dot_general3A_55, %add3A_59 : vector<400x128xf32>
    %max3A_61 = arith.constant 0.000000e+00 : f32
    %max3A_62 = vector.broadcast %max3A_61 : f32 to vector<400x128xf32>
    %max3A_63 = arith.maximumf %add3A_60, %max3A_62 : vector<400x128xf32>
    %convert_element_type3A_64 = arith.truncf %max3A_63 : vector<400x128xf32> to vector<400x128xbf16>
    %get3A_65 = arith.constant 0 : index
    %get3A_66 = arith.constant 0 : index
    %get3A_67 = vector.load %arg7[%get3A_65, %get3A_66] : memref<128x3xf32, #tpu.memory_space<vmem>>, vector<128x3xf32>
    %dot_general3A_68 = arith.constant dense<0.000000e+00> : vector<400x3xf32>
    %dot_general3A_69 = tpu.matmul %convert_element_type3A_64, %get3A_67, %dot_general3A_68 {dimension_numbers = #tpu.dot_dimension_numbers<[1], [0], [0], [1], [0, 0, 1, 1], [], []>, transpose_lhs_hint = false} : vector<400x128xbf16>, vector<128x3xf32>, vector<400x3xf32> -> vector<400x3xf32>
    %get3A_70 = arith.constant 0 : index
    %get3A_71 = arith.constant 0 : index
    %get3A_72 = vector.load %arg8[%get3A_70, %get3A_71] : memref<1x3xf32, #tpu.memory_space<vmem>>, vector<1x3xf32>
    %add3A_73 = vector.broadcast %get3A_72 : vector<1x3xf32> to vector<400x3xf32>
    %add3A_74 = arith.addf %dot_general3A_69, %add3A_73 : vector<400x3xf32>
    %swap3A_75 = arith.constant 1 : index
    %swap3A_76 = arith.constant 0 : index
    %swap3A_77 = arith.constant 0 : index
    %swap3A_78 = vector.load %arg9[%swap3A_75, %swap3A_76, %swap3A_77] : memref<4x400x3xf32, #tpu.memory_space<vmem>>, vector<1x400x3xf32>
    %swap3A_79 = vector.shape_cast %swap3A_78 : vector<1x400x3xf32> to vector<400x3xf32>
    %swap3A_80 = vector.shape_cast %add3A_74 : vector<400x3xf32> to vector<1x400x3xf32>
    tpu.vector_store %arg9[%swap3A_75, %swap3A_76, %swap3A_77], %swap3A_80 {strides = array<i32>} : memref<4x400x3xf32, #tpu.memory_space<vmem>>, vector<1x400x3xf32>,
    %slice3A_81 = vector.extract_strided_slice %convert_element_type3A_20 {offsets = [0, 256], sizes = [400, 128], strides = [1, 1]} : vector<400x512xbf16> to vector<400x128xbf16>
    %get3A_82 = arith.constant 0 : index
    %get3A_83 = arith.constant 0 : index
    %get3A_84 = vector.load %arg5[%get3A_82, %get3A_83] : memref<128x128xf32, #tpu.memory_space<vmem>>, vector<128x128xf32>
    %dot_general3A_85 = arith.constant dense<0.000000e+00> : vector<400x128xf32>
    %dot_general3A_86 = tpu.matmul %slice3A_81, %get3A_84, %dot_general3A_85 {dimension_numbers = #tpu.dot_dimension_numbers<[1], [0], [0], [1], [0, 0, 1, 1], [], []>, transpose_lhs_hint = false} : vector<400x128xbf16>, vector<128x128xf32>, vector<400x128xf32> -> vector<400x128xf32>
    %get3A_87 = arith.constant 0 : index
    %get3A_88 = arith.constant 0 : index
    %get3A_89 = vector.load %arg6[%get3A_87, %get3A_88] : memref<1x128xf32, #tpu.memory_space<vmem>>, vector<1x128xf32>
    %add3A_90 = vector.broadcast %get3A_89 : vector<1x128xf32> to vector<400x128xf32>
    %add3A_91 = arith.addf %dot_general3A_86, %add3A_90 : vector<400x128xf32>
    %max3A_92 = arith.constant 0.000000e+00 : f32
    %max3A_93 = vector.broadcast %max3A_92 : f32 to vector<400x128xf32>
    %max3A_94 = arith.maximumf %add3A_91, %max3A_93 : vector<400x128xf32>
    %convert_element_type3A_95 = arith.truncf %max3A_94 : vector<400x128xf32> to vector<400x128xbf16>
    %get3A_96 = arith.constant 0 : index
    %get3A_97 = arith.constant 0 : index
    %get3A_98 = vector.load %arg7[%get3A_96, %get3A_97] : memref<128x3xf32, #tpu.memory_space<vmem>>, vector<128x3xf32>
    %dot_general3A_99 = arith.constant dense<0.000000e+00> : vector<400x3xf32>
    %dot_general3A_100 = tpu.matmul %convert_element_type3A_95, %get3A_98, %dot_general3A_99 {dimension_numbers = #tpu.dot_dimension_numbers<[1], [0], [0], [1], [0, 0, 1, 1], [], []>, transpose_lhs_hint = false} : vector<400x128xbf16>, vector<128x3xf32>, vector<400x3xf32> -> vector<400x3xf32>
    %get3A_101 = arith.constant 0 : index
    %get3A_102 = arith.constant 0 : index
    %get3A_103 = vector.load %arg8[%get3A_101, %get3A_102] : memref<1x3xf32, #tpu.memory_space<vmem>>, vector<1x3xf32>
    %add3A_104 = vector.broadcast %get3A_103 : vector<1x3xf32> to vector<400x3xf32>
    %add3A_105 = arith.addf %dot_general3A_100, %add3A_104 : vector<400x3xf32>
    %swap3A_106 = arith.constant 2 : index
    %swap3A_107 = arith.constant 0 : index
    %swap3A_108 = arith.constant 0 : index
    %swap3A_109 = vector.load %arg9[%swap3A_106, %swap3A_107, %swap3A_108] : memref<4x400x3xf32, #tpu.memory_space<vmem>>, vector<1x400x3xf32>
    %swap3A_110 = vector.shape_cast %swap3A_109 : vector<1x400x3xf32> to vector<400x3xf32>
    %swap3A_111 = vector.shape_cast %add3A_105 : vector<400x3xf32> to vector<1x400x3xf32>
    tpu.vector_store %arg9[%swap3A_106, %swap3A_107, %swap3A_108], %swap3A_111 {strides = array<i32>} : memref<4x400x3xf32, #tpu.memory_space<vmem>>, vector<1x400x3xf32>,
    %slice3A_112 = vector.extract_strided_slice %convert_element_type3A_20 {offsets = [0, 384], sizes = [400, 128], strides = [1, 1]} : vector<400x512xbf16> to vector<400x128xbf16>
    %get3A_113 = arith.constant 0 : index
    %get3A_114 = arith.constant 0 : index
    %get3A_115 = vector.load %arg5[%get3A_113, %get3A_114] : memref<128x128xf32, #tpu.memory_space<vmem>>, vector<128x128xf32>
    %dot_general3A_116 = arith.constant dense<0.000000e+00> : vector<400x128xf32>
    %dot_general3A_117 = tpu.matmul %slice3A_112, %get3A_115, %dot_general3A_116 {dimension_numbers = #tpu.dot_dimension_numbers<[1], [0], [0], [1], [0, 0, 1, 1], [], []>, transpose_lhs_hint = false} : vector<400x128xbf16>, vector<128x128xf32>, vector<400x128xf32> -> vector<400x128xf32>
    %get3A_118 = arith.constant 0 : index
    %get3A_119 = arith.constant 0 : index
    %get3A_120 = vector.load %arg6[%get3A_118, %get3A_119] : memref<1x128xf32, #tpu.memory_space<vmem>>, vector<1x128xf32>
    %add3A_121 = vector.broadcast %get3A_120 : vector<1x128xf32> to vector<400x128xf32>
    %add3A_122 = arith.addf %dot_general3A_117, %add3A_121 : vector<400x128xf32>
    %max3A_123 = arith.constant 0.000000e+00 : f32
    %max3A_124 = vector.broadcast %max3A_123 : f32 to vector<400x128xf32>
    %max3A_125 = arith.maximumf %add3A_122, %max3A_124 : vector<400x128xf32>
    %convert_element_type3A_126 = arith.truncf %max3A_125 : vector<400x128xf32> to vector<400x128xbf16>
    %get3A_127 = arith.constant 0 : index
    %get3A_128 = arith.constant 0 : index
    %get3A_129 = vector.load %arg7[%get3A_127, %get3A_128] : memref<128x3xf32, #tpu.memory_space<vmem>>, vector<128x3xf32>
    %dot_general3A_130 = arith.constant dense<0.000000e+00> : vector<400x3xf32>
    %dot_general3A_131 = tpu.matmul %convert_element_type3A_126, %get3A_129, %dot_general3A_130 {dimension_numbers = #tpu.dot_dimension_numbers<[1], [0], [0], [1], [0, 0, 1, 1], [], []>, transpose_lhs_hint = false} : vector<400x128xbf16>, vector<128x3xf32>, vector<400x3xf32> -> vector<400x3xf32>
    %get3A_132 = arith.constant 0 : index
    %get3A_133 = arith.constant 0 : index
    %get3A_134 = vector.load %arg8[%get3A_132, %get3A_133] : memref<1x3xf32, #tpu.memory_space<vmem>>, vector<1x3xf32>
    %add3A_135 = vector.broadcast %get3A_134 : vector<1x3xf32> to vector<400x3xf32>
    %add3A_136 = arith.addf %dot_general3A_131, %add3A_135 : vector<400x3xf32>
    %swap3A_137 = arith.constant 3 : index
    %swap3A_138 = arith.constant 0 : index
    %swap3A_139 = arith.constant 0 : index
    %swap3A_140 = vector.load %arg9[%swap3A_137, %swap3A_138, %swap3A_139] : memref<4x400x3xf32, #tpu.memory_space<vmem>>, vector<1x400x3xf32>
    %swap3A_141 = vector.shape_cast %swap3A_140 : vector<1x400x3xf32> to vector<400x3xf32>
    %swap3A_142 = vector.shape_cast %add3A_136 : vector<400x3xf32> to vector<1x400x3xf32>
    tpu.vector_store %arg9[%swap3A_137, %swap3A_138, %swap3A_139], %swap3A_142 {strides = array<i32>} : memref<4x400x3xf32, #tpu.memory_space<vmem>>, vector<1x400x3xf32>,
    return
  }
  func.func @transform_0(%arg0: i32) -> (i32, i32) {
    %c0_i32 = arith.constant 0 : i32
    %c0_i32_0 = arith.constant 0 : i32
    return %arg0, %c0_i32 : i32, i32
  }
  func.func @transform_1(%arg0: i32) -> (i32, i32) {
    %c0_i32 = arith.constant 0 : i32
    %c0_i32_0 = arith.constant 0 : i32
    return %arg0, %c0_i32 : i32, i32
  }
  func.func @transform_2(%arg0: i32) -> (i32, i32) {
    %c0_i32 = arith.constant 0 : i32
    %c0_i32_0 = arith.constant 0 : i32
    %c0_i32_1 = arith.constant 0 : i32
    return %c0_i32, %c0_i32_0 : i32, i32
  }
  func.func @transform_3(%arg0: i32) -> (i32, i32) {
    %c0_i32 = arith.constant 0 : i32
    %c0_i32_0 = arith.constant 0 : i32
    %c0_i32_1 = arith.constant 0 : i32
    return %c0_i32, %c0_i32_0 : i32, i32
  }
  func.func @transform_4(%arg0: i32) -> (i32, i32) {
    %c0_i32 = arith.constant 0 : i32
    %c0_i32_0 = arith.constant 0 : i32
    %c0_i32_1 = arith.constant 0 : i32
    return %c0_i32, %c0_i32_0 : i32, i32
  }
  func.func @transform_5(%arg0: i32) -> (i32, i32) {
    %c0_i32 = arith.constant 0 : i32
    %c0_i32_0 = arith.constant 0 : i32
    %c0_i32_1 = arith.constant 0 : i32
    return %c0_i32, %c0_i32_0 : i32, i32
  }
  func.func @transform_6(%arg0: i32) -> (i32, i32) {
    %c0_i32 = arith.constant 0 : i32
    %c0_i32_0 = arith.constant 0 : i32
    %c0_i32_1 = arith.constant 0 : i32
    return %c0_i32, %c0_i32_0 : i32, i32
  }
  func.func @transform_7(%arg0: i32) -> (i32, i32) {
    %c0_i32 = arith.constant 0 : i32
    %c0_i32_0 = arith.constant 0 : i32
    %c0_i32_1 = arith.constant 0 : i32
    return %c0_i32, %c0_i32_0 : i32, i32
  }
  func.func @transform_8(%arg0: i32) -> (i32, i32, i32) {
    %c0_i32 = arith.constant 0 : i32
    %c0_i32_0 = arith.constant 0 : i32
    %c0_i32_1 = arith.constant 0 : i32
    return %c0_i32, %arg0, %c0_i32_0 : i32, i32, i32
  }
}

</mosaic_0001>

<sc_bundles>
// kernel: kernel.33.cloned.1.call-start
scs
__scs_entry_jumppad:
0x0: {  	(pc) =	sbr.rel $0x88, $3  }
0x1: {  	(tag) =	ssettag $0x0;
	lr =	simm.s32 $0x1  }
0x2: {  	[smem:$0x3F94] =	sst lr;
	_ =	strace $0xD0000000  }
0x3: {  	_ = 	snop  }
0x4: {  	_ = 	snop  }
0x5: {  	_ = 	snop  }
0x6: {  	_ = 	snop  }
0x7: {  	_ = 	snop  }
__scs_overlays_trampoline_lowered:
0x8: {  	[smem:$0x3FA3] =	sst s0  }
0x9: {  	[smem:$0x3FA4] =	sst s1  }
0xa: {  	[smem:$0x3FA5] =	sst s2  }
0xb: {  	[smem:$0x3FA6] =	sst s3  }
0xc: {  	[smem:$0x3FA7] =	sst s4  }
0xd: {  	[smem:$0x3FA8] =	sst s5  }
0xe: {  	[smem:$0x3FA9] =	sst s6  }
0xf: {  	[smem:$0x3FAA] =	sst s7  }
0x10: {  	[smem:$0x3FAB] =	sst s8  }
0x11: {  	[smem:$0x3FAC] =	sst s9;
	s0 =	simm.s32 @!p0 $0x0  }
0x12: {  	s1 =	sld [smem:$0x3F92];
	s0 =	simm.s32 @p0 $0x1  }
0x13: {  	[smem:$0x3FAD] =	sst s0;
	s0 =	simm.s32 @!p1 $0x0  }
0x14: {  	s2 =	sld [smem:$0x3F91];
	s0 =	simm.s32 @p1 $0x1  }
0x15: {  	[smem:$0x3FAE] =	sst s0;
	s0 =	simm.s32 @!p2 $0x0  }
0x16: {  	s3 =	sld [smem:$0x3FDB];
	s0 =	simm.s32 @p2 $0x1  }
0x17: {  	s4 =	simm.s32 $0x1BF5;
	[smem:$0x3FB0] =	sst s0  }
0x18: {  	s0 =	sld [smem:$0x3F93];
	_ =	swait.ge [sflag:s4], $0x0  }
0x19: {  	s7 =	sld [smem:$0x3F94]  }
0x1a: {  	s8 =	sadd.s32 $0xFFFFE003, lr  }
0x1b: {  	s9 =	sadd.s32 $0xFFFFFEF7, lr;
	s5 =	simm.s32 $0xFFFFFFFF;
	p2 =	slt.u32 s8, $0xFFFFF086  }
0x1c: {  	p1 =	slt.u32 s9, $0xF7A;
	s5 =	simm.s32 @!p2 $0x0  }
0x1d: {  	s5 =	simm.s32 @p1 $0x1;
	p0 =	seq.s32 s7, s2  }
0x1e: {  	s7 =	smul.u32 @!p0 $0xF7A, s2;
	p2 =	seq.s32 @!p0 s5, $0x0  }
0x1f: {  	s9 =	smul.u32 $0xF7A, s1;
	s8 =	simm.s32 @!p0 $0x1BF5;
	p2 =	por !p2, p0  }
0x20: {  	[sflag:s8] =	ssyncset.s32 @!p0 $0xFFFFF086;
	s6 =	sadd.s32 @!p0 s3, s7;
	s7 =	simm.s32 @!p0 $0x108  }
0x21: {  	s3 =	sadd.s32 s3, s9;
	s6 =	sadd.s32 @!p0 $0x88, s6;
	s7 =	simm.s32 @p2 $0x1082  }
0x22: {  	[simem:s7], [sflag:s8] =	dma.local @!p0 [hbm:s6], $0xF7A  }
0x23: {  	s9 =	sor.u32 $0xD0000000, s2;
	s6 =	simm.s32 $0x108;
	_ =	swait.ge @!p0 [sflag:s8], $0x0  }
0x24: {  	s3 =	sadd.s32 $0x88, s3;
	s6 =	simm.s32 @!p1 $0x1082;
	[sflag:s4] =	ssyncset.s32 $0xFFFFF086  }
0x25: {  	[simem:s6], [sflag:s4] =	dma.local [hbm:s3], $0xF7A  }
0x26: {  	[smem:$0x3F94] =	sst s1;
	(tag) =	ssettag s2;
	_ =	strace s9  }
0x27: {  	s1 =	sld [smem:$0x3FA4]  }
0x28: {  	s2 =	sld [smem:$0x3FA5]  }
0x29: {  	s4 =	sld [smem:$0x3FA7]  }
0x2a: {  	p0 =	seq.s32 s5, $0x0;
	s5 =	sld [smem:$0x3FA8]  }
0x2b: {  	s6 =	sld [smem:$0x3FA9]  }
0x2c: {  	s7 =	sld [smem:$0x3FAA]  }
0x2d: {  	s3 =	simm.s32 $0x108;
	s8 =	sld [smem:$0x3FAB]  }
0x2e: {  	s3 =	simm.s32 @!p0 $0x1082;
	s9 =	sld [smem:$0x3FAC]  }
0x2f: {  	lr =	sadd.s32 s0, s3;
	s0 =	sld [smem:$0x3FA3]  }
0x30: {  	s3 =	sld [smem:$0x3FA6]  }
0x31: {  	[smem:$0x3FAF] =	sst s10  }
0x32: {  	s10 =	sld [smem:$0x3FAD];
	_ =	sdelay $0x3  }
0x33: {  	p0 =	seq.s32 s10, $0x1;
	s10 =	sld [smem:$0x3FAF];
	_ =	sdelay $0x3  }
0x34: {  	[smem:$0x3FAF] =	sst s10  }
0x35: {  	s10 =	sld [smem:$0x3FAE];
	_ =	sdelay $0x3  }
0x36: {  	p1 =	seq.s32 s10, $0x1;
	s10 =	sld [smem:$0x3FAF];
	_ =	sdelay $0x3  }
0x37: {  	[smem:$0x3FAF] =	sst s10  }
0x38: {  	s10 =	sld [smem:$0x3FB0]  }
0x39: {  	_ = 	snop;
	(pc) =	sbr.ind lr, $3  }
0x3a: {  	_ = 	snop  }
0x3b: {  	_ = 	snop  }
0x3c: {  	p2 =	seq.s32 s10, $0x1;
	s10 =	sld [smem:$0x3FAF]  }
0x3d: {  	_ =	shalt  }
0x3e: {  	_ =	shalt  }
0x3f: {  	_ =	shalt  }
0x40: {  	_ =	shalt  }
0x41: {  	_ =	shalt  }
0x42: {  	_ =	shalt  }
0x43: {  	_ =	shalt  }
0x44: {  	_ =	shalt  }
0x45: {  	_ =	shalt  }
0x46: {  	_ =	shalt  }
0x47: {  	_ =	shalt  }
0x48: {  	_ =	shalt  }
0x49: {  	_ =	shalt  }
0x4a: {  	_ =	shalt  }
0x4b: {  	_ =	shalt  }
0x4c: {  	_ =	shalt  }
0x4d: {  	_ =	shalt  }
0x4e: {  	_ =	shalt  }
0x4f: {  	_ =	shalt  }
0x50: {  	_ =	shalt  }
0x51: {  	_ =	shalt  }
0x52: {  	_ =	shalt  }
0x53: {  	_ =	shalt  }
0x54: {  	_ =	shalt  }
0x55: {  	_ =	shalt  }
0x56: {  	_ =	shalt  }
0x57: {  	_ =	shalt  }
0x58: {  	_ =	shalt  }
0x59: {  	_ =	shalt  }
0x5a: {  	_ =	shalt  }
0x5b: {  	_ =	shalt  }
0x5c: {  	_ =	shalt  }
0x5d: {  	_ =	shalt  }
0x5e: {  	_ =	shalt  }
0x5f: {  	_ =	shalt  }
0x60: {  	_ =	shalt  }
0x61: {  	_ =	shalt  }
0x62: {  	_ =	shalt  }
0x63: {  	_ =	shalt  }
0x64: {  	_ =	shalt  }
0x65: {  	_ =	shalt  }
0x66: {  	_ =	shalt  }
0x67: {  	_ =	shalt  }
0x68: {  	_ =	shalt  }
0x69: {  	_ =	shalt  }
0x6a: {  	_ =	shalt  }
0x6b: {  	_ =	shalt  }
0x6c: {  	_ =	shalt  }
0x6d: {  	_ =	shalt  }
0x6e: {  	_ =	shalt  }
0x6f: {  	_ =	shalt  }
0x70: {  	_ =	shalt  }
0x71: {  	_ =	shalt  }
0x72: {  	_ =	shalt  }
0x73: {  	_ =	shalt  }
0x74: {  	_ =	shalt  }
0x75: {  	_ =	shalt  }
0x76: {  	_ =	shalt  }
0x77: {  	_ =	shalt  }
0x78: {  	_ =	shalt  }
0x79: {  	_ =	shalt  }
0x7a: {  	_ =	shalt  }
0x7b: {  	_ =	shalt  }
0x7c: {  	_ =	shalt  }
0x7d: {  	_ =	shalt  }
0x7e: {  	_ =	shalt  }
0x7f: {  	_ =	shalt  }
0x80: {  	_ =	shalt  }
0x81: {  	_ =	shalt  }
0x82: {  	_ =	shalt  }
0x83: {  	_ =	shalt  }
0x84: {  	_ =	shalt  }
0x85: {  	_ =	shalt  }
0x86: {  	_ =	shalt  }
0x87: {  	_ =	shalt  }
.Lfunc_end0:
.L_simem_size_0:
called_computation_lowered:
.L_overlay_start_0:
0x88: {  	s2 =	sld [smem:$0x3FD9]  }
0x89: {  	s3 =	sld [smem:$0x3FFE];
	_ =	sdelay $0x1  }
0x8a: {  	s1 =	srdreg.scid  }
0x8b: {  	s0 =	sand.u32 $0x1, s1  }
0x8c: {  	s17 =	sshll.u32 s0, $0xA;
	s2 =	sadd.s32 s3, s2  }
0x8d: {  	s2 =	sadd.s32 s2, s17  }
0x8e: {  	[smem:$0x3FBB] =	sst s2  }
0x8f: {  	_ = 	snop  }
0x90: {  	s18 =	sld [smem:$0x3FD0];
	(tm) =	ssettm $0x1  }
0x91: {  	s19 =	sld [smem:$0x3FFB];
	_ =	sdelay $0x3  }
0x92: {  	_ =	strace s19  }
0x93: {  	s2 =	sld [smem:$0x3FFC];
	_ =	sdelay $0x3  }
0x94: {  	_ =	strace s2  }
0x95: {  	s2 =	sld [smem:$0x3FFD];
	_ =	sdelay $0x3  }
0x96: {  	_ =	strace s2  }
0x97: {  	_ =	strace $0x8FFFFFFF  }
0x98: {  	s20 =	sld [smem:$0x3FDB];
	_ =	sdelay $0x1  }
0x99: {  	s4 =	simm.s32 $_scs_section_size  }
0x9a: {  	s5 =	simm.s32 $_size__tile_overlayer_lowered;
	s6 =	simm.s32 $_tile_overlayer_lowered  }
0x9b: {  	s7 =	simm.s32 $0x1BFF;
	s21 =	sshll.u32 s6, $0x1;
	s4 =	sadd.s32 s4, s20  }
0x9c: {  	s22 =	simm.s32 $0x0;
	s5 =	sshll.u32 s5, $0x1;
	s6 =	sadd.s32 s21, s4  }
0x9d: {  	[timem:s22], [sflag:s7] =	dma.local [hbm:s6], s5  }
0x9e: {  	_ =	swait.ge [sflag:s7], s5  }
0x9f: {  	s5 =	ssub.s32 $0x0, s5;
	[sflag:s7] =	ssyncset.done $0x0  }
0xa0: {  	[sflag:s7] =	ssyncadd.s32 s5;
	_ =	sdelay $0x1  }
0xa1: {  	s23 =	simm.s32 $0x1B8B  }
0xa2: {  	_ =	swait.ge [sflag:s23], $0x1  }
0xa3: {  	[sflag:s23] =	ssyncset.done $0x0  }
0xa4: {  	[sflag:s23] =	ssyncadd.s32 $0xFFFFFFFF  }
0xa5: {  	s5 =	sld [smem:$0x0]  }
0xa6: {  	s6 =	sand.u32 $0xFFFFFFFE, s1  }
0xa7: {  	p0 =	sne.s32 s1, s6  }
0xa8: {  	s6 =	sshll.u32 @p0 s6, $0xE  }
0xa9: {  	s6 =	sadd.s32 @p0 $0x11B8D, s6;
	s7 =	sshll.u32 @p0 s5, $0x11  }
0xaa: {  	s6 =	sor.u32 @p0 s7, s6  }
0xab: {  	[sflag:s6] =	ssyncadd.remote.s32 @p0 $0x1;
	_ =	sdelay $0x1  }
0xac: {  	s6 =	simm.s32 @p0 $0x1B8D  }
0xad: {  	_ =	swait.eq @p0 [sflag:s6], $0x1  }
0xae: {  	[sflag:s6] =	ssyncadd.s32 @p0 $0xFFFFFFFF  }
0xaf: {  	s7 =	sshll.u32 @!p0 s1, $0xE  }
0xb0: {  	s7 =	sor.u32 @!p0 $0x4000, s7;
	s6 =	simm.s32 @!p0 $0x1B8D  }
0xb1: {  	s5 =	sshll.u32 @!p0 s5, $0x11;
	s7 =	sadd.s32 @!p0 $0x11B8D, s7;
	_ =	swait.eq @!p0 [sflag:s6], $0x1  }
0xb2: {  	s5 =	sor.u32 @!p0 s5, s7;
	[sflag:s6] =	ssyncadd.s32 @!p0 $0xFFFFFFFF  }
0xb3: {  	s25 =	simm.s32 $0x1B8E;
	s24 =	sld [smem:$0x3FFE];
	[sflag:s5] =	ssyncadd.remote.s32 @!p0 $0x1  }
0xb4: {  	s26 =	simm.s32 $execute0_lowered;
	[smem:$0x3FD2] =	sst s25  }
0xb5: {  	s6 =	sshll.u32 s26, $0x1;
	_ =	strace $0x80000052;
	[dreg:$0x1] =	wrdreg $0xFFFFFFFF  }
0xb6: {  	s28 =	simm.s32 $_size_execute0_lowered;
	s4 =	sadd.s32 s4, s6;
	[dreg:$0x0] =	wrdreg $0x0  }
0xb7: {  	s6 =	sshll.u32 s28, $0x1;
	[dreg:$0x2] =	wrdreg s4  }
0xb8: {  	[dreg:$0x3] =	wrdreg s6  }
0xb9: {  	[dreg:$0x4] =	wrdreg $0xC0  }
0xba: {  	_ =	task [dreg:s22], $0x5FFFF  }
0xbb: {  	[dreg:$0x1] =	wrdreg $0xFFFFFFFF  }
0xbc: {  	[dreg:$0x0] =	wrdreg $0x60  }
0xbd: {  	[dreg:$0x2] =	wrdreg s18  }
0xbe: {  	[dreg:$0x3] =	wrdreg s24  }
0xbf: {  	[dreg:$0x4] =	wrdreg $0x9  }
0xc0: {  	_ =	task.clear_ibuf [dreg:s22], $0x5FFFF;
	_ =	strace $0x90000052  }
0xc1: {  	s29 =	simm.s32 $0x9;
	_ =	strace $0x80000054  }
0xc2: {  	_ =	swait.ge [sflag:s29], $0x1  }
0xc3: {  	[sflag:s29] =	ssyncadd.s32 $0xFFFFFFFF  }
0xc4: {  	_ =	strace $0x90000054  }
0xc5: {  	_ =	sfence  }
0xc6: {  	s30 =	sld [smem:$0x0];
	_ =	sdelay $0x2  }
0xc7: {  	s31 =	sshll.u32 s1, $0xD;
	s1 =	sshrl.u32 s1, $0x2  }
0xc8: {  	s4 =	sand.u32 $0x4000, s31;
	s1 =	sadd.s32 s1, s30  }
0xc9: {  	s0 =	sor.u32 s4, s0;
	s1 =	sshll.u32 s1, $0x11  }
0xca: {  	s0 =	sor.u32 s1, s0  }
0xcb: {  	s0 =	sadd.s32 $0x8F2B, s0  }
0xcc: {  	[sflag:s0] =	ssyncadd.remote.s32 $0x1  }
0xcd: {  	_ =	sfence.sel $0xFFFF  }
0xce: {  	[dreg:$0x0] =	wrdreg $0xFFFFFFFF;
	(pc) =	sbr.abs _section_cstart, $3  }
0xcf: {  	[dreg:$0x1] =	wrdreg $0xFFFFFFFF  }
0xd0: {  	_ =	task.clear_ibuf [dreg:s22], $0x2FFFF;
	_ =	strace $0x9FFFFFFF  }
0xd1: {  	(tm) =	ssettm $0x7FFFFFFF  }
tec
execute0_lowered:
.L_overlay_start_1:
0x0: {  	(tag) =	ssettag $0x1  }
0x1: {  	s6 =	rddreg [dreg:$0x0]  }
0x2: {  	s3 =	rddreg [dreg:$0x1]  }
0x3: {  	s2 =	srdreg.scid;
	s0 =	rddreg [dreg:$0x2]  }
0x4: {  	s1 =	stileid.u32;
	s11 =	simm.s32 $0x1;
	s12 =	simm.s32 $0x0  }
0x5: {  	s4 =	sand.u32 $0x1, s2;
	s2 =	simm.s32 $0x0;
	s5 =	sshll.u32 s1, $0xB  }
0x6: {  	s30 =	sshll.u32 s1, $0xF;
	s7 =	sshll.u32 s4, $0xA;
	[smem:$0x7FF] =	sst s2  }
0x7: {  	s9 =	ssub.s32 $0x2, s4;
	s4 =	sshll.u32 s4, $0xE;
	s5 =	sor.u32 s7, s5  }
0x8: {  	_ =	strace $0x80000053;
	s10 =	sshrl.u32 s9, $0x1;
	s7 =	sshrl.u32 s5, $0x3  }
0x9: {  	s5 =	sadd.s32 s30, s3;
	s9 =	ssub.s32 s9, s10;
	s10 =	simm.s32 $0x80  }
0xa: {  	s8 =	sadd.s32 s7, s3;
	s3 =	sadd.s32 $0x43F000, s3;
	s31 =	sadd.s32 s4, s5  }
0xb: {  	s4 =	smax.u32 s9, $0x1;
	s6 =	sadd.s32 s7, s6;
	s9 =	simm.s32 $0x2  }
0xc: {  	s5 =	sadd.s32 $0x447000, s31;
	s7 =	sadd.s32 $0x4C7000, s31;
	s8 =	sadd.s32 $0x43E000, s8  }
.LBB2_1:
0xd: {  	s13 =	sadd.s32 $0x0, s6  }
0xe: {  	[tilespmem:s2], [sflag:$0x2] =	stream.linear.gather [hbm4b:s13+s2], $0x80, $0x38;
	[tilespmem:$0x4080] =	vst v63  }
0xf: {  	_ =	swait.ge [sflag:s9], $0x80  }
0x10: {  	[sflag:s9] =	ssyncset.done $0x0  }
0x11: {  	[sflag:s9] =	ssyncadd.s32 $0xFFFFFF80  }
0x12: {  	[tilespmem:s10], [sflag:$0x1] =	stream.indirect.gather [hbm4b:s3+s10], $0x80, s2, s10, $0xb8;
	[tilespmem:$0x4080] =	vst v63  }
0x13: {  	_ =	swait.ge [sflag:s11], $0x4000  }
0x14: {  	[sflag:s11] =	ssyncset.done $0x0  }
0x15: {  	[sflag:s11] =	ssyncadd.s32 $0xFFFFC000  }
0x16: {  	[hbm4b:s5+s2] =	stream.linear.scatter [tilespmem:s10], [sflag:$0x2], $0x4000, $0x38;
	[tilespmem:$0x4080] =	vst v63  }
0x17: {  	s16 =	sadd.s32 $0x10, s6;
	_ =	swait.ge [sflag:s9], $0x4000  }
0x18: {  	s14 =	simm.s32 $0x20;
	s13 =	sadd.s32 $0x800, s5;
	[sflag:s9] =	ssyncset.done $0x0  }
.LBB2_2:
0x19: {  	s17 =	sadd.s32 s14, s6;
	s15 =	simm.s32 $0x0;
	[sflag:s9] =	ssyncadd.s32 $0xFFFFC000  }
0x1a: {  	[tilespmem:s15], [sflag:$0x2] =	stream.linear.gather [hbm4b:s16+s15], $0x80, $0x38;
	[tilespmem:$0x4080] =	vst v63  }
0x1b: {  	p0 =	sne.s32 s14, $0x70;
	s14 =	sadd.s32 $0x10, s14;
	_ =	swait.ge [sflag:s9], $0x80  }
0x1c: {  	s16 =	smov.u32 s17;
	[sflag:s9] =	ssyncset.done $0x0  }
0x1d: {  	[sflag:s9] =	ssyncadd.s32 $0xFFFFFF80  }
0x1e: {  	[tilespmem:s10], [sflag:$0x1] =	stream.indirect.gather [hbm4b:s3+s10], $0x80, s15, s10, $0xb8;
	[tilespmem:$0x4080] =	vst v63  }
0x1f: {  	_ =	swait.ge [sflag:s11], $0x4000  }
.Ltmp0:
0x20: {  	[sflag:s11] =	ssyncset.done $0x0;
	(pc) =	sbr.rel @p0 .LBB2_2-.Ltmp0, $4  }
0x21: {  	[sflag:s11] =	ssyncadd.s32 $0xFFFFC000  }
0x22: {  	[hbm4b:s13+s15] =	stream.linear.scatter [tilespmem:s10], [sflag:$0x2], $0x4000, $0x38;
	[tilespmem:$0x4080] =	vst v63  }
0x23: {  	_ =	swait.ge [sflag:s9], $0x4000  }
0x24: {  	s13 =	sadd.s32 $0x800, s13;
	[sflag:s9] =	ssyncset.done $0x0  }
0x25: {  	[sflag:s9] =	ssyncadd.s32 $0xFFFFC000  }
0x26: {  	[tilespmem:s15], [sflag:$0x2] =	stream.linear.gather [hbm4b:s16+s15], $0x80, $0x38;
	[tilespmem:$0x4080] =	vst v63  }
0x27: {  	_ =	swait.ge [sflag:s9], $0x80  }
0x28: {  	[sflag:s9] =	ssyncset.done $0x0  }
0x29: {  	[sflag:s9] =	ssyncadd.s32 $0xFFFFFF80  }
0x2a: {  	[tilespmem:s10], [sflag:$0x1] =	stream.indirect.gather [hbm4b:s3+s10], $0x80, s15, s10, $0xb8;
	[tilespmem:$0x4080] =	vst v63  }
0x2b: {  	_ =	swait.ge [sflag:s11], $0x4000  }
0x2c: {  	p1 =	por $0x1, $0x1;
	[sflag:s11] =	ssyncset.done $0x0  }
.Ltmp1:
0x2d: {  	[sflag:s11] =	ssyncadd.s32 $0xFFFFC000;
	(pc) =	sbr.rel @!p1 .LBB2_8-.Ltmp1, $4  }
0x2e: {  	[hbm4b:s13+s15] =	stream.linear.scatter [tilespmem:s10], [sflag:$0x2], $0x4000, $0x38;
	[tilespmem:$0x4080] =	vst v63  }
0x2f: {  	_ =	swait.ge [sflag:s9], $0x4000  }
0x30: {  	p0 =	por $0x0, $0x0;
	[sflag:s9] =	ssyncset.done $0x0  }
0x31: {  	s14 =	smov.u32 s7;
	s13 =	simm.s32 $0x10;
	[sflag:s9] =	ssyncadd.s32 $0xFFFFC000  }
0x32: {  	s14 =	sadd.s32 $0x0, s8  }
0x33: {  	[tilespmem:s2], [sflag:$0x2] =	stream.linear.gather [hbm4b:s14+s2], $0x80, $0x38;
	[tilespmem:$0x4080] =	vst v63  }
0x34: {  	_ =	swait.ge [sflag:s9], $0x80  }
0x35: {  	[sflag:s9] =	ssyncset.done $0x0  }
0x36: {  	[sflag:s9] =	ssyncadd.s32 $0xFFFFFF80  }
0x37: {  	[tilespmem:s10], [sflag:$0x1] =	stream.indirect.gather [hbm4b:s3+s10], $0x80, s2, s10, $0xb8;
	[tilespmem:$0x4080] =	vst v63  }
0x38: {  	p1 =	por $0x1, $0x1;
	_ =	swait.ge [sflag:s11], $0x4000  }
.Ltmp2:
0x39: {  	[sflag:s11] =	ssyncset.done $0x0;
	(pc) =	sbr.rel @!p1 .LBB2_5-.Ltmp2, $4  }
0x3a: {  	[sflag:s11] =	ssyncadd.s32 $0xFFFFC000  }
0x3b: {  	[hbm4b:s7+s2] =	stream.linear.scatter [tilespmem:s10], [sflag:$0x2], $0x4000, $0x38;
	[tilespmem:$0x4080] =	vst v63  }
0x3c: {  	s15 =	simm.s32 $0x20;
	_ =	swait.ge [sflag:s9], $0x4000  }
0x3d: {  	p0 =	por $0x1, $0x1;
	s14 =	sadd.s32 $0x800, s7;
	[sflag:s9] =	ssyncset.done $0x0  }
.LBB2_6:
0x3e: {  	s16 =	sadd.s32 s13, s8  }
0x3f: {  	[sflag:s9] =	ssyncadd.s32 $0xFFFFC000;
	s13 =	smov.u32 s15;
	s17 =	sadd.s32 $0x10, s15  }
0x40: {  	[tilespmem:s2], [sflag:$0x2] =	stream.linear.gather [hbm4b:s16+s2], $0x80, $0x38;
	[tilespmem:$0x4080] =	vst v63  }
0x41: {  	p1 =	sne.s32 s15, $0x70;
	_ =	swait.ge [sflag:s9], $0x80  }
0x42: {  	[sflag:s9] =	ssyncset.done $0x0  }
0x43: {  	[sflag:s9] =	ssyncadd.s32 $0xFFFFFF80  }
0x44: {  	[tilespmem:s10], [sflag:$0x1] =	stream.indirect.gather [hbm4b:s3+s10], $0x80, s2, s10, $0xb8;
	[tilespmem:$0x4080] =	vst v63  }
0x45: {  	_ =	swait.ge [sflag:s11], $0x4000  }
.Ltmp3:
0x46: {  	[sflag:s11] =	ssyncset.done $0x0;
	(pc) =	sbr.rel @p1 .LBB2_6-.Ltmp3, $4  }
0x47: {  	[sflag:s11] =	ssyncadd.s32 $0xFFFFC000  }
0x48: {  	[hbm4b:s14+s2] =	stream.linear.scatter [tilespmem:s10], [sflag:$0x2], $0x4000, $0x38;
	[tilespmem:$0x4080] =	vst v63  }
0x49: {  	_ =	swait.ge [sflag:s9], $0x4000  }
0x4a: {  	s15 =	smov.u32 s17;
	s14 =	sadd.s32 $0x800, s14;
	[sflag:s9] =	ssyncset.done $0x0  }
0x4b: {  	s15 =	smov.u32 s13  }
.LBB2_8:
0x4c: {  	s13 =	sadd.s32 s15, s8;
	[sflag:s9] =	ssyncadd.s32 @p0 $0xFFFFC000  }
0x4d: {  	[tilespmem:s2], [sflag:$0x2] =	stream.linear.gather [hbm4b:s13+s2], $0x80, $0x38;
	[tilespmem:$0x4080] =	vst v63  }
0x4e: {  	_ =	swait.ge [sflag:s9], $0x80  }
0x4f: {  	[sflag:s9] =	ssyncset.done $0x0  }
0x50: {  	[sflag:s9] =	ssyncadd.s32 $0xFFFFFF80  }
0x51: {  	[tilespmem:s10], [sflag:$0x1] =	stream.indirect.gather [hbm4b:s3+s10], $0x80, s2, s10, $0xb8;
	[tilespmem:$0x4080] =	vst v63  }
0x52: {  	_ =	swait.ge [sflag:s11], $0x4000  }
0x53: {  	s12 =	sadd.s32 $0x1, s12;
	[sflag:s11] =	ssyncset.done $0x0  }
0x54: {  	p0 =	sne.s32 s12, s4;
	[sflag:s11] =	ssyncadd.s32 $0xFFFFC000  }
0x55: {  	[hbm4b:s14+s2] =	stream.linear.scatter [tilespmem:s10], [sflag:$0x2], $0x4000, $0x38;
	[tilespmem:$0x4080] =	vst v63  }
.Ltmp4:
0x56: {  	_ = 	snop;
	(pc) =	sbr.rel @p0 .LBB2_1-.Ltmp4, $4  }
.Ltmp5:
0x57: {  	_ = 	snop;
	(pc) =	sbr.rel @!p0 .LBB2_9-.Ltmp5, $4  }
0x58: {  	_ =	swait.ge [sflag:s9], $0x4000  }
0x59: {  	[sflag:s9] =	ssyncset.done $0x0  }
0x5a: {  	[sflag:s9] =	ssyncadd.s32 $0xFFFFC000  }
0x5b: {  	_ = 	snop  }
.LBB2_5:
.Ltmp6:
0x5c: {  	(pc) =	sbr.rel .LBB2_8-.Ltmp6, $2  }
0x5d: {  	_ =	sdelay $0x2  }
0x5e: {  	s15 =	simm.s32 $0x10  }
.LBB2_9:
0x5f: {  	_ =	sfence.sel $0x180000  }
0x60: {  	[bflag:$0x0] =	sbarrier.arrive $0xFFFF  }
0x61: {  	p0 =	sne.s32 s1, $0x0;
	_ =	strace $0x90000053  }
0x62: {  	s0 =	sadd.s32 @!p0 $0x100000, s0;
	[bflag:$0x2] =	sbarrier.arrive $0xFFFF  }
0x63: {  	[sflag:s0] =	ssyncadd.tile.s32 @!p0 $0x1;
	_ =	shalt  }
.Lfunc_end2:
_tile_overlayer_lowered:
.L_overlay_start_2:
0x64: {  	(tag) =	ssettag $0x2  }
0x65: {  	s0 =	rddreg [dreg:$0x0];
	s2 =	stileid.u32  }
0x66: {  	s1 =	rddreg [dreg:$0x1];
	p0 =	sne.s32 s2, $0x0  }
0x67: {  	s3 =	rddreg [dreg:$0x2];
	[bflag:$0x3] =	sbarrier.arrive $0xFFFF;
	s2 =	simm.s32 @!p0 $0x1C02  }
0x68: {  	[timem:s3], [sflag:s2] =	dma.local @!p0 [hbm:s0], s1  }
0x69: {  	s0 =	simm.s32 @!p0 $0x2  }
0x6a: {  	_ =	swait.ge @!p0 [sflag:s0], s1  }
0x6b: {  	s1 =	ssub.s32 @!p0 $0x0, s1;
	[sflag:s0] =	ssyncset.done @!p0 $0x0  }
0x6c: {  	[sflag:s0] =	ssyncadd.s32 @!p0 s1  }
0x6d: {  	[bflag:$0x3] =	sbarrier.arrive $0xFFFF  }
0x6e: {  	_ =	shalt  }

// kernel: kernel.36.cloned.1.call-start
scs
__scs_entry_jumppad:
0x0: {  	(pc) =	sbr.rel $0x88, $3  }
0x1: {  	(tag) =	ssettag $0x0;
	lr =	simm.s32 $0x1  }
0x2: {  	[smem:$0x3F94] =	sst lr;
	_ =	strace $0xD0000000  }
0x3: {  	_ = 	snop  }
0x4: {  	_ = 	snop  }
0x5: {  	_ = 	snop  }
0x6: {  	_ = 	snop  }
0x7: {  	_ = 	snop  }
__scs_overlays_trampoline_lowered:
0x8: {  	[smem:$0x3FA3] =	sst s0  }
0x9: {  	[smem:$0x3FA4] =	sst s1  }
0xa: {  	[smem:$0x3FA5] =	sst s2  }
0xb: {  	[smem:$0x3FA6] =	sst s3  }
0xc: {  	[smem:$0x3FA7] =	sst s4  }
0xd: {  	[smem:$0x3FA8] =	sst s5  }
0xe: {  	[smem:$0x3FA9] =	sst s6  }
0xf: {  	[smem:$0x3FAA] =	sst s7  }
0x10: {  	[smem:$0x3FAB] =	sst s8  }
0x11: {  	[smem:$0x3FAC] =	sst s9;
	s0 =	simm.s32 @!p0 $0x0  }
0x12: {  	s1 =	sld [smem:$0x3F92];
	s0 =	simm.s32 @p0 $0x1  }
0x13: {  	[smem:$0x3FAD] =	sst s0;
	s0 =	simm.s32 @!p1 $0x0  }
0x14: {  	s2 =	sld [smem:$0x3F91];
	s0 =	simm.s32 @p1 $0x1  }
0x15: {  	[smem:$0x3FAE] =	sst s0;
	s0 =	simm.s32 @!p2 $0x0  }
0x16: {  	s3 =	sld [smem:$0x3FDB];
	s0 =	simm.s32 @p2 $0x1  }
0x17: {  	s4 =	simm.s32 $0x1BF5;
	[smem:$0x3FB0] =	sst s0  }
0x18: {  	s0 =	sld [smem:$0x3F93];
	_ =	swait.ge [sflag:s4], $0x0  }
0x19: {  	s7 =	sld [smem:$0x3F94]  }
0x1a: {  	s8 =	sadd.s32 $0xFFFFE003, lr  }
0x1b: {  	s9 =	sadd.s32 $0xFFFFFEF7, lr;
	s5 =	simm.s32 $0xFFFFFFFF;
	p2 =	slt.u32 s8, $0xFFFFF086  }
0x1c: {  	p1 =	slt.u32 s9, $0xF7A;
	s5 =	simm.s32 @!p2 $0x0  }
0x1d: {  	s5 =	simm.s32 @p1 $0x1;
	p0 =	seq.s32 s7, s2  }
0x1e: {  	s7 =	smul.u32 @!p0 $0xF7A, s2;
	p2 =	seq.s32 @!p0 s5, $0x0  }
0x1f: {  	s9 =	smul.u32 $0xF7A, s1;
	s8 =	simm.s32 @!p0 $0x1BF5;
	p2 =	por !p2, p0  }
0x20: {  	[sflag:s8] =	ssyncset.s32 @!p0 $0xFFFFF086;
	s6 =	sadd.s32 @!p0 s3, s7;
	s7 =	simm.s32 @!p0 $0x108  }
0x21: {  	s3 =	sadd.s32 s3, s9;
	s6 =	sadd.s32 @!p0 $0x88, s6;
	s7 =	simm.s32 @p2 $0x1082  }
0x22: {  	[simem:s7], [sflag:s8] =	dma.local @!p0 [hbm:s6], $0xF7A  }
0x23: {  	s9 =	sor.u32 $0xD0000000, s2;
	s6 =	simm.s32 $0x108;
	_ =	swait.ge @!p0 [sflag:s8], $0x0  }
0x24: {  	s3 =	sadd.s32 $0x88, s3;
	s6 =	simm.s32 @!p1 $0x1082;
	[sflag:s4] =	ssyncset.s32 $0xFFFFF086  }
0x25: {  	[simem:s6], [sflag:s4] =	dma.local [hbm:s3], $0xF7A  }
0x26: {  	[smem:$0x3F94] =	sst s1;
	(tag) =	ssettag s2;
	_ =	strace s9  }
0x27: {  	s1 =	sld [smem:$0x3FA4]  }
0x28: {  	s2 =	sld [smem:$0x3FA5]  }
0x29: {  	s4 =	sld [smem:$0x3FA7]  }
0x2a: {  	p0 =	seq.s32 s5, $0x0;
	s5 =	sld [smem:$0x3FA8]  }
0x2b: {  	s6 =	sld [smem:$0x3FA9]  }
0x2c: {  	s7 =	sld [smem:$0x3FAA]  }
0x2d: {  	s3 =	simm.s32 $0x108;
	s8 =	sld [smem:$0x3FAB]  }
0x2e: {  	s3 =	simm.s32 @!p0 $0x1082;
	s9 =	sld [smem:$0x3FAC]  }
0x2f: {  	lr =	sadd.s32 s0, s3;
	s0 =	sld [smem:$0x3FA3]  }
0x30: {  	s3 =	sld [smem:$0x3FA6]  }
0x31: {  	[smem:$0x3FAF] =	sst s10  }
0x32: {  	s10 =	sld [smem:$0x3FAD];
	_ =	sdelay $0x3  }
0x33: {  	p0 =	seq.s32 s10, $0x1;
	s10 =	sld [smem:$0x3FAF];
	_ =	sdelay $0x3  }
0x34: {  	[smem:$0x3FAF] =	sst s10  }
0x35: {  	s10 =	sld [smem:$0x3FAE];
	_ =	sdelay $0x3  }
0x36: {  	p1 =	seq.s32 s10, $0x1;
	s10 =	sld [smem:$0x3FAF];
	_ =	sdelay $0x3  }
0x37: {  	[smem:$0x3FAF] =	sst s10  }
0x38: {  	s10 =	sld [smem:$0x3FB0]  }
0x39: {  	_ = 	snop;
	(pc) =	sbr.ind lr, $3  }
0x3a: {  	_ = 	snop  }
0x3b: {  	_ = 	snop  }
0x3c: {  	p2 =	seq.s32 s10, $0x1;
	s10 =	sld [smem:$0x3FAF]  }
0x3d: {  	_ =	shalt  }
0x3e: {  	_ =	shalt  }
0x3f: {  	_ =	shalt  }
0x40: {  	_ =	shalt  }
0x41: {  	_ =	shalt  }
0x42: {  	_ =	shalt  }
0x43: {  	_ =	shalt  }
0x44: {  	_ =	shalt  }
0x45: {  	_ =	shalt  }
0x46: {  	_ =	shalt  }
0x47: {  	_ =	shalt  }
0x48: {  	_ =	shalt  }
0x49: {  	_ =	shalt  }
0x4a: {  	_ =	shalt  }
0x4b: {  	_ =	shalt  }
0x4c: {  	_ =	shalt  }
0x4d: {  	_ =	shalt  }
0x4e: {  	_ =	shalt  }
0x4f: {  	_ =	shalt  }
0x50: {  	_ =	shalt  }
0x51: {  	_ =	shalt  }
0x52: {  	_ =	shalt  }
0x53: {  	_ =	shalt  }
0x54: {  	_ =	shalt  }
0x55: {  	_ =	shalt  }
0x56: {  	_ =	shalt  }
0x57: {  	_ =	shalt  }
0x58: {  	_ =	shalt  }
0x59: {  	_ =	shalt  }
0x5a: {  	_ =	shalt  }
0x5b: {  	_ =	shalt  }
0x5c: {  	_ =	shalt  }
0x5d: {  	_ =	shalt  }
0x5e: {  	_ =	shalt  }
0x5f: {  	_ =	shalt  }
0x60: {  	_ =	shalt  }
0x61: {  	_ =	shalt  }
0x62: {  	_ =	shalt  }
0x63: {  	_ =	shalt  }
0x64: {  	_ =	shalt  }
0x65: {  	_ =	shalt  }
0x66: {  	_ =	shalt  }
0x67: {  	_ =	shalt  }
0x68: {  	_ =	shalt  }
0x69: {  	_ =	shalt  }
0x6a: {  	_ =	shalt  }
0x6b: {  	_ =	shalt  }
0x6c: {  	_ =	shalt  }
0x6d: {  	_ =	shalt  }
0x6e: {  	_ =	shalt  }
0x6f: {  	_ =	shalt  }
0x70: {  	_ =	shalt  }
0x71: {  	_ =	shalt  }
0x72: {  	_ =	shalt  }
0x73: {  	_ =	shalt  }
0x74: {  	_ =	shalt  }
0x75: {  	_ =	shalt  }
0x76: {  	_ =	shalt  }
0x77: {  	_ =	shalt  }
0x78: {  	_ =	shalt  }
0x79: {  	_ =	shalt  }
0x7a: {  	_ =	shalt  }
0x7b: {  	_ =	shalt  }
0x7c: {  	_ =	shalt  }
0x7d: {  	_ =	shalt  }
0x7e: {  	_ =	shalt  }
0x7f: {  	_ =	shalt  }
0x80: {  	_ =	shalt  }
0x81: {  	_ =	shalt  }
0x82: {  	_ =	shalt  }
0x83: {  	_ =	shalt  }
0x84: {  	_ =	shalt  }
0x85: {  	_ =	shalt  }
0x86: {  	_ =	shalt  }
0x87: {  	_ =	shalt  }
.Lfunc_end0:
.L_simem_size_0:
called_computation.1_lowered:
.L_overlay_start_0:
0x88: {  	s2 =	sld [smem:$0x3FD9]  }
0x89: {  	s3 =	sld [smem:$0x3FFE];
	_ =	sdelay $0x1  }
0x8a: {  	s1 =	srdreg.scid  }
0x8b: {  	s0 =	sand.u32 $0x1, s1  }
0x8c: {  	s17 =	sshll.u32 s0, $0xA;
	s2 =	sadd.s32 s3, s2  }
0x8d: {  	s2 =	sadd.s32 s2, s17  }
0x8e: {  	[smem:$0x3FBB] =	sst s2  }
0x8f: {  	_ = 	snop  }
0x90: {  	s18 =	sld [smem:$0x3FD0];
	(tm) =	ssettm $0x1  }
0x91: {  	s19 =	sld [smem:$0x3FFB];
	_ =	sdelay $0x3  }
0x92: {  	_ =	strace s19  }
0x93: {  	s2 =	sld [smem:$0x3FFC];
	_ =	sdelay $0x3  }
0x94: {  	_ =	strace s2  }
0x95: {  	s2 =	sld [smem:$0x3FFD];
	_ =	sdelay $0x3  }
0x96: {  	_ =	strace s2  }
0x97: {  	_ =	strace $0x8FFFFFFF  }
0x98: {  	s20 =	sld [smem:$0x3FDB];
	_ =	sdelay $0x1  }
0x99: {  	s4 =	simm.s32 $_scs_section_size  }
0x9a: {  	s5 =	simm.s32 $_size__tile_overlayer_lowered;
	s6 =	simm.s32 $_tile_overlayer_lowered  }
0x9b: {  	s7 =	simm.s32 $0x1BFF;
	s21 =	sshll.u32 s6, $0x1;
	s4 =	sadd.s32 s4, s20  }
0x9c: {  	s22 =	simm.s32 $0x0;
	s5 =	sshll.u32 s5, $0x1;
	s6 =	sadd.s32 s21, s4  }
0x9d: {  	[timem:s22], [sflag:s7] =	dma.local [hbm:s6], s5  }
0x9e: {  	_ =	swait.ge [sflag:s7], s5  }
0x9f: {  	s5 =	ssub.s32 $0x0, s5;
	[sflag:s7] =	ssyncset.done $0x0  }
0xa0: {  	[sflag:s7] =	ssyncadd.s32 s5;
	_ =	sdelay $0x1  }
0xa1: {  	s23 =	simm.s32 $0x1B8B  }
0xa2: {  	_ =	swait.ge [sflag:s23], $0x1  }
0xa3: {  	[sflag:s23] =	ssyncset.done $0x0  }
0xa4: {  	[sflag:s23] =	ssyncadd.s32 $0xFFFFFFFF  }
0xa5: {  	s5 =	sld [smem:$0x0]  }
0xa6: {  	s6 =	sand.u32 $0xFFFFFFFE, s1  }
0xa7: {  	p0 =	sne.s32 s1, s6  }
0xa8: {  	s6 =	sshll.u32 @p0 s6, $0xE  }
0xa9: {  	s6 =	sadd.s32 @p0 $0x11B8D, s6;
	s7 =	sshll.u32 @p0 s5, $0x11  }
0xaa: {  	s6 =	sor.u32 @p0 s7, s6  }
0xab: {  	[sflag:s6] =	ssyncadd.remote.s32 @p0 $0x1;
	_ =	sdelay $0x1  }
0xac: {  	s6 =	simm.s32 @p0 $0x1B8D  }
0xad: {  	_ =	swait.eq @p0 [sflag:s6], $0x1  }
0xae: {  	[sflag:s6] =	ssyncadd.s32 @p0 $0xFFFFFFFF  }
0xaf: {  	s7 =	sshll.u32 @!p0 s1, $0xE  }
0xb0: {  	s7 =	sor.u32 @!p0 $0x4000, s7;
	s6 =	simm.s32 @!p0 $0x1B8D  }
0xb1: {  	s5 =	sshll.u32 @!p0 s5, $0x11;
	s7 =	sadd.s32 @!p0 $0x11B8D, s7;
	_ =	swait.eq @!p0 [sflag:s6], $0x1  }
0xb2: {  	s5 =	sor.u32 @!p0 s5, s7;
	[sflag:s6] =	ssyncadd.s32 @!p0 $0xFFFFFFFF  }
0xb3: {  	s25 =	simm.s32 $0x1B8E;
	s24 =	sld [smem:$0x3FFE];
	[sflag:s5] =	ssyncadd.remote.s32 @!p0 $0x1  }
0xb4: {  	s26 =	simm.s32 $execute0_lowered;
	[smem:$0x3FD2] =	sst s25  }
0xb5: {  	s6 =	sshll.u32 s26, $0x1;
	_ =	strace $0x80000061;
	[dreg:$0x1] =	wrdreg $0xFFFFFFFF  }
0xb6: {  	s28 =	simm.s32 $_size_execute0_lowered;
	s4 =	sadd.s32 s4, s6;
	[dreg:$0x0] =	wrdreg $0x0  }
0xb7: {  	s6 =	sshll.u32 s28, $0x1;
	[dreg:$0x2] =	wrdreg s4  }
0xb8: {  	[dreg:$0x3] =	wrdreg s6  }
0xb9: {  	[dreg:$0x4] =	wrdreg $0xC0  }
0xba: {  	_ =	task [dreg:s22], $0x5FFFF  }
0xbb: {  	[dreg:$0x1] =	wrdreg $0xFFFFFFFF  }
0xbc: {  	[dreg:$0x0] =	wrdreg $0x60  }
0xbd: {  	[dreg:$0x2] =	wrdreg s18  }
0xbe: {  	[dreg:$0x3] =	wrdreg s24  }
0xbf: {  	[dreg:$0x4] =	wrdreg $0x9  }
0xc0: {  	_ =	task.clear_ibuf [dreg:s22], $0x5FFFF;
	_ =	strace $0x90000061  }
0xc1: {  	s29 =	simm.s32 $0x9;
	_ =	strace $0x80000063  }
0xc2: {  	_ =	swait.ge [sflag:s29], $0x1  }
0xc3: {  	[sflag:s29] =	ssyncadd.s32 $0xFFFFFFFF  }
0xc4: {  	_ =	strace $0x90000063  }
0xc5: {  	_ =	sfence  }
0xc6: {  	s30 =	sld [smem:$0x0];
	_ =	sdelay $0x2  }
0xc7: {  	s31 =	sshll.u32 s1, $0xD;
	s1 =	sshrl.u32 s1, $0x2  }
0xc8: {  	s4 =	sand.u32 $0x4000, s31;
	s1 =	sadd.s32 s1, s30  }
0xc9: {  	s0 =	sor.u32 s4, s0;
	s1 =	sshll.u32 s1, $0x11  }
0xca: {  	s0 =	sor.u32 s1, s0  }
0xcb: {  	s0 =	sadd.s32 $0x8F2B, s0  }
0xcc: {  	[sflag:s0] =	ssyncadd.remote.s32 $0x1  }
0xcd: {  	_ =	sfence.sel $0xFFFF  }
0xce: {  	[dreg:$0x0] =	wrdreg $0xFFFFFFFF;
	(pc) =	sbr.abs _section_cstart, $3  }
0xcf: {  	[dreg:$0x1] =	wrdreg $0xFFFFFFFF  }
0xd0: {  	_ =	task.clear_ibuf [dreg:s22], $0x2FFFF;
	_ =	strace $0x9FFFFFFF  }
0xd1: {  	(tm) =	ssettm $0x7FFFFFFF  }
tec
execute0_lowered:
.L_overlay_start_1:
0x0: {  	(tag) =	ssettag $0x1  }
0x1: {  	s6 =	rddreg [dreg:$0x0]  }
0x2: {  	s4 =	rddreg [dreg:$0x1]  }
0x3: {  	s0 =	rddreg [dreg:$0x2];
	s2 =	simm.s32 $0x0;
	s1 =	stileid.u32  }
0x4: {  	s3 =	srdreg.scid;
	[smem:$0x7FF] =	sst s2  }
0x5: {  	s5 =	sshll.u32 s1, $0xF;
	s7 =	sand.u32 $0x1, s3;
	s3 =	sadd.s32 $0x7400, s4  }
0x6: {  	s9 =	sshll.u32 s1, $0xB;
	_ =	strace $0x80000062;
	s5 =	sadd.s32 s5, s4  }
0x7: {  	s29 =	ssub.s32 $0x2, s7;
	s10 =	sshll.u32 s7, $0xA;
	s7 =	sshll.u32 s7, $0xE  }
0x8: {  	s8 =	sshrl.u32 s29, $0x1;
	s30 =	sor.u32 s10, s9;
	s5 =	sadd.s32 s7, s5  }
0x9: {  	s7 =	simm.s32 $0x2;
	s9 =	simm.s32 $0x1;
	s10 =	simm.s32 $0x0  }
0xa: {  	s4 =	ssub.s32 s29, s8;
	s31 =	sshrl.u32 s30, $0x3;
	s5 =	sadd.s32 $0x250A00, s5  }
0xb: {  	s8 =	simm.s32 $0x80;
	s4 =	smax.u32 s4, $0x1;
	s6 =	sadd.s32 s31, s6  }
.LBB2_1:
0xc: {  	s11 =	sadd.s32 $0x0, s6  }
0xd: {  	[tilespmem:s2], [sflag:$0x2] =	stream.linear.gather [hbm4b:s11+s2], $0x80, $0x38;
	[tilespmem:$0x4080] =	vst v63  }
0xe: {  	_ =	swait.ge [sflag:s7], $0x80  }
0xf: {  	[sflag:s7] =	ssyncset.done $0x0  }
0x10: {  	[sflag:s7] =	ssyncadd.s32 $0xFFFFFF80  }
0x11: {  	[tilespmem:s8], [sflag:$0x1] =	stream.indirect.gather [hbm4b:s3+s8], $0x80, s2, s8, $0xb8;
	[tilespmem:$0x4080] =	vst v63  }
0x12: {  	_ =	swait.ge [sflag:s9], $0x4000  }
0x13: {  	[sflag:s9] =	ssyncset.done $0x0  }
0x14: {  	[sflag:s9] =	ssyncadd.s32 $0xFFFFC000  }
0x15: {  	[hbm4b:s5+s2] =	stream.linear.scatter [tilespmem:s8], [sflag:$0x2], $0x4000, $0x38;
	[tilespmem:$0x4080] =	vst v63  }
0x16: {  	s12 =	simm.s32 $0x10;
	_ =	swait.ge [sflag:s7], $0x4000  }
0x17: {  	s13 =	simm.s32 $0x20;
	s11 =	sadd.s32 $0x800, s5;
	[sflag:s7] =	ssyncset.done $0x0  }
.LBB2_2:
0x18: {  	s14 =	sadd.s32 s12, s6  }
0x19: {  	[sflag:s7] =	ssyncadd.s32 $0xFFFFC000;
	s12 =	smov.u32 s13;
	s15 =	sadd.s32 $0x10, s13  }
0x1a: {  	[tilespmem:s2], [sflag:$0x2] =	stream.linear.gather [hbm4b:s14+s2], $0x80, $0x38;
	[tilespmem:$0x4080] =	vst v63  }
0x1b: {  	p0 =	sne.s32 s13, $0x70;
	_ =	swait.ge [sflag:s7], $0x80  }
0x1c: {  	[sflag:s7] =	ssyncset.done $0x0  }
0x1d: {  	[sflag:s7] =	ssyncadd.s32 $0xFFFFFF80  }
0x1e: {  	[tilespmem:s8], [sflag:$0x1] =	stream.indirect.gather [hbm4b:s3+s8], $0x80, s2, s8, $0xb8;
	[tilespmem:$0x4080] =	vst v63  }
0x1f: {  	_ =	swait.ge [sflag:s9], $0x4000  }
.Ltmp0:
0x20: {  	[sflag:s9] =	ssyncset.done $0x0;
	(pc) =	sbr.rel @p0 .LBB2_2-.Ltmp0, $4  }
0x21: {  	[sflag:s9] =	ssyncadd.s32 $0xFFFFC000  }
0x22: {  	[hbm4b:s11+s2] =	stream.linear.scatter [tilespmem:s8], [sflag:$0x2], $0x4000, $0x38;
	[tilespmem:$0x4080] =	vst v63  }
0x23: {  	_ =	swait.ge [sflag:s7], $0x4000  }
0x24: {  	s13 =	smov.u32 s15;
	s11 =	sadd.s32 $0x800, s11;
	[sflag:s7] =	ssyncset.done $0x0  }
0x25: {  	s12 =	sadd.s32 s12, s6;
	[sflag:s7] =	ssyncadd.s32 $0xFFFFC000  }
0x26: {  	[tilespmem:s2], [sflag:$0x2] =	stream.linear.gather [hbm4b:s12+s2], $0x80, $0x38;
	[tilespmem:$0x4080] =	vst v63  }
0x27: {  	_ =	swait.ge [sflag:s7], $0x80  }
0x28: {  	[sflag:s7] =	ssyncset.done $0x0  }
0x29: {  	[sflag:s7] =	ssyncadd.s32 $0xFFFFFF80  }
0x2a: {  	[tilespmem:s8], [sflag:$0x1] =	stream.indirect.gather [hbm4b:s3+s8], $0x80, s2, s8, $0xb8;
	[tilespmem:$0x4080] =	vst v63  }
0x2b: {  	s10 =	sadd.s32 $0x1, s10;
	_ =	swait.ge [sflag:s9], $0x4000  }
0x2c: {  	p0 =	sne.s32 s10, s4;
	[sflag:s9] =	ssyncset.done $0x0  }
.Ltmp1:
0x2d: {  	[sflag:s9] =	ssyncadd.s32 $0xFFFFC000;
	(pc) =	sbr.rel @p0 .LBB2_1-.Ltmp1, $4  }
0x2e: {  	[hbm4b:s11+s2] =	stream.linear.scatter [tilespmem:s8], [sflag:$0x2], $0x4000, $0x38;
	[tilespmem:$0x4080] =	vst v63  }
0x2f: {  	_ =	swait.ge [sflag:s7], $0x4000  }
0x30: {  	[sflag:s7] =	ssyncset.done $0x0  }
0x31: {  	[sflag:s7] =	ssyncadd.s32 $0xFFFFC000  }
0x32: {  	_ =	sfence.sel $0x180000  }
0x33: {  	[bflag:$0x0] =	sbarrier.arrive $0xFFFF  }
0x34: {  	p0 =	sne.s32 s1, $0x0;
	_ =	strace $0x90000062  }
0x35: {  	s0 =	sadd.s32 @!p0 $0x100000, s0;
	[bflag:$0x2] =	sbarrier.arrive $0xFFFF  }
0x36: {  	[sflag:s0] =	ssyncadd.tile.s32 @!p0 $0x1;
	_ =	shalt  }
.Lfunc_end2:
_tile_overlayer_lowered:
.L_overlay_start_2:
0x37: {  	(tag) =	ssettag $0x2  }
0x38: {  	s0 =	rddreg [dreg:$0x0];
	s2 =	stileid.u32  }
0x39: {  	s1 =	rddreg [dreg:$0x1];
	p0 =	sne.s32 s2, $0x0  }
0x3a: {  	s3 =	rddreg [dreg:$0x2];
	[bflag:$0x3] =	sbarrier.arrive $0xFFFF;
	s2 =	simm.s32 @!p0 $0x1C02  }
0x3b: {  	[timem:s3], [sflag:s2] =	dma.local @!p0 [hbm:s0], s1  }
0x3c: {  	s0 =	simm.s32 @!p0 $0x2  }
0x3d: {  	_ =	swait.ge @!p0 [sflag:s0], s1  }
0x3e: {  	s1 =	ssub.s32 @!p0 $0x0, s1;
	[sflag:s0] =	ssyncset.done @!p0 $0x0  }
0x3f: {  	[sflag:s0] =	ssyncadd.s32 @!p0 s1  }
0x40: {  	[bflag:$0x3] =	sbarrier.arrive $0xFFFF  }
0x41: {  	_ =	shalt  }

// kernel: kernel.39.cloned.1.call-start
scs
__scs_entry_jumppad:
0x0: {  	(pc) =	sbr.rel $0x88, $3  }
0x1: {  	(tag) =	ssettag $0x0;
	lr =	simm.s32 $0x1  }
0x2: {  	[smem:$0x3F94] =	sst lr;
	_ =	strace $0xD0000000  }
0x3: {  	_ = 	snop  }
0x4: {  	_ = 	snop  }
0x5: {  	_ = 	snop  }
0x6: {  	_ = 	snop  }
0x7: {  	_ = 	snop  }
__scs_overlays_trampoline_lowered:
0x8: {  	[smem:$0x3FA3] =	sst s0  }
0x9: {  	[smem:$0x3FA4] =	sst s1  }
0xa: {  	[smem:$0x3FA5] =	sst s2  }
0xb: {  	[smem:$0x3FA6] =	sst s3  }
0xc: {  	[smem:$0x3FA7] =	sst s4  }
0xd: {  	[smem:$0x3FA8] =	sst s5  }
0xe: {  	[smem:$0x3FA9] =	sst s6  }
0xf: {  	[smem:$0x3FAA] =	sst s7  }
0x10: {  	[smem:$0x3FAB] =	sst s8  }
0x11: {  	[smem:$0x3FAC] =	sst s9;
	s0 =	simm.s32 @!p0 $0x0  }
0x12: {  	s1 =	sld [smem:$0x3F92];
	s0 =	simm.s32 @p0 $0x1  }
0x13: {  	[smem:$0x3FAD] =	sst s0;
	s0 =	simm.s32 @!p1 $0x0  }
0x14: {  	s2 =	sld [smem:$0x3F91];
	s0 =	simm.s32 @p1 $0x1  }
0x15: {  	[smem:$0x3FAE] =	sst s0;
	s0 =	simm.s32 @!p2 $0x0  }
0x16: {  	s3 =	sld [smem:$0x3FDB];
	s0 =	simm.s32 @p2 $0x1  }
0x17: {  	s4 =	simm.s32 $0x1BF5;
	[smem:$0x3FB0] =	sst s0  }
0x18: {  	s0 =	sld [smem:$0x3F93];
	_ =	swait.ge [sflag:s4], $0x0  }
0x19: {  	s7 =	sld [smem:$0x3F94]  }
0x1a: {  	s8 =	sadd.s32 $0xFFFFE003, lr  }
0x1b: {  	s9 =	sadd.s32 $0xFFFFFEF7, lr;
	s5 =	simm.s32 $0xFFFFFFFF;
	p2 =	slt.u32 s8, $0xFFFFF086  }
0x1c: {  	p1 =	slt.u32 s9, $0xF7A;
	s5 =	simm.s32 @!p2 $0x0  }
0x1d: {  	s5 =	simm.s32 @p1 $0x1;
	p0 =	seq.s32 s7, s2  }
0x1e: {  	s7 =	smul.u32 @!p0 $0xF7A, s2;
	p2 =	seq.s32 @!p0 s5, $0x0  }
0x1f: {  	s9 =	smul.u32 $0xF7A, s1;
	s8 =	simm.s32 @!p0 $0x1BF5;
	p2 =	por !p2, p0  }
0x20: {  	[sflag:s8] =	ssyncset.s32 @!p0 $0xFFFFF086;
	s6 =	sadd.s32 @!p0 s3, s7;
	s7 =	simm.s32 @!p0 $0x108  }
0x21: {  	s3 =	sadd.s32 s3, s9;
	s6 =	sadd.s32 @!p0 $0x88, s6;
	s7 =	simm.s32 @p2 $0x1082  }
0x22: {  	[simem:s7], [sflag:s8] =	dma.local @!p0 [hbm:s6], $0xF7A  }
0x23: {  	s9 =	sor.u32 $0xD0000000, s2;
	s6 =	simm.s32 $0x108;
	_ =	swait.ge @!p0 [sflag:s8], $0x0  }
0x24: {  	s3 =	sadd.s32 $0x88, s3;
	s6 =	simm.s32 @!p1 $0x1082;
	[sflag:s4] =	ssyncset.s32 $0xFFFFF086  }
0x25: {  	[simem:s6], [sflag:s4] =	dma.local [hbm:s3], $0xF7A  }
0x26: {  	[smem:$0x3F94] =	sst s1;
	(tag) =	ssettag s2;
	_ =	strace s9  }
0x27: {  	s1 =	sld [smem:$0x3FA4]  }
0x28: {  	s2 =	sld [smem:$0x3FA5]  }
0x29: {  	s4 =	sld [smem:$0x3FA7]  }
0x2a: {  	p0 =	seq.s32 s5, $0x0;
	s5 =	sld [smem:$0x3FA8]  }
0x2b: {  	s6 =	sld [smem:$0x3FA9]  }
0x2c: {  	s7 =	sld [smem:$0x3FAA]  }
0x2d: {  	s3 =	simm.s32 $0x108;
	s8 =	sld [smem:$0x3FAB]  }
0x2e: {  	s3 =	simm.s32 @!p0 $0x1082;
	s9 =	sld [smem:$0x3FAC]  }
0x2f: {  	lr =	sadd.s32 s0, s3;
	s0 =	sld [smem:$0x3FA3]  }
0x30: {  	s3 =	sld [smem:$0x3FA6]  }
0x31: {  	[smem:$0x3FAF] =	sst s10  }
0x32: {  	s10 =	sld [smem:$0x3FAD];
	_ =	sdelay $0x3  }
0x33: {  	p0 =	seq.s32 s10, $0x1;
	s10 =	sld [smem:$0x3FAF];
	_ =	sdelay $0x3  }
0x34: {  	[smem:$0x3FAF] =	sst s10  }
0x35: {  	s10 =	sld [smem:$0x3FAE];
	_ =	sdelay $0x3  }
0x36: {  	p1 =	seq.s32 s10, $0x1;
	s10 =	sld [smem:$0x3FAF];
	_ =	sdelay $0x3  }
0x37: {  	[smem:$0x3FAF] =	sst s10  }
0x38: {  	s10 =	sld [smem:$0x3FB0]  }
0x39: {  	_ = 	snop;
	(pc) =	sbr.ind lr, $3  }
0x3a: {  	_ = 	snop  }
0x3b: {  	_ = 	snop  }
0x3c: {  	p2 =	seq.s32 s10, $0x1;
	s10 =	sld [smem:$0x3FAF]  }
0x3d: {  	_ =	shalt  }
0x3e: {  	_ =	shalt  }
0x3f: {  	_ =	shalt  }
0x40: {  	_ =	shalt  }
0x41: {  	_ =	shalt  }
0x42: {  	_ =	shalt  }
0x43: {  	_ =	shalt  }
0x44: {  	_ =	shalt  }
0x45: {  	_ =	shalt  }
0x46: {  	_ =	shalt  }
0x47: {  	_ =	shalt  }
0x48: {  	_ =	shalt  }
0x49: {  	_ =	shalt  }
0x4a: {  	_ =	shalt  }
0x4b: {  	_ =	shalt  }
0x4c: {  	_ =	shalt  }
0x4d: {  	_ =	shalt  }
0x4e: {  	_ =	shalt  }
0x4f: {  	_ =	shalt  }
0x50: {  	_ =	shalt  }
0x51: {  	_ =	shalt  }
0x52: {  	_ =	shalt  }
0x53: {  	_ =	shalt  }
0x54: {  	_ =	shalt  }
0x55: {  	_ =	shalt  }
0x56: {  	_ =	shalt  }
0x57: {  	_ =	shalt  }
0x58: {  	_ =	shalt  }
0x59: {  	_ =	shalt  }
0x5a: {  	_ =	shalt  }
0x5b: {  	_ =	shalt  }
0x5c: {  	_ =	shalt  }
0x5d: {  	_ =	shalt  }
0x5e: {  	_ =	shalt  }
0x5f: {  	_ =	shalt  }
0x60: {  	_ =	shalt  }
0x61: {  	_ =	shalt  }
0x62: {  	_ =	shalt  }
0x63: {  	_ =	shalt  }
0x64: {  	_ =	shalt  }
0x65: {  	_ =	shalt  }
0x66: {  	_ =	shalt  }
0x67: {  	_ =	shalt  }
0x68: {  	_ =	shalt  }
0x69: {  	_ =	shalt  }
0x6a: {  	_ =	shalt  }
0x6b: {  	_ =	shalt  }
0x6c: {  	_ =	shalt  }
0x6d: {  	_ =	shalt  }
0x6e: {  	_ =	shalt  }
0x6f: {  	_ =	shalt  }
0x70: {  	_ =	shalt  }
0x71: {  	_ =	shalt  }
0x72: {  	_ =	shalt  }
0x73: {  	_ =	shalt  }
0x74: {  	_ =	shalt  }
0x75: {  	_ =	shalt  }
0x76: {  	_ =	shalt  }
0x77: {  	_ =	shalt  }
0x78: {  	_ =	shalt  }
0x79: {  	_ =	shalt  }
0x7a: {  	_ =	shalt  }
0x7b: {  	_ =	shalt  }
0x7c: {  	_ =	shalt  }
0x7d: {  	_ =	shalt  }
0x7e: {  	_ =	shalt  }
0x7f: {  	_ =	shalt  }
0x80: {  	_ =	shalt  }
0x81: {  	_ =	shalt  }
0x82: {  	_ =	shalt  }
0x83: {  	_ =	shalt  }
0x84: {  	_ =	shalt  }
0x85: {  	_ =	shalt  }
0x86: {  	_ =	shalt  }
0x87: {  	_ =	shalt  }
.Lfunc_end0:
.L_simem_size_0:
called_computation.2_lowered:
.L_overlay_start_0:
0x88: {  	s2 =	sld [smem:$0x3FD9]  }
0x89: {  	s3 =	sld [smem:$0x3FFE];
	_ =	sdelay $0x1  }
0x8a: {  	s1 =	srdreg.scid  }
0x8b: {  	s0 =	sand.u32 $0x1, s1  }
0x8c: {  	s16 =	sshll.u32 s0, $0xA;
	s2 =	sadd.s32 s3, s2  }
0x8d: {  	s2 =	sadd.s32 s2, s16  }
0x8e: {  	[smem:$0x3FBB] =	sst s2  }
0x8f: {  	_ = 	snop  }
0x90: {  	(tm) =	ssettm $0x1  }
0x91: {  	s17 =	sld [smem:$0x3FFB];
	_ =	sdelay $0x3  }
0x92: {  	_ =	strace s17  }
0x93: {  	s2 =	sld [smem:$0x3FFC];
	_ =	sdelay $0x3  }
0x94: {  	_ =	strace s2  }
0x95: {  	s2 =	sld [smem:$0x3FFD];
	_ =	sdelay $0x3  }
0x96: {  	_ =	strace s2  }
0x97: {  	_ =	strace $0x8FFFFFFF  }
0x98: {  	s18 =	sld [smem:$0x3FDB];
	_ =	sdelay $0x1  }
0x99: {  	s19 =	simm.s32 $_scs_section_size  }
0x9a: {  	s4 =	simm.s32 $_size__tile_overlayer_lowered;
	s5 =	simm.s32 $_tile_overlayer_lowered  }
0x9b: {  	s22 =	simm.s32 $0x1BFF;
	s21 =	sshll.u32 s5, $0x1;
	s2 =	sadd.s32 s19, s18  }
0x9c: {  	s6 =	simm.s32 $0x0;
	s20 =	sshll.u32 s4, $0x1;
	s4 =	sadd.s32 s21, s2  }
0x9d: {  	[timem:s6], [sflag:s22] =	dma.local [hbm:s4], s20  }
0x9e: {  	_ =	swait.ge [sflag:s22], s20  }
0x9f: {  	s3 =	ssub.s32 $0x0, s20;
	[sflag:s22] =	ssyncset.done $0x0  }
0xa0: {  	[sflag:s22] =	ssyncadd.s32 s3;
	_ =	sdelay $0x1  }
0xa1: {  	s23 =	simm.s32 $0x1B8B  }
0xa2: {  	_ =	swait.ge [sflag:s23], $0x1  }
0xa3: {  	[sflag:s23] =	ssyncset.done $0x0  }
0xa4: {  	s25 =	simm.s32 $0x1B8E;
	s24 =	sld [smem:$0x3FFE];
	[sflag:s23] =	ssyncadd.s32 $0xFFFFFFFF  }
0xa5: {  	s26 =	simm.s32 $execute0_lowered;
	[smem:$0x3FD2] =	sst s25  }
0xa6: {  	s4 =	sshll.u32 s26, $0x1;
	_ =	strace $0x80000046;
	[dreg:$0x1] =	wrdreg $0xFFFFFFFF  }
0xa7: {  	s28 =	simm.s32 $_size_execute0_lowered;
	s2 =	sadd.s32 s2, s4;
	[dreg:$0x0] =	wrdreg $0x0  }
0xa8: {  	s4 =	sshll.u32 s28, $0x1;
	[dreg:$0x2] =	wrdreg s2  }
0xa9: {  	[dreg:$0x3] =	wrdreg s4  }
0xaa: {  	[dreg:$0x4] =	wrdreg $0xC0  }
0xab: {  	_ =	task [dreg:s6], $0x5FFFF  }
0xac: {  	[dreg:$0x1] =	wrdreg $0xFFFFFFFF  }
0xad: {  	[dreg:$0x0] =	wrdreg $0x60  }
0xae: {  	[dreg:$0x2] =	wrdreg s24  }
0xaf: {  	[dreg:$0x3] =	wrdreg $0xA  }
0xb0: {  	_ =	task.clear_ibuf [dreg:s6], $0x4FFFF;
	_ =	strace $0x90000046  }
0xb1: {  	s29 =	simm.s32 $0xA;
	_ =	strace $0x80000048  }
0xb2: {  	_ =	swait.ge [sflag:s29], $0x1  }
0xb3: {  	[sflag:s29] =	ssyncadd.s32 $0xFFFFFFFF  }
0xb4: {  	_ =	strace $0x90000048  }
0xb5: {  	_ =	sfence  }
0xb6: {  	s30 =	sld [smem:$0x0];
	_ =	sdelay $0x2  }
0xb7: {  	s31 =	sshll.u32 s1, $0xD;
	s1 =	sshrl.u32 s1, $0x2  }
0xb8: {  	s3 =	sand.u32 $0x4000, s31;
	s1 =	sadd.s32 s1, s30  }
0xb9: {  	s0 =	sor.u32 s3, s0;
	s1 =	sshll.u32 s1, $0x11  }
0xba: {  	s0 =	sor.u32 s1, s0  }
0xbb: {  	s0 =	sadd.s32 $0x8F2B, s0  }
0xbc: {  	[sflag:s0] =	ssyncadd.remote.s32 $0x1  }
0xbd: {  	_ =	sfence.sel $0xFFFF  }
0xbe: {  	[dreg:$0x0] =	wrdreg $0xFFFFFFFF;
	(pc) =	sbr.abs _section_cstart, $3  }
0xbf: {  	[dreg:$0x1] =	wrdreg $0xFFFFFFFF  }
0xc0: {  	_ =	task.clear_ibuf [dreg:s6], $0x2FFFF;
	_ =	strace $0x9FFFFFFF  }
0xc1: {  	(tm) =	ssettm $0x7FFFFFFF  }
tec
execute0_lowered:
.L_overlay_start_1:
0x0: {  	(tag) =	ssettag $0x1  }
0x1: {  	s3 =	rddreg [dreg:$0x0]  }
0x2: {  	s2 =	srdreg.scid;
	s0 =	rddreg [dreg:$0x1]  }
0x3: {  	s1 =	stileid.u32;
	s9 =	simm.s32 $0x2;
	s10 =	simm.s32 $0x80  }
0x4: {  	s11 =	simm.s32 $0x1;
	s12 =	simm.s32 $0x0;
	s4 =	sand.u32 $0x1, s2  }
0x5: {  	s2 =	simm.s32 $0x0;
	s5 =	sshll.u32 s1, $0xB;
	s29 =	sshll.u32 s1, $0xF  }
0x6: {  	s6 =	sshll.u32 s4, $0xA;
	[smem:$0x7FF] =	sst s2;
	s30 =	ssub.s32 $0x2, s4  }
0x7: {  	s4 =	sshll.u32 s4, $0xE;
	s5 =	sor.u32 s6, s5;
	s7 =	sshrl.u32 s30, $0x1  }
0x8: {  	_ =	strace $0x80000047;
	s5 =	sshrl.u32 s5, $0x3;
	s6 =	ssub.s32 s30, s7  }
0x9: {  	s8 =	sadd.s32 s5, s3;
	s5 =	sadd.s32 s29, s3;
	s3 =	sadd.s32 $0x16000, s3  }
0xa: {  	s31 =	sadd.s32 s4, s5;
	s4 =	smax.u32 s6, $0x1;
	s6 =	sadd.s32 $0x1E000, s8  }
0xb: {  	s8 =	sadd.s32 $0x1F000, s8;
	s5 =	sadd.s32 $0x20000, s31;
	s7 =	sadd.s32 $0xA0000, s31  }
.LBB2_1:
0xc: {  	s13 =	sadd.s32 $0x0, s6  }
0xd: {  	[tilespmem:s2], [sflag:$0x2] =	stream.linear.gather [hbm4b:s13+s2], $0x80, $0x38;
	[tilespmem:$0x4080] =	vst v63  }
0xe: {  	_ =	swait.ge [sflag:s9], $0x80  }
0xf: {  	[sflag:s9] =	ssyncset.done $0x0  }
0x10: {  	[sflag:s9] =	ssyncadd.s32 $0xFFFFFF80  }
0x11: {  	[tilespmem:s10], [sflag:$0x1] =	stream.indirect.gather [hbm4b:s3+s10], $0x80, s2, s10, $0xb8;
	[tilespmem:$0x4080] =	vst v63  }
0x12: {  	_ =	swait.ge [sflag:s11], $0x4000  }
0x13: {  	[sflag:s11] =	ssyncset.done $0x0  }
0x14: {  	[sflag:s11] =	ssyncadd.s32 $0xFFFFC000  }
0x15: {  	[hbm4b:s5+s2] =	stream.linear.scatter [tilespmem:s10], [sflag:$0x2], $0x4000, $0x38;
	[tilespmem:$0x4080] =	vst v63  }
0x16: {  	s16 =	sadd.s32 $0x10, s6;
	_ =	swait.ge [sflag:s9], $0x4000  }
0x17: {  	s14 =	simm.s32 $0x20;
	s13 =	sadd.s32 $0x800, s5;
	[sflag:s9] =	ssyncset.done $0x0  }
.LBB2_2:
0x18: {  	s17 =	sadd.s32 s14, s6;
	s15 =	simm.s32 $0x0;
	[sflag:s9] =	ssyncadd.s32 $0xFFFFC000  }
0x19: {  	[tilespmem:s15], [sflag:$0x2] =	stream.linear.gather [hbm4b:s16+s15], $0x80, $0x38;
	[tilespmem:$0x4080] =	vst v63  }
0x1a: {  	p0 =	sne.s32 s14, $0x70;
	s14 =	sadd.s32 $0x10, s14;
	_ =	swait.ge [sflag:s9], $0x80  }
0x1b: {  	s16 =	smov.u32 s17;
	[sflag:s9] =	ssyncset.done $0x0  }
0x1c: {  	[sflag:s9] =	ssyncadd.s32 $0xFFFFFF80  }
0x1d: {  	[tilespmem:s10], [sflag:$0x1] =	stream.indirect.gather [hbm4b:s3+s10], $0x80, s15, s10, $0xb8;
	[tilespmem:$0x4080] =	vst v63  }
0x1e: {  	_ =	swait.ge [sflag:s11], $0x4000  }
.Ltmp0:
0x1f: {  	[sflag:s11] =	ssyncset.done $0x0;
	(pc) =	sbr.rel @p0 .LBB2_2-.Ltmp0, $4  }
0x20: {  	[sflag:s11] =	ssyncadd.s32 $0xFFFFC000  }
0x21: {  	[hbm4b:s13+s15] =	stream.linear.scatter [tilespmem:s10], [sflag:$0x2], $0x4000, $0x38;
	[tilespmem:$0x4080] =	vst v63  }
0x22: {  	_ =	swait.ge [sflag:s9], $0x4000  }
0x23: {  	s13 =	sadd.s32 $0x800, s13;
	[sflag:s9] =	ssyncset.done $0x0  }
0x24: {  	[sflag:s9] =	ssyncadd.s32 $0xFFFFC000  }
0x25: {  	[tilespmem:s15], [sflag:$0x2] =	stream.linear.gather [hbm4b:s16+s15], $0x80, $0x38;
	[tilespmem:$0x4080] =	vst v63  }
0x26: {  	_ =	swait.ge [sflag:s9], $0x80  }
0x27: {  	[sflag:s9] =	ssyncset.done $0x0  }
0x28: {  	[sflag:s9] =	ssyncadd.s32 $0xFFFFFF80  }
0x29: {  	[tilespmem:s10], [sflag:$0x1] =	stream.indirect.gather [hbm4b:s3+s10], $0x80, s15, s10, $0xb8;
	[tilespmem:$0x4080] =	vst v63  }
0x2a: {  	_ =	swait.ge [sflag:s11], $0x4000  }
0x2b: {  	p1 =	por $0x1, $0x1;
	[sflag:s11] =	ssyncset.done $0x0  }
.Ltmp1:
0x2c: {  	[sflag:s11] =	ssyncadd.s32 $0xFFFFC000;
	(pc) =	sbr.rel @!p1 .LBB2_8-.Ltmp1, $4  }
0x2d: {  	[hbm4b:s13+s15] =	stream.linear.scatter [tilespmem:s10], [sflag:$0x2], $0x4000, $0x38;
	[tilespmem:$0x4080] =	vst v63  }
0x2e: {  	_ =	swait.ge [sflag:s9], $0x4000  }
0x2f: {  	p0 =	por $0x0, $0x0;
	[sflag:s9] =	ssyncset.done $0x0  }
0x30: {  	s14 =	smov.u32 s7;
	s13 =	simm.s32 $0x10;
	[sflag:s9] =	ssyncadd.s32 $0xFFFFC000  }
0x31: {  	s14 =	sadd.s32 $0x0, s8  }
0x32: {  	[tilespmem:s2], [sflag:$0x2] =	stream.linear.gather [hbm4b:s14+s2], $0x80, $0x38;
	[tilespmem:$0x4080] =	vst v63  }
0x33: {  	_ =	swait.ge [sflag:s9], $0x80  }
0x34: {  	[sflag:s9] =	ssyncset.done $0x0  }
0x35: {  	[sflag:s9] =	ssyncadd.s32 $0xFFFFFF80  }
0x36: {  	[tilespmem:s10], [sflag:$0x1] =	stream.indirect.gather [hbm4b:s3+s10], $0x80, s2, s10, $0xb8;
	[tilespmem:$0x4080] =	vst v63  }
0x37: {  	p1 =	por $0x1, $0x1;
	_ =	swait.ge [sflag:s11], $0x4000  }
.Ltmp2:
0x38: {  	[sflag:s11] =	ssyncset.done $0x0;
	(pc) =	sbr.rel @!p1 .LBB2_5-.Ltmp2, $4  }
0x39: {  	[sflag:s11] =	ssyncadd.s32 $0xFFFFC000  }
0x3a: {  	[hbm4b:s7+s2] =	stream.linear.scatter [tilespmem:s10], [sflag:$0x2], $0x4000, $0x38;
	[tilespmem:$0x4080] =	vst v63  }
0x3b: {  	s15 =	simm.s32 $0x20;
	_ =	swait.ge [sflag:s9], $0x4000  }
0x3c: {  	p0 =	por $0x1, $0x1;
	s14 =	sadd.s32 $0x800, s7;
	[sflag:s9] =	ssyncset.done $0x0  }
.LBB2_6:
0x3d: {  	s16 =	sadd.s32 s13, s8  }
0x3e: {  	[sflag:s9] =	ssyncadd.s32 $0xFFFFC000;
	s13 =	smov.u32 s15;
	s17 =	sadd.s32 $0x10, s15  }
0x3f: {  	[tilespmem:s2], [sflag:$0x2] =	stream.linear.gather [hbm4b:s16+s2], $0x80, $0x38;
	[tilespmem:$0x4080] =	vst v63  }
0x40: {  	p1 =	sne.s32 s15, $0x70;
	_ =	swait.ge [sflag:s9], $0x80  }
0x41: {  	[sflag:s9] =	ssyncset.done $0x0  }
0x42: {  	[sflag:s9] =	ssyncadd.s32 $0xFFFFFF80  }
0x43: {  	[tilespmem:s10], [sflag:$0x1] =	stream.indirect.gather [hbm4b:s3+s10], $0x80, s2, s10, $0xb8;
	[tilespmem:$0x4080] =	vst v63  }
0x44: {  	_ =	swait.ge [sflag:s11], $0x4000  }
.Ltmp3:
0x45: {  	[sflag:s11] =	ssyncset.done $0x0;
	(pc) =	sbr.rel @p1 .LBB2_6-.Ltmp3, $4  }
0x46: {  	[sflag:s11] =	ssyncadd.s32 $0xFFFFC000  }
0x47: {  	[hbm4b:s14+s2] =	stream.linear.scatter [tilespmem:s10], [sflag:$0x2], $0x4000, $0x38;
	[tilespmem:$0x4080] =	vst v63  }
0x48: {  	_ =	swait.ge [sflag:s9], $0x4000  }
0x49: {  	s15 =	smov.u32 s17;
	s14 =	sadd.s32 $0x800, s14;
	[sflag:s9] =	ssyncset.done $0x0  }
0x4a: {  	s15 =	smov.u32 s13  }
.LBB2_8:
0x4b: {  	s13 =	sadd.s32 s15, s8;
	[sflag:s9] =	ssyncadd.s32 @p0 $0xFFFFC000  }
0x4c: {  	[tilespmem:s2], [sflag:$0x2] =	stream.linear.gather [hbm4b:s13+s2], $0x80, $0x38;
	[tilespmem:$0x4080] =	vst v63  }
0x4d: {  	_ =	swait.ge [sflag:s9], $0x80  }
0x4e: {  	[sflag:s9] =	ssyncset.done $0x0  }
0x4f: {  	[sflag:s9] =	ssyncadd.s32 $0xFFFFFF80  }
0x50: {  	[tilespmem:s10], [sflag:$0x1] =	stream.indirect.gather [hbm4b:s3+s10], $0x80, s2, s10, $0xb8;
	[tilespmem:$0x4080] =	vst v63  }
0x51: {  	_ =	swait.ge [sflag:s11], $0x4000  }
0x52: {  	s12 =	sadd.s32 $0x1, s12;
	[sflag:s11] =	ssyncset.done $0x0  }
0x53: {  	p0 =	sne.s32 s12, s4;
	[sflag:s11] =	ssyncadd.s32 $0xFFFFC000  }
0x54: {  	[hbm4b:s14+s2] =	stream.linear.scatter [tilespmem:s10], [sflag:$0x2], $0x4000, $0x38;
	[tilespmem:$0x4080] =	vst v63  }
.Ltmp4:
0x55: {  	_ = 	snop;
	(pc) =	sbr.rel @p0 .LBB2_1-.Ltmp4, $4  }
.Ltmp5:
0x56: {  	_ = 	snop;
	(pc) =	sbr.rel @!p0 .LBB2_9-.Ltmp5, $4  }
0x57: {  	_ =	swait.ge [sflag:s9], $0x4000  }
0x58: {  	[sflag:s9] =	ssyncset.done $0x0  }
0x59: {  	[sflag:s9] =	ssyncadd.s32 $0xFFFFC000  }
0x5a: {  	_ = 	snop  }
.LBB2_5:
.Ltmp6:
0x5b: {  	(pc) =	sbr.rel .LBB2_8-.Ltmp6, $2  }
0x5c: {  	_ =	sdelay $0x2  }
0x5d: {  	s15 =	simm.s32 $0x10  }
.LBB2_9:
0x5e: {  	_ =	sfence.sel $0x180000  }
0x5f: {  	[bflag:$0x0] =	sbarrier.arrive $0xFFFF  }
0x60: {  	p0 =	sne.s32 s1, $0x0;
	_ =	strace $0x90000047  }
0x61: {  	s0 =	sadd.s32 @!p0 $0x100000, s0;
	[bflag:$0x2] =	sbarrier.arrive $0xFFFF  }
0x62: {  	[sflag:s0] =	ssyncadd.tile.s32 @!p0 $0x1;
	_ =	shalt  }
.Lfunc_end2:
_tile_overlayer_lowered:
.L_overlay_start_2:
0x63: {  	(tag) =	ssettag $0x2  }
0x64: {  	s0 =	rddreg [dreg:$0x0];
	s2 =	stileid.u32  }
0x65: {  	s1 =	rddreg [dreg:$0x1];
	p0 =	sne.s32 s2, $0x0  }
0x66: {  	s3 =	rddreg [dreg:$0x2];
	[bflag:$0x3] =	sbarrier.arrive $0xFFFF;
	s2 =	simm.s32 @!p0 $0x1C02  }
0x67: {  	[timem:s3], [sflag:s2] =	dma.local @!p0 [hbm:s0], s1  }
0x68: {  	s0 =	simm.s32 @!p0 $0x2  }
0x69: {  	_ =	swait.ge @!p0 [sflag:s0], s1  }
0x6a: {  	s1 =	ssub.s32 @!p0 $0x0, s1;
	[sflag:s0] =	ssyncset.done @!p0 $0x0  }
0x6b: {  	[sflag:s0] =	ssyncadd.s32 @!p0 s1  }
0x6c: {  	[bflag:$0x3] =	sbarrier.arrive $0xFFFF  }
0x6d: {  	_ =	shalt  }

// kernel: kernel.42.cloned.1.call-start
scs
__scs_entry_jumppad:
0x0: {  	(pc) =	sbr.rel $0x88, $3  }
0x1: {  	(tag) =	ssettag $0x0;
	lr =	simm.s32 $0x1  }
0x2: {  	[smem:$0x3F94] =	sst lr;
	_ =	strace $0xD0000000  }
0x3: {  	_ = 	snop  }
0x4: {  	_ = 	snop  }
0x5: {  	_ = 	snop  }
0x6: {  	_ = 	snop  }
0x7: {  	_ = 	snop  }
__scs_overlays_trampoline_lowered:
0x8: {  	[smem:$0x3FA3] =	sst s0  }
0x9: {  	[smem:$0x3FA4] =	sst s1  }
0xa: {  	[smem:$0x3FA5] =	sst s2  }
0xb: {  	[smem:$0x3FA6] =	sst s3  }
0xc: {  	[smem:$0x3FA7] =	sst s4  }
0xd: {  	[smem:$0x3FA8] =	sst s5  }
0xe: {  	[smem:$0x3FA9] =	sst s6  }
0xf: {  	[smem:$0x3FAA] =	sst s7  }
0x10: {  	[smem:$0x3FAB] =	sst s8  }
0x11: {  	[smem:$0x3FAC] =	sst s9;
	s0 =	simm.s32 @!p0 $0x0  }
0x12: {  	s1 =	sld [smem:$0x3F92];
	s0 =	simm.s32 @p0 $0x1  }
0x13: {  	[smem:$0x3FAD] =	sst s0;
	s0 =	simm.s32 @!p1 $0x0  }
0x14: {  	s2 =	sld [smem:$0x3F91];
	s0 =	simm.s32 @p1 $0x1  }
0x15: {  	[smem:$0x3FAE] =	sst s0;
	s0 =	simm.s32 @!p2 $0x0  }
0x16: {  	s3 =	sld [smem:$0x3FDB];
	s0 =	simm.s32 @p2 $0x1  }
0x17: {  	s4 =	simm.s32 $0x1BF5;
	[smem:$0x3FB0] =	sst s0  }
0x18: {  	s0 =	sld [smem:$0x3F93];
	_ =	swait.ge [sflag:s4], $0x0  }
0x19: {  	s7 =	sld [smem:$0x3F94]  }
0x1a: {  	s8 =	sadd.s32 $0xFFFFE003, lr  }
0x1b: {  	s9 =	sadd.s32 $0xFFFFFEF7, lr;
	s5 =	simm.s32 $0xFFFFFFFF;
	p2 =	slt.u32 s8, $0xFFFFF086  }
0x1c: {  	p1 =	slt.u32 s9, $0xF7A;
	s5 =	simm.s32 @!p2 $0x0  }
0x1d: {  	s5 =	simm.s32 @p1 $0x1;
	p0 =	seq.s32 s7, s2  }
0x1e: {  	s7 =	smul.u32 @!p0 $0xF7A, s2;
	p2 =	seq.s32 @!p0 s5, $0x0  }
0x1f: {  	s9 =	smul.u32 $0xF7A, s1;
	s8 =	simm.s32 @!p0 $0x1BF5;
	p2 =	por !p2, p0  }
0x20: {  	[sflag:s8] =	ssyncset.s32 @!p0 $0xFFFFF086;
	s6 =	sadd.s32 @!p0 s3, s7;
	s7 =	simm.s32 @!p0 $0x108  }
0x21: {  	s3 =	sadd.s32 s3, s9;
	s6 =	sadd.s32 @!p0 $0x88, s6;
	s7 =	simm.s32 @p2 $0x1082  }
0x22: {  	[simem:s7], [sflag:s8] =	dma.local @!p0 [hbm:s6], $0xF7A  }
0x23: {  	s9 =	sor.u32 $0xD0000000, s2;
	s6 =	simm.s32 $0x108;
	_ =	swait.ge @!p0 [sflag:s8], $0x0  }
0x24: {  	s3 =	sadd.s32 $0x88, s3;
	s6 =	simm.s32 @!p1 $0x1082;
	[sflag:s4] =	ssyncset.s32 $0xFFFFF086  }
0x25: {  	[simem:s6], [sflag:s4] =	dma.local [hbm:s3], $0xF7A  }
0x26: {  	[smem:$0x3F94] =	sst s1;
	(tag) =	ssettag s2;
	_ =	strace s9  }
0x27: {  	s1 =	sld [smem:$0x3FA4]  }
0x28: {  	s2 =	sld [smem:$0x3FA5]  }
0x29: {  	s4 =	sld [smem:$0x3FA7]  }
0x2a: {  	p0 =	seq.s32 s5, $0x0;
	s5 =	sld [smem:$0x3FA8]  }
0x2b: {  	s6 =	sld [smem:$0x3FA9]  }
0x2c: {  	s7 =	sld [smem:$0x3FAA]  }
0x2d: {  	s3 =	simm.s32 $0x108;
	s8 =	sld [smem:$0x3FAB]  }
0x2e: {  	s3 =	simm.s32 @!p0 $0x1082;
	s9 =	sld [smem:$0x3FAC]  }
0x2f: {  	lr =	sadd.s32 s0, s3;
	s0 =	sld [smem:$0x3FA3]  }
0x30: {  	s3 =	sld [smem:$0x3FA6]  }
0x31: {  	[smem:$0x3FAF] =	sst s10  }
0x32: {  	s10 =	sld [smem:$0x3FAD];
	_ =	sdelay $0x3  }
0x33: {  	p0 =	seq.s32 s10, $0x1;
	s10 =	sld [smem:$0x3FAF];
	_ =	sdelay $0x3  }
0x34: {  	[smem:$0x3FAF] =	sst s10  }
0x35: {  	s10 =	sld [smem:$0x3FAE];
	_ =	sdelay $0x3  }
0x36: {  	p1 =	seq.s32 s10, $0x1;
	s10 =	sld [smem:$0x3FAF];
	_ =	sdelay $0x3  }
0x37: {  	[smem:$0x3FAF] =	sst s10  }
0x38: {  	s10 =	sld [smem:$0x3FB0]  }
0x39: {  	_ = 	snop;
	(pc) =	sbr.ind lr, $3  }
0x3a: {  	_ = 	snop  }
0x3b: {  	_ = 	snop  }
0x3c: {  	p2 =	seq.s32 s10, $0x1;
	s10 =	sld [smem:$0x3FAF]  }
0x3d: {  	_ =	shalt  }
0x3e: {  	_ =	shalt  }
0x3f: {  	_ =	shalt  }
0x40: {  	_ =	shalt  }
0x41: {  	_ =	shalt  }
0x42: {  	_ =	shalt  }
0x43: {  	_ =	shalt  }
0x44: {  	_ =	shalt  }
0x45: {  	_ =	shalt  }
0x46: {  	_ =	shalt  }
0x47: {  	_ =	shalt  }
0x48: {  	_ =	shalt  }
0x49: {  	_ =	shalt  }
0x4a: {  	_ =	shalt  }
0x4b: {  	_ =	shalt  }
0x4c: {  	_ =	shalt  }
0x4d: {  	_ =	shalt  }
0x4e: {  	_ =	shalt  }
0x4f: {  	_ =	shalt  }
0x50: {  	_ =	shalt  }
0x51: {  	_ =	shalt  }
0x52: {  	_ =	shalt  }
0x53: {  	_ =	shalt  }
0x54: {  	_ =	shalt  }
0x55: {  	_ =	shalt  }
0x56: {  	_ =	shalt  }
0x57: {  	_ =	shalt  }
0x58: {  	_ =	shalt  }
0x59: {  	_ =	shalt  }
0x5a: {  	_ =	shalt  }
0x5b: {  	_ =	shalt  }
0x5c: {  	_ =	shalt  }
0x5d: {  	_ =	shalt  }
0x5e: {  	_ =	shalt  }
0x5f: {  	_ =	shalt  }
0x60: {  	_ =	shalt  }
0x61: {  	_ =	shalt  }
0x62: {  	_ =	shalt  }
0x63: {  	_ =	shalt  }
0x64: {  	_ =	shalt  }
0x65: {  	_ =	shalt  }
0x66: {  	_ =	shalt  }
0x67: {  	_ =	shalt  }
0x68: {  	_ =	shalt  }
0x69: {  	_ =	shalt  }
0x6a: {  	_ =	shalt  }
0x6b: {  	_ =	shalt  }
0x6c: {  	_ =	shalt  }
0x6d: {  	_ =	shalt  }
0x6e: {  	_ =	shalt  }
0x6f: {  	_ =	shalt  }
0x70: {  	_ =	shalt  }
0x71: {  	_ =	shalt  }
0x72: {  	_ =	shalt  }
0x73: {  	_ =	shalt  }
0x74: {  	_ =	shalt  }
0x75: {  	_ =	shalt  }
0x76: {  	_ =	shalt  }
0x77: {  	_ =	shalt  }
0x78: {  	_ =	shalt  }
0x79: {  	_ =	shalt  }
0x7a: {  	_ =	shalt  }
0x7b: {  	_ =	shalt  }
0x7c: {  	_ =	shalt  }
0x7d: {  	_ =	shalt  }
0x7e: {  	_ =	shalt  }
0x7f: {  	_ =	shalt  }
0x80: {  	_ =	shalt  }
0x81: {  	_ =	shalt  }
0x82: {  	_ =	shalt  }
0x83: {  	_ =	shalt  }
0x84: {  	_ =	shalt  }
0x85: {  	_ =	shalt  }
0x86: {  	_ =	shalt  }
0x87: {  	_ =	shalt  }
.Lfunc_end0:
.L_simem_size_0:
called_computation.3_lowered:
.L_overlay_start_0:
0x88: {  	s2 =	sld [smem:$0x3FD9]  }
0x89: {  	s3 =	sld [smem:$0x3FFE];
	_ =	sdelay $0x1  }
0x8a: {  	s1 =	srdreg.scid  }
0x8b: {  	s0 =	sand.u32 $0x1, s1  }
0x8c: {  	s17 =	sshll.u32 s0, $0xA;
	s2 =	sadd.s32 s3, s2  }
0x8d: {  	s2 =	sadd.s32 s2, s17  }
0x8e: {  	[smem:$0x3FBB] =	sst s2  }
0x8f: {  	_ = 	snop  }
0x90: {  	(tm) =	ssettm $0x1  }
0x91: {  	s18 =	sld [smem:$0x3FFB];
	_ =	sdelay $0x3  }
0x92: {  	_ =	strace s18  }
0x93: {  	s2 =	sld [smem:$0x3FFC];
	_ =	sdelay $0x3  }
0x94: {  	_ =	strace s2  }
0x95: {  	s2 =	sld [smem:$0x3FFD];
	_ =	sdelay $0x3  }
0x96: {  	_ =	strace s2  }
0x97: {  	_ =	strace $0x8FFFFFFF  }
0x98: {  	s19 =	sld [smem:$0x3FDB];
	_ =	sdelay $0x1  }
0x99: {  	s20 =	simm.s32 $_scs_section_size  }
0x9a: {  	s4 =	simm.s32 $_size__tile_overlayer_lowered;
	s5 =	simm.s32 $_tile_overlayer_lowered  }
0x9b: {  	s6 =	simm.s32 $0x1BFF;
	s21 =	sshll.u32 s5, $0x1;
	s3 =	sadd.s32 s20, s19  }
0x9c: {  	s22 =	simm.s32 $0x0;
	s4 =	sshll.u32 s4, $0x1;
	s5 =	sadd.s32 s21, s3  }
0x9d: {  	[timem:s22], [sflag:s6] =	dma.local [hbm:s5], s4  }
0x9e: {  	_ =	swait.ge [sflag:s6], s4  }
0x9f: {  	s4 =	ssub.s32 $0x0, s4;
	[sflag:s6] =	ssyncset.done $0x0  }
0xa0: {  	[sflag:s6] =	ssyncadd.s32 s4;
	_ =	sdelay $0x1  }
0xa1: {  	s23 =	simm.s32 $0x1B8B  }
0xa2: {  	_ =	swait.ge [sflag:s23], $0x1  }
0xa3: {  	[sflag:s23] =	ssyncset.done $0x0  }
0xa4: {  	[sflag:s23] =	ssyncadd.s32 $0xFFFFFFFF  }
0xa5: {  	s4 =	sld [smem:$0x0]  }
0xa6: {  	s5 =	sand.u32 $0xFFFFFFFE, s1  }
0xa7: {  	p0 =	sne.s32 s1, s5  }
0xa8: {  	s5 =	sshll.u32 @p0 s5, $0xE  }
0xa9: {  	s5 =	sadd.s32 @p0 $0x11B8D, s5;
	s6 =	sshll.u32 @p0 s4, $0x11  }
0xaa: {  	s5 =	sor.u32 @p0 s6, s5  }
0xab: {  	[sflag:s5] =	ssyncadd.remote.s32 @p0 $0x1;
	_ =	sdelay $0x1  }
0xac: {  	s5 =	simm.s32 @p0 $0x1B8D  }
0xad: {  	_ =	swait.eq @p0 [sflag:s5], $0x1  }
0xae: {  	[sflag:s5] =	ssyncadd.s32 @p0 $0xFFFFFFFF  }
0xaf: {  	s6 =	sshll.u32 @!p0 s1, $0xE  }
0xb0: {  	s6 =	sor.u32 @!p0 $0x4000, s6;
	s5 =	simm.s32 @!p0 $0x1B8D  }
0xb1: {  	s4 =	sshll.u32 @!p0 s4, $0x11;
	s6 =	sadd.s32 @!p0 $0x11B8D, s6;
	_ =	swait.eq @!p0 [sflag:s5], $0x1  }
0xb2: {  	s4 =	sor.u32 @!p0 s4, s6;
	[sflag:s5] =	ssyncadd.s32 @!p0 $0xFFFFFFFF  }
0xb3: {  	s25 =	simm.s32 $0x1B8E;
	s24 =	sld [smem:$0x3FFE];
	[sflag:s4] =	ssyncadd.remote.s32 @!p0 $0x1  }
0xb4: {  	s26 =	simm.s32 $execute0_lowered;
	[smem:$0x3FD2] =	sst s25  }
0xb5: {  	s5 =	sshll.u32 s26, $0x1;
	_ =	strace $0x80000055;
	[dreg:$0x1] =	wrdreg $0xFFFFFFFF  }
0xb6: {  	s28 =	simm.s32 $_size_execute0_lowered;
	s3 =	sadd.s32 s3, s5;
	[dreg:$0x0] =	wrdreg $0x0  }
0xb7: {  	s5 =	sshll.u32 s28, $0x1;
	[dreg:$0x2] =	wrdreg s3  }
0xb8: {  	[dreg:$0x3] =	wrdreg s5  }
0xb9: {  	[dreg:$0x4] =	wrdreg $0xC0  }
0xba: {  	_ =	task [dreg:s22], $0x5FFFF  }
0xbb: {  	[dreg:$0x1] =	wrdreg $0xFFFFFFFF  }
0xbc: {  	[dreg:$0x0] =	wrdreg $0x60  }
0xbd: {  	[dreg:$0x2] =	wrdreg s24  }
0xbe: {  	[dreg:$0x3] =	wrdreg $0xA  }
0xbf: {  	_ =	task.clear_ibuf [dreg:s22], $0x4FFFF;
	_ =	strace $0x90000055  }
0xc0: {  	s29 =	simm.s32 $0xA;
	_ =	strace $0x80000057  }
0xc1: {  	_ =	swait.ge [sflag:s29], $0x1  }
0xc2: {  	[sflag:s29] =	ssyncadd.s32 $0xFFFFFFFF  }
0xc3: {  	_ =	strace $0x90000057  }
0xc4: {  	_ =	sfence  }
0xc5: {  	s30 =	sld [smem:$0x0];
	_ =	sdelay $0x2  }
0xc6: {  	s31 =	sshll.u32 s1, $0xD;
	s1 =	sshrl.u32 s1, $0x2  }
0xc7: {  	s4 =	sand.u32 $0x4000, s31;
	s1 =	sadd.s32 s1, s30  }
0xc8: {  	s0 =	sor.u32 s4, s0;
	s1 =	sshll.u32 s1, $0x11  }
0xc9: {  	s0 =	sor.u32 s1, s0  }
0xca: {  	s0 =	sadd.s32 $0x8F2B, s0  }
0xcb: {  	[sflag:s0] =	ssyncadd.remote.s32 $0x1  }
0xcc: {  	_ =	sfence.sel $0xFFFF  }
0xcd: {  	[dreg:$0x0] =	wrdreg $0xFFFFFFFF;
	(pc) =	sbr.abs _section_cstart, $3  }
0xce: {  	[dreg:$0x1] =	wrdreg $0xFFFFFFFF  }
0xcf: {  	_ =	task.clear_ibuf [dreg:s22], $0x2FFFF;
	_ =	strace $0x9FFFFFFF  }
0xd0: {  	(tm) =	ssettm $0x7FFFFFFF  }
0xd1: {  	_ =	shalt  }
tec
execute0_lowered:
.L_overlay_start_1:
0x0: {  	(tag) =	ssettag $0x1  }
0x1: {  	s3 =	rddreg [dreg:$0x0];
	s2 =	srdreg.scid  }
0x2: {  	s0 =	rddreg [dreg:$0x1];
	s1 =	stileid.u32  }
0x3: {  	s9 =	simm.s32 $0x1;
	s10 =	simm.s32 $0x0;
	s4 =	sand.u32 $0x1, s2  }
0x4: {  	s2 =	simm.s32 $0x0;
	s5 =	sshll.u32 s1, $0xB;
	s30 =	sshll.u32 s1, $0xF  }
0x5: {  	s6 =	sshll.u32 s4, $0xA;
	[smem:$0x7FF] =	sst s2;
	s29 =	ssub.s32 $0x2, s4  }
0x6: {  	s31 =	sshll.u32 s4, $0xE;
	s5 =	sor.u32 s6, s5;
	s8 =	sshrl.u32 s29, $0x1  }
0x7: {  	_ =	strace $0x80000056;
	s5 =	sshrl.u32 s5, $0x3;
	s6 =	ssub.s32 s29, s8  }
0x8: {  	s8 =	simm.s32 $0x80;
	s7 =	sadd.s32 s5, s3;
	s5 =	sadd.s32 s30, s3  }
0x9: {  	s3 =	sadd.s32 $0x1DE00, s3;
	s4 =	smax.u32 s6, $0x1;
	s5 =	sadd.s32 s31, s5  }
0xa: {  	s6 =	sadd.s32 $0x25E00, s7;
	s7 =	simm.s32 $0x2;
	s5 =	sadd.s32 $0x26E00, s5  }
.LBB2_1:
0xb: {  	s11 =	sadd.s32 $0x0, s6  }
0xc: {  	[tilespmem:s2], [sflag:$0x2] =	stream.linear.gather [hbm4b:s11+s2], $0x80, $0x38;
	[tilespmem:$0x4080] =	vst v63  }
0xd: {  	_ =	swait.ge [sflag:s7], $0x80  }
0xe: {  	[sflag:s7] =	ssyncset.done $0x0  }
0xf: {  	[sflag:s7] =	ssyncadd.s32 $0xFFFFFF80  }
0x10: {  	[tilespmem:s8], [sflag:$0x1] =	stream.indirect.gather [hbm4b:s3+s8], $0x80, s2, s8, $0xb8;
	[tilespmem:$0x4080] =	vst v63  }
0x11: {  	_ =	swait.ge [sflag:s9], $0x4000  }
0x12: {  	[sflag:s9] =	ssyncset.done $0x0  }
0x13: {  	[sflag:s9] =	ssyncadd.s32 $0xFFFFC000  }
0x14: {  	[hbm4b:s5+s2] =	stream.linear.scatter [tilespmem:s8], [sflag:$0x2], $0x4000, $0x38;
	[tilespmem:$0x4080] =	vst v63  }
0x15: {  	s12 =	simm.s32 $0x10;
	_ =	swait.ge [sflag:s7], $0x4000  }
0x16: {  	s13 =	simm.s32 $0x20;
	s11 =	sadd.s32 $0x800, s5;
	[sflag:s7] =	ssyncset.done $0x0  }
.LBB2_2:
0x17: {  	s14 =	sadd.s32 s12, s6  }
0x18: {  	[sflag:s7] =	ssyncadd.s32 $0xFFFFC000;
	s12 =	smov.u32 s13;
	s15 =	sadd.s32 $0x10, s13  }
0x19: {  	[tilespmem:s2], [sflag:$0x2] =	stream.linear.gather [hbm4b:s14+s2], $0x80, $0x38;
	[tilespmem:$0x4080] =	vst v63  }
0x1a: {  	p0 =	sne.s32 s13, $0x70;
	_ =	swait.ge [sflag:s7], $0x80  }
0x1b: {  	[sflag:s7] =	ssyncset.done $0x0  }
0x1c: {  	[sflag:s7] =	ssyncadd.s32 $0xFFFFFF80  }
0x1d: {  	[tilespmem:s8], [sflag:$0x1] =	stream.indirect.gather [hbm4b:s3+s8], $0x80, s2, s8, $0xb8;
	[tilespmem:$0x4080] =	vst v63  }
0x1e: {  	_ =	swait.ge [sflag:s9], $0x4000  }
.Ltmp0:
0x1f: {  	[sflag:s9] =	ssyncset.done $0x0;
	(pc) =	sbr.rel @p0 .LBB2_2-.Ltmp0, $4  }
0x20: {  	[sflag:s9] =	ssyncadd.s32 $0xFFFFC000  }
0x21: {  	[hbm4b:s11+s2] =	stream.linear.scatter [tilespmem:s8], [sflag:$0x2], $0x4000, $0x38;
	[tilespmem:$0x4080] =	vst v63  }
0x22: {  	_ =	swait.ge [sflag:s7], $0x4000  }
0x23: {  	s13 =	smov.u32 s15;
	s11 =	sadd.s32 $0x800, s11;
	[sflag:s7] =	ssyncset.done $0x0  }
0x24: {  	s12 =	sadd.s32 s12, s6;
	[sflag:s7] =	ssyncadd.s32 $0xFFFFC000  }
0x25: {  	[tilespmem:s2], [sflag:$0x2] =	stream.linear.gather [hbm4b:s12+s2], $0x80, $0x38;
	[tilespmem:$0x4080] =	vst v63  }
0x26: {  	_ =	swait.ge [sflag:s7], $0x80  }
0x27: {  	[sflag:s7] =	ssyncset.done $0x0  }
0x28: {  	[sflag:s7] =	ssyncadd.s32 $0xFFFFFF80  }
0x29: {  	[tilespmem:s8], [sflag:$0x1] =	stream.indirect.gather [hbm4b:s3+s8], $0x80, s2, s8, $0xb8;
	[tilespmem:$0x4080] =	vst v63  }
0x2a: {  	s10 =	sadd.s32 $0x1, s10;
	_ =	swait.ge [sflag:s9], $0x4000  }
0x2b: {  	p0 =	sne.s32 s10, s4;
	[sflag:s9] =	ssyncset.done $0x0  }
.Ltmp1:
0x2c: {  	[sflag:s9] =	ssyncadd.s32 $0xFFFFC000;
	(pc) =	sbr.rel @p0 .LBB2_1-.Ltmp1, $4  }
0x2d: {  	[hbm4b:s11+s2] =	stream.linear.scatter [tilespmem:s8], [sflag:$0x2], $0x4000, $0x38;
	[tilespmem:$0x4080] =	vst v63  }
0x2e: {  	_ =	swait.ge [sflag:s7], $0x4000  }
0x2f: {  	[sflag:s7] =	ssyncset.done $0x0  }
0x30: {  	[sflag:s7] =	ssyncadd.s32 $0xFFFFC000  }
0x31: {  	_ =	sfence.sel $0x180000  }
0x32: {  	[bflag:$0x0] =	sbarrier.arrive $0xFFFF  }
0x33: {  	p0 =	sne.s32 s1, $0x0;
	_ =	strace $0x90000056  }
0x34: {  	s0 =	sadd.s32 @!p0 $0x100000, s0;
	[bflag:$0x2] =	sbarrier.arrive $0xFFFF  }
0x35: {  	[sflag:s0] =	ssyncadd.tile.s32 @!p0 $0x1;
	_ =	shalt  }
.Lfunc_end2:
_tile_overlayer_lowered:
.L_overlay_start_2:
0x36: {  	(tag) =	ssettag $0x2  }
0x37: {  	s0 =	rddreg [dreg:$0x0];
	s2 =	stileid.u32  }
0x38: {  	s1 =	rddreg [dreg:$0x1];
	p0 =	sne.s32 s2, $0x0  }
0x39: {  	s3 =	rddreg [dreg:$0x2];
	[bflag:$0x3] =	sbarrier.arrive $0xFFFF;
	s2 =	simm.s32 @!p0 $0x1C02  }
0x3a: {  	[timem:s3], [sflag:s2] =	dma.local @!p0 [hbm:s0], s1  }
0x3b: {  	s0 =	simm.s32 @!p0 $0x2  }
0x3c: {  	_ =	swait.ge @!p0 [sflag:s0], s1  }
0x3d: {  	s1 =	ssub.s32 @!p0 $0x0, s1;
	[sflag:s0] =	ssyncset.done @!p0 $0x0  }
0x3e: {  	[sflag:s0] =	ssyncadd.s32 @!p0 s1  }
0x3f: {  	[bflag:$0x3] =	sbarrier.arrive $0xFFFF  }
0x40: {  	_ =	shalt  }

// kernel: kernel.45.cloned.1.call-start
scs
__scs_entry_jumppad:
0x0: {  	(pc) =	sbr.rel $0x88, $3  }
0x1: {  	(tag) =	ssettag $0x0;
	lr =	simm.s32 $0x1  }
0x2: {  	[smem:$0x3F94] =	sst lr;
	_ =	strace $0xD0000000  }
0x3: {  	_ = 	snop  }
0x4: {  	_ = 	snop  }
0x5: {  	_ = 	snop  }
0x6: {  	_ = 	snop  }
0x7: {  	_ = 	snop  }
__scs_overlays_trampoline_lowered:
0x8: {  	[smem:$0x3FA3] =	sst s0  }
0x9: {  	[smem:$0x3FA4] =	sst s1  }
0xa: {  	[smem:$0x3FA5] =	sst s2  }
0xb: {  	[smem:$0x3FA6] =	sst s3  }
0xc: {  	[smem:$0x3FA7] =	sst s4  }
0xd: {  	[smem:$0x3FA8] =	sst s5  }
0xe: {  	[smem:$0x3FA9] =	sst s6  }
0xf: {  	[smem:$0x3FAA] =	sst s7  }
0x10: {  	[smem:$0x3FAB] =	sst s8  }
0x11: {  	[smem:$0x3FAC] =	sst s9;
	s0 =	simm.s32 @!p0 $0x0  }
0x12: {  	s1 =	sld [smem:$0x3F92];
	s0 =	simm.s32 @p0 $0x1  }
0x13: {  	[smem:$0x3FAD] =	sst s0;
	s0 =	simm.s32 @!p1 $0x0  }
0x14: {  	s2 =	sld [smem:$0x3F91];
	s0 =	simm.s32 @p1 $0x1  }
0x15: {  	[smem:$0x3FAE] =	sst s0;
	s0 =	simm.s32 @!p2 $0x0  }
0x16: {  	s3 =	sld [smem:$0x3FDB];
	s0 =	simm.s32 @p2 $0x1  }
0x17: {  	s4 =	simm.s32 $0x1BF5;
	[smem:$0x3FB0] =	sst s0  }
0x18: {  	s0 =	sld [smem:$0x3F93];
	_ =	swait.ge [sflag:s4], $0x0  }
0x19: {  	s7 =	sld [smem:$0x3F94]  }
0x1a: {  	s8 =	sadd.s32 $0xFFFFE003, lr  }
0x1b: {  	s9 =	sadd.s32 $0xFFFFFEF7, lr;
	s5 =	simm.s32 $0xFFFFFFFF;
	p2 =	slt.u32 s8, $0xFFFFF086  }
0x1c: {  	p1 =	slt.u32 s9, $0xF7A;
	s5 =	simm.s32 @!p2 $0x0  }
0x1d: {  	s5 =	simm.s32 @p1 $0x1;
	p0 =	seq.s32 s7, s2  }
0x1e: {  	s7 =	smul.u32 @!p0 $0xF7A, s2;
	p2 =	seq.s32 @!p0 s5, $0x0  }
0x1f: {  	s9 =	smul.u32 $0xF7A, s1;
	s8 =	simm.s32 @!p0 $0x1BF5;
	p2 =	por !p2, p0  }
0x20: {  	[sflag:s8] =	ssyncset.s32 @!p0 $0xFFFFF086;
	s6 =	sadd.s32 @!p0 s3, s7;
	s7 =	simm.s32 @!p0 $0x108  }
0x21: {  	s3 =	sadd.s32 s3, s9;
	s6 =	sadd.s32 @!p0 $0x88, s6;
	s7 =	simm.s32 @p2 $0x1082  }
0x22: {  	[simem:s7], [sflag:s8] =	dma.local @!p0 [hbm:s6], $0xF7A  }
0x23: {  	s9 =	sor.u32 $0xD0000000, s2;
	s6 =	simm.s32 $0x108;
	_ =	swait.ge @!p0 [sflag:s8], $0x0  }
0x24: {  	s3 =	sadd.s32 $0x88, s3;
	s6 =	simm.s32 @!p1 $0x1082;
	[sflag:s4] =	ssyncset.s32 $0xFFFFF086  }
0x25: {  	[simem:s6], [sflag:s4] =	dma.local [hbm:s3], $0xF7A  }
0x26: {  	[smem:$0x3F94] =	sst s1;
	(tag) =	ssettag s2;
	_ =	strace s9  }
0x27: {  	s1 =	sld [smem:$0x3FA4]  }
0x28: {  	s2 =	sld [smem:$0x3FA5]  }
0x29: {  	s4 =	sld [smem:$0x3FA7]  }
0x2a: {  	p0 =	seq.s32 s5, $0x0;
	s5 =	sld [smem:$0x3FA8]  }
0x2b: {  	s6 =	sld [smem:$0x3FA9]  }
0x2c: {  	s7 =	sld [smem:$0x3FAA]  }
0x2d: {  	s3 =	simm.s32 $0x108;
	s8 =	sld [smem:$0x3FAB]  }
0x2e: {  	s3 =	simm.s32 @!p0 $0x1082;
	s9 =	sld [smem:$0x3FAC]  }
0x2f: {  	lr =	sadd.s32 s0, s3;
	s0 =	sld [smem:$0x3FA3]  }
0x30: {  	s3 =	sld [smem:$0x3FA6]  }
0x31: {  	[smem:$0x3FAF] =	sst s10  }
0x32: {  	s10 =	sld [smem:$0x3FAD];
	_ =	sdelay $0x3  }
0x33: {  	p0 =	seq.s32 s10, $0x1;
	s10 =	sld [smem:$0x3FAF];
	_ =	sdelay $0x3  }
0x34: {  	[smem:$0x3FAF] =	sst s10  }
0x35: {  	s10 =	sld [smem:$0x3FAE];
	_ =	sdelay $0x3  }
0x36: {  	p1 =	seq.s32 s10, $0x1;
	s10 =	sld [smem:$0x3FAF];
	_ =	sdelay $0x3  }
0x37: {  	[smem:$0x3FAF] =	sst s10  }
0x38: {  	s10 =	sld [smem:$0x3FB0]  }
0x39: {  	_ = 	snop;
	(pc) =	sbr.ind lr, $3  }
0x3a: {  	_ = 	snop  }
0x3b: {  	_ = 	snop  }
0x3c: {  	p2 =	seq.s32 s10, $0x1;
	s10 =	sld [smem:$0x3FAF]  }
0x3d: {  	_ =	shalt  }
0x3e: {  	_ =	shalt  }
0x3f: {  	_ =	shalt  }
0x40: {  	_ =	shalt  }
0x41: {  	_ =	shalt  }
0x42: {  	_ =	shalt  }
0x43: {  	_ =	shalt  }
0x44: {  	_ =	shalt  }
0x45: {  	_ =	shalt  }
0x46: {  	_ =	shalt  }
0x47: {  	_ =	shalt  }
0x48: {  	_ =	shalt  }
0x49: {  	_ =	shalt  }
0x4a: {  	_ =	shalt  }
0x4b: {  	_ =	shalt  }
0x4c: {  	_ =	shalt  }
0x4d: {  	_ =	shalt  }
0x4e: {  	_ =	shalt  }
0x4f: {  	_ =	shalt  }
0x50: {  	_ =	shalt  }
0x51: {  	_ =	shalt  }
0x52: {  	_ =	shalt  }
0x53: {  	_ =	shalt  }
0x54: {  	_ =	shalt  }
0x55: {  	_ =	shalt  }
0x56: {  	_ =	shalt  }
0x57: {  	_ =	shalt  }
0x58: {  	_ =	shalt  }
0x59: {  	_ =	shalt  }
0x5a: {  	_ =	shalt  }
0x5b: {  	_ =	shalt  }
0x5c: {  	_ =	shalt  }
0x5d: {  	_ =	shalt  }
0x5e: {  	_ =	shalt  }
0x5f: {  	_ =	shalt  }
0x60: {  	_ =	shalt  }
0x61: {  	_ =	shalt  }
0x62: {  	_ =	shalt  }
0x63: {  	_ =	shalt  }
0x64: {  	_ =	shalt  }
0x65: {  	_ =	shalt  }
0x66: {  	_ =	shalt  }
0x67: {  	_ =	shalt  }
0x68: {  	_ =	shalt  }
0x69: {  	_ =	shalt  }
0x6a: {  	_ =	shalt  }
0x6b: {  	_ =	shalt  }
0x6c: {  	_ =	shalt  }
0x6d: {  	_ =	shalt  }
0x6e: {  	_ =	shalt  }
0x6f: {  	_ =	shalt  }
0x70: {  	_ =	shalt  }
0x71: {  	_ =	shalt  }
0x72: {  	_ =	shalt  }
0x73: {  	_ =	shalt  }
0x74: {  	_ =	shalt  }
0x75: {  	_ =	shalt  }
0x76: {  	_ =	shalt  }
0x77: {  	_ =	shalt  }
0x78: {  	_ =	shalt  }
0x79: {  	_ =	shalt  }
0x7a: {  	_ =	shalt  }
0x7b: {  	_ =	shalt  }
0x7c: {  	_ =	shalt  }
0x7d: {  	_ =	shalt  }
0x7e: {  	_ =	shalt  }
0x7f: {  	_ =	shalt  }
0x80: {  	_ =	shalt  }
0x81: {  	_ =	shalt  }
0x82: {  	_ =	shalt  }
0x83: {  	_ =	shalt  }
0x84: {  	_ =	shalt  }
0x85: {  	_ =	shalt  }
0x86: {  	_ =	shalt  }
0x87: {  	_ =	shalt  }
.Lfunc_end0:
.L_simem_size_0:
called_computation.4_lowered:
.L_overlay_start_0:
0x88: {  	s2 =	sld [smem:$0x3FD9]  }
0x89: {  	s3 =	sld [smem:$0x3FFE];
	_ =	sdelay $0x1  }
0x8a: {  	s1 =	srdreg.scid  }
0x8b: {  	s0 =	sand.u32 $0x1, s1  }
0x8c: {  	s17 =	sshll.u32 s0, $0xA;
	s2 =	sadd.s32 s3, s2  }
0x8d: {  	s2 =	sadd.s32 s2, s17  }
0x8e: {  	[smem:$0x3FBB] =	sst s2  }
0x8f: {  	_ = 	snop  }
0x90: {  	(tm) =	ssettm $0x1  }
0x91: {  	s18 =	sld [smem:$0x3FFB];
	_ =	sdelay $0x3  }
0x92: {  	_ =	strace s18  }
0x93: {  	s2 =	sld [smem:$0x3FFC];
	_ =	sdelay $0x3  }
0x94: {  	_ =	strace s2  }
0x95: {  	s2 =	sld [smem:$0x3FFD];
	_ =	sdelay $0x3  }
0x96: {  	_ =	strace s2  }
0x97: {  	_ =	strace $0x8FFFFFFF  }
0x98: {  	s19 =	sld [smem:$0x3FDB];
	_ =	sdelay $0x1  }
0x99: {  	s20 =	simm.s32 $_scs_section_size  }
0x9a: {  	s4 =	simm.s32 $_size__tile_overlayer_lowered;
	s5 =	simm.s32 $_tile_overlayer_lowered  }
0x9b: {  	s6 =	simm.s32 $0x1BFF;
	s21 =	sshll.u32 s5, $0x1;
	s3 =	sadd.s32 s20, s19  }
0x9c: {  	s22 =	simm.s32 $0x0;
	s4 =	sshll.u32 s4, $0x1;
	s5 =	sadd.s32 s21, s3  }
0x9d: {  	[timem:s22], [sflag:s6] =	dma.local [hbm:s5], s4  }
0x9e: {  	_ =	swait.ge [sflag:s6], s4  }
0x9f: {  	s4 =	ssub.s32 $0x0, s4;
	[sflag:s6] =	ssyncset.done $0x0  }
0xa0: {  	[sflag:s6] =	ssyncadd.s32 s4;
	_ =	sdelay $0x1  }
0xa1: {  	s23 =	simm.s32 $0x1B8B  }
0xa2: {  	_ =	swait.ge [sflag:s23], $0x1  }
0xa3: {  	[sflag:s23] =	ssyncset.done $0x0  }
0xa4: {  	[sflag:s23] =	ssyncadd.s32 $0xFFFFFFFF  }
0xa5: {  	s4 =	sld [smem:$0x0]  }
0xa6: {  	s5 =	sand.u32 $0xFFFFFFFE, s1  }
0xa7: {  	p0 =	sne.s32 s1, s5  }
0xa8: {  	s5 =	sshll.u32 @p0 s5, $0xE  }
0xa9: {  	s5 =	sadd.s32 @p0 $0x11B8D, s5;
	s6 =	sshll.u32 @p0 s4, $0x11  }
0xaa: {  	s5 =	sor.u32 @p0 s6, s5  }
0xab: {  	[sflag:s5] =	ssyncadd.remote.s32 @p0 $0x1;
	_ =	sdelay $0x1  }
0xac: {  	s5 =	simm.s32 @p0 $0x1B8D  }
0xad: {  	_ =	swait.eq @p0 [sflag:s5], $0x1  }
0xae: {  	[sflag:s5] =	ssyncadd.s32 @p0 $0xFFFFFFFF  }
0xaf: {  	s6 =	sshll.u32 @!p0 s1, $0xE  }
0xb0: {  	s6 =	sor.u32 @!p0 $0x4000, s6;
	s5 =	simm.s32 @!p0 $0x1B8D  }
0xb1: {  	s4 =	sshll.u32 @!p0 s4, $0x11;
	s6 =	sadd.s32 @!p0 $0x11B8D, s6;
	_ =	swait.eq @!p0 [sflag:s5], $0x1  }
0xb2: {  	s4 =	sor.u32 @!p0 s4, s6;
	[sflag:s5] =	ssyncadd.s32 @!p0 $0xFFFFFFFF  }
0xb3: {  	s25 =	simm.s32 $0x1B8E;
	s24 =	sld [smem:$0x3FFE];
	[sflag:s4] =	ssyncadd.remote.s32 @!p0 $0x1  }
0xb4: {  	s26 =	simm.s32 $execute0_lowered;
	[smem:$0x3FD2] =	sst s25  }
0xb5: {  	s5 =	sshll.u32 s26, $0x1;
	_ =	strace $0x80000049;
	[dreg:$0x1] =	wrdreg $0xFFFFFFFF  }
0xb6: {  	s28 =	simm.s32 $_size_execute0_lowered;
	s3 =	sadd.s32 s3, s5;
	[dreg:$0x0] =	wrdreg $0x0  }
0xb7: {  	s5 =	sshll.u32 s28, $0x1;
	[dreg:$0x2] =	wrdreg s3  }
0xb8: {  	[dreg:$0x3] =	wrdreg s5  }
0xb9: {  	[dreg:$0x4] =	wrdreg $0xC0  }
0xba: {  	_ =	task [dreg:s22], $0x5FFFF  }
0xbb: {  	[dreg:$0x1] =	wrdreg $0xFFFFFFFF  }
0xbc: {  	[dreg:$0x0] =	wrdreg $0x60  }
0xbd: {  	[dreg:$0x2] =	wrdreg s24  }
0xbe: {  	[dreg:$0x3] =	wrdreg $0xB  }
0xbf: {  	_ =	task.clear_ibuf [dreg:s22], $0x4FFFF;
	_ =	strace $0x90000049  }
0xc0: {  	s29 =	simm.s32 $0xB;
	_ =	strace $0x8000004B  }
0xc1: {  	_ =	swait.ge [sflag:s29], $0x1  }
0xc2: {  	[sflag:s29] =	ssyncadd.s32 $0xFFFFFFFF  }
0xc3: {  	_ =	strace $0x9000004B  }
0xc4: {  	_ =	sfence  }
0xc5: {  	s30 =	sld [smem:$0x0];
	_ =	sdelay $0x2  }
0xc6: {  	s31 =	sshll.u32 s1, $0xD;
	s1 =	sshrl.u32 s1, $0x2  }
0xc7: {  	s4 =	sand.u32 $0x4000, s31;
	s1 =	sadd.s32 s1, s30  }
0xc8: {  	s0 =	sor.u32 s4, s0;
	s1 =	sshll.u32 s1, $0x11  }
0xc9: {  	s0 =	sor.u32 s1, s0  }
0xca: {  	s0 =	sadd.s32 $0x8F2B, s0  }
0xcb: {  	[sflag:s0] =	ssyncadd.remote.s32 $0x1  }
0xcc: {  	_ =	sfence.sel $0xFFFF  }
0xcd: {  	[dreg:$0x0] =	wrdreg $0xFFFFFFFF;
	(pc) =	sbr.abs _section_cstart, $3  }
0xce: {  	[dreg:$0x1] =	wrdreg $0xFFFFFFFF  }
0xcf: {  	_ =	task.clear_ibuf [dreg:s22], $0x2FFFF;
	_ =	strace $0x9FFFFFFF  }
0xd0: {  	(tm) =	ssettm $0x7FFFFFFF  }
0xd1: {  	_ =	shalt  }
tec
execute0_lowered:
.L_overlay_start_1:
0x0: {  	(tag) =	ssettag $0x1  }
0x1: {  	s3 =	rddreg [dreg:$0x0]  }
0x2: {  	s2 =	srdreg.scid;
	s0 =	rddreg [dreg:$0x1]  }
0x3: {  	s1 =	stileid.u32;
	s9 =	simm.s32 $0x2;
	s10 =	simm.s32 $0x80  }
0x4: {  	s11 =	simm.s32 $0x1;
	s12 =	simm.s32 $0x0;
	s4 =	sand.u32 $0x1, s2  }
0x5: {  	s2 =	simm.s32 $0x0;
	s5 =	sshll.u32 s1, $0xB;
	s29 =	sshll.u32 s1, $0xF  }
0x6: {  	s6 =	sshll.u32 s4, $0xA;
	[smem:$0x7FF] =	sst s2;
	s30 =	ssub.s32 $0x2, s4  }
0x7: {  	s4 =	sshll.u32 s4, $0xE;
	s5 =	sor.u32 s6, s5;
	s7 =	sshrl.u32 s30, $0x1  }
0x8: {  	_ =	strace $0x8000004A;
	s5 =	sshrl.u32 s5, $0x3;
	s6 =	ssub.s32 s30, s7  }
0x9: {  	s8 =	sadd.s32 s5, s3;
	s5 =	sadd.s32 s29, s3;
	s3 =	sadd.s32 $0x120000, s3  }
0xa: {  	s31 =	sadd.s32 s4, s5;
	s4 =	smax.u32 s6, $0x1;
	s6 =	sadd.s32 $0x128000, s8  }
0xb: {  	s8 =	sadd.s32 $0x129000, s8;
	s5 =	sadd.s32 $0x12A000, s31;
	s7 =	sadd.s32 $0x1AA000, s31  }
.LBB2_1:
0xc: {  	s13 =	sadd.s32 $0x0, s6  }
0xd: {  	[tilespmem:s2], [sflag:$0x2] =	stream.linear.gather [hbm4b:s13+s2], $0x80, $0x38;
	[tilespmem:$0x4080] =	vst v63  }
0xe: {  	_ =	swait.ge [sflag:s9], $0x80  }
0xf: {  	[sflag:s9] =	ssyncset.done $0x0  }
0x10: {  	[sflag:s9] =	ssyncadd.s32 $0xFFFFFF80  }
0x11: {  	[tilespmem:s10], [sflag:$0x1] =	stream.indirect.gather [hbm4b:s3+s10], $0x80, s2, s10, $0xb8;
	[tilespmem:$0x4080] =	vst v63  }
0x12: {  	_ =	swait.ge [sflag:s11], $0x4000  }
0x13: {  	[sflag:s11] =	ssyncset.done $0x0  }
0x14: {  	[sflag:s11] =	ssyncadd.s32 $0xFFFFC000  }
0x15: {  	[hbm4b:s5+s2] =	stream.linear.scatter [tilespmem:s10], [sflag:$0x2], $0x4000, $0x38;
	[tilespmem:$0x4080] =	vst v63  }
0x16: {  	s16 =	sadd.s32 $0x10, s6;
	_ =	swait.ge [sflag:s9], $0x4000  }
0x17: {  	s14 =	simm.s32 $0x20;
	s13 =	sadd.s32 $0x800, s5;
	[sflag:s9] =	ssyncset.done $0x0  }
.LBB2_2:
0x18: {  	s17 =	sadd.s32 s14, s6;
	s15 =	simm.s32 $0x0;
	[sflag:s9] =	ssyncadd.s32 $0xFFFFC000  }
0x19: {  	[tilespmem:s15], [sflag:$0x2] =	stream.linear.gather [hbm4b:s16+s15], $0x80, $0x38;
	[tilespmem:$0x4080] =	vst v63  }
0x1a: {  	p0 =	sne.s32 s14, $0x70;
	s14 =	sadd.s32 $0x10, s14;
	_ =	swait.ge [sflag:s9], $0x80  }
0x1b: {  	s16 =	smov.u32 s17;
	[sflag:s9] =	ssyncset.done $0x0  }
0x1c: {  	[sflag:s9] =	ssyncadd.s32 $0xFFFFFF80  }
0x1d: {  	[tilespmem:s10], [sflag:$0x1] =	stream.indirect.gather [hbm4b:s3+s10], $0x80, s15, s10, $0xb8;
	[tilespmem:$0x4080] =	vst v63  }
0x1e: {  	_ =	swait.ge [sflag:s11], $0x4000  }
.Ltmp0:
0x1f: {  	[sflag:s11] =	ssyncset.done $0x0;
	(pc) =	sbr.rel @p0 .LBB2_2-.Ltmp0, $4  }
0x20: {  	[sflag:s11] =	ssyncadd.s32 $0xFFFFC000  }
0x21: {  	[hbm4b:s13+s15] =	stream.linear.scatter [tilespmem:s10], [sflag:$0x2], $0x4000, $0x38;
	[tilespmem:$0x4080] =	vst v63  }
0x22: {  	_ =	swait.ge [sflag:s9], $0x4000  }
0x23: {  	s13 =	sadd.s32 $0x800, s13;
	[sflag:s9] =	ssyncset.done $0x0  }
0x24: {  	[sflag:s9] =	ssyncadd.s32 $0xFFFFC000  }
0x25: {  	[tilespmem:s15], [sflag:$0x2] =	stream.linear.gather [hbm4b:s16+s15], $0x80, $0x38;
	[tilespmem:$0x4080] =	vst v63  }
0x26: {  	_ =	swait.ge [sflag:s9], $0x80  }
0x27: {  	[sflag:s9] =	ssyncset.done $0x0  }
0x28: {  	[sflag:s9] =	ssyncadd.s32 $0xFFFFFF80  }
0x29: {  	[tilespmem:s10], [sflag:$0x1] =	stream.indirect.gather [hbm4b:s3+s10], $0x80, s15, s10, $0xb8;
	[tilespmem:$0x4080] =	vst v63  }
0x2a: {  	_ =	swait.ge [sflag:s11], $0x4000  }
0x2b: {  	p1 =	por $0x1, $0x1;
	[sflag:s11] =	ssyncset.done $0x0  }
.Ltmp1:
0x2c: {  	[sflag:s11] =	ssyncadd.s32 $0xFFFFC000;
	(pc) =	sbr.rel @!p1 .LBB2_8-.Ltmp1, $4  }
0x2d: {  	[hbm4b:s13+s15] =	stream.linear.scatter [tilespmem:s10], [sflag:$0x2], $0x4000, $0x38;
	[tilespmem:$0x4080] =	vst v63  }
0x2e: {  	_ =	swait.ge [sflag:s9], $0x4000  }
0x2f: {  	p0 =	por $0x0, $0x0;
	[sflag:s9] =	ssyncset.done $0x0  }
0x30: {  	s14 =	smov.u32 s7;
	s13 =	simm.s32 $0x10;
	[sflag:s9] =	ssyncadd.s32 $0xFFFFC000  }
0x31: {  	s14 =	sadd.s32 $0x0, s8  }
0x32: {  	[tilespmem:s2], [sflag:$0x2] =	stream.linear.gather [hbm4b:s14+s2], $0x80, $0x38;
	[tilespmem:$0x4080] =	vst v63  }
0x33: {  	_ =	swait.ge [sflag:s9], $0x80  }
0x34: {  	[sflag:s9] =	ssyncset.done $0x0  }
0x35: {  	[sflag:s9] =	ssyncadd.s32 $0xFFFFFF80  }
0x36: {  	[tilespmem:s10], [sflag:$0x1] =	stream.indirect.gather [hbm4b:s3+s10], $0x80, s2, s10, $0xb8;
	[tilespmem:$0x4080] =	vst v63  }
0x37: {  	p1 =	por $0x1, $0x1;
	_ =	swait.ge [sflag:s11], $0x4000  }
.Ltmp2:
0x38: {  	[sflag:s11] =	ssyncset.done $0x0;
	(pc) =	sbr.rel @!p1 .LBB2_5-.Ltmp2, $4  }
0x39: {  	[sflag:s11] =	ssyncadd.s32 $0xFFFFC000  }
0x3a: {  	[hbm4b:s7+s2] =	stream.linear.scatter [tilespmem:s10], [sflag:$0x2], $0x4000, $0x38;
	[tilespmem:$0x4080] =	vst v63  }
0x3b: {  	s15 =	simm.s32 $0x20;
	_ =	swait.ge [sflag:s9], $0x4000  }
0x3c: {  	p0 =	por $0x1, $0x1;
	s14 =	sadd.s32 $0x800, s7;
	[sflag:s9] =	ssyncset.done $0x0  }
.LBB2_6:
0x3d: {  	s16 =	sadd.s32 s13, s8  }
0x3e: {  	[sflag:s9] =	ssyncadd.s32 $0xFFFFC000;
	s13 =	smov.u32 s15;
	s17 =	sadd.s32 $0x10, s15  }
0x3f: {  	[tilespmem:s2], [sflag:$0x2] =	stream.linear.gather [hbm4b:s16+s2], $0x80, $0x38;
	[tilespmem:$0x4080] =	vst v63  }
0x40: {  	p1 =	sne.s32 s15, $0x70;
	_ =	swait.ge [sflag:s9], $0x80  }
0x41: {  	[sflag:s9] =	ssyncset.done $0x0  }
0x42: {  	[sflag:s9] =	ssyncadd.s32 $0xFFFFFF80  }
0x43: {  	[tilespmem:s10], [sflag:$0x1] =	stream.indirect.gather [hbm4b:s3+s10], $0x80, s2, s10, $0xb8;
	[tilespmem:$0x4080] =	vst v63  }
0x44: {  	_ =	swait.ge [sflag:s11], $0x4000  }
.Ltmp3:
0x45: {  	[sflag:s11] =	ssyncset.done $0x0;
	(pc) =	sbr.rel @p1 .LBB2_6-.Ltmp3, $4  }
0x46: {  	[sflag:s11] =	ssyncadd.s32 $0xFFFFC000  }
0x47: {  	[hbm4b:s14+s2] =	stream.linear.scatter [tilespmem:s10], [sflag:$0x2], $0x4000, $0x38;
	[tilespmem:$0x4080] =	vst v63  }
0x48: {  	_ =	swait.ge [sflag:s9], $0x4000  }
0x49: {  	s15 =	smov.u32 s17;
	s14 =	sadd.s32 $0x800, s14;
	[sflag:s9] =	ssyncset.done $0x0  }
0x4a: {  	s15 =	smov.u32 s13  }
.LBB2_8:
0x4b: {  	s13 =	sadd.s32 s15, s8;
	[sflag:s9] =	ssyncadd.s32 @p0 $0xFFFFC000  }
0x4c: {  	[tilespmem:s2], [sflag:$0x2] =	stream.linear.gather [hbm4b:s13+s2], $0x80, $0x38;
	[tilespmem:$0x4080] =	vst v63  }
0x4d: {  	_ =	swait.ge [sflag:s9], $0x80  }
0x4e: {  	[sflag:s9] =	ssyncset.done $0x0  }
0x4f: {  	[sflag:s9] =	ssyncadd.s32 $0xFFFFFF80  }
0x50: {  	[tilespmem:s10], [sflag:$0x1] =	stream.indirect.gather [hbm4b:s3+s10], $0x80, s2, s10, $0xb8;
	[tilespmem:$0x4080] =	vst v63  }
0x51: {  	_ =	swait.ge [sflag:s11], $0x4000  }
0x52: {  	s12 =	sadd.s32 $0x1, s12;
	[sflag:s11] =	ssyncset.done $0x0  }
0x53: {  	p0 =	sne.s32 s12, s4;
	[sflag:s11] =	ssyncadd.s32 $0xFFFFC000  }
0x54: {  	[hbm4b:s14+s2] =	stream.linear.scatter [tilespmem:s10], [sflag:$0x2], $0x4000, $0x38;
	[tilespmem:$0x4080] =	vst v63  }
.Ltmp4:
0x55: {  	_ = 	snop;
	(pc) =	sbr.rel @p0 .LBB2_1-.Ltmp4, $4  }
.Ltmp5:
0x56: {  	_ = 	snop;
	(pc) =	sbr.rel @!p0 .LBB2_9-.Ltmp5, $4  }
0x57: {  	_ =	swait.ge [sflag:s9], $0x4000  }
0x58: {  	[sflag:s9] =	ssyncset.done $0x0  }
0x59: {  	[sflag:s9] =	ssyncadd.s32 $0xFFFFC000  }
0x5a: {  	_ = 	snop  }
.LBB2_5:
.Ltmp6:
0x5b: {  	(pc) =	sbr.rel .LBB2_8-.Ltmp6, $2  }
0x5c: {  	_ =	sdelay $0x2  }
0x5d: {  	s15 =	simm.s32 $0x10  }
.LBB2_9:
0x5e: {  	_ =	sfence.sel $0x180000  }
0x5f: {  	[bflag:$0x0] =	sbarrier.arrive $0xFFFF  }
0x60: {  	p0 =	sne.s32 s1, $0x0;
	_ =	strace $0x9000004A  }
0x61: {  	s0 =	sadd.s32 @!p0 $0x100000, s0;
	[bflag:$0x2] =	sbarrier.arrive $0xFFFF  }
0x62: {  	[sflag:s0] =	ssyncadd.tile.s32 @!p0 $0x1;
	_ =	shalt  }
.Lfunc_end2:
_tile_overlayer_lowered:
.L_overlay_start_2:
0x63: {  	(tag) =	ssettag $0x2  }
0x64: {  	s0 =	rddreg [dreg:$0x0];
	s2 =	stileid.u32  }
0x65: {  	s1 =	rddreg [dreg:$0x1];
	p0 =	sne.s32 s2, $0x0  }
0x66: {  	s3 =	rddreg [dreg:$0x2];
	[bflag:$0x3] =	sbarrier.arrive $0xFFFF;
	s2 =	simm.s32 @!p0 $0x1C02  }
0x67: {  	[timem:s3], [sflag:s2] =	dma.local @!p0 [hbm:s0], s1  }
0x68: {  	s0 =	simm.s32 @!p0 $0x2  }
0x69: {  	_ =	swait.ge @!p0 [sflag:s0], s1  }
0x6a: {  	s1 =	ssub.s32 @!p0 $0x0, s1;
	[sflag:s0] =	ssyncset.done @!p0 $0x0  }
0x6b: {  	[sflag:s0] =	ssyncadd.s32 @!p0 s1  }
0x6c: {  	[bflag:$0x3] =	sbarrier.arrive $0xFFFF  }
0x6d: {  	_ =	shalt  }

// kernel: kernel.48.cloned.1.call-start
scs
__scs_entry_jumppad:
0x0: {  	(pc) =	sbr.rel $0x88, $3  }
0x1: {  	(tag) =	ssettag $0x0;
	lr =	simm.s32 $0x1  }
0x2: {  	[smem:$0x3F94] =	sst lr;
	_ =	strace $0xD0000000  }
0x3: {  	_ = 	snop  }
0x4: {  	_ = 	snop  }
0x5: {  	_ = 	snop  }
0x6: {  	_ = 	snop  }
0x7: {  	_ = 	snop  }
__scs_overlays_trampoline_lowered:
0x8: {  	[smem:$0x3FA3] =	sst s0  }
0x9: {  	[smem:$0x3FA4] =	sst s1  }
0xa: {  	[smem:$0x3FA5] =	sst s2  }
0xb: {  	[smem:$0x3FA6] =	sst s3  }
0xc: {  	[smem:$0x3FA7] =	sst s4  }
0xd: {  	[smem:$0x3FA8] =	sst s5  }
0xe: {  	[smem:$0x3FA9] =	sst s6  }
0xf: {  	[smem:$0x3FAA] =	sst s7  }
0x10: {  	[smem:$0x3FAB] =	sst s8  }
0x11: {  	[smem:$0x3FAC] =	sst s9;
	s0 =	simm.s32 @!p0 $0x0  }
0x12: {  	s1 =	sld [smem:$0x3F92];
	s0 =	simm.s32 @p0 $0x1  }
0x13: {  	[smem:$0x3FAD] =	sst s0;
	s0 =	simm.s32 @!p1 $0x0  }
0x14: {  	s2 =	sld [smem:$0x3F91];
	s0 =	simm.s32 @p1 $0x1  }
0x15: {  	[smem:$0x3FAE] =	sst s0;
	s0 =	simm.s32 @!p2 $0x0  }
0x16: {  	s3 =	sld [smem:$0x3FDB];
	s0 =	simm.s32 @p2 $0x1  }
0x17: {  	s4 =	simm.s32 $0x1BF5;
	[smem:$0x3FB0] =	sst s0  }
0x18: {  	s0 =	sld [smem:$0x3F93];
	_ =	swait.ge [sflag:s4], $0x0  }
0x19: {  	s7 =	sld [smem:$0x3F94]  }
0x1a: {  	s8 =	sadd.s32 $0xFFFFE003, lr  }
0x1b: {  	s9 =	sadd.s32 $0xFFFFFEF7, lr;
	s5 =	simm.s32 $0xFFFFFFFF;
	p2 =	slt.u32 s8, $0xFFFFF086  }
0x1c: {  	p1 =	slt.u32 s9, $0xF7A;
	s5 =	simm.s32 @!p2 $0x0  }
0x1d: {  	s5 =	simm.s32 @p1 $0x1;
	p0 =	seq.s32 s7, s2  }
0x1e: {  	s7 =	smul.u32 @!p0 $0xF7A, s2;
	p2 =	seq.s32 @!p0 s5, $0x0  }
0x1f: {  	s9 =	smul.u32 $0xF7A, s1;
	s8 =	simm.s32 @!p0 $0x1BF5;
	p2 =	por !p2, p0  }
0x20: {  	[sflag:s8] =	ssyncset.s32 @!p0 $0xFFFFF086;
	s6 =	sadd.s32 @!p0 s3, s7;
	s7 =	simm.s32 @!p0 $0x108  }
0x21: {  	s3 =	sadd.s32 s3, s9;
	s6 =	sadd.s32 @!p0 $0x88, s6;
	s7 =	simm.s32 @p2 $0x1082  }
0x22: {  	[simem:s7], [sflag:s8] =	dma.local @!p0 [hbm:s6], $0xF7A  }
0x23: {  	s9 =	sor.u32 $0xD0000000, s2;
	s6 =	simm.s32 $0x108;
	_ =	swait.ge @!p0 [sflag:s8], $0x0  }
0x24: {  	s3 =	sadd.s32 $0x88, s3;
	s6 =	simm.s32 @!p1 $0x1082;
	[sflag:s4] =	ssyncset.s32 $0xFFFFF086  }
0x25: {  	[simem:s6], [sflag:s4] =	dma.local [hbm:s3], $0xF7A  }
0x26: {  	[smem:$0x3F94] =	sst s1;
	(tag) =	ssettag s2;
	_ =	strace s9  }
0x27: {  	s1 =	sld [smem:$0x3FA4]  }
0x28: {  	s2 =	sld [smem:$0x3FA5]  }
0x29: {  	s4 =	sld [smem:$0x3FA7]  }
0x2a: {  	p0 =	seq.s32 s5, $0x0;
	s5 =	sld [smem:$0x3FA8]  }
0x2b: {  	s6 =	sld [smem:$0x3FA9]  }
0x2c: {  	s7 =	sld [smem:$0x3FAA]  }
0x2d: {  	s3 =	simm.s32 $0x108;
	s8 =	sld [smem:$0x3FAB]  }
0x2e: {  	s3 =	simm.s32 @!p0 $0x1082;
	s9 =	sld [smem:$0x3FAC]  }
0x2f: {  	lr =	sadd.s32 s0, s3;
	s0 =	sld [smem:$0x3FA3]  }
0x30: {  	s3 =	sld [smem:$0x3FA6]  }
0x31: {  	[smem:$0x3FAF] =	sst s10  }
0x32: {  	s10 =	sld [smem:$0x3FAD];
	_ =	sdelay $0x3  }
0x33: {  	p0 =	seq.s32 s10, $0x1;
	s10 =	sld [smem:$0x3FAF];
	_ =	sdelay $0x3  }
0x34: {  	[smem:$0x3FAF] =	sst s10  }
0x35: {  	s10 =	sld [smem:$0x3FAE];
	_ =	sdelay $0x3  }
0x36: {  	p1 =	seq.s32 s10, $0x1;
	s10 =	sld [smem:$0x3FAF];
	_ =	sdelay $0x3  }
0x37: {  	[smem:$0x3FAF] =	sst s10  }
0x38: {  	s10 =	sld [smem:$0x3FB0]  }
0x39: {  	_ = 	snop;
	(pc) =	sbr.ind lr, $3  }
0x3a: {  	_ = 	snop  }
0x3b: {  	_ = 	snop  }
0x3c: {  	p2 =	seq.s32 s10, $0x1;
	s10 =	sld [smem:$0x3FAF]  }
0x3d: {  	_ =	shalt  }
0x3e: {  	_ =	shalt  }
0x3f: {  	_ =	shalt  }
0x40: {  	_ =	shalt  }
0x41: {  	_ =	shalt  }
0x42: {  	_ =	shalt  }
0x43: {  	_ =	shalt  }
0x44: {  	_ =	shalt  }
0x45: {  	_ =	shalt  }
0x46: {  	_ =	shalt  }
0x47: {  	_ =	shalt  }
0x48: {  	_ =	shalt  }
0x49: {  	_ =	shalt  }
0x4a: {  	_ =	shalt  }
0x4b: {  	_ =	shalt  }
0x4c: {  	_ =	shalt  }
0x4d: {  	_ =	shalt  }
0x4e: {  	_ =	shalt  }
0x4f: {  	_ =	shalt  }
0x50: {  	_ =	shalt  }
0x51: {  	_ =	shalt  }
0x52: {  	_ =	shalt  }
0x53: {  	_ =	shalt  }
0x54: {  	_ =	shalt  }
0x55: {  	_ =	shalt  }
0x56: {  	_ =	shalt  }
0x57: {  	_ =	shalt  }
0x58: {  	_ =	shalt  }
0x59: {  	_ =	shalt  }
0x5a: {  	_ =	shalt  }
0x5b: {  	_ =	shalt  }
0x5c: {  	_ =	shalt  }
0x5d: {  	_ =	shalt  }
0x5e: {  	_ =	shalt  }
0x5f: {  	_ =	shalt  }
0x60: {  	_ =	shalt  }
0x61: {  	_ =	shalt  }
0x62: {  	_ =	shalt  }
0x63: {  	_ =	shalt  }
0x64: {  	_ =	shalt  }
0x65: {  	_ =	shalt  }
0x66: {  	_ =	shalt  }
0x67: {  	_ =	shalt  }
0x68: {  	_ =	shalt  }
0x69: {  	_ =	shalt  }
0x6a: {  	_ =	shalt  }
0x6b: {  	_ =	shalt  }
0x6c: {  	_ =	shalt  }
0x6d: {  	_ =	shalt  }
0x6e: {  	_ =	shalt  }
0x6f: {  	_ =	shalt  }
0x70: {  	_ =	shalt  }
0x71: {  	_ =	shalt  }
0x72: {  	_ =	shalt  }
0x73: {  	_ =	shalt  }
0x74: {  	_ =	shalt  }
0x75: {  	_ =	shalt  }
0x76: {  	_ =	shalt  }
0x77: {  	_ =	shalt  }
0x78: {  	_ =	shalt  }
0x79: {  	_ =	shalt  }
0x7a: {  	_ =	shalt  }
0x7b: {  	_ =	shalt  }
0x7c: {  	_ =	shalt  }
0x7d: {  	_ =	shalt  }
0x7e: {  	_ =	shalt  }
0x7f: {  	_ =	shalt  }
0x80: {  	_ =	shalt  }
0x81: {  	_ =	shalt  }
0x82: {  	_ =	shalt  }
0x83: {  	_ =	shalt  }
0x84: {  	_ =	shalt  }
0x85: {  	_ =	shalt  }
0x86: {  	_ =	shalt  }
0x87: {  	_ =	shalt  }
.Lfunc_end0:
.L_simem_size_0:
called_computation.5_lowered:
.L_overlay_start_0:
0x88: {  	s2 =	sld [smem:$0x3FD9]  }
0x89: {  	s3 =	sld [smem:$0x3FFE];
	_ =	sdelay $0x1  }
0x8a: {  	s1 =	srdreg.scid  }
0x8b: {  	s0 =	sand.u32 $0x1, s1  }
0x8c: {  	s17 =	sshll.u32 s0, $0xA;
	s2 =	sadd.s32 s3, s2  }
0x8d: {  	s2 =	sadd.s32 s2, s17  }
0x8e: {  	[smem:$0x3FBB] =	sst s2  }
0x8f: {  	_ = 	snop  }
0x90: {  	(tm) =	ssettm $0x1  }
0x91: {  	s18 =	sld [smem:$0x3FFB];
	_ =	sdelay $0x3  }
0x92: {  	_ =	strace s18  }
0x93: {  	s2 =	sld [smem:$0x3FFC];
	_ =	sdelay $0x3  }
0x94: {  	_ =	strace s2  }
0x95: {  	s2 =	sld [smem:$0x3FFD];
	_ =	sdelay $0x3  }
0x96: {  	_ =	strace s2  }
0x97: {  	_ =	strace $0x8FFFFFFF  }
0x98: {  	s19 =	sld [smem:$0x3FDB];
	_ =	sdelay $0x1  }
0x99: {  	s20 =	simm.s32 $_scs_section_size  }
0x9a: {  	s4 =	simm.s32 $_size__tile_overlayer_lowered;
	s5 =	simm.s32 $_tile_overlayer_lowered  }
0x9b: {  	s6 =	simm.s32 $0x1BFF;
	s21 =	sshll.u32 s5, $0x1;
	s3 =	sadd.s32 s20, s19  }
0x9c: {  	s22 =	simm.s32 $0x0;
	s4 =	sshll.u32 s4, $0x1;
	s5 =	sadd.s32 s21, s3  }
0x9d: {  	[timem:s22], [sflag:s6] =	dma.local [hbm:s5], s4  }
0x9e: {  	_ =	swait.ge [sflag:s6], s4  }
0x9f: {  	s4 =	ssub.s32 $0x0, s4;
	[sflag:s6] =	ssyncset.done $0x0  }
0xa0: {  	[sflag:s6] =	ssyncadd.s32 s4;
	_ =	sdelay $0x1  }
0xa1: {  	s23 =	simm.s32 $0x1B8B  }
0xa2: {  	_ =	swait.ge [sflag:s23], $0x1  }
0xa3: {  	[sflag:s23] =	ssyncset.done $0x0  }
0xa4: {  	[sflag:s23] =	ssyncadd.s32 $0xFFFFFFFF  }
0xa5: {  	s4 =	sld [smem:$0x0]  }
0xa6: {  	s5 =	sand.u32 $0xFFFFFFFE, s1  }
0xa7: {  	p0 =	sne.s32 s1, s5  }
0xa8: {  	s5 =	sshll.u32 @p0 s5, $0xE  }
0xa9: {  	s5 =	sadd.s32 @p0 $0x11B8D, s5;
	s6 =	sshll.u32 @p0 s4, $0x11  }
0xaa: {  	s5 =	sor.u32 @p0 s6, s5  }
0xab: {  	[sflag:s5] =	ssyncadd.remote.s32 @p0 $0x1;
	_ =	sdelay $0x1  }
0xac: {  	s5 =	simm.s32 @p0 $0x1B8D  }
0xad: {  	_ =	swait.eq @p0 [sflag:s5], $0x1  }
0xae: {  	[sflag:s5] =	ssyncadd.s32 @p0 $0xFFFFFFFF  }
0xaf: {  	s6 =	sshll.u32 @!p0 s1, $0xE  }
0xb0: {  	s6 =	sor.u32 @!p0 $0x4000, s6;
	s5 =	simm.s32 @!p0 $0x1B8D  }
0xb1: {  	s4 =	sshll.u32 @!p0 s4, $0x11;
	s6 =	sadd.s32 @!p0 $0x11B8D, s6;
	_ =	swait.eq @!p0 [sflag:s5], $0x1  }
0xb2: {  	s4 =	sor.u32 @!p0 s4, s6;
	[sflag:s5] =	ssyncadd.s32 @!p0 $0xFFFFFFFF  }
0xb3: {  	s25 =	simm.s32 $0x1B8E;
	s24 =	sld [smem:$0x3FFE];
	[sflag:s4] =	ssyncadd.remote.s32 @!p0 $0x1  }
0xb4: {  	s26 =	simm.s32 $execute0_lowered;
	[smem:$0x3FD2] =	sst s25  }
0xb5: {  	s5 =	sshll.u32 s26, $0x1;
	_ =	strace $0x80000058;
	[dreg:$0x1] =	wrdreg $0xFFFFFFFF  }
0xb6: {  	s28 =	simm.s32 $_size_execute0_lowered;
	s3 =	sadd.s32 s3, s5;
	[dreg:$0x0] =	wrdreg $0x0  }
0xb7: {  	s5 =	sshll.u32 s28, $0x1;
	[dreg:$0x2] =	wrdreg s3  }
0xb8: {  	[dreg:$0x3] =	wrdreg s5  }
0xb9: {  	[dreg:$0x4] =	wrdreg $0xC0  }
0xba: {  	_ =	task [dreg:s22], $0x5FFFF  }
0xbb: {  	[dreg:$0x1] =	wrdreg $0xFFFFFFFF  }
0xbc: {  	[dreg:$0x0] =	wrdreg $0x60  }
0xbd: {  	[dreg:$0x2] =	wrdreg s24  }
0xbe: {  	[dreg:$0x3] =	wrdreg $0xB  }
0xbf: {  	_ =	task.clear_ibuf [dreg:s22], $0x4FFFF;
	_ =	strace $0x90000058  }
0xc0: {  	s29 =	simm.s32 $0xB;
	_ =	strace $0x8000005A  }
0xc1: {  	_ =	swait.ge [sflag:s29], $0x1  }
0xc2: {  	[sflag:s29] =	ssyncadd.s32 $0xFFFFFFFF  }
0xc3: {  	_ =	strace $0x9000005A  }
0xc4: {  	_ =	sfence  }
0xc5: {  	s30 =	sld [smem:$0x0];
	_ =	sdelay $0x2  }
0xc6: {  	s31 =	sshll.u32 s1, $0xD;
	s1 =	sshrl.u32 s1, $0x2  }
0xc7: {  	s4 =	sand.u32 $0x4000, s31;
	s1 =	sadd.s32 s1, s30  }
0xc8: {  	s0 =	sor.u32 s4, s0;
	s1 =	sshll.u32 s1, $0x11  }
0xc9: {  	s0 =	sor.u32 s1, s0  }
0xca: {  	s0 =	sadd.s32 $0x8F2B, s0  }
0xcb: {  	[sflag:s0] =	ssyncadd.remote.s32 $0x1  }
0xcc: {  	_ =	sfence.sel $0xFFFF  }
0xcd: {  	[dreg:$0x0] =	wrdreg $0xFFFFFFFF;
	(pc) =	sbr.abs _section_cstart, $3  }
0xce: {  	[dreg:$0x1] =	wrdreg $0xFFFFFFFF  }
0xcf: {  	_ =	task.clear_ibuf [dreg:s22], $0x2FFFF;
	_ =	strace $0x9FFFFFFF  }
0xd0: {  	(tm) =	ssettm $0x7FFFFFFF  }
0xd1: {  	_ =	shalt  }
tec
execute0_lowered:
.L_overlay_start_1:
0x0: {  	(tag) =	ssettag $0x1  }
0x1: {  	s3 =	rddreg [dreg:$0x0];
	s2 =	srdreg.scid  }
0x2: {  	s0 =	rddreg [dreg:$0x1];
	s1 =	stileid.u32  }
0x3: {  	s9 =	simm.s32 $0x1;
	s10 =	simm.s32 $0x0;
	s4 =	sand.u32 $0x1, s2  }
0x4: {  	s2 =	simm.s32 $0x0;
	s5 =	sshll.u32 s1, $0xB;
	s30 =	sshll.u32 s1, $0xF  }
0x5: {  	s6 =	sshll.u32 s4, $0xA;
	[smem:$0x7FF] =	sst s2;
	s29 =	ssub.s32 $0x2, s4  }
0x6: {  	s31 =	sshll.u32 s4, $0xE;
	s5 =	sor.u32 s6, s5;
	s8 =	sshrl.u32 s29, $0x1  }
0x7: {  	_ =	strace $0x80000059;
	s5 =	sshrl.u32 s5, $0x3;
	s6 =	ssub.s32 s29, s8  }
0x8: {  	s8 =	simm.s32 $0x80;
	s7 =	sadd.s32 s5, s3;
	s5 =	sadd.s32 s30, s3  }
0x9: {  	s3 =	sadd.s32 $0xAEC00, s3;
	s4 =	smax.u32 s6, $0x1;
	s5 =	sadd.s32 s31, s5  }
0xa: {  	s6 =	sadd.s32 $0xB6C00, s7;
	s7 =	simm.s32 $0x2;
	s5 =	sadd.s32 $0xB7C00, s5  }
.LBB2_1:
0xb: {  	s11 =	sadd.s32 $0x0, s6  }
0xc: {  	[tilespmem:s2], [sflag:$0x2] =	stream.linear.gather [hbm4b:s11+s2], $0x80, $0x38;
	[tilespmem:$0x4080] =	vst v63  }
0xd: {  	_ =	swait.ge [sflag:s7], $0x80  }
0xe: {  	[sflag:s7] =	ssyncset.done $0x0  }
0xf: {  	[sflag:s7] =	ssyncadd.s32 $0xFFFFFF80  }
0x10: {  	[tilespmem:s8], [sflag:$0x1] =	stream.indirect.gather [hbm4b:s3+s8], $0x80, s2, s8, $0xb8;
	[tilespmem:$0x4080] =	vst v63  }
0x11: {  	_ =	swait.ge [sflag:s9], $0x4000  }
0x12: {  	[sflag:s9] =	ssyncset.done $0x0  }
0x13: {  	[sflag:s9] =	ssyncadd.s32 $0xFFFFC000  }
0x14: {  	[hbm4b:s5+s2] =	stream.linear.scatter [tilespmem:s8], [sflag:$0x2], $0x4000, $0x38;
	[tilespmem:$0x4080] =	vst v63  }
0x15: {  	s12 =	simm.s32 $0x10;
	_ =	swait.ge [sflag:s7], $0x4000  }
0x16: {  	s13 =	simm.s32 $0x20;
	s11 =	sadd.s32 $0x800, s5;
	[sflag:s7] =	ssyncset.done $0x0  }
.LBB2_2:
0x17: {  	s14 =	sadd.s32 s12, s6  }
0x18: {  	[sflag:s7] =	ssyncadd.s32 $0xFFFFC000;
	s12 =	smov.u32 s13;
	s15 =	sadd.s32 $0x10, s13  }
0x19: {  	[tilespmem:s2], [sflag:$0x2] =	stream.linear.gather [hbm4b:s14+s2], $0x80, $0x38;
	[tilespmem:$0x4080] =	vst v63  }
0x1a: {  	p0 =	sne.s32 s13, $0x70;
	_ =	swait.ge [sflag:s7], $0x80  }
0x1b: {  	[sflag:s7] =	ssyncset.done $0x0  }
0x1c: {  	[sflag:s7] =	ssyncadd.s32 $0xFFFFFF80  }
0x1d: {  	[tilespmem:s8], [sflag:$0x1] =	stream.indirect.gather [hbm4b:s3+s8], $0x80, s2, s8, $0xb8;
	[tilespmem:$0x4080] =	vst v63  }
0x1e: {  	_ =	swait.ge [sflag:s9], $0x4000  }
.Ltmp0:
0x1f: {  	[sflag:s9] =	ssyncset.done $0x0;
	(pc) =	sbr.rel @p0 .LBB2_2-.Ltmp0, $4  }
0x20: {  	[sflag:s9] =	ssyncadd.s32 $0xFFFFC000  }
0x21: {  	[hbm4b:s11+s2] =	stream.linear.scatter [tilespmem:s8], [sflag:$0x2], $0x4000, $0x38;
	[tilespmem:$0x4080] =	vst v63  }
0x22: {  	_ =	swait.ge [sflag:s7], $0x4000  }
0x23: {  	s13 =	smov.u32 s15;
	s11 =	sadd.s32 $0x800, s11;
	[sflag:s7] =	ssyncset.done $0x0  }
0x24: {  	s12 =	sadd.s32 s12, s6;
	[sflag:s7] =	ssyncadd.s32 $0xFFFFC000  }
0x25: {  	[tilespmem:s2], [sflag:$0x2] =	stream.linear.gather [hbm4b:s12+s2], $0x80, $0x38;
	[tilespmem:$0x4080] =	vst v63  }
0x26: {  	_ =	swait.ge [sflag:s7], $0x80  }
0x27: {  	[sflag:s7] =	ssyncset.done $0x0  }
0x28: {  	[sflag:s7] =	ssyncadd.s32 $0xFFFFFF80  }
0x29: {  	[tilespmem:s8], [sflag:$0x1] =	stream.indirect.gather [hbm4b:s3+s8], $0x80, s2, s8, $0xb8;
	[tilespmem:$0x4080] =	vst v63  }
0x2a: {  	s10 =	sadd.s32 $0x1, s10;
	_ =	swait.ge [sflag:s9], $0x4000  }
0x2b: {  	p0 =	sne.s32 s10, s4;
	[sflag:s9] =	ssyncset.done $0x0  }
.Ltmp1:
0x2c: {  	[sflag:s9] =	ssyncadd.s32 $0xFFFFC000;
	(pc) =	sbr.rel @p0 .LBB2_1-.Ltmp1, $4  }
0x2d: {  	[hbm4b:s11+s2] =	stream.linear.scatter [tilespmem:s8], [sflag:$0x2], $0x4000, $0x38;
	[tilespmem:$0x4080] =	vst v63  }
0x2e: {  	_ =	swait.ge [sflag:s7], $0x4000  }
0x2f: {  	[sflag:s7] =	ssyncset.done $0x0  }
0x30: {  	[sflag:s7] =	ssyncadd.s32 $0xFFFFC000  }
0x31: {  	_ =	sfence.sel $0x180000  }
0x32: {  	[bflag:$0x0] =	sbarrier.arrive $0xFFFF  }
0x33: {  	p0 =	sne.s32 s1, $0x0;
	_ =	strace $0x90000059  }
0x34: {  	s0 =	sadd.s32 @!p0 $0x100000, s0;
	[bflag:$0x2] =	sbarrier.arrive $0xFFFF  }
0x35: {  	[sflag:s0] =	ssyncadd.tile.s32 @!p0 $0x1;
	_ =	shalt  }
.Lfunc_end2:
_tile_overlayer_lowered:
.L_overlay_start_2:
0x36: {  	(tag) =	ssettag $0x2  }
0x37: {  	s0 =	rddreg [dreg:$0x0];
	s2 =	stileid.u32  }
0x38: {  	s1 =	rddreg [dreg:$0x1];
	p0 =	sne.s32 s2, $0x0  }
0x39: {  	s3 =	rddreg [dreg:$0x2];
	[bflag:$0x3] =	sbarrier.arrive $0xFFFF;
	s2 =	simm.s32 @!p0 $0x1C02  }
0x3a: {  	[timem:s3], [sflag:s2] =	dma.local @!p0 [hbm:s0], s1  }
0x3b: {  	s0 =	simm.s32 @!p0 $0x2  }
0x3c: {  	_ =	swait.ge @!p0 [sflag:s0], s1  }
0x3d: {  	s1 =	ssub.s32 @!p0 $0x0, s1;
	[sflag:s0] =	ssyncset.done @!p0 $0x0  }
0x3e: {  	[sflag:s0] =	ssyncadd.s32 @!p0 s1  }
0x3f: {  	[bflag:$0x3] =	sbarrier.arrive $0xFFFF  }
0x40: {  	_ =	shalt  }

// kernel: kernel.51.cloned.1.call-start
scs
__scs_entry_jumppad:
0x0: {  	(pc) =	sbr.rel $0x88, $3  }
0x1: {  	(tag) =	ssettag $0x0;
	lr =	simm.s32 $0x1  }
0x2: {  	[smem:$0x3F94] =	sst lr;
	_ =	strace $0xD0000000  }
0x3: {  	_ = 	snop  }
0x4: {  	_ = 	snop  }
0x5: {  	_ = 	snop  }
0x6: {  	_ = 	snop  }
0x7: {  	_ = 	snop  }
__scs_overlays_trampoline_lowered:
0x8: {  	[smem:$0x3FA3] =	sst s0  }
0x9: {  	[smem:$0x3FA4] =	sst s1  }
0xa: {  	[smem:$0x3FA5] =	sst s2  }
0xb: {  	[smem:$0x3FA6] =	sst s3  }
0xc: {  	[smem:$0x3FA7] =	sst s4  }
0xd: {  	[smem:$0x3FA8] =	sst s5  }
0xe: {  	[smem:$0x3FA9] =	sst s6  }
0xf: {  	[smem:$0x3FAA] =	sst s7  }
0x10: {  	[smem:$0x3FAB] =	sst s8  }
0x11: {  	[smem:$0x3FAC] =	sst s9;
	s0 =	simm.s32 @!p0 $0x0  }
0x12: {  	s1 =	sld [smem:$0x3F92];
	s0 =	simm.s32 @p0 $0x1  }
0x13: {  	[smem:$0x3FAD] =	sst s0;
	s0 =	simm.s32 @!p1 $0x0  }
0x14: {  	s2 =	sld [smem:$0x3F91];
	s0 =	simm.s32 @p1 $0x1  }
0x15: {  	[smem:$0x3FAE] =	sst s0;
	s0 =	simm.s32 @!p2 $0x0  }
0x16: {  	s3 =	sld [smem:$0x3FDB];
	s0 =	simm.s32 @p2 $0x1  }
0x17: {  	s4 =	simm.s32 $0x1BF5;
	[smem:$0x3FB0] =	sst s0  }
0x18: {  	s0 =	sld [smem:$0x3F93];
	_ =	swait.ge [sflag:s4], $0x0  }
0x19: {  	s7 =	sld [smem:$0x3F94]  }
0x1a: {  	s8 =	sadd.s32 $0xFFFFE003, lr  }
0x1b: {  	s9 =	sadd.s32 $0xFFFFFEF7, lr;
	s5 =	simm.s32 $0xFFFFFFFF;
	p2 =	slt.u32 s8, $0xFFFFF086  }
0x1c: {  	p1 =	slt.u32 s9, $0xF7A;
	s5 =	simm.s32 @!p2 $0x0  }
0x1d: {  	s5 =	simm.s32 @p1 $0x1;
	p0 =	seq.s32 s7, s2  }
0x1e: {  	s7 =	smul.u32 @!p0 $0xF7A, s2;
	p2 =	seq.s32 @!p0 s5, $0x0  }
0x1f: {  	s9 =	smul.u32 $0xF7A, s1;
	s8 =	simm.s32 @!p0 $0x1BF5;
	p2 =	por !p2, p0  }
0x20: {  	[sflag:s8] =	ssyncset.s32 @!p0 $0xFFFFF086;
	s6 =	sadd.s32 @!p0 s3, s7;
	s7 =	simm.s32 @!p0 $0x108  }
0x21: {  	s3 =	sadd.s32 s3, s9;
	s6 =	sadd.s32 @!p0 $0x88, s6;
	s7 =	simm.s32 @p2 $0x1082  }
0x22: {  	[simem:s7], [sflag:s8] =	dma.local @!p0 [hbm:s6], $0xF7A  }
0x23: {  	s9 =	sor.u32 $0xD0000000, s2;
	s6 =	simm.s32 $0x108;
	_ =	swait.ge @!p0 [sflag:s8], $0x0  }
0x24: {  	s3 =	sadd.s32 $0x88, s3;
	s6 =	simm.s32 @!p1 $0x1082;
	[sflag:s4] =	ssyncset.s32 $0xFFFFF086  }
0x25: {  	[simem:s6], [sflag:s4] =	dma.local [hbm:s3], $0xF7A  }
0x26: {  	[smem:$0x3F94] =	sst s1;
	(tag) =	ssettag s2;
	_ =	strace s9  }
0x27: {  	s1 =	sld [smem:$0x3FA4]  }
0x28: {  	s2 =	sld [smem:$0x3FA5]  }
0x29: {  	s4 =	sld [smem:$0x3FA7]  }
0x2a: {  	p0 =	seq.s32 s5, $0x0;
	s5 =	sld [smem:$0x3FA8]  }
0x2b: {  	s6 =	sld [smem:$0x3FA9]  }
0x2c: {  	s7 =	sld [smem:$0x3FAA]  }
0x2d: {  	s3 =	simm.s32 $0x108;
	s8 =	sld [smem:$0x3FAB]  }
0x2e: {  	s3 =	simm.s32 @!p0 $0x1082;
	s9 =	sld [smem:$0x3FAC]  }
0x2f: {  	lr =	sadd.s32 s0, s3;
	s0 =	sld [smem:$0x3FA3]  }
0x30: {  	s3 =	sld [smem:$0x3FA6]  }
0x31: {  	[smem:$0x3FAF] =	sst s10  }
0x32: {  	s10 =	sld [smem:$0x3FAD];
	_ =	sdelay $0x3  }
0x33: {  	p0 =	seq.s32 s10, $0x1;
	s10 =	sld [smem:$0x3FAF];
	_ =	sdelay $0x3  }
0x34: {  	[smem:$0x3FAF] =	sst s10  }
0x35: {  	s10 =	sld [smem:$0x3FAE];
	_ =	sdelay $0x3  }
0x36: {  	p1 =	seq.s32 s10, $0x1;
	s10 =	sld [smem:$0x3FAF];
	_ =	sdelay $0x3  }
0x37: {  	[smem:$0x3FAF] =	sst s10  }
0x38: {  	s10 =	sld [smem:$0x3FB0]  }
0x39: {  	_ = 	snop;
	(pc) =	sbr.ind lr, $3  }
0x3a: {  	_ = 	snop  }
0x3b: {  	_ = 	snop  }
0x3c: {  	p2 =	seq.s32 s10, $0x1;
	s10 =	sld [smem:$0x3FAF]  }
0x3d: {  	_ =	shalt  }
0x3e: {  	_ =	shalt  }
0x3f: {  	_ =	shalt  }
0x40: {  	_ =	shalt  }
0x41: {  	_ =	shalt  }
0x42: {  	_ =	shalt  }
0x43: {  	_ =	shalt  }
0x44: {  	_ =	shalt  }
0x45: {  	_ =	shalt  }
0x46: {  	_ =	shalt  }
0x47: {  	_ =	shalt  }
0x48: {  	_ =	shalt  }
0x49: {  	_ =	shalt  }
0x4a: {  	_ =	shalt  }
0x4b: {  	_ =	shalt  }
0x4c: {  	_ =	shalt  }
0x4d: {  	_ =	shalt  }
0x4e: {  	_ =	shalt  }
0x4f: {  	_ =	shalt  }
0x50: {  	_ =	shalt  }
0x51: {  	_ =	shalt  }
0x52: {  	_ =	shalt  }
0x53: {  	_ =	shalt  }
0x54: {  	_ =	shalt  }
0x55: {  	_ =	shalt  }
0x56: {  	_ =	shalt  }
0x57: {  	_ =	shalt  }
0x58: {  	_ =	shalt  }
0x59: {  	_ =	shalt  }
0x5a: {  	_ =	shalt  }
0x5b: {  	_ =	shalt  }
0x5c: {  	_ =	shalt  }
0x5d: {  	_ =	shalt  }
0x5e: {  	_ =	shalt  }
0x5f: {  	_ =	shalt  }
0x60: {  	_ =	shalt  }
0x61: {  	_ =	shalt  }
0x62: {  	_ =	shalt  }
0x63: {  	_ =	shalt  }
0x64: {  	_ =	shalt  }
0x65: {  	_ =	shalt  }
0x66: {  	_ =	shalt  }
0x67: {  	_ =	shalt  }
0x68: {  	_ =	shalt  }
0x69: {  	_ =	shalt  }
0x6a: {  	_ =	shalt  }
0x6b: {  	_ =	shalt  }
0x6c: {  	_ =	shalt  }
0x6d: {  	_ =	shalt  }
0x6e: {  	_ =	shalt  }
0x6f: {  	_ =	shalt  }
0x70: {  	_ =	shalt  }
0x71: {  	_ =	shalt  }
0x72: {  	_ =	shalt  }
0x73: {  	_ =	shalt  }
0x74: {  	_ =	shalt  }
0x75: {  	_ =	shalt  }
0x76: {  	_ =	shalt  }
0x77: {  	_ =	shalt  }
0x78: {  	_ =	shalt  }
0x79: {  	_ =	shalt  }
0x7a: {  	_ =	shalt  }
0x7b: {  	_ =	shalt  }
0x7c: {  	_ =	shalt  }
0x7d: {  	_ =	shalt  }
0x7e: {  	_ =	shalt  }
0x7f: {  	_ =	shalt  }
0x80: {  	_ =	shalt  }
0x81: {  	_ =	shalt  }
0x82: {  	_ =	shalt  }
0x83: {  	_ =	shalt  }
0x84: {  	_ =	shalt  }
0x85: {  	_ =	shalt  }
0x86: {  	_ =	shalt  }
0x87: {  	_ =	shalt  }
.Lfunc_end0:
.L_simem_size_0:
called_computation.6_lowered:
.L_overlay_start_0:
0x88: {  	s2 =	sld [smem:$0x3FD9]  }
0x89: {  	s3 =	sld [smem:$0x3FFE];
	_ =	sdelay $0x1  }
0x8a: {  	s1 =	srdreg.scid  }
0x8b: {  	s0 =	sand.u32 $0x1, s1  }
0x8c: {  	s17 =	sshll.u32 s0, $0xA;
	s2 =	sadd.s32 s3, s2  }
0x8d: {  	s2 =	sadd.s32 s2, s17  }
0x8e: {  	[smem:$0x3FBB] =	sst s2  }
0x8f: {  	_ = 	snop  }
0x90: {  	(tm) =	ssettm $0x1  }
0x91: {  	s18 =	sld [smem:$0x3FFB];
	_ =	sdelay $0x3  }
0x92: {  	_ =	strace s18  }
0x93: {  	s2 =	sld [smem:$0x3FFC];
	_ =	sdelay $0x3  }
0x94: {  	_ =	strace s2  }
0x95: {  	s2 =	sld [smem:$0x3FFD];
	_ =	sdelay $0x3  }
0x96: {  	_ =	strace s2  }
0x97: {  	_ =	strace $0x8FFFFFFF  }
0x98: {  	s19 =	sld [smem:$0x3FDB];
	_ =	sdelay $0x1  }
0x99: {  	s20 =	simm.s32 $_scs_section_size  }
0x9a: {  	s4 =	simm.s32 $_size__tile_overlayer_lowered;
	s5 =	simm.s32 $_tile_overlayer_lowered  }
0x9b: {  	s6 =	simm.s32 $0x1BFF;
	s21 =	sshll.u32 s5, $0x1;
	s3 =	sadd.s32 s20, s19  }
0x9c: {  	s22 =	simm.s32 $0x0;
	s4 =	sshll.u32 s4, $0x1;
	s5 =	sadd.s32 s21, s3  }
0x9d: {  	[timem:s22], [sflag:s6] =	dma.local [hbm:s5], s4  }
0x9e: {  	_ =	swait.ge [sflag:s6], s4  }
0x9f: {  	s4 =	ssub.s32 $0x0, s4;
	[sflag:s6] =	ssyncset.done $0x0  }
0xa0: {  	[sflag:s6] =	ssyncadd.s32 s4;
	_ =	sdelay $0x1  }
0xa1: {  	s23 =	simm.s32 $0x1B8B  }
0xa2: {  	_ =	swait.ge [sflag:s23], $0x1  }
0xa3: {  	[sflag:s23] =	ssyncset.done $0x0  }
0xa4: {  	[sflag:s23] =	ssyncadd.s32 $0xFFFFFFFF  }
0xa5: {  	s4 =	sld [smem:$0x0]  }
0xa6: {  	s5 =	sand.u32 $0xFFFFFFFE, s1  }
0xa7: {  	p0 =	sne.s32 s1, s5  }
0xa8: {  	s5 =	sshll.u32 @p0 s5, $0xE  }
0xa9: {  	s5 =	sadd.s32 @p0 $0x11B8D, s5;
	s6 =	sshll.u32 @p0 s4, $0x11  }
0xaa: {  	s5 =	sor.u32 @p0 s6, s5  }
0xab: {  	[sflag:s5] =	ssyncadd.remote.s32 @p0 $0x1;
	_ =	sdelay $0x1  }
0xac: {  	s5 =	simm.s32 @p0 $0x1B8D  }
0xad: {  	_ =	swait.eq @p0 [sflag:s5], $0x1  }
0xae: {  	[sflag:s5] =	ssyncadd.s32 @p0 $0xFFFFFFFF  }
0xaf: {  	s6 =	sshll.u32 @!p0 s1, $0xE  }
0xb0: {  	s6 =	sor.u32 @!p0 $0x4000, s6;
	s5 =	simm.s32 @!p0 $0x1B8D  }
0xb1: {  	s4 =	sshll.u32 @!p0 s4, $0x11;
	s6 =	sadd.s32 @!p0 $0x11B8D, s6;
	_ =	swait.eq @!p0 [sflag:s5], $0x1  }
0xb2: {  	s4 =	sor.u32 @!p0 s4, s6;
	[sflag:s5] =	ssyncadd.s32 @!p0 $0xFFFFFFFF  }
0xb3: {  	s25 =	simm.s32 $0x1B8E;
	s24 =	sld [smem:$0x3FFE];
	[sflag:s4] =	ssyncadd.remote.s32 @!p0 $0x1  }
0xb4: {  	s26 =	simm.s32 $execute0_lowered;
	[smem:$0x3FD2] =	sst s25  }
0xb5: {  	s5 =	sshll.u32 s26, $0x1;
	_ =	strace $0x8000004C;
	[dreg:$0x1] =	wrdreg $0xFFFFFFFF  }
0xb6: {  	s28 =	simm.s32 $_size_execute0_lowered;
	s3 =	sadd.s32 s3, s5;
	[dreg:$0x0] =	wrdreg $0x0  }
0xb7: {  	s5 =	sshll.u32 s28, $0x1;
	[dreg:$0x2] =	wrdreg s3  }
0xb8: {  	[dreg:$0x3] =	wrdreg s5  }
0xb9: {  	[dreg:$0x4] =	wrdreg $0xC0  }
0xba: {  	_ =	task [dreg:s22], $0x5FFFF  }
0xbb: {  	[dreg:$0x1] =	wrdreg $0xFFFFFFFF  }
0xbc: {  	[dreg:$0x0] =	wrdreg $0x60  }
0xbd: {  	[dreg:$0x2] =	wrdreg s24  }
0xbe: {  	[dreg:$0x3] =	wrdreg $0xD  }
0xbf: {  	_ =	task.clear_ibuf [dreg:s22], $0x4FFFF;
	_ =	strace $0x9000004C  }
0xc0: {  	s29 =	simm.s32 $0xD;
	_ =	strace $0x8000004E  }
0xc1: {  	_ =	swait.ge [sflag:s29], $0x1  }
0xc2: {  	[sflag:s29] =	ssyncadd.s32 $0xFFFFFFFF  }
0xc3: {  	_ =	strace $0x9000004E  }
0xc4: {  	_ =	sfence  }
0xc5: {  	s30 =	sld [smem:$0x0];
	_ =	sdelay $0x2  }
0xc6: {  	s31 =	sshll.u32 s1, $0xD;
	s1 =	sshrl.u32 s1, $0x2  }
0xc7: {  	s4 =	sand.u32 $0x4000, s31;
	s1 =	sadd.s32 s1, s30  }
0xc8: {  	s0 =	sor.u32 s4, s0;
	s1 =	sshll.u32 s1, $0x11  }
0xc9: {  	s0 =	sor.u32 s1, s0  }
0xca: {  	s0 =	sadd.s32 $0x8F2B, s0  }
0xcb: {  	[sflag:s0] =	ssyncadd.remote.s32 $0x1  }
0xcc: {  	_ =	sfence.sel $0xFFFF  }
0xcd: {  	[dreg:$0x0] =	wrdreg $0xFFFFFFFF;
	(pc) =	sbr.abs _section_cstart, $3  }
0xce: {  	[dreg:$0x1] =	wrdreg $0xFFFFFFFF  }
0xcf: {  	_ =	task.clear_ibuf [dreg:s22], $0x2FFFF;
	_ =	strace $0x9FFFFFFF  }
0xd0: {  	(tm) =	ssettm $0x7FFFFFFF  }
0xd1: {  	_ =	shalt  }
tec
execute0_lowered:
.L_overlay_start_1:
0x0: {  	(tag) =	ssettag $0x1  }
0x1: {  	s3 =	rddreg [dreg:$0x0]  }
0x2: {  	s2 =	srdreg.scid;
	s0 =	rddreg [dreg:$0x1]  }
0x3: {  	s1 =	stileid.u32;
	s9 =	simm.s32 $0x2;
	s10 =	simm.s32 $0x80  }
0x4: {  	s11 =	simm.s32 $0x1;
	s12 =	simm.s32 $0x0;
	s4 =	sand.u32 $0x1, s2  }
0x5: {  	s2 =	simm.s32 $0x0;
	s5 =	sshll.u32 s1, $0xB;
	s29 =	sshll.u32 s1, $0xF  }
0x6: {  	s6 =	sshll.u32 s4, $0xA;
	[smem:$0x7FF] =	sst s2;
	s30 =	ssub.s32 $0x2, s4  }
0x7: {  	s4 =	sshll.u32 s4, $0xE;
	s5 =	sor.u32 s6, s5;
	s7 =	sshrl.u32 s30, $0x1  }
0x8: {  	_ =	strace $0x8000004D;
	s5 =	sshrl.u32 s5, $0x3;
	s6 =	ssub.s32 s30, s7  }
0x9: {  	s8 =	sadd.s32 s5, s3;
	s5 =	sadd.s32 s29, s3;
	s3 =	sadd.s32 $0x22A000, s3  }
0xa: {  	s31 =	sadd.s32 s4, s5;
	s4 =	smax.u32 s6, $0x1;
	s6 =	sadd.s32 $0x232000, s8  }
0xb: {  	s8 =	sadd.s32 $0x233000, s8;
	s5 =	sadd.s32 $0x234000, s31;
	s7 =	sadd.s32 $0x2B4000, s31  }
.LBB2_1:
0xc: {  	s13 =	sadd.s32 $0x0, s6  }
0xd: {  	[tilespmem:s2], [sflag:$0x2] =	stream.linear.gather [hbm4b:s13+s2], $0x80, $0x38;
	[tilespmem:$0x4080] =	vst v63  }
0xe: {  	_ =	swait.ge [sflag:s9], $0x80  }
0xf: {  	[sflag:s9] =	ssyncset.done $0x0  }
0x10: {  	[sflag:s9] =	ssyncadd.s32 $0xFFFFFF80  }
0x11: {  	[tilespmem:s10], [sflag:$0x1] =	stream.indirect.gather [hbm4b:s3+s10], $0x80, s2, s10, $0xb8;
	[tilespmem:$0x4080] =	vst v63  }
0x12: {  	_ =	swait.ge [sflag:s11], $0x4000  }
0x13: {  	[sflag:s11] =	ssyncset.done $0x0  }
0x14: {  	[sflag:s11] =	ssyncadd.s32 $0xFFFFC000  }
0x15: {  	[hbm4b:s5+s2] =	stream.linear.scatter [tilespmem:s10], [sflag:$0x2], $0x4000, $0x38;
	[tilespmem:$0x4080] =	vst v63  }
0x16: {  	s16 =	sadd.s32 $0x10, s6;
	_ =	swait.ge [sflag:s9], $0x4000  }
0x17: {  	s14 =	simm.s32 $0x20;
	s13 =	sadd.s32 $0x800, s5;
	[sflag:s9] =	ssyncset.done $0x0  }
.LBB2_2:
0x18: {  	s17 =	sadd.s32 s14, s6;
	s15 =	simm.s32 $0x0;
	[sflag:s9] =	ssyncadd.s32 $0xFFFFC000  }
0x19: {  	[tilespmem:s15], [sflag:$0x2] =	stream.linear.gather [hbm4b:s16+s15], $0x80, $0x38;
	[tilespmem:$0x4080] =	vst v63  }
0x1a: {  	p0 =	sne.s32 s14, $0x70;
	s14 =	sadd.s32 $0x10, s14;
	_ =	swait.ge [sflag:s9], $0x80  }
0x1b: {  	s16 =	smov.u32 s17;
	[sflag:s9] =	ssyncset.done $0x0  }
0x1c: {  	[sflag:s9] =	ssyncadd.s32 $0xFFFFFF80  }
0x1d: {  	[tilespmem:s10], [sflag:$0x1] =	stream.indirect.gather [hbm4b:s3+s10], $0x80, s15, s10, $0xb8;
	[tilespmem:$0x4080] =	vst v63  }
0x1e: {  	_ =	swait.ge [sflag:s11], $0x4000  }
.Ltmp0:
0x1f: {  	[sflag:s11] =	ssyncset.done $0x0;
	(pc) =	sbr.rel @p0 .LBB2_2-.Ltmp0, $4  }
0x20: {  	[sflag:s11] =	ssyncadd.s32 $0xFFFFC000  }
0x21: {  	[hbm4b:s13+s15] =	stream.linear.scatter [tilespmem:s10], [sflag:$0x2], $0x4000, $0x38;
	[tilespmem:$0x4080] =	vst v63  }
0x22: {  	_ =	swait.ge [sflag:s9], $0x4000  }
0x23: {  	s13 =	sadd.s32 $0x800, s13;
	[sflag:s9] =	ssyncset.done $0x0  }
0x24: {  	[sflag:s9] =	ssyncadd.s32 $0xFFFFC000  }
0x25: {  	[tilespmem:s15], [sflag:$0x2] =	stream.linear.gather [hbm4b:s16+s15], $0x80, $0x38;
	[tilespmem:$0x4080] =	vst v63  }
0x26: {  	_ =	swait.ge [sflag:s9], $0x80  }
0x27: {  	[sflag:s9] =	ssyncset.done $0x0  }
0x28: {  	[sflag:s9] =	ssyncadd.s32 $0xFFFFFF80  }
0x29: {  	[tilespmem:s10], [sflag:$0x1] =	stream.indirect.gather [hbm4b:s3+s10], $0x80, s15, s10, $0xb8;
	[tilespmem:$0x4080] =	vst v63  }
0x2a: {  	_ =	swait.ge [sflag:s11], $0x4000  }
0x2b: {  	p1 =	por $0x1, $0x1;
	[sflag:s11] =	ssyncset.done $0x0  }
.Ltmp1:
0x2c: {  	[sflag:s11] =	ssyncadd.s32 $0xFFFFC000;
	(pc) =	sbr.rel @!p1 .LBB2_8-.Ltmp1, $4  }
0x2d: {  	[hbm4b:s13+s15] =	stream.linear.scatter [tilespmem:s10], [sflag:$0x2], $0x4000, $0x38;
	[tilespmem:$0x4080] =	vst v63  }
0x2e: {  	_ =	swait.ge [sflag:s9], $0x4000  }
0x2f: {  	p0 =	por $0x0, $0x0;
	[sflag:s9] =	ssyncset.done $0x0  }
0x30: {  	s14 =	smov.u32 s7;
	s13 =	simm.s32 $0x10;
	[sflag:s9] =	ssyncadd.s32 $0xFFFFC000  }
0x31: {  	s14 =	sadd.s32 $0x0, s8  }
0x32: {  	[tilespmem:s2], [sflag:$0x2] =	stream.linear.gather [hbm4b:s14+s2], $0x80, $0x38;
	[tilespmem:$0x4080] =	vst v63  }
0x33: {  	_ =	swait.ge [sflag:s9], $0x80  }
0x34: {  	[sflag:s9] =	ssyncset.done $0x0  }
0x35: {  	[sflag:s9] =	ssyncadd.s32 $0xFFFFFF80  }
0x36: {  	[tilespmem:s10], [sflag:$0x1] =	stream.indirect.gather [hbm4b:s3+s10], $0x80, s2, s10, $0xb8;
	[tilespmem:$0x4080] =	vst v63  }
0x37: {  	p1 =	por $0x1, $0x1;
	_ =	swait.ge [sflag:s11], $0x4000  }
.Ltmp2:
0x38: {  	[sflag:s11] =	ssyncset.done $0x0;
	(pc) =	sbr.rel @!p1 .LBB2_5-.Ltmp2, $4  }
0x39: {  	[sflag:s11] =	ssyncadd.s32 $0xFFFFC000  }
0x3a: {  	[hbm4b:s7+s2] =	stream.linear.scatter [tilespmem:s10], [sflag:$0x2], $0x4000, $0x38;
	[tilespmem:$0x4080] =	vst v63  }
0x3b: {  	s15 =	simm.s32 $0x20;
	_ =	swait.ge [sflag:s9], $0x4000  }
0x3c: {  	p0 =	por $0x1, $0x1;
	s14 =	sadd.s32 $0x800, s7;
	[sflag:s9] =	ssyncset.done $0x0  }
.LBB2_6:
0x3d: {  	s16 =	sadd.s32 s13, s8  }
0x3e: {  	[sflag:s9] =	ssyncadd.s32 $0xFFFFC000;
	s13 =	smov.u32 s15;
	s17 =	sadd.s32 $0x10, s15  }
0x3f: {  	[tilespmem:s2], [sflag:$0x2] =	stream.linear.gather [hbm4b:s16+s2], $0x80, $0x38;
	[tilespmem:$0x4080] =	vst v63  }
0x40: {  	p1 =	sne.s32 s15, $0x70;
	_ =	swait.ge [sflag:s9], $0x80  }
0x41: {  	[sflag:s9] =	ssyncset.done $0x0  }
0x42: {  	[sflag:s9] =	ssyncadd.s32 $0xFFFFFF80  }
0x43: {  	[tilespmem:s10], [sflag:$0x1] =	stream.indirect.gather [hbm4b:s3+s10], $0x80, s2, s10, $0xb8;
	[tilespmem:$0x4080] =	vst v63  }
0x44: {  	_ =	swait.ge [sflag:s11], $0x4000  }
.Ltmp3:
0x45: {  	[sflag:s11] =	ssyncset.done $0x0;
	(pc) =	sbr.rel @p1 .LBB2_6-.Ltmp3, $4  }
0x46: {  	[sflag:s11] =	ssyncadd.s32 $0xFFFFC000  }
0x47: {  	[hbm4b:s14+s2] =	stream.linear.scatter [tilespmem:s10], [sflag:$0x2], $0x4000, $0x38;
	[tilespmem:$0x4080] =	vst v63  }
0x48: {  	_ =	swait.ge [sflag:s9], $0x4000  }
0x49: {  	s15 =	smov.u32 s17;
	s14 =	sadd.s32 $0x800, s14;
	[sflag:s9] =	ssyncset.done $0x0  }
0x4a: {  	s15 =	smov.u32 s13  }
.LBB2_8:
0x4b: {  	s13 =	sadd.s32 s15, s8;
	[sflag:s9] =	ssyncadd.s32 @p0 $0xFFFFC000  }
0x4c: {  	[tilespmem:s2], [sflag:$0x2] =	stream.linear.gather [hbm4b:s13+s2], $0x80, $0x38;
	[tilespmem:$0x4080] =	vst v63  }
0x4d: {  	_ =	swait.ge [sflag:s9], $0x80  }
0x4e: {  	[sflag:s9] =	ssyncset.done $0x0  }
0x4f: {  	[sflag:s9] =	ssyncadd.s32 $0xFFFFFF80  }
0x50: {  	[tilespmem:s10], [sflag:$0x1] =	stream.indirect.gather [hbm4b:s3+s10], $0x80, s2, s10, $0xb8;
	[tilespmem:$0x4080] =	vst v63  }
0x51: {  	_ =	swait.ge [sflag:s11], $0x4000  }
0x52: {  	s12 =	sadd.s32 $0x1, s12;
	[sflag:s11] =	ssyncset.done $0x0  }
0x53: {  	p0 =	sne.s32 s12, s4;
	[sflag:s11] =	ssyncadd.s32 $0xFFFFC000  }
0x54: {  	[hbm4b:s14+s2] =	stream.linear.scatter [tilespmem:s10], [sflag:$0x2], $0x4000, $0x38;
	[tilespmem:$0x4080] =	vst v63  }
.Ltmp4:
0x55: {  	_ = 	snop;
	(pc) =	sbr.rel @p0 .LBB2_1-.Ltmp4, $4  }
.Ltmp5:
0x56: {  	_ = 	snop;
	(pc) =	sbr.rel @!p0 .LBB2_9-.Ltmp5, $4  }
0x57: {  	_ =	swait.ge [sflag:s9], $0x4000  }
0x58: {  	[sflag:s9] =	ssyncset.done $0x0  }
0x59: {  	[sflag:s9] =	ssyncadd.s32 $0xFFFFC000  }
0x5a: {  	_ = 	snop  }
.LBB2_5:
.Ltmp6:
0x5b: {  	(pc) =	sbr.rel .LBB2_8-.Ltmp6, $2  }
0x5c: {  	_ =	sdelay $0x2  }
0x5d: {  	s15 =	simm.s32 $0x10  }
.LBB2_9:
0x5e: {  	_ =	sfence.sel $0x180000  }
0x5f: {  	[bflag:$0x0] =	sbarrier.arrive $0xFFFF  }
0x60: {  	p0 =	sne.s32 s1, $0x0;
	_ =	strace $0x9000004D  }
0x61: {  	s0 =	sadd.s32 @!p0 $0x100000, s0;
	[bflag:$0x2] =	sbarrier.arrive $0xFFFF  }
0x62: {  	[sflag:s0] =	ssyncadd.tile.s32 @!p0 $0x1;
	_ =	shalt  }
.Lfunc_end2:
_tile_overlayer_lowered:
.L_overlay_start_2:
0x63: {  	(tag) =	ssettag $0x2  }
0x64: {  	s0 =	rddreg [dreg:$0x0];
	s2 =	stileid.u32  }
0x65: {  	s1 =	rddreg [dreg:$0x1];
	p0 =	sne.s32 s2, $0x0  }
0x66: {  	s3 =	rddreg [dreg:$0x2];
	[bflag:$0x3] =	sbarrier.arrive $0xFFFF;
	s2 =	simm.s32 @!p0 $0x1C02  }
0x67: {  	[timem:s3], [sflag:s2] =	dma.local @!p0 [hbm:s0], s1  }
0x68: {  	s0 =	simm.s32 @!p0 $0x2  }
0x69: {  	_ =	swait.ge @!p0 [sflag:s0], s1  }
0x6a: {  	s1 =	ssub.s32 @!p0 $0x0, s1;
	[sflag:s0] =	ssyncset.done @!p0 $0x0  }
0x6b: {  	[sflag:s0] =	ssyncadd.s32 @!p0 s1  }
0x6c: {  	[bflag:$0x3] =	sbarrier.arrive $0xFFFF  }
0x6d: {  	_ =	shalt  }

// kernel: kernel.54.cloned.1.call-start
scs
__scs_entry_jumppad:
0x0: {  	(pc) =	sbr.rel $0x88, $3  }
0x1: {  	(tag) =	ssettag $0x0;
	lr =	simm.s32 $0x1  }
0x2: {  	[smem:$0x3F94] =	sst lr;
	_ =	strace $0xD0000000  }
0x3: {  	_ = 	snop  }
0x4: {  	_ = 	snop  }
0x5: {  	_ = 	snop  }
0x6: {  	_ = 	snop  }
0x7: {  	_ = 	snop  }
__scs_overlays_trampoline_lowered:
0x8: {  	[smem:$0x3FA3] =	sst s0  }
0x9: {  	[smem:$0x3FA4] =	sst s1  }
0xa: {  	[smem:$0x3FA5] =	sst s2  }
0xb: {  	[smem:$0x3FA6] =	sst s3  }
0xc: {  	[smem:$0x3FA7] =	sst s4  }
0xd: {  	[smem:$0x3FA8] =	sst s5  }
0xe: {  	[smem:$0x3FA9] =	sst s6  }
0xf: {  	[smem:$0x3FAA] =	sst s7  }
0x10: {  	[smem:$0x3FAB] =	sst s8  }
0x11: {  	[smem:$0x3FAC] =	sst s9;
	s0 =	simm.s32 @!p0 $0x0  }
0x12: {  	s1 =	sld [smem:$0x3F92];
	s0 =	simm.s32 @p0 $0x1  }
0x13: {  	[smem:$0x3FAD] =	sst s0;
	s0 =	simm.s32 @!p1 $0x0  }
0x14: {  	s2 =	sld [smem:$0x3F91];
	s0 =	simm.s32 @p1 $0x1  }
0x15: {  	[smem:$0x3FAE] =	sst s0;
	s0 =	simm.s32 @!p2 $0x0  }
0x16: {  	s3 =	sld [smem:$0x3FDB];
	s0 =	simm.s32 @p2 $0x1  }
0x17: {  	s4 =	simm.s32 $0x1BF5;
	[smem:$0x3FB0] =	sst s0  }
0x18: {  	s0 =	sld [smem:$0x3F93];
	_ =	swait.ge [sflag:s4], $0x0  }
0x19: {  	s7 =	sld [smem:$0x3F94]  }
0x1a: {  	s8 =	sadd.s32 $0xFFFFE003, lr  }
0x1b: {  	s9 =	sadd.s32 $0xFFFFFEF7, lr;
	s5 =	simm.s32 $0xFFFFFFFF;
	p2 =	slt.u32 s8, $0xFFFFF086  }
0x1c: {  	p1 =	slt.u32 s9, $0xF7A;
	s5 =	simm.s32 @!p2 $0x0  }
0x1d: {  	s5 =	simm.s32 @p1 $0x1;
	p0 =	seq.s32 s7, s2  }
0x1e: {  	s7 =	smul.u32 @!p0 $0xF7A, s2;
	p2 =	seq.s32 @!p0 s5, $0x0  }
0x1f: {  	s9 =	smul.u32 $0xF7A, s1;
	s8 =	simm.s32 @!p0 $0x1BF5;
	p2 =	por !p2, p0  }
0x20: {  	[sflag:s8] =	ssyncset.s32 @!p0 $0xFFFFF086;
	s6 =	sadd.s32 @!p0 s3, s7;
	s7 =	simm.s32 @!p0 $0x108  }
0x21: {  	s3 =	sadd.s32 s3, s9;
	s6 =	sadd.s32 @!p0 $0x88, s6;
	s7 =	simm.s32 @p2 $0x1082  }
0x22: {  	[simem:s7], [sflag:s8] =	dma.local @!p0 [hbm:s6], $0xF7A  }
0x23: {  	s9 =	sor.u32 $0xD0000000, s2;
	s6 =	simm.s32 $0x108;
	_ =	swait.ge @!p0 [sflag:s8], $0x0  }
0x24: {  	s3 =	sadd.s32 $0x88, s3;
	s6 =	simm.s32 @!p1 $0x1082;
	[sflag:s4] =	ssyncset.s32 $0xFFFFF086  }
0x25: {  	[simem:s6], [sflag:s4] =	dma.local [hbm:s3], $0xF7A  }
0x26: {  	[smem:$0x3F94] =	sst s1;
	(tag) =	ssettag s2;
	_ =	strace s9  }
0x27: {  	s1 =	sld [smem:$0x3FA4]  }
0x28: {  	s2 =	sld [smem:$0x3FA5]  }
0x29: {  	s4 =	sld [smem:$0x3FA7]  }
0x2a: {  	p0 =	seq.s32 s5, $0x0;
	s5 =	sld [smem:$0x3FA8]  }
0x2b: {  	s6 =	sld [smem:$0x3FA9]  }
0x2c: {  	s7 =	sld [smem:$0x3FAA]  }
0x2d: {  	s3 =	simm.s32 $0x108;
	s8 =	sld [smem:$0x3FAB]  }
0x2e: {  	s3 =	simm.s32 @!p0 $0x1082;
	s9 =	sld [smem:$0x3FAC]  }
0x2f: {  	lr =	sadd.s32 s0, s3;
	s0 =	sld [smem:$0x3FA3]  }
0x30: {  	s3 =	sld [smem:$0x3FA6]  }
0x31: {  	[smem:$0x3FAF] =	sst s10  }
0x32: {  	s10 =	sld [smem:$0x3FAD];
	_ =	sdelay $0x3  }
0x33: {  	p0 =	seq.s32 s10, $0x1;
	s10 =	sld [smem:$0x3FAF];
	_ =	sdelay $0x3  }
0x34: {  	[smem:$0x3FAF] =	sst s10  }
0x35: {  	s10 =	sld [smem:$0x3FAE];
	_ =	sdelay $0x3  }
0x36: {  	p1 =	seq.s32 s10, $0x1;
	s10 =	sld [smem:$0x3FAF];
	_ =	sdelay $0x3  }
0x37: {  	[smem:$0x3FAF] =	sst s10  }
0x38: {  	s10 =	sld [smem:$0x3FB0]  }
0x39: {  	_ = 	snop;
	(pc) =	sbr.ind lr, $3  }
0x3a: {  	_ = 	snop  }
0x3b: {  	_ = 	snop  }
0x3c: {  	p2 =	seq.s32 s10, $0x1;
	s10 =	sld [smem:$0x3FAF]  }
0x3d: {  	_ =	shalt  }
0x3e: {  	_ =	shalt  }
0x3f: {  	_ =	shalt  }
0x40: {  	_ =	shalt  }
0x41: {  	_ =	shalt  }
0x42: {  	_ =	shalt  }
0x43: {  	_ =	shalt  }
0x44: {  	_ =	shalt  }
0x45: {  	_ =	shalt  }
0x46: {  	_ =	shalt  }
0x47: {  	_ =	shalt  }
0x48: {  	_ =	shalt  }
0x49: {  	_ =	shalt  }
0x4a: {  	_ =	shalt  }
0x4b: {  	_ =	shalt  }
0x4c: {  	_ =	shalt  }
0x4d: {  	_ =	shalt  }
0x4e: {  	_ =	shalt  }
0x4f: {  	_ =	shalt  }
0x50: {  	_ =	shalt  }
0x51: {  	_ =	shalt  }
0x52: {  	_ =	shalt  }
0x53: {  	_ =	shalt  }
0x54: {  	_ =	shalt  }
0x55: {  	_ =	shalt  }
0x56: {  	_ =	shalt  }
0x57: {  	_ =	shalt  }
0x58: {  	_ =	shalt  }
0x59: {  	_ =	shalt  }
0x5a: {  	_ =	shalt  }
0x5b: {  	_ =	shalt  }
0x5c: {  	_ =	shalt  }
0x5d: {  	_ =	shalt  }
0x5e: {  	_ =	shalt  }
0x5f: {  	_ =	shalt  }
0x60: {  	_ =	shalt  }
0x61: {  	_ =	shalt  }
0x62: {  	_ =	shalt  }
0x63: {  	_ =	shalt  }
0x64: {  	_ =	shalt  }
0x65: {  	_ =	shalt  }
0x66: {  	_ =	shalt  }
0x67: {  	_ =	shalt  }
0x68: {  	_ =	shalt  }
0x69: {  	_ =	shalt  }
0x6a: {  	_ =	shalt  }
0x6b: {  	_ =	shalt  }
0x6c: {  	_ =	shalt  }
0x6d: {  	_ =	shalt  }
0x6e: {  	_ =	shalt  }
0x6f: {  	_ =	shalt  }
0x70: {  	_ =	shalt  }
0x71: {  	_ =	shalt  }
0x72: {  	_ =	shalt  }
0x73: {  	_ =	shalt  }
0x74: {  	_ =	shalt  }
0x75: {  	_ =	shalt  }
0x76: {  	_ =	shalt  }
0x77: {  	_ =	shalt  }
0x78: {  	_ =	shalt  }
0x79: {  	_ =	shalt  }
0x7a: {  	_ =	shalt  }
0x7b: {  	_ =	shalt  }
0x7c: {  	_ =	shalt  }
0x7d: {  	_ =	shalt  }
0x7e: {  	_ =	shalt  }
0x7f: {  	_ =	shalt  }
0x80: {  	_ =	shalt  }
0x81: {  	_ =	shalt  }
0x82: {  	_ =	shalt  }
0x83: {  	_ =	shalt  }
0x84: {  	_ =	shalt  }
0x85: {  	_ =	shalt  }
0x86: {  	_ =	shalt  }
0x87: {  	_ =	shalt  }
.Lfunc_end0:
.L_simem_size_0:
called_computation.7_lowered:
.L_overlay_start_0:
0x88: {  	s2 =	sld [smem:$0x3FD9]  }
0x89: {  	s3 =	sld [smem:$0x3FFE];
	_ =	sdelay $0x1  }
0x8a: {  	s1 =	srdreg.scid  }
0x8b: {  	s0 =	sand.u32 $0x1, s1  }
0x8c: {  	s17 =	sshll.u32 s0, $0xA;
	s2 =	sadd.s32 s3, s2  }
0x8d: {  	s2 =	sadd.s32 s2, s17  }
0x8e: {  	[smem:$0x3FBB] =	sst s2  }
0x8f: {  	_ = 	snop  }
0x90: {  	(tm) =	ssettm $0x1  }
0x91: {  	s18 =	sld [smem:$0x3FFB];
	_ =	sdelay $0x3  }
0x92: {  	_ =	strace s18  }
0x93: {  	s2 =	sld [smem:$0x3FFC];
	_ =	sdelay $0x3  }
0x94: {  	_ =	strace s2  }
0x95: {  	s2 =	sld [smem:$0x3FFD];
	_ =	sdelay $0x3  }
0x96: {  	_ =	strace s2  }
0x97: {  	_ =	strace $0x8FFFFFFF  }
0x98: {  	s19 =	sld [smem:$0x3FDB];
	_ =	sdelay $0x1  }
0x99: {  	s20 =	simm.s32 $_scs_section_size  }
0x9a: {  	s4 =	simm.s32 $_size__tile_overlayer_lowered;
	s5 =	simm.s32 $_tile_overlayer_lowered  }
0x9b: {  	s6 =	simm.s32 $0x1BFF;
	s21 =	sshll.u32 s5, $0x1;
	s3 =	sadd.s32 s20, s19  }
0x9c: {  	s22 =	simm.s32 $0x0;
	s4 =	sshll.u32 s4, $0x1;
	s5 =	sadd.s32 s21, s3  }
0x9d: {  	[timem:s22], [sflag:s6] =	dma.local [hbm:s5], s4  }
0x9e: {  	_ =	swait.ge [sflag:s6], s4  }
0x9f: {  	s4 =	ssub.s32 $0x0, s4;
	[sflag:s6] =	ssyncset.done $0x0  }
0xa0: {  	[sflag:s6] =	ssyncadd.s32 s4;
	_ =	sdelay $0x1  }
0xa1: {  	s23 =	simm.s32 $0x1B8B  }
0xa2: {  	_ =	swait.ge [sflag:s23], $0x1  }
0xa3: {  	[sflag:s23] =	ssyncset.done $0x0  }
0xa4: {  	[sflag:s23] =	ssyncadd.s32 $0xFFFFFFFF  }
0xa5: {  	s4 =	sld [smem:$0x0]  }
0xa6: {  	s5 =	sand.u32 $0xFFFFFFFE, s1  }
0xa7: {  	p0 =	sne.s32 s1, s5  }
0xa8: {  	s5 =	sshll.u32 @p0 s5, $0xE  }
0xa9: {  	s5 =	sadd.s32 @p0 $0x11B8D, s5;
	s6 =	sshll.u32 @p0 s4, $0x11  }
0xaa: {  	s5 =	sor.u32 @p0 s6, s5  }
0xab: {  	[sflag:s5] =	ssyncadd.remote.s32 @p0 $0x1;
	_ =	sdelay $0x1  }
0xac: {  	s5 =	simm.s32 @p0 $0x1B8D  }
0xad: {  	_ =	swait.eq @p0 [sflag:s5], $0x1  }
0xae: {  	[sflag:s5] =	ssyncadd.s32 @p0 $0xFFFFFFFF  }
0xaf: {  	s6 =	sshll.u32 @!p0 s1, $0xE  }
0xb0: {  	s6 =	sor.u32 @!p0 $0x4000, s6;
	s5 =	simm.s32 @!p0 $0x1B8D  }
0xb1: {  	s4 =	sshll.u32 @!p0 s4, $0x11;
	s6 =	sadd.s32 @!p0 $0x11B8D, s6;
	_ =	swait.eq @!p0 [sflag:s5], $0x1  }
0xb2: {  	s4 =	sor.u32 @!p0 s4, s6;
	[sflag:s5] =	ssyncadd.s32 @!p0 $0xFFFFFFFF  }
0xb3: {  	s25 =	simm.s32 $0x1B8E;
	s24 =	sld [smem:$0x3FFE];
	[sflag:s4] =	ssyncadd.remote.s32 @!p0 $0x1  }
0xb4: {  	s26 =	simm.s32 $execute0_lowered;
	[smem:$0x3FD2] =	sst s25  }
0xb5: {  	s5 =	sshll.u32 s26, $0x1;
	_ =	strace $0x8000005B;
	[dreg:$0x1] =	wrdreg $0xFFFFFFFF  }
0xb6: {  	s28 =	simm.s32 $_size_execute0_lowered;
	s3 =	sadd.s32 s3, s5;
	[dreg:$0x0] =	wrdreg $0x0  }
0xb7: {  	s5 =	sshll.u32 s28, $0x1;
	[dreg:$0x2] =	wrdreg s3  }
0xb8: {  	[dreg:$0x3] =	wrdreg s5  }
0xb9: {  	[dreg:$0x4] =	wrdreg $0xC0  }
0xba: {  	_ =	task [dreg:s22], $0x5FFFF  }
0xbb: {  	[dreg:$0x1] =	wrdreg $0xFFFFFFFF  }
0xbc: {  	[dreg:$0x0] =	wrdreg $0x60  }
0xbd: {  	[dreg:$0x2] =	wrdreg s24  }
0xbe: {  	[dreg:$0x3] =	wrdreg $0xD  }
0xbf: {  	_ =	task.clear_ibuf [dreg:s22], $0x4FFFF;
	_ =	strace $0x9000005B  }
0xc0: {  	s29 =	simm.s32 $0xD;
	_ =	strace $0x8000005D  }
0xc1: {  	_ =	swait.ge [sflag:s29], $0x1  }
0xc2: {  	[sflag:s29] =	ssyncadd.s32 $0xFFFFFFFF  }
0xc3: {  	_ =	strace $0x9000005D  }
0xc4: {  	_ =	sfence  }
0xc5: {  	s30 =	sld [smem:$0x0];
	_ =	sdelay $0x2  }
0xc6: {  	s31 =	sshll.u32 s1, $0xD;
	s1 =	sshrl.u32 s1, $0x2  }
0xc7: {  	s4 =	sand.u32 $0x4000, s31;
	s1 =	sadd.s32 s1, s30  }
0xc8: {  	s0 =	sor.u32 s4, s0;
	s1 =	sshll.u32 s1, $0x11  }
0xc9: {  	s0 =	sor.u32 s1, s0  }
0xca: {  	s0 =	sadd.s32 $0x8F2B, s0  }
0xcb: {  	[sflag:s0] =	ssyncadd.remote.s32 $0x1  }
0xcc: {  	_ =	sfence.sel $0xFFFF  }
0xcd: {  	[dreg:$0x0] =	wrdreg $0xFFFFFFFF;
	(pc) =	sbr.abs _section_cstart, $3  }
0xce: {  	[dreg:$0x1] =	wrdreg $0xFFFFFFFF  }
0xcf: {  	_ =	task.clear_ibuf [dreg:s22], $0x2FFFF;
	_ =	strace $0x9FFFFFFF  }
0xd0: {  	(tm) =	ssettm $0x7FFFFFFF  }
0xd1: {  	_ =	shalt  }
tec
execute0_lowered:
.L_overlay_start_1:
0x0: {  	(tag) =	ssettag $0x1  }
0x1: {  	s3 =	rddreg [dreg:$0x0];
	s2 =	srdreg.scid  }
0x2: {  	s0 =	rddreg [dreg:$0x1];
	s1 =	stileid.u32  }
0x3: {  	s9 =	simm.s32 $0x1;
	s10 =	simm.s32 $0x0;
	s4 =	sand.u32 $0x1, s2  }
0x4: {  	s2 =	simm.s32 $0x0;
	s5 =	sshll.u32 s1, $0xB;
	s30 =	sshll.u32 s1, $0xF  }
0x5: {  	s6 =	sshll.u32 s4, $0xA;
	[smem:$0x7FF] =	sst s2;
	s29 =	ssub.s32 $0x2, s4  }
0x6: {  	s31 =	sshll.u32 s4, $0xE;
	s5 =	sor.u32 s6, s5;
	s8 =	sshrl.u32 s29, $0x1  }
0x7: {  	_ =	strace $0x8000005C;
	s5 =	sshrl.u32 s5, $0x3;
	s6 =	ssub.s32 s29, s8  }
0x8: {  	s8 =	simm.s32 $0x80;
	s7 =	sadd.s32 s5, s3;
	s5 =	sadd.s32 s30, s3  }
0x9: {  	s3 =	sadd.s32 $0x13FA00, s3;
	s4 =	smax.u32 s6, $0x1;
	s5 =	sadd.s32 s31, s5  }
0xa: {  	s6 =	sadd.s32 $0x147A00, s7;
	s7 =	simm.s32 $0x2;
	s5 =	sadd.s32 $0x148A00, s5  }
.LBB2_1:
0xb: {  	s11 =	sadd.s32 $0x0, s6  }
0xc: {  	[tilespmem:s2], [sflag:$0x2] =	stream.linear.gather [hbm4b:s11+s2], $0x80, $0x38;
	[tilespmem:$0x4080] =	vst v63  }
0xd: {  	_ =	swait.ge [sflag:s7], $0x80  }
0xe: {  	[sflag:s7] =	ssyncset.done $0x0  }
0xf: {  	[sflag:s7] =	ssyncadd.s32 $0xFFFFFF80  }
0x10: {  	[tilespmem:s8], [sflag:$0x1] =	stream.indirect.gather [hbm4b:s3+s8], $0x80, s2, s8, $0xb8;
	[tilespmem:$0x4080] =	vst v63  }
0x11: {  	_ =	swait.ge [sflag:s9], $0x4000  }
0x12: {  	[sflag:s9] =	ssyncset.done $0x0  }
0x13: {  	[sflag:s9] =	ssyncadd.s32 $0xFFFFC000  }
0x14: {  	[hbm4b:s5+s2] =	stream.linear.scatter [tilespmem:s8], [sflag:$0x2], $0x4000, $0x38;
	[tilespmem:$0x4080] =	vst v63  }
0x15: {  	s12 =	simm.s32 $0x10;
	_ =	swait.ge [sflag:s7], $0x4000  }
0x16: {  	s13 =	simm.s32 $0x20;
	s11 =	sadd.s32 $0x800, s5;
	[sflag:s7] =	ssyncset.done $0x0  }
.LBB2_2:
0x17: {  	s14 =	sadd.s32 s12, s6  }
0x18: {  	[sflag:s7] =	ssyncadd.s32 $0xFFFFC000;
	s12 =	smov.u32 s13;
	s15 =	sadd.s32 $0x10, s13  }
0x19: {  	[tilespmem:s2], [sflag:$0x2] =	stream.linear.gather [hbm4b:s14+s2], $0x80, $0x38;
	[tilespmem:$0x4080] =	vst v63  }
0x1a: {  	p0 =	sne.s32 s13, $0x70;
	_ =	swait.ge [sflag:s7], $0x80  }
0x1b: {  	[sflag:s7] =	ssyncset.done $0x0  }
0x1c: {  	[sflag:s7] =	ssyncadd.s32 $0xFFFFFF80  }
0x1d: {  	[tilespmem:s8], [sflag:$0x1] =	stream.indirect.gather [hbm4b:s3+s8], $0x80, s2, s8, $0xb8;
	[tilespmem:$0x4080] =	vst v63  }
0x1e: {  	_ =	swait.ge [sflag:s9], $0x4000  }
.Ltmp0:
0x1f: {  	[sflag:s9] =	ssyncset.done $0x0;
	(pc) =	sbr.rel @p0 .LBB2_2-.Ltmp0, $4  }
0x20: {  	[sflag:s9] =	ssyncadd.s32 $0xFFFFC000  }
0x21: {  	[hbm4b:s11+s2] =	stream.linear.scatter [tilespmem:s8], [sflag:$0x2], $0x4000, $0x38;
	[tilespmem:$0x4080] =	vst v63  }
0x22: {  	_ =	swait.ge [sflag:s7], $0x4000  }
0x23: {  	s13 =	smov.u32 s15;
	s11 =	sadd.s32 $0x800, s11;
	[sflag:s7] =	ssyncset.done $0x0  }
0x24: {  	s12 =	sadd.s32 s12, s6;
	[sflag:s7] =	ssyncadd.s32 $0xFFFFC000  }
0x25: {  	[tilespmem:s2], [sflag:$0x2] =	stream.linear.gather [hbm4b:s12+s2], $0x80, $0x38;
	[tilespmem:$0x4080] =	vst v63  }
0x26: {  	_ =	swait.ge [sflag:s7], $0x80  }
0x27: {  	[sflag:s7] =	ssyncset.done $0x0  }
0x28: {  	[sflag:s7] =	ssyncadd.s32 $0xFFFFFF80  }
0x29: {  	[tilespmem:s8], [sflag:$0x1] =	stream.indirect.gather [hbm4b:s3+s8], $0x80, s2, s8, $0xb8;
	[tilespmem:$0x4080] =	vst v63  }
0x2a: {  	s10 =	sadd.s32 $0x1, s10;
	_ =	swait.ge [sflag:s9], $0x4000  }
0x2b: {  	p0 =	sne.s32 s10, s4;
	[sflag:s9] =	ssyncset.done $0x0  }
.Ltmp1:
0x2c: {  	[sflag:s9] =	ssyncadd.s32 $0xFFFFC000;
	(pc) =	sbr.rel @p0 .LBB2_1-.Ltmp1, $4  }
0x2d: {  	[hbm4b:s11+s2] =	stream.linear.scatter [tilespmem:s8], [sflag:$0x2], $0x4000, $0x38;
	[tilespmem:$0x4080] =	vst v63  }
0x2e: {  	_ =	swait.ge [sflag:s7], $0x4000  }
0x2f: {  	[sflag:s7] =	ssyncset.done $0x0  }
0x30: {  	[sflag:s7] =	ssyncadd.s32 $0xFFFFC000  }
0x31: {  	_ =	sfence.sel $0x180000  }
0x32: {  	[bflag:$0x0] =	sbarrier.arrive $0xFFFF  }
0x33: {  	p0 =	sne.s32 s1, $0x0;
	_ =	strace $0x9000005C  }
0x34: {  	s0 =	sadd.s32 @!p0 $0x100000, s0;
	[bflag:$0x2] =	sbarrier.arrive $0xFFFF  }
0x35: {  	[sflag:s0] =	ssyncadd.tile.s32 @!p0 $0x1;
	_ =	shalt  }
.Lfunc_end2:
_tile_overlayer_lowered:
.L_overlay_start_2:
0x36: {  	(tag) =	ssettag $0x2  }
0x37: {  	s0 =	rddreg [dreg:$0x0];
	s2 =	stileid.u32  }
0x38: {  	s1 =	rddreg [dreg:$0x1];
	p0 =	sne.s32 s2, $0x0  }
0x39: {  	s3 =	rddreg [dreg:$0x2];
	[bflag:$0x3] =	sbarrier.arrive $0xFFFF;
	s2 =	simm.s32 @!p0 $0x1C02  }
0x3a: {  	[timem:s3], [sflag:s2] =	dma.local @!p0 [hbm:s0], s1  }
0x3b: {  	s0 =	simm.s32 @!p0 $0x2  }
0x3c: {  	_ =	swait.ge @!p0 [sflag:s0], s1  }
0x3d: {  	s1 =	ssub.s32 @!p0 $0x0, s1;
	[sflag:s0] =	ssyncset.done @!p0 $0x0  }
0x3e: {  	[sflag:s0] =	ssyncadd.s32 @!p0 s1  }
0x3f: {  	[bflag:$0x3] =	sbarrier.arrive $0xFFFF  }
0x40: {  	_ =	shalt  }

// kernel: kernel.57.cloned.1.call-start
scs
__scs_entry_jumppad:
0x0: {  	(pc) =	sbr.rel $0x88, $3  }
0x1: {  	(tag) =	ssettag $0x0;
	lr =	simm.s32 $0x1  }
0x2: {  	[smem:$0x3F94] =	sst lr;
	_ =	strace $0xD0000000  }
0x3: {  	_ = 	snop  }
0x4: {  	_ = 	snop  }
0x5: {  	_ = 	snop  }
0x6: {  	_ = 	snop  }
0x7: {  	_ = 	snop  }
__scs_overlays_trampoline_lowered:
0x8: {  	[smem:$0x3FA3] =	sst s0  }
0x9: {  	[smem:$0x3FA4] =	sst s1  }
0xa: {  	[smem:$0x3FA5] =	sst s2  }
0xb: {  	[smem:$0x3FA6] =	sst s3  }
0xc: {  	[smem:$0x3FA7] =	sst s4  }
0xd: {  	[smem:$0x3FA8] =	sst s5  }
0xe: {  	[smem:$0x3FA9] =	sst s6  }
0xf: {  	[smem:$0x3FAA] =	sst s7  }
0x10: {  	[smem:$0x3FAB] =	sst s8  }
0x11: {  	[smem:$0x3FAC] =	sst s9;
	s0 =	simm.s32 @!p0 $0x0  }
0x12: {  	s1 =	sld [smem:$0x3F92];
	s0 =	simm.s32 @p0 $0x1  }
0x13: {  	[smem:$0x3FAD] =	sst s0;
	s0 =	simm.s32 @!p1 $0x0  }
0x14: {  	s2 =	sld [smem:$0x3F91];
	s0 =	simm.s32 @p1 $0x1  }
0x15: {  	[smem:$0x3FAE] =	sst s0;
	s0 =	simm.s32 @!p2 $0x0  }
0x16: {  	s3 =	sld [smem:$0x3FDB];
	s0 =	simm.s32 @p2 $0x1  }
0x17: {  	s4 =	simm.s32 $0x1BF5;
	[smem:$0x3FB0] =	sst s0  }
0x18: {  	s0 =	sld [smem:$0x3F93];
	_ =	swait.ge [sflag:s4], $0x0  }
0x19: {  	s7 =	sld [smem:$0x3F94]  }
0x1a: {  	s8 =	sadd.s32 $0xFFFFE003, lr  }
0x1b: {  	s9 =	sadd.s32 $0xFFFFFEF7, lr;
	s5 =	simm.s32 $0xFFFFFFFF;
	p2 =	slt.u32 s8, $0xFFFFF086  }
0x1c: {  	p1 =	slt.u32 s9, $0xF7A;
	s5 =	simm.s32 @!p2 $0x0  }
0x1d: {  	s5 =	simm.s32 @p1 $0x1;
	p0 =	seq.s32 s7, s2  }
0x1e: {  	s7 =	smul.u32 @!p0 $0xF7A, s2;
	p2 =	seq.s32 @!p0 s5, $0x0  }
0x1f: {  	s9 =	smul.u32 $0xF7A, s1;
	s8 =	simm.s32 @!p0 $0x1BF5;
	p2 =	por !p2, p0  }
0x20: {  	[sflag:s8] =	ssyncset.s32 @!p0 $0xFFFFF086;
	s6 =	sadd.s32 @!p0 s3, s7;
	s7 =	simm.s32 @!p0 $0x108  }
0x21: {  	s3 =	sadd.s32 s3, s9;
	s6 =	sadd.s32 @!p0 $0x88, s6;
	s7 =	simm.s32 @p2 $0x1082  }
0x22: {  	[simem:s7], [sflag:s8] =	dma.local @!p0 [hbm:s6], $0xF7A  }
0x23: {  	s9 =	sor.u32 $0xD0000000, s2;
	s6 =	simm.s32 $0x108;
	_ =	swait.ge @!p0 [sflag:s8], $0x0  }
0x24: {  	s3 =	sadd.s32 $0x88, s3;
	s6 =	simm.s32 @!p1 $0x1082;
	[sflag:s4] =	ssyncset.s32 $0xFFFFF086  }
0x25: {  	[simem:s6], [sflag:s4] =	dma.local [hbm:s3], $0xF7A  }
0x26: {  	[smem:$0x3F94] =	sst s1;
	(tag) =	ssettag s2;
	_ =	strace s9  }
0x27: {  	s1 =	sld [smem:$0x3FA4]  }
0x28: {  	s2 =	sld [smem:$0x3FA5]  }
0x29: {  	s4 =	sld [smem:$0x3FA7]  }
0x2a: {  	p0 =	seq.s32 s5, $0x0;
	s5 =	sld [smem:$0x3FA8]  }
0x2b: {  	s6 =	sld [smem:$0x3FA9]  }
0x2c: {  	s7 =	sld [smem:$0x3FAA]  }
0x2d: {  	s3 =	simm.s32 $0x108;
	s8 =	sld [smem:$0x3FAB]  }
0x2e: {  	s3 =	simm.s32 @!p0 $0x1082;
	s9 =	sld [smem:$0x3FAC]  }
0x2f: {  	lr =	sadd.s32 s0, s3;
	s0 =	sld [smem:$0x3FA3]  }
0x30: {  	s3 =	sld [smem:$0x3FA6]  }
0x31: {  	[smem:$0x3FAF] =	sst s10  }
0x32: {  	s10 =	sld [smem:$0x3FAD];
	_ =	sdelay $0x3  }
0x33: {  	p0 =	seq.s32 s10, $0x1;
	s10 =	sld [smem:$0x3FAF];
	_ =	sdelay $0x3  }
0x34: {  	[smem:$0x3FAF] =	sst s10  }
0x35: {  	s10 =	sld [smem:$0x3FAE];
	_ =	sdelay $0x3  }
0x36: {  	p1 =	seq.s32 s10, $0x1;
	s10 =	sld [smem:$0x3FAF];
	_ =	sdelay $0x3  }
0x37: {  	[smem:$0x3FAF] =	sst s10  }
0x38: {  	s10 =	sld [smem:$0x3FB0]  }
0x39: {  	_ = 	snop;
	(pc) =	sbr.ind lr, $3  }
0x3a: {  	_ = 	snop  }
0x3b: {  	_ = 	snop  }
0x3c: {  	p2 =	seq.s32 s10, $0x1;
	s10 =	sld [smem:$0x3FAF]  }
0x3d: {  	_ =	shalt  }
0x3e: {  	_ =	shalt  }
0x3f: {  	_ =	shalt  }
0x40: {  	_ =	shalt  }
0x41: {  	_ =	shalt  }
0x42: {  	_ =	shalt  }
0x43: {  	_ =	shalt  }
0x44: {  	_ =	shalt  }
0x45: {  	_ =	shalt  }
0x46: {  	_ =	shalt  }
0x47: {  	_ =	shalt  }
0x48: {  	_ =	shalt  }
0x49: {  	_ =	shalt  }
0x4a: {  	_ =	shalt  }
0x4b: {  	_ =	shalt  }
0x4c: {  	_ =	shalt  }
0x4d: {  	_ =	shalt  }
0x4e: {  	_ =	shalt  }
0x4f: {  	_ =	shalt  }
0x50: {  	_ =	shalt  }
0x51: {  	_ =	shalt  }
0x52: {  	_ =	shalt  }
0x53: {  	_ =	shalt  }
0x54: {  	_ =	shalt  }
0x55: {  	_ =	shalt  }
0x56: {  	_ =	shalt  }
0x57: {  	_ =	shalt  }
0x58: {  	_ =	shalt  }
0x59: {  	_ =	shalt  }
0x5a: {  	_ =	shalt  }
0x5b: {  	_ =	shalt  }
0x5c: {  	_ =	shalt  }
0x5d: {  	_ =	shalt  }
0x5e: {  	_ =	shalt  }
0x5f: {  	_ =	shalt  }
0x60: {  	_ =	shalt  }
0x61: {  	_ =	shalt  }
0x62: {  	_ =	shalt  }
0x63: {  	_ =	shalt  }
0x64: {  	_ =	shalt  }
0x65: {  	_ =	shalt  }
0x66: {  	_ =	shalt  }
0x67: {  	_ =	shalt  }
0x68: {  	_ =	shalt  }
0x69: {  	_ =	shalt  }
0x6a: {  	_ =	shalt  }
0x6b: {  	_ =	shalt  }
0x6c: {  	_ =	shalt  }
0x6d: {  	_ =	shalt  }
0x6e: {  	_ =	shalt  }
0x6f: {  	_ =	shalt  }
0x70: {  	_ =	shalt  }
0x71: {  	_ =	shalt  }
0x72: {  	_ =	shalt  }
0x73: {  	_ =	shalt  }
0x74: {  	_ =	shalt  }
0x75: {  	_ =	shalt  }
0x76: {  	_ =	shalt  }
0x77: {  	_ =	shalt  }
0x78: {  	_ =	shalt  }
0x79: {  	_ =	shalt  }
0x7a: {  	_ =	shalt  }
0x7b: {  	_ =	shalt  }
0x7c: {  	_ =	shalt  }
0x7d: {  	_ =	shalt  }
0x7e: {  	_ =	shalt  }
0x7f: {  	_ =	shalt  }
0x80: {  	_ =	shalt  }
0x81: {  	_ =	shalt  }
0x82: {  	_ =	shalt  }
0x83: {  	_ =	shalt  }
0x84: {  	_ =	shalt  }
0x85: {  	_ =	shalt  }
0x86: {  	_ =	shalt  }
0x87: {  	_ =	shalt  }
.Lfunc_end0:
.L_simem_size_0:
called_computation.8_lowered:
.L_overlay_start_0:
0x88: {  	s2 =	sld [smem:$0x3FD9]  }
0x89: {  	s3 =	sld [smem:$0x3FFE];
	_ =	sdelay $0x1  }
0x8a: {  	s1 =	srdreg.scid  }
0x8b: {  	s0 =	sand.u32 $0x1, s1  }
0x8c: {  	s17 =	sshll.u32 s0, $0xA;
	s2 =	sadd.s32 s3, s2  }
0x8d: {  	s2 =	sadd.s32 s2, s17  }
0x8e: {  	[smem:$0x3FBB] =	sst s2  }
0x8f: {  	_ = 	snop  }
0x90: {  	(tm) =	ssettm $0x1  }
0x91: {  	s18 =	sld [smem:$0x3FFB];
	_ =	sdelay $0x3  }
0x92: {  	_ =	strace s18  }
0x93: {  	s2 =	sld [smem:$0x3FFC];
	_ =	sdelay $0x3  }
0x94: {  	_ =	strace s2  }
0x95: {  	s2 =	sld [smem:$0x3FFD];
	_ =	sdelay $0x3  }
0x96: {  	_ =	strace s2  }
0x97: {  	_ =	strace $0x8FFFFFFF  }
0x98: {  	s19 =	sld [smem:$0x3FDB];
	_ =	sdelay $0x1  }
0x99: {  	s20 =	simm.s32 $_scs_section_size  }
0x9a: {  	s4 =	simm.s32 $_size__tile_overlayer_lowered;
	s5 =	simm.s32 $_tile_overlayer_lowered  }
0x9b: {  	s6 =	simm.s32 $0x1BFF;
	s21 =	sshll.u32 s5, $0x1;
	s3 =	sadd.s32 s20, s19  }
0x9c: {  	s22 =	simm.s32 $0x0;
	s4 =	sshll.u32 s4, $0x1;
	s5 =	sadd.s32 s21, s3  }
0x9d: {  	[timem:s22], [sflag:s6] =	dma.local [hbm:s5], s4  }
0x9e: {  	_ =	swait.ge [sflag:s6], s4  }
0x9f: {  	s4 =	ssub.s32 $0x0, s4;
	[sflag:s6] =	ssyncset.done $0x0  }
0xa0: {  	[sflag:s6] =	ssyncadd.s32 s4;
	_ =	sdelay $0x1  }
0xa1: {  	s23 =	simm.s32 $0x1B8B  }
0xa2: {  	_ =	swait.ge [sflag:s23], $0x1  }
0xa3: {  	[sflag:s23] =	ssyncset.done $0x0  }
0xa4: {  	[sflag:s23] =	ssyncadd.s32 $0xFFFFFFFF  }
0xa5: {  	s4 =	sld [smem:$0x0]  }
0xa6: {  	s5 =	sand.u32 $0xFFFFFFFE, s1  }
0xa7: {  	p0 =	sne.s32 s1, s5  }
0xa8: {  	s5 =	sshll.u32 @p0 s5, $0xE  }
0xa9: {  	s5 =	sadd.s32 @p0 $0x11B8D, s5;
	s6 =	sshll.u32 @p0 s4, $0x11  }
0xaa: {  	s5 =	sor.u32 @p0 s6, s5  }
0xab: {  	[sflag:s5] =	ssyncadd.remote.s32 @p0 $0x1;
	_ =	sdelay $0x1  }
0xac: {  	s5 =	simm.s32 @p0 $0x1B8D  }
0xad: {  	_ =	swait.eq @p0 [sflag:s5], $0x1  }
0xae: {  	[sflag:s5] =	ssyncadd.s32 @p0 $0xFFFFFFFF  }
0xaf: {  	s6 =	sshll.u32 @!p0 s1, $0xE  }
0xb0: {  	s6 =	sor.u32 @!p0 $0x4000, s6;
	s5 =	simm.s32 @!p0 $0x1B8D  }
0xb1: {  	s4 =	sshll.u32 @!p0 s4, $0x11;
	s6 =	sadd.s32 @!p0 $0x11B8D, s6;
	_ =	swait.eq @!p0 [sflag:s5], $0x1  }
0xb2: {  	s4 =	sor.u32 @!p0 s4, s6;
	[sflag:s5] =	ssyncadd.s32 @!p0 $0xFFFFFFFF  }
0xb3: {  	s25 =	simm.s32 $0x1B8E;
	s24 =	sld [smem:$0x3FFE];
	[sflag:s4] =	ssyncadd.remote.s32 @!p0 $0x1  }
0xb4: {  	s26 =	simm.s32 $execute0_lowered;
	[smem:$0x3FD2] =	sst s25  }
0xb5: {  	s5 =	sshll.u32 s26, $0x1;
	_ =	strace $0x8000004F;
	[dreg:$0x1] =	wrdreg $0xFFFFFFFF  }
0xb6: {  	s28 =	simm.s32 $_size_execute0_lowered;
	s3 =	sadd.s32 s3, s5;
	[dreg:$0x0] =	wrdreg $0x0  }
0xb7: {  	s5 =	sshll.u32 s28, $0x1;
	[dreg:$0x2] =	wrdreg s3  }
0xb8: {  	[dreg:$0x3] =	wrdreg s5  }
0xb9: {  	[dreg:$0x4] =	wrdreg $0xC0  }
0xba: {  	_ =	task [dreg:s22], $0x5FFFF  }
0xbb: {  	[dreg:$0x1] =	wrdreg $0xFFFFFFFF  }
0xbc: {  	[dreg:$0x0] =	wrdreg $0x60  }
0xbd: {  	[dreg:$0x2] =	wrdreg s24  }
0xbe: {  	[dreg:$0x3] =	wrdreg $0xC  }
0xbf: {  	_ =	task.clear_ibuf [dreg:s22], $0x4FFFF;
	_ =	strace $0x9000004F  }
0xc0: {  	s29 =	simm.s32 $0xC;
	_ =	strace $0x80000051  }
0xc1: {  	_ =	swait.ge [sflag:s29], $0x1  }
0xc2: {  	[sflag:s29] =	ssyncadd.s32 $0xFFFFFFFF  }
0xc3: {  	_ =	strace $0x90000051  }
0xc4: {  	_ =	sfence  }
0xc5: {  	s30 =	sld [smem:$0x0];
	_ =	sdelay $0x2  }
0xc6: {  	s31 =	sshll.u32 s1, $0xD;
	s1 =	sshrl.u32 s1, $0x2  }
0xc7: {  	s4 =	sand.u32 $0x4000, s31;
	s1 =	sadd.s32 s1, s30  }
0xc8: {  	s0 =	sor.u32 s4, s0;
	s1 =	sshll.u32 s1, $0x11  }
0xc9: {  	s0 =	sor.u32 s1, s0  }
0xca: {  	s0 =	sadd.s32 $0x8F2B, s0  }
0xcb: {  	[sflag:s0] =	ssyncadd.remote.s32 $0x1  }
0xcc: {  	_ =	sfence.sel $0xFFFF  }
0xcd: {  	[dreg:$0x0] =	wrdreg $0xFFFFFFFF;
	(pc) =	sbr.abs _section_cstart, $3  }
0xce: {  	[dreg:$0x1] =	wrdreg $0xFFFFFFFF  }
0xcf: {  	_ =	task.clear_ibuf [dreg:s22], $0x2FFFF;
	_ =	strace $0x9FFFFFFF  }
0xd0: {  	(tm) =	ssettm $0x7FFFFFFF  }
0xd1: {  	_ =	shalt  }
tec
execute0_lowered:
.L_overlay_start_1:
0x0: {  	(tag) =	ssettag $0x1  }
0x1: {  	s3 =	rddreg [dreg:$0x0]  }
0x2: {  	s2 =	srdreg.scid;
	s0 =	rddreg [dreg:$0x1]  }
0x3: {  	s1 =	stileid.u32;
	s9 =	simm.s32 $0x2;
	s10 =	simm.s32 $0x80  }
0x4: {  	s11 =	simm.s32 $0x1;
	s12 =	simm.s32 $0x0;
	s4 =	sand.u32 $0x1, s2  }
0x5: {  	s2 =	simm.s32 $0x0;
	s5 =	sshll.u32 s1, $0xB;
	s29 =	sshll.u32 s1, $0xF  }
0x6: {  	s6 =	sshll.u32 s4, $0xA;
	[smem:$0x7FF] =	sst s2;
	s30 =	ssub.s32 $0x2, s4  }
0x7: {  	s4 =	sshll.u32 s4, $0xE;
	s5 =	sor.u32 s6, s5;
	s7 =	sshrl.u32 s30, $0x1  }
0x8: {  	_ =	strace $0x80000050;
	s5 =	sshrl.u32 s5, $0x3;
	s6 =	ssub.s32 s30, s7  }
0x9: {  	s8 =	sadd.s32 s5, s3;
	s5 =	sadd.s32 s29, s3;
	s3 =	sadd.s32 $0x334000, s3  }
0xa: {  	s31 =	sadd.s32 s4, s5;
	s4 =	smax.u32 s6, $0x1;
	s6 =	sadd.s32 $0x33C000, s8  }
0xb: {  	s8 =	sadd.s32 $0x33D000, s8;
	s5 =	sadd.s32 $0x33E000, s31;
	s7 =	sadd.s32 $0x3BE000, s31  }
.LBB2_1:
0xc: {  	s13 =	sadd.s32 $0x0, s6  }
0xd: {  	[tilespmem:s2], [sflag:$0x2] =	stream.linear.gather [hbm4b:s13+s2], $0x80, $0x38;
	[tilespmem:$0x4080] =	vst v63  }
0xe: {  	_ =	swait.ge [sflag:s9], $0x80  }
0xf: {  	[sflag:s9] =	ssyncset.done $0x0  }
0x10: {  	[sflag:s9] =	ssyncadd.s32 $0xFFFFFF80  }
0x11: {  	[tilespmem:s10], [sflag:$0x1] =	stream.indirect.gather [hbm4b:s3+s10], $0x80, s2, s10, $0xb8;
	[tilespmem:$0x4080] =	vst v63  }
0x12: {  	_ =	swait.ge [sflag:s11], $0x4000  }
0x13: {  	[sflag:s11] =	ssyncset.done $0x0  }
0x14: {  	[sflag:s11] =	ssyncadd.s32 $0xFFFFC000  }
0x15: {  	[hbm4b:s5+s2] =	stream.linear.scatter [tilespmem:s10], [sflag:$0x2], $0x4000, $0x38;
	[tilespmem:$0x4080] =	vst v63  }
0x16: {  	s16 =	sadd.s32 $0x10, s6;
	_ =	swait.ge [sflag:s9], $0x4000  }
0x17: {  	s14 =	simm.s32 $0x20;
	s13 =	sadd.s32 $0x800, s5;
	[sflag:s9] =	ssyncset.done $0x0  }
.LBB2_2:
0x18: {  	s17 =	sadd.s32 s14, s6;
	s15 =	simm.s32 $0x0;
	[sflag:s9] =	ssyncadd.s32 $0xFFFFC000  }
0x19: {  	[tilespmem:s15], [sflag:$0x2] =	stream.linear.gather [hbm4b:s16+s15], $0x80, $0x38;
	[tilespmem:$0x4080] =	vst v63  }
0x1a: {  	p0 =	sne.s32 s14, $0x70;
	s14 =	sadd.s32 $0x10, s14;
	_ =	swait.ge [sflag:s9], $0x80  }
0x1b: {  	s16 =	smov.u32 s17;
	[sflag:s9] =	ssyncset.done $0x0  }
0x1c: {  	[sflag:s9] =	ssyncadd.s32 $0xFFFFFF80  }
0x1d: {  	[tilespmem:s10], [sflag:$0x1] =	stream.indirect.gather [hbm4b:s3+s10], $0x80, s15, s10, $0xb8;
	[tilespmem:$0x4080] =	vst v63  }
0x1e: {  	_ =	swait.ge [sflag:s11], $0x4000  }
.Ltmp0:
0x1f: {  	[sflag:s11] =	ssyncset.done $0x0;
	(pc) =	sbr.rel @p0 .LBB2_2-.Ltmp0, $4  }
0x20: {  	[sflag:s11] =	ssyncadd.s32 $0xFFFFC000  }
0x21: {  	[hbm4b:s13+s15] =	stream.linear.scatter [tilespmem:s10], [sflag:$0x2], $0x4000, $0x38;
	[tilespmem:$0x4080] =	vst v63  }
0x22: {  	_ =	swait.ge [sflag:s9], $0x4000  }
0x23: {  	s13 =	sadd.s32 $0x800, s13;
	[sflag:s9] =	ssyncset.done $0x0  }
0x24: {  	[sflag:s9] =	ssyncadd.s32 $0xFFFFC000  }
0x25: {  	[tilespmem:s15], [sflag:$0x2] =	stream.linear.gather [hbm4b:s16+s15], $0x80, $0x38;
	[tilespmem:$0x4080] =	vst v63  }
0x26: {  	_ =	swait.ge [sflag:s9], $0x80  }
0x27: {  	[sflag:s9] =	ssyncset.done $0x0  }
0x28: {  	[sflag:s9] =	ssyncadd.s32 $0xFFFFFF80  }
0x29: {  	[tilespmem:s10], [sflag:$0x1] =	stream.indirect.gather [hbm4b:s3+s10], $0x80, s15, s10, $0xb8;
	[tilespmem:$0x4080] =	vst v63  }
0x2a: {  	_ =	swait.ge [sflag:s11], $0x4000  }
0x2b: {  	p1 =	por $0x1, $0x1;
	[sflag:s11] =	ssyncset.done $0x0  }
.Ltmp1:
0x2c: {  	[sflag:s11] =	ssyncadd.s32 $0xFFFFC000;
	(pc) =	sbr.rel @!p1 .LBB2_8-.Ltmp1, $4  }
0x2d: {  	[hbm4b:s13+s15] =	stream.linear.scatter [tilespmem:s10], [sflag:$0x2], $0x4000, $0x38;
	[tilespmem:$0x4080] =	vst v63  }
0x2e: {  	_ =	swait.ge [sflag:s9], $0x4000  }
0x2f: {  	p0 =	por $0x0, $0x0;
	[sflag:s9] =	ssyncset.done $0x0  }
0x30: {  	s14 =	smov.u32 s7;
	s13 =	simm.s32 $0x10;
	[sflag:s9] =	ssyncadd.s32 $0xFFFFC000  }
0x31: {  	s14 =	sadd.s32 $0x0, s8  }
0x32: {  	[tilespmem:s2], [sflag:$0x2] =	stream.linear.gather [hbm4b:s14+s2], $0x80, $0x38;
	[tilespmem:$0x4080] =	vst v63  }
0x33: {  	_ =	swait.ge [sflag:s9], $0x80  }
0x34: {  	[sflag:s9] =	ssyncset.done $0x0  }
0x35: {  	[sflag:s9] =	ssyncadd.s32 $0xFFFFFF80  }
0x36: {  	[tilespmem:s10], [sflag:$0x1] =	stream.indirect.gather [hbm4b:s3+s10], $0x80, s2, s10, $0xb8;
	[tilespmem:$0x4080] =	vst v63  }
0x37: {  	p1 =	por $0x1, $0x1;
	_ =	swait.ge [sflag:s11], $0x4000  }
.Ltmp2:
0x38: {  	[sflag:s11] =	ssyncset.done $0x0;
	(pc) =	sbr.rel @!p1 .LBB2_5-.Ltmp2, $4  }
0x39: {  	[sflag:s11] =	ssyncadd.s32 $0xFFFFC000  }
0x3a: {  	[hbm4b:s7+s2] =	stream.linear.scatter [tilespmem:s10], [sflag:$0x2], $0x4000, $0x38;
	[tilespmem:$0x4080] =	vst v63  }
0x3b: {  	s15 =	simm.s32 $0x20;
	_ =	swait.ge [sflag:s9], $0x4000  }
0x3c: {  	p0 =	por $0x1, $0x1;
	s14 =	sadd.s32 $0x800, s7;
	[sflag:s9] =	ssyncset.done $0x0  }
.LBB2_6:
0x3d: {  	s16 =	sadd.s32 s13, s8  }
0x3e: {  	[sflag:s9] =	ssyncadd.s32 $0xFFFFC000;
	s13 =	smov.u32 s15;
	s17 =	sadd.s32 $0x10, s15  }
0x3f: {  	[tilespmem:s2], [sflag:$0x2] =	stream.linear.gather [hbm4b:s16+s2], $0x80, $0x38;
	[tilespmem:$0x4080] =	vst v63  }
0x40: {  	p1 =	sne.s32 s15, $0x70;
	_ =	swait.ge [sflag:s9], $0x80  }
0x41: {  	[sflag:s9] =	ssyncset.done $0x0  }
0x42: {  	[sflag:s9] =	ssyncadd.s32 $0xFFFFFF80  }
0x43: {  	[tilespmem:s10], [sflag:$0x1] =	stream.indirect.gather [hbm4b:s3+s10], $0x80, s2, s10, $0xb8;
	[tilespmem:$0x4080] =	vst v63  }
0x44: {  	_ =	swait.ge [sflag:s11], $0x4000  }
.Ltmp3:
0x45: {  	[sflag:s11] =	ssyncset.done $0x0;
	(pc) =	sbr.rel @p1 .LBB2_6-.Ltmp3, $4  }
0x46: {  	[sflag:s11] =	ssyncadd.s32 $0xFFFFC000  }
0x47: {  	[hbm4b:s14+s2] =	stream.linear.scatter [tilespmem:s10], [sflag:$0x2], $0x4000, $0x38;
	[tilespmem:$0x4080] =	vst v63  }
0x48: {  	_ =	swait.ge [sflag:s9], $0x4000  }
0x49: {  	s15 =	smov.u32 s17;
	s14 =	sadd.s32 $0x800, s14;
	[sflag:s9] =	ssyncset.done $0x0  }
0x4a: {  	s15 =	smov.u32 s13  }
.LBB2_8:
0x4b: {  	s13 =	sadd.s32 s15, s8;
	[sflag:s9] =	ssyncadd.s32 @p0 $0xFFFFC000  }
0x4c: {  	[tilespmem:s2], [sflag:$0x2] =	stream.linear.gather [hbm4b:s13+s2], $0x80, $0x38;
	[tilespmem:$0x4080] =	vst v63  }
0x4d: {  	_ =	swait.ge [sflag:s9], $0x80  }
0x4e: {  	[sflag:s9] =	ssyncset.done $0x0  }
0x4f: {  	[sflag:s9] =	ssyncadd.s32 $0xFFFFFF80  }
0x50: {  	[tilespmem:s10], [sflag:$0x1] =	stream.indirect.gather [hbm4b:s3+s10], $0x80, s2, s10, $0xb8;
	[tilespmem:$0x4080] =	vst v63  }
0x51: {  	_ =	swait.ge [sflag:s11], $0x4000  }
0x52: {  	s12 =	sadd.s32 $0x1, s12;
	[sflag:s11] =	ssyncset.done $0x0  }
0x53: {  	p0 =	sne.s32 s12, s4;
	[sflag:s11] =	ssyncadd.s32 $0xFFFFC000  }
0x54: {  	[hbm4b:s14+s2] =	stream.linear.scatter [tilespmem:s10], [sflag:$0x2], $0x4000, $0x38;
	[tilespmem:$0x4080] =	vst v63  }
.Ltmp4:
0x55: {  	_ = 	snop;
	(pc) =	sbr.rel @p0 .LBB2_1-.Ltmp4, $4  }
.Ltmp5:
0x56: {  	_ = 	snop;
	(pc) =	sbr.rel @!p0 .LBB2_9-.Ltmp5, $4  }
0x57: {  	_ =	swait.ge [sflag:s9], $0x4000  }
0x58: {  	[sflag:s9] =	ssyncset.done $0x0  }
0x59: {  	[sflag:s9] =	ssyncadd.s32 $0xFFFFC000  }
0x5a: {  	_ = 	snop  }
.LBB2_5:
.Ltmp6:
0x5b: {  	(pc) =	sbr.rel .LBB2_8-.Ltmp6, $2  }
0x5c: {  	_ =	sdelay $0x2  }
0x5d: {  	s15 =	simm.s32 $0x10  }
.LBB2_9:
0x5e: {  	_ =	sfence.sel $0x180000  }
0x5f: {  	[bflag:$0x0] =	sbarrier.arrive $0xFFFF  }
0x60: {  	p0 =	sne.s32 s1, $0x0;
	_ =	strace $0x90000050  }
0x61: {  	s0 =	sadd.s32 @!p0 $0x100000, s0;
	[bflag:$0x2] =	sbarrier.arrive $0xFFFF  }
0x62: {  	[sflag:s0] =	ssyncadd.tile.s32 @!p0 $0x1;
	_ =	shalt  }
.Lfunc_end2:
_tile_overlayer_lowered:
.L_overlay_start_2:
0x63: {  	(tag) =	ssettag $0x2  }
0x64: {  	s0 =	rddreg [dreg:$0x0];
	s2 =	stileid.u32  }
0x65: {  	s1 =	rddreg [dreg:$0x1];
	p0 =	sne.s32 s2, $0x0  }
0x66: {  	s3 =	rddreg [dreg:$0x2];
	[bflag:$0x3] =	sbarrier.arrive $0xFFFF;
	s2 =	simm.s32 @!p0 $0x1C02  }
0x67: {  	[timem:s3], [sflag:s2] =	dma.local @!p0 [hbm:s0], s1  }
0x68: {  	s0 =	simm.s32 @!p0 $0x2  }
0x69: {  	_ =	swait.ge @!p0 [sflag:s0], s1  }
0x6a: {  	s1 =	ssub.s32 @!p0 $0x0, s1;
	[sflag:s0] =	ssyncset.done @!p0 $0x0  }
0x6b: {  	[sflag:s0] =	ssyncadd.s32 @!p0 s1  }
0x6c: {  	[bflag:$0x3] =	sbarrier.arrive $0xFFFF  }
0x6d: {  	_ =	shalt  }

// kernel: kernel.60.cloned.1.call-start
scs
__scs_entry_jumppad:
0x0: {  	(pc) =	sbr.rel $0x88, $3  }
0x1: {  	(tag) =	ssettag $0x0;
	lr =	simm.s32 $0x1  }
0x2: {  	[smem:$0x3F94] =	sst lr;
	_ =	strace $0xD0000000  }
0x3: {  	_ = 	snop  }
0x4: {  	_ = 	snop  }
0x5: {  	_ = 	snop  }
0x6: {  	_ = 	snop  }
0x7: {  	_ = 	snop  }
__scs_overlays_trampoline_lowered:
0x8: {  	[smem:$0x3FA3] =	sst s0  }
0x9: {  	[smem:$0x3FA4] =	sst s1  }
0xa: {  	[smem:$0x3FA5] =	sst s2  }
0xb: {  	[smem:$0x3FA6] =	sst s3  }
0xc: {  	[smem:$0x3FA7] =	sst s4  }
0xd: {  	[smem:$0x3FA8] =	sst s5  }
0xe: {  	[smem:$0x3FA9] =	sst s6  }
0xf: {  	[smem:$0x3FAA] =	sst s7  }
0x10: {  	[smem:$0x3FAB] =	sst s8  }
0x11: {  	[smem:$0x3FAC] =	sst s9;
	s0 =	simm.s32 @!p0 $0x0  }
0x12: {  	s1 =	sld [smem:$0x3F92];
	s0 =	simm.s32 @p0 $0x1  }
0x13: {  	[smem:$0x3FAD] =	sst s0;
	s0 =	simm.s32 @!p1 $0x0  }
0x14: {  	s2 =	sld [smem:$0x3F91];
	s0 =	simm.s32 @p1 $0x1  }
0x15: {  	[smem:$0x3FAE] =	sst s0;
	s0 =	simm.s32 @!p2 $0x0  }
0x16: {  	s3 =	sld [smem:$0x3FDB];
	s0 =	simm.s32 @p2 $0x1  }
0x17: {  	s4 =	simm.s32 $0x1BF5;
	[smem:$0x3FB0] =	sst s0  }
0x18: {  	s0 =	sld [smem:$0x3F93];
	_ =	swait.ge [sflag:s4], $0x0  }
0x19: {  	s7 =	sld [smem:$0x3F94]  }
0x1a: {  	s8 =	sadd.s32 $0xFFFFE003, lr  }
0x1b: {  	s9 =	sadd.s32 $0xFFFFFEF7, lr;
	s5 =	simm.s32 $0xFFFFFFFF;
	p2 =	slt.u32 s8, $0xFFFFF086  }
0x1c: {  	p1 =	slt.u32 s9, $0xF7A;
	s5 =	simm.s32 @!p2 $0x0  }
0x1d: {  	s5 =	simm.s32 @p1 $0x1;
	p0 =	seq.s32 s7, s2  }
0x1e: {  	s7 =	smul.u32 @!p0 $0xF7A, s2;
	p2 =	seq.s32 @!p0 s5, $0x0  }
0x1f: {  	s9 =	smul.u32 $0xF7A, s1;
	s8 =	simm.s32 @!p0 $0x1BF5;
	p2 =	por !p2, p0  }
0x20: {  	[sflag:s8] =	ssyncset.s32 @!p0 $0xFFFFF086;
	s6 =	sadd.s32 @!p0 s3, s7;
	s7 =	simm.s32 @!p0 $0x108  }
0x21: {  	s3 =	sadd.s32 s3, s9;
	s6 =	sadd.s32 @!p0 $0x88, s6;
	s7 =	simm.s32 @p2 $0x1082  }
0x22: {  	[simem:s7], [sflag:s8] =	dma.local @!p0 [hbm:s6], $0xF7A  }
0x23: {  	s9 =	sor.u32 $0xD0000000, s2;
	s6 =	simm.s32 $0x108;
	_ =	swait.ge @!p0 [sflag:s8], $0x0  }
0x24: {  	s3 =	sadd.s32 $0x88, s3;
	s6 =	simm.s32 @!p1 $0x1082;
	[sflag:s4] =	ssyncset.s32 $0xFFFFF086  }
0x25: {  	[simem:s6], [sflag:s4] =	dma.local [hbm:s3], $0xF7A  }
0x26: {  	[smem:$0x3F94] =	sst s1;
	(tag) =	ssettag s2;
	_ =	strace s9  }
0x27: {  	s1 =	sld [smem:$0x3FA4]  }
0x28: {  	s2 =	sld [smem:$0x3FA5]  }
0x29: {  	s4 =	sld [smem:$0x3FA7]  }
0x2a: {  	p0 =	seq.s32 s5, $0x0;
	s5 =	sld [smem:$0x3FA8]  }
0x2b: {  	s6 =	sld [smem:$0x3FA9]  }
0x2c: {  	s7 =	sld [smem:$0x3FAA]  }
0x2d: {  	s3 =	simm.s32 $0x108;
	s8 =	sld [smem:$0x3FAB]  }
0x2e: {  	s3 =	simm.s32 @!p0 $0x1082;
	s9 =	sld [smem:$0x3FAC]  }
0x2f: {  	lr =	sadd.s32 s0, s3;
	s0 =	sld [smem:$0x3FA3]  }
0x30: {  	s3 =	sld [smem:$0x3FA6]  }
0x31: {  	[smem:$0x3FAF] =	sst s10  }
0x32: {  	s10 =	sld [smem:$0x3FAD];
	_ =	sdelay $0x3  }
0x33: {  	p0 =	seq.s32 s10, $0x1;
	s10 =	sld [smem:$0x3FAF];
	_ =	sdelay $0x3  }
0x34: {  	[smem:$0x3FAF] =	sst s10  }
0x35: {  	s10 =	sld [smem:$0x3FAE];
	_ =	sdelay $0x3  }
0x36: {  	p1 =	seq.s32 s10, $0x1;
	s10 =	sld [smem:$0x3FAF];
	_ =	sdelay $0x3  }
0x37: {  	[smem:$0x3FAF] =	sst s10  }
0x38: {  	s10 =	sld [smem:$0x3FB0]  }
0x39: {  	_ = 	snop;
	(pc) =	sbr.ind lr, $3  }
0x3a: {  	_ = 	snop  }
0x3b: {  	_ = 	snop  }
0x3c: {  	p2 =	seq.s32 s10, $0x1;
	s10 =	sld [smem:$0x3FAF]  }
0x3d: {  	_ =	shalt  }
0x3e: {  	_ =	shalt  }
0x3f: {  	_ =	shalt  }
0x40: {  	_ =	shalt  }
0x41: {  	_ =	shalt  }
0x42: {  	_ =	shalt  }
0x43: {  	_ =	shalt  }
0x44: {  	_ =	shalt  }
0x45: {  	_ =	shalt  }
0x46: {  	_ =	shalt  }
0x47: {  	_ =	shalt  }
0x48: {  	_ =	shalt  }
0x49: {  	_ =	shalt  }
0x4a: {  	_ =	shalt  }
0x4b: {  	_ =	shalt  }
0x4c: {  	_ =	shalt  }
0x4d: {  	_ =	shalt  }
0x4e: {  	_ =	shalt  }
0x4f: {  	_ =	shalt  }
0x50: {  	_ =	shalt  }
0x51: {  	_ =	shalt  }
0x52: {  	_ =	shalt  }
0x53: {  	_ =	shalt  }
0x54: {  	_ =	shalt  }
0x55: {  	_ =	shalt  }
0x56: {  	_ =	shalt  }
0x57: {  	_ =	shalt  }
0x58: {  	_ =	shalt  }
0x59: {  	_ =	shalt  }
0x5a: {  	_ =	shalt  }
0x5b: {  	_ =	shalt  }
0x5c: {  	_ =	shalt  }
0x5d: {  	_ =	shalt  }
0x5e: {  	_ =	shalt  }
0x5f: {  	_ =	shalt  }
0x60: {  	_ =	shalt  }
0x61: {  	_ =	shalt  }
0x62: {  	_ =	shalt  }
0x63: {  	_ =	shalt  }
0x64: {  	_ =	shalt  }
0x65: {  	_ =	shalt  }
0x66: {  	_ =	shalt  }
0x67: {  	_ =	shalt  }
0x68: {  	_ =	shalt  }
0x69: {  	_ =	shalt  }
0x6a: {  	_ =	shalt  }
0x6b: {  	_ =	shalt  }
0x6c: {  	_ =	shalt  }
0x6d: {  	_ =	shalt  }
0x6e: {  	_ =	shalt  }
0x6f: {  	_ =	shalt  }
0x70: {  	_ =	shalt  }
0x71: {  	_ =	shalt  }
0x72: {  	_ =	shalt  }
0x73: {  	_ =	shalt  }
0x74: {  	_ =	shalt  }
0x75: {  	_ =	shalt  }
0x76: {  	_ =	shalt  }
0x77: {  	_ =	shalt  }
0x78: {  	_ =	shalt  }
0x79: {  	_ =	shalt  }
0x7a: {  	_ =	shalt  }
0x7b: {  	_ =	shalt  }
0x7c: {  	_ =	shalt  }
0x7d: {  	_ =	shalt  }
0x7e: {  	_ =	shalt  }
0x7f: {  	_ =	shalt  }
0x80: {  	_ =	shalt  }
0x81: {  	_ =	shalt  }
0x82: {  	_ =	shalt  }
0x83: {  	_ =	shalt  }
0x84: {  	_ =	shalt  }
0x85: {  	_ =	shalt  }
0x86: {  	_ =	shalt  }
0x87: {  	_ =	shalt  }
.Lfunc_end0:
.L_simem_size_0:
called_computation.9_lowered:
.L_overlay_start_0:
0x88: {  	s2 =	sld [smem:$0x3FD9]  }
0x89: {  	s3 =	sld [smem:$0x3FFE];
	_ =	sdelay $0x1  }
0x8a: {  	s1 =	srdreg.scid  }
0x8b: {  	s0 =	sand.u32 $0x1, s1  }
0x8c: {  	s17 =	sshll.u32 s0, $0xA;
	s2 =	sadd.s32 s3, s2  }
0x8d: {  	s2 =	sadd.s32 s2, s17  }
0x8e: {  	[smem:$0x3FBB] =	sst s2  }
0x8f: {  	_ = 	snop  }
0x90: {  	(tm) =	ssettm $0x1  }
0x91: {  	s18 =	sld [smem:$0x3FFB];
	_ =	sdelay $0x3  }
0x92: {  	_ =	strace s18  }
0x93: {  	s2 =	sld [smem:$0x3FFC];
	_ =	sdelay $0x3  }
0x94: {  	_ =	strace s2  }
0x95: {  	s2 =	sld [smem:$0x3FFD];
	_ =	sdelay $0x3  }
0x96: {  	_ =	strace s2  }
0x97: {  	_ =	strace $0x8FFFFFFF  }
0x98: {  	s19 =	sld [smem:$0x3FDB];
	_ =	sdelay $0x1  }
0x99: {  	s20 =	simm.s32 $_scs_section_size  }
0x9a: {  	s4 =	simm.s32 $_size__tile_overlayer_lowered;
	s5 =	simm.s32 $_tile_overlayer_lowered  }
0x9b: {  	s6 =	simm.s32 $0x1BFF;
	s21 =	sshll.u32 s5, $0x1;
	s3 =	sadd.s32 s20, s19  }
0x9c: {  	s22 =	simm.s32 $0x0;
	s4 =	sshll.u32 s4, $0x1;
	s5 =	sadd.s32 s21, s3  }
0x9d: {  	[timem:s22], [sflag:s6] =	dma.local [hbm:s5], s4  }
0x9e: {  	_ =	swait.ge [sflag:s6], s4  }
0x9f: {  	s4 =	ssub.s32 $0x0, s4;
	[sflag:s6] =	ssyncset.done $0x0  }
0xa0: {  	[sflag:s6] =	ssyncadd.s32 s4;
	_ =	sdelay $0x1  }
0xa1: {  	s23 =	simm.s32 $0x1B8B  }
0xa2: {  	_ =	swait.ge [sflag:s23], $0x1  }
0xa3: {  	[sflag:s23] =	ssyncset.done $0x0  }
0xa4: {  	[sflag:s23] =	ssyncadd.s32 $0xFFFFFFFF  }
0xa5: {  	s4 =	sld [smem:$0x0]  }
0xa6: {  	s5 =	sand.u32 $0xFFFFFFFE, s1  }
0xa7: {  	p0 =	sne.s32 s1, s5  }
0xa8: {  	s5 =	sshll.u32 @p0 s5, $0xE  }
0xa9: {  	s5 =	sadd.s32 @p0 $0x11B8D, s5;
	s6 =	sshll.u32 @p0 s4, $0x11  }
0xaa: {  	s5 =	sor.u32 @p0 s6, s5  }
0xab: {  	[sflag:s5] =	ssyncadd.remote.s32 @p0 $0x1;
	_ =	sdelay $0x1  }
0xac: {  	s5 =	simm.s32 @p0 $0x1B8D  }
0xad: {  	_ =	swait.eq @p0 [sflag:s5], $0x1  }
0xae: {  	[sflag:s5] =	ssyncadd.s32 @p0 $0xFFFFFFFF  }
0xaf: {  	s6 =	sshll.u32 @!p0 s1, $0xE  }
0xb0: {  	s6 =	sor.u32 @!p0 $0x4000, s6;
	s5 =	simm.s32 @!p0 $0x1B8D  }
0xb1: {  	s4 =	sshll.u32 @!p0 s4, $0x11;
	s6 =	sadd.s32 @!p0 $0x11B8D, s6;
	_ =	swait.eq @!p0 [sflag:s5], $0x1  }
0xb2: {  	s4 =	sor.u32 @!p0 s4, s6;
	[sflag:s5] =	ssyncadd.s32 @!p0 $0xFFFFFFFF  }
0xb3: {  	s25 =	simm.s32 $0x1B8E;
	s24 =	sld [smem:$0x3FFE];
	[sflag:s4] =	ssyncadd.remote.s32 @!p0 $0x1  }
0xb4: {  	s26 =	simm.s32 $execute0_lowered;
	[smem:$0x3FD2] =	sst s25  }
0xb5: {  	s5 =	sshll.u32 s26, $0x1;
	_ =	strace $0x8000005E;
	[dreg:$0x1] =	wrdreg $0xFFFFFFFF  }
0xb6: {  	s28 =	simm.s32 $_size_execute0_lowered;
	s3 =	sadd.s32 s3, s5;
	[dreg:$0x0] =	wrdreg $0x0  }
0xb7: {  	s5 =	sshll.u32 s28, $0x1;
	[dreg:$0x2] =	wrdreg s3  }
0xb8: {  	[dreg:$0x3] =	wrdreg s5  }
0xb9: {  	[dreg:$0x4] =	wrdreg $0xC0  }
0xba: {  	_ =	task [dreg:s22], $0x5FFFF  }
0xbb: {  	[dreg:$0x1] =	wrdreg $0xFFFFFFFF  }
0xbc: {  	[dreg:$0x0] =	wrdreg $0x60  }
0xbd: {  	[dreg:$0x2] =	wrdreg s24  }
0xbe: {  	[dreg:$0x3] =	wrdreg $0xC  }
0xbf: {  	_ =	task.clear_ibuf [dreg:s22], $0x4FFFF;
	_ =	strace $0x9000005E  }
0xc0: {  	s29 =	simm.s32 $0xC;
	_ =	strace $0x80000060  }
0xc1: {  	_ =	swait.ge [sflag:s29], $0x1  }
0xc2: {  	[sflag:s29] =	ssyncadd.s32 $0xFFFFFFFF  }
0xc3: {  	_ =	strace $0x90000060  }
0xc4: {  	_ =	sfence  }
0xc5: {  	s30 =	sld [smem:$0x0];
	_ =	sdelay $0x2  }
0xc6: {  	s31 =	sshll.u32 s1, $0xD;
	s1 =	sshrl.u32 s1, $0x2  }
0xc7: {  	s4 =	sand.u32 $0x4000, s31;
	s1 =	sadd.s32 s1, s30  }
0xc8: {  	s0 =	sor.u32 s4, s0;
	s1 =	sshll.u32 s1, $0x11  }
0xc9: {  	s0 =	sor.u32 s1, s0  }
0xca: {  	s0 =	sadd.s32 $0x8F2B, s0  }
0xcb: {  	[sflag:s0] =	ssyncadd.remote.s32 $0x1  }
0xcc: {  	_ =	sfence.sel $0xFFFF  }
0xcd: {  	[dreg:$0x0] =	wrdreg $0xFFFFFFFF;
	(pc) =	sbr.abs _section_cstart, $3  }
0xce: {  	[dreg:$0x1] =	wrdreg $0xFFFFFFFF  }
0xcf: {  	_ =	task.clear_ibuf [dreg:s22], $0x2FFFF;
	_ =	strace $0x9FFFFFFF  }
0xd0: {  	(tm) =	ssettm $0x7FFFFFFF  }
0xd1: {  	_ =	shalt  }
tec
execute0_lowered:
.L_overlay_start_1:
0x0: {  	(tag) =	ssettag $0x1  }
0x1: {  	s3 =	rddreg [dreg:$0x0];
	s2 =	srdreg.scid  }
0x2: {  	s0 =	rddreg [dreg:$0x1];
	s1 =	stileid.u32  }
0x3: {  	s9 =	simm.s32 $0x1;
	s10 =	simm.s32 $0x0;
	s4 =	sand.u32 $0x1, s2  }
0x4: {  	s2 =	simm.s32 $0x0;
	s5 =	sshll.u32 s1, $0xB;
	s30 =	sshll.u32 s1, $0xF  }
0x5: {  	s6 =	sshll.u32 s4, $0xA;
	[smem:$0x7FF] =	sst s2;
	s29 =	ssub.s32 $0x2, s4  }
0x6: {  	s31 =	sshll.u32 s4, $0xE;
	s5 =	sor.u32 s6, s5;
	s8 =	sshrl.u32 s29, $0x1  }
0x7: {  	_ =	strace $0x8000005F;
	s5 =	sshrl.u32 s5, $0x3;
	s6 =	ssub.s32 s29, s8  }
0x8: {  	s8 =	simm.s32 $0x80;
	s7 =	sadd.s32 s5, s3;
	s5 =	sadd.s32 s30, s3  }
0x9: {  	s3 =	sadd.s32 $0x1C8A00, s3;
	s4 =	smax.u32 s6, $0x1;
	s5 =	sadd.s32 s31, s5  }
0xa: {  	s6 =	sadd.s32 $0x6400, s7;
	s7 =	simm.s32 $0x2;
	s5 =	sadd.s32 $0x1D0A00, s5  }
.LBB2_1:
0xb: {  	s11 =	sadd.s32 $0x0, s6  }
0xc: {  	[tilespmem:s2], [sflag:$0x2] =	stream.linear.gather [hbm4b:s11+s2], $0x80, $0x38;
	[tilespmem:$0x4080] =	vst v63  }
0xd: {  	_ =	swait.ge [sflag:s7], $0x80  }
0xe: {  	[sflag:s7] =	ssyncset.done $0x0  }
0xf: {  	[sflag:s7] =	ssyncadd.s32 $0xFFFFFF80  }
0x10: {  	[tilespmem:s8], [sflag:$0x1] =	stream.indirect.gather [hbm4b:s3+s8], $0x80, s2, s8, $0xb8;
	[tilespmem:$0x4080] =	vst v63  }
0x11: {  	_ =	swait.ge [sflag:s9], $0x4000  }
0x12: {  	[sflag:s9] =	ssyncset.done $0x0  }
0x13: {  	[sflag:s9] =	ssyncadd.s32 $0xFFFFC000  }
0x14: {  	[hbm4b:s5+s2] =	stream.linear.scatter [tilespmem:s8], [sflag:$0x2], $0x4000, $0x38;
	[tilespmem:$0x4080] =	vst v63  }
0x15: {  	s12 =	simm.s32 $0x10;
	_ =	swait.ge [sflag:s7], $0x4000  }
0x16: {  	s13 =	simm.s32 $0x20;
	s11 =	sadd.s32 $0x800, s5;
	[sflag:s7] =	ssyncset.done $0x0  }
.LBB2_2:
0x17: {  	s14 =	sadd.s32 s12, s6  }
0x18: {  	[sflag:s7] =	ssyncadd.s32 $0xFFFFC000;
	s12 =	smov.u32 s13;
	s15 =	sadd.s32 $0x10, s13  }
0x19: {  	[tilespmem:s2], [sflag:$0x2] =	stream.linear.gather [hbm4b:s14+s2], $0x80, $0x38;
	[tilespmem:$0x4080] =	vst v63  }
0x1a: {  	p0 =	sne.s32 s13, $0x70;
	_ =	swait.ge [sflag:s7], $0x80  }
0x1b: {  	[sflag:s7] =	ssyncset.done $0x0  }
0x1c: {  	[sflag:s7] =	ssyncadd.s32 $0xFFFFFF80  }
0x1d: {  	[tilespmem:s8], [sflag:$0x1] =	stream.indirect.gather [hbm4b:s3+s8], $0x80, s2, s8, $0xb8;
	[tilespmem:$0x4080] =	vst v63  }
0x1e: {  	_ =	swait.ge [sflag:s9], $0x4000  }
.Ltmp0:
0x1f: {  	[sflag:s9] =	ssyncset.done $0x0;
	(pc) =	sbr.rel @p0 .LBB2_2-.Ltmp0, $4  }
0x20: {  	[sflag:s9] =	ssyncadd.s32 $0xFFFFC000  }
0x21: {  	[hbm4b:s11+s2] =	stream.linear.scatter [tilespmem:s8], [sflag:$0x2], $0x4000, $0x38;
	[tilespmem:$0x4080] =	vst v63  }
0x22: {  	_ =	swait.ge [sflag:s7], $0x4000  }
0x23: {  	s13 =	smov.u32 s15;
	s11 =	sadd.s32 $0x800, s11;
	[sflag:s7] =	ssyncset.done $0x0  }
0x24: {  	s12 =	sadd.s32 s12, s6;
	[sflag:s7] =	ssyncadd.s32 $0xFFFFC000  }
0x25: {  	[tilespmem:s2], [sflag:$0x2] =	stream.linear.gather [hbm4b:s12+s2], $0x80, $0x38;
	[tilespmem:$0x4080] =	vst v63  }
0x26: {  	_ =	swait.ge [sflag:s7], $0x80  }
0x27: {  	[sflag:s7] =	ssyncset.done $0x0  }
0x28: {  	[sflag:s7] =	ssyncadd.s32 $0xFFFFFF80  }
0x29: {  	[tilespmem:s8], [sflag:$0x1] =	stream.indirect.gather [hbm4b:s3+s8], $0x80, s2, s8, $0xb8;
	[tilespmem:$0x4080] =	vst v63  }
0x2a: {  	s10 =	sadd.s32 $0x1, s10;
	_ =	swait.ge [sflag:s9], $0x4000  }
0x2b: {  	p0 =	sne.s32 s10, s4;
	[sflag:s9] =	ssyncset.done $0x0  }
.Ltmp1:
0x2c: {  	[sflag:s9] =	ssyncadd.s32 $0xFFFFC000;
	(pc) =	sbr.rel @p0 .LBB2_1-.Ltmp1, $4  }
0x2d: {  	[hbm4b:s11+s2] =	stream.linear.scatter [tilespmem:s8], [sflag:$0x2], $0x4000, $0x38;
	[tilespmem:$0x4080] =	vst v63  }
0x2e: {  	_ =	swait.ge [sflag:s7], $0x4000  }
0x2f: {  	[sflag:s7] =	ssyncset.done $0x0  }
0x30: {  	[sflag:s7] =	ssyncadd.s32 $0xFFFFC000  }
0x31: {  	_ =	sfence.sel $0x180000  }
0x32: {  	[bflag:$0x0] =	sbarrier.arrive $0xFFFF  }
0x33: {  	p0 =	sne.s32 s1, $0x0;
	_ =	strace $0x9000005F  }
0x34: {  	s0 =	sadd.s32 @!p0 $0x100000, s0;
	[bflag:$0x2] =	sbarrier.arrive $0xFFFF  }
0x35: {  	[sflag:s0] =	ssyncadd.tile.s32 @!p0 $0x1;
	_ =	shalt  }
.Lfunc_end2:
_tile_overlayer_lowered:
.L_overlay_start_2:
0x36: {  	(tag) =	ssettag $0x2  }
0x37: {  	s0 =	rddreg [dreg:$0x0];
	s2 =	stileid.u32  }
0x38: {  	s1 =	rddreg [dreg:$0x1];
	p0 =	sne.s32 s2, $0x0  }
0x39: {  	s3 =	rddreg [dreg:$0x2];
	[bflag:$0x3] =	sbarrier.arrive $0xFFFF;
	s2 =	simm.s32 @!p0 $0x1C02  }
0x3a: {  	[timem:s3], [sflag:s2] =	dma.local @!p0 [hbm:s0], s1  }
0x3b: {  	s0 =	simm.s32 @!p0 $0x2  }
0x3c: {  	_ =	swait.ge @!p0 [sflag:s0], s1  }
0x3d: {  	s1 =	ssub.s32 @!p0 $0x0, s1;
	[sflag:s0] =	ssyncset.done @!p0 $0x0  }
0x3e: {  	[sflag:s0] =	ssyncadd.s32 @!p0 s1  }
0x3f: {  	[bflag:$0x3] =	sbarrier.arrive $0xFFFF  }
0x40: {  	_ =	shalt  }

</sc_bundles>
